<compile_context>
chip_gen: v7x
topology: tpu7x:2x2x1
jax: 0.10.2.dev20260603
libtpu: 0.0.44.dev20260713+nightly
codegen_flags: <defaults>
</compile_context>

<pallas_src>
import functools

import jax
import jax.numpy as jnp
from jax import lax
from jax.experimental import pallas as pl
from jax.experimental.pallas import tpu as pltpu, tpu_sc as plsc

NC = 2
NS = 16
L = 16
NW = NC * NS

B = 16384
D = 128
BPW = B // NW
CHUNK = 128
NCHUNK = BPW // CHUNK
NBUF = 3


def _dots_body(users_hbm, items_hbm, uf_hbm, if_hbm, out_hbm,
               fidx_u, fidx_i, u_bufs, v_bufs, out_v, sem_f):
    wid = lax.axis_index("s") * NC + lax.axis_index("c")
    base = pl.multiple_of(wid * BPW, BPW)

    pltpu.sync_copy(users_hbm.at[pl.ds(base, BPW)], fidx_u)
    pltpu.sync_copy(items_hbm.at[pl.ds(base, BPW)], fidx_i)

    descs = {}

    def issue(c):
        slot = c % NBUF
        descs[(c, 0)] = pltpu.async_copy(
            uf_hbm.at[fidx_u.at[pl.ds(c * CHUNK, CHUNK)]], u_bufs[slot],
            sem_f)
        descs[(c, 1)] = pltpu.async_copy(
            if_hbm.at[fidx_i.at[pl.ds(c * CHUNK, CHUNK)]], v_bufs[slot],
            sem_f)

    for c in range(NBUF):
        issue(c)

    lane = lax.iota(jnp.int32, L)

    for c in range(NCHUNK):
        slot = c % NBUF
        descs[(c, 0)].wait()
        descs[(c, 1)].wait()
        u_buf = u_bufs[slot]
        v_buf = v_bufs[slot]

        for g in range(CHUNK // L):
            rows = g * L + lane

            def d_body(i, acc, rows=rows, u_buf=u_buf, v_buf=v_buf):
                for k in range(4):
                    dd = jnp.full((L,), 0, jnp.int32) + (i * 4 + k)
                    u_d = plsc.load_gather(u_buf, [rows, dd])
                    v_d = plsc.load_gather(v_buf, [rows, dd])
                    acc = acc + u_d * v_d
                return acc

            acc = lax.fori_loop(0, D // 4, d_body,
                                jnp.zeros((L,), jnp.float32))
            out_v[pl.ds(c * CHUNK + g * L, L)] = acc

        if c + NBUF < NCHUNK:
            issue(c + NBUF)

    pltpu.sync_copy(out_v, out_hbm.at[pl.ds(base, BPW)])


def _bias_body(users_hbm, items_hbm, ub_hbm, ib_hbm, gb_hbm, dots_hbm,
               out_hbm, fidx_u, fidx_i, ub_v, ib_v, gb_v, dots_v, out_v,
               sem_b):
    wid = lax.axis_index("s") * NC + lax.axis_index("c")
    base = pl.multiple_of(wid * BPW, BPW)

    d_iu = pltpu.async_copy(users_hbm.at[pl.ds(base, BPW)], fidx_u, sem_b)
    d_ii = pltpu.async_copy(items_hbm.at[pl.ds(base, BPW)], fidx_i, sem_b)
    d_dv = pltpu.async_copy(dots_hbm.at[pl.ds(base, BPW)], dots_v, sem_b)
    d_gb = pltpu.async_copy(gb_hbm, gb_v, sem_b)
    d_iu.wait()
    d_ii.wait()
    d_ub = pltpu.async_copy(ub_hbm.at[fidx_u], ub_v, sem_b)
    d_ib = pltpu.async_copy(ib_hbm.at[fidx_i], ib_v, sem_b)
    d_dv.wait()
    d_gb.wait()
    gb16 = plsc.load_gather(gb_v, [jnp.zeros((L,), jnp.int32)])
    d_ub.wait()
    d_ib.wait()
    for g in range(BPW // L):
        off = g * L
        out_v[pl.ds(off, L)] = (dots_v[pl.ds(off, L)] + ub_v[pl.ds(off, L)]
                                + ib_v[pl.ds(off, L)] + gb16)
    pltpu.sync_copy(out_v, out_hbm.at[pl.ds(base, BPW)])


@functools.partial(jax.jit, static_argnames=())
def kernel(users, items, user_factors, item_factors, user_bias, item_bias,
           global_bias):
    mesh = plsc.VectorSubcoreMesh(core_axis_name="c", subcore_axis_name="s")
    run_dots = pl.kernel(
        _dots_body,
        out_type=jax.ShapeDtypeStruct((B,), jnp.float32),
        mesh=mesh,
        compiler_params=pltpu.CompilerParams(needs_layout_passes=False),
        scratch_types=[
            pltpu.VMEM((BPW,), jnp.int32),
            pltpu.VMEM((BPW,), jnp.int32),
            [pltpu.VMEM((CHUNK, D), jnp.float32)] * NBUF,
            [pltpu.VMEM((CHUNK, D), jnp.float32)] * NBUF,
            pltpu.VMEM((BPW,), jnp.float32),
            pltpu.SemaphoreType.DMA,
        ],
    )
    run_bias = pl.kernel(
        _bias_body,
        out_type=jax.ShapeDtypeStruct((B,), jnp.float32),
        mesh=mesh,
        compiler_params=pltpu.CompilerParams(needs_layout_passes=False),
        scratch_types=[
            pltpu.VMEM((BPW,), jnp.int32),
            pltpu.VMEM((BPW,), jnp.int32),
            pltpu.VMEM((BPW,), jnp.float32),
            pltpu.VMEM((BPW,), jnp.float32),
            pltpu.VMEM((1,), jnp.float32),
            pltpu.VMEM((BPW,), jnp.float32),
            pltpu.VMEM((BPW,), jnp.float32),
            pltpu.SemaphoreType.DMA,
        ],
    )
    dots = run_dots(users, items, user_factors, item_factors)
    ub = user_bias.reshape(-1)
    ib = item_bias.reshape(-1)
    return run_bias(users, items, ub, ib, global_bias, dots)

# --- scband reference (transcript-rebuilt; emitter-appended) ---
"""Pipeline reference for scband-matrix-factorization-85203561218124 (READ-ONLY COPY).

The authoritative reference and input builder live on the scoring server;
editing this copy changes nothing except your own understanding.
"""

import jax, jax.numpy as jnp
import numpy as np

NUM_USERS = 1000000
NUM_ITEMS = 1000000
EMBED_DIM = 128
BATCH = 16384


def setup_inputs(seed: int = 0) -> dict:
    key = jax.random.key(seed)
    k_users, k_items, k_uf, k_if, k_ub, k_ib = jax.random.split(key, 6)
    users = jax.random.randint(k_users, (BATCH,), 0, NUM_USERS, dtype=jnp.int64 if jax.config.jax_enable_x64 else jnp.int32).astype(jnp.int32)
    items = jax.random.randint(k_items, (BATCH,), 0, NUM_ITEMS, dtype=jnp.int64 if jax.config.jax_enable_x64 else jnp.int32).astype(jnp.int32)
    user_factors = jax.random.normal(k_uf, (NUM_USERS, EMBED_DIM), dtype=jnp.float32)
    item_factors = jax.random.normal(k_if, (NUM_ITEMS, EMBED_DIM), dtype=jnp.float32)
    user_bias = jax.random.normal(k_ub, (NUM_USERS, 1), dtype=jnp.float32)
    item_bias = jax.random.normal(k_ib, (NUM_ITEMS, 1), dtype=jnp.float32)
    global_bias = jnp.zeros((1,), dtype=jnp.float32)
    return {
        "users": users,
        "items": items,
        "user_factors": user_factors,
        "item_factors": item_factors,
        "user_bias": user_bias,
        "item_bias": item_bias,
        "global_bias": global_bias,
    }


def reference(users, items, user_factors, item_factors, user_bias, item_bias, global_bias):
    u = jnp.take(user_factors, users, axis=0)          # [B, D]
    v = jnp.take(item_factors, items, axis=0)          # [B, D]
    dot = jnp.sum(u * v, axis=1)                        # [B]
    bias = (jnp.take(user_bias, users, axis=0)[:, 0]
            + jnp.take(item_bias, items, axis=0)[:, 0]
            + global_bias)                              # [B]
    return dot + bias

if __name__ == "__main__":
    import jax
    _d = setup_inputs()
    print(jax.jit(kernel)(*tuple(_d.values())))

</pallas_src>

<mosaic_0001>
#map = affine_map<(d0, d1) -> (0)>
#map1 = affine_map<(d0, d1) -> (0, 0)>
module attributes {stable_mosaic.version = 14 : i64} {
  func.func @_dots_body(%arg0: i32, %arg1: i32, %arg2: memref<16384xi32, #tpu.memory_space<hbm>>, %arg3: memref<16384xi32, #tpu.memory_space<hbm>>, %arg4: memref<1000000x128xf32, #tpu.memory_space<hbm>>, %arg5: memref<1000000x128xf32, #tpu.memory_space<hbm>>, %arg6: memref<16384xf32, #tpu.memory_space<hbm>>, %arg7: memref<512xi32, #tpu.memory_space<vmem>>, %arg8: memref<512xi32, #tpu.memory_space<vmem>>, %arg9: memref<128x128xf32, #tpu.memory_space<vmem>>, %arg10: memref<128x128xf32, #tpu.memory_space<vmem>>, %arg11: memref<128x128xf32, #tpu.memory_space<vmem>>, %arg12: memref<128x128xf32, #tpu.memory_space<vmem>>, %arg13: memref<128x128xf32, #tpu.memory_space<vmem>>, %arg14: memref<128x128xf32, #tpu.memory_space<vmem>>, %arg15: memref<512xf32, #tpu.memory_space<vmem>>, %arg16: memref<!tpu.dma_semaphore, #tpu.memory_space<semaphore_mem>>) attributes {dimension_semantics = [#tpu.dimension_semantics<core_parallel>, #tpu.dimension_semantics<subcore_parallel>], iteration_bounds = array<i64: 2, 16>, scalar_prefetch = 0 : i64, scratch_operands = 10 : i64, tpu.core_type = #tpu.core_type<sc_vector_subcore>, window_params = [{transform_indices = #map}, {transform_indices = #map}, {transform_indices = #map1}, {transform_indices = #map1}, {transform_indices = #map}]} {
    %mul3A = arith.constant 2 : i32
    %mul3A_0 = arith.muli %arg1, %mul3A : i32
    %add3A = arith.addi %mul3A_0, %arg0 : i32
    %mul3A_1 = arith.constant 512 : i32
    %mul3A_2 = arith.muli %add3A, %mul3A_1 : i32
    %multiple_of3A = tpu.assume_multiple %mul3A_2, 512 : i32
    "tpu.region"() ({
      %run_scoped3A = tpu.sem_alloc : memref<!tpu.dma_semaphore, #tpu.memory_space<semaphore_mem>>
      %dma_start3A_494 = tpu.memref_slice %arg2[%multiple_of3A] : memref<16384xi32, #tpu.memory_space<hbm>> -> memref<512xi32, #tpu.memory_space<hbm>>
      %dma_start3A_495 = tpu.memref_slice %arg2[%multiple_of3A] : memref<16384xi32, #tpu.memory_space<hbm>> -> memref<512xi32, #tpu.memory_space<hbm>>
      tpu.enqueue_dma source(%dma_start3A_495 : memref<512xi32, #tpu.memory_space<hbm>>) target(%arg7 : memref<512xi32, #tpu.memory_space<vmem>>) target_semaphore(%run_scoped3A : memref<!tpu.dma_semaphore, #tpu.memory_space<semaphore_mem>>)
      %dma_wait3A_496 = tpu.memref_slice %arg2[%multiple_of3A] : memref<16384xi32, #tpu.memory_space<hbm>> -> memref<512xi32, #tpu.memory_space<hbm>>
      %dma_wait3A_497 = tpu.memref_slice %arg2[%multiple_of3A] : memref<16384xi32, #tpu.memory_space<hbm>> -> memref<512xi32, #tpu.memory_space<hbm>>
      tpu.wait_dma2 semaphore(%run_scoped3A : memref<!tpu.dma_semaphore, #tpu.memory_space<semaphore_mem>>) src(%dma_wait3A_497 : memref<512xi32, #tpu.memory_space<hbm>>) dst(%arg7 : memref<512xi32, #tpu.memory_space<vmem>>)
      tpu.yield
    }) : () -> ()
    "tpu.region"() ({
      %run_scoped3A = tpu.sem_alloc : memref<!tpu.dma_semaphore, #tpu.memory_space<semaphore_mem>>
      %dma_start3A_494 = tpu.memref_slice %arg3[%multiple_of3A] : memref<16384xi32, #tpu.memory_space<hbm>> -> memref<512xi32, #tpu.memory_space<hbm>>
      %dma_start3A_495 = tpu.memref_slice %arg3[%multiple_of3A] : memref<16384xi32, #tpu.memory_space<hbm>> -> memref<512xi32, #tpu.memory_space<hbm>>
      tpu.enqueue_dma source(%dma_start3A_495 : memref<512xi32, #tpu.memory_space<hbm>>) target(%arg8 : memref<512xi32, #tpu.memory_space<vmem>>) target_semaphore(%run_scoped3A : memref<!tpu.dma_semaphore, #tpu.memory_space<semaphore_mem>>)
      %dma_wait3A_496 = tpu.memref_slice %arg3[%multiple_of3A] : memref<16384xi32, #tpu.memory_space<hbm>> -> memref<512xi32, #tpu.memory_space<hbm>>
      %dma_wait3A_497 = tpu.memref_slice %arg3[%multiple_of3A] : memref<16384xi32, #tpu.memory_space<hbm>> -> memref<512xi32, #tpu.memory_space<hbm>>
      tpu.wait_dma2 semaphore(%run_scoped3A : memref<!tpu.dma_semaphore, #tpu.memory_space<semaphore_mem>>) src(%dma_wait3A_497 : memref<512xi32, #tpu.memory_space<hbm>>) dst(%arg8 : memref<512xi32, #tpu.memory_space<vmem>>)
      tpu.yield
    }) : () -> ()
    %dma_start3A = arith.constant 0 : i32
    %dma_start3A_3 = tpu.memref_slice %arg7[%dma_start3A] : memref<512xi32, #tpu.memory_space<vmem>> -> memref<128xi32, #tpu.memory_space<vmem>>
    %dma_start3A_4 = arith.constant 0 : i32
    %dma_start3A_5 = arith.constant 0 : i32
    %dma_start3A_6 = tpu.memref_slice %arg4[%dma_start3A_4, %dma_start3A_5] : memref<1000000x128xf32, #tpu.memory_space<hbm>> -> memref<1000000x128xf32, #tpu.memory_space<hbm>>
    tpu.enqueue_indirect_dma source(%dma_start3A_6 : memref<1000000x128xf32, #tpu.memory_space<hbm>>) target(%arg9 : memref<128x128xf32, #tpu.memory_space<vmem>>) offsets(%dma_start3A_3 : memref<128xi32, #tpu.memory_space<vmem>>) semaphore(%arg16 : memref<!tpu.dma_semaphore, #tpu.memory_space<semaphore_mem>>)
    %dma_start3A_7 = arith.constant 0 : i32
    %dma_start3A_8 = tpu.memref_slice %arg8[%dma_start3A_7] : memref<512xi32, #tpu.memory_space<vmem>> -> memref<128xi32, #tpu.memory_space<vmem>>
    %dma_start3A_9 = arith.constant 0 : i32
    %dma_start3A_10 = arith.constant 0 : i32
    %dma_start3A_11 = tpu.memref_slice %arg5[%dma_start3A_9, %dma_start3A_10] : memref<1000000x128xf32, #tpu.memory_space<hbm>> -> memref<1000000x128xf32, #tpu.memory_space<hbm>>
    tpu.enqueue_indirect_dma source(%dma_start3A_11 : memref<1000000x128xf32, #tpu.memory_space<hbm>>) target(%arg12 : memref<128x128xf32, #tpu.memory_space<vmem>>) offsets(%dma_start3A_8 : memref<128xi32, #tpu.memory_space<vmem>>) semaphore(%arg16 : memref<!tpu.dma_semaphore, #tpu.memory_space<semaphore_mem>>)
    %dma_start3A_12 = arith.constant 128 : i32
    %dma_start3A_13 = tpu.memref_slice %arg7[%dma_start3A_12] : memref<512xi32, #tpu.memory_space<vmem>> -> memref<128xi32, #tpu.memory_space<vmem>>
    %dma_start3A_14 = arith.constant 0 : i32
    %dma_start3A_15 = arith.constant 0 : i32
    %dma_start3A_16 = tpu.memref_slice %arg4[%dma_start3A_14, %dma_start3A_15] : memref<1000000x128xf32, #tpu.memory_space<hbm>> -> memref<1000000x128xf32, #tpu.memory_space<hbm>>
    tpu.enqueue_indirect_dma source(%dma_start3A_16 : memref<1000000x128xf32, #tpu.memory_space<hbm>>) target(%arg10 : memref<128x128xf32, #tpu.memory_space<vmem>>) offsets(%dma_start3A_13 : memref<128xi32, #tpu.memory_space<vmem>>) semaphore(%arg16 : memref<!tpu.dma_semaphore, #tpu.memory_space<semaphore_mem>>)
    %dma_start3A_17 = arith.constant 128 : i32
    %dma_start3A_18 = tpu.memref_slice %arg8[%dma_start3A_17] : memref<512xi32, #tpu.memory_space<vmem>> -> memref<128xi32, #tpu.memory_space<vmem>>
    %dma_start3A_19 = arith.constant 0 : i32
    %dma_start3A_20 = arith.constant 0 : i32
    %dma_start3A_21 = tpu.memref_slice %arg5[%dma_start3A_19, %dma_start3A_20] : memref<1000000x128xf32, #tpu.memory_space<hbm>> -> memref<1000000x128xf32, #tpu.memory_space<hbm>>
    tpu.enqueue_indirect_dma source(%dma_start3A_21 : memref<1000000x128xf32, #tpu.memory_space<hbm>>) target(%arg13 : memref<128x128xf32, #tpu.memory_space<vmem>>) offsets(%dma_start3A_18 : memref<128xi32, #tpu.memory_space<vmem>>) semaphore(%arg16 : memref<!tpu.dma_semaphore, #tpu.memory_space<semaphore_mem>>)
    %dma_start3A_22 = arith.constant 256 : i32
    %dma_start3A_23 = tpu.memref_slice %arg7[%dma_start3A_22] : memref<512xi32, #tpu.memory_space<vmem>> -> memref<128xi32, #tpu.memory_space<vmem>>
    %dma_start3A_24 = arith.constant 0 : i32
    %dma_start3A_25 = arith.constant 0 : i32
    %dma_start3A_26 = tpu.memref_slice %arg4[%dma_start3A_24, %dma_start3A_25] : memref<1000000x128xf32, #tpu.memory_space<hbm>> -> memref<1000000x128xf32, #tpu.memory_space<hbm>>
    tpu.enqueue_indirect_dma source(%dma_start3A_26 : memref<1000000x128xf32, #tpu.memory_space<hbm>>) target(%arg11 : memref<128x128xf32, #tpu.memory_space<vmem>>) offsets(%dma_start3A_23 : memref<128xi32, #tpu.memory_space<vmem>>) semaphore(%arg16 : memref<!tpu.dma_semaphore, #tpu.memory_space<semaphore_mem>>)
    %dma_start3A_27 = arith.constant 256 : i32
    %dma_start3A_28 = tpu.memref_slice %arg8[%dma_start3A_27] : memref<512xi32, #tpu.memory_space<vmem>> -> memref<128xi32, #tpu.memory_space<vmem>>
    %dma_start3A_29 = arith.constant 0 : i32
    %dma_start3A_30 = arith.constant 0 : i32
    %dma_start3A_31 = tpu.memref_slice %arg5[%dma_start3A_29, %dma_start3A_30] : memref<1000000x128xf32, #tpu.memory_space<hbm>> -> memref<1000000x128xf32, #tpu.memory_space<hbm>>
    tpu.enqueue_indirect_dma source(%dma_start3A_31 : memref<1000000x128xf32, #tpu.memory_space<hbm>>) target(%arg14 : memref<128x128xf32, #tpu.memory_space<vmem>>) offsets(%dma_start3A_28 : memref<128xi32, #tpu.memory_space<vmem>>) semaphore(%arg16 : memref<!tpu.dma_semaphore, #tpu.memory_space<semaphore_mem>>)
    %iota3A = tpu.iota {dimensions = array<i32: 0>} : vector<16xi32>
    %dma_wait3A = arith.constant 0 : i32
    %dma_wait3A_32 = tpu.memref_slice %arg7[%dma_wait3A] : memref<512xi32, #tpu.memory_space<vmem>> -> memref<128xi32, #tpu.memory_space<vmem>>
    %dma_wait3A_33 = arith.constant 0 : i32
    %dma_wait3A_34 = arith.constant 0 : i32
    %dma_wait3A_35 = tpu.memref_slice %arg4[%dma_wait3A_33, %dma_wait3A_34] : memref<1000000x128xf32, #tpu.memory_space<hbm>> -> memref<1000000x128xf32, #tpu.memory_space<hbm>>
    tpu.wait_indirect_dma semaphore(%arg16 : memref<!tpu.dma_semaphore, #tpu.memory_space<semaphore_mem>>) src(%dma_wait3A_35 : memref<1000000x128xf32, #tpu.memory_space<hbm>>) dst(%arg9 : memref<128x128xf32, #tpu.memory_space<vmem>>)
    %dma_wait3A_36 = arith.constant 0 : i32
    %dma_wait3A_37 = tpu.memref_slice %arg8[%dma_wait3A_36] : memref<512xi32, #tpu.memory_space<vmem>> -> memref<128xi32, #tpu.memory_space<vmem>>
    %dma_wait3A_38 = arith.constant 0 : i32
    %dma_wait3A_39 = arith.constant 0 : i32
    %dma_wait3A_40 = tpu.memref_slice %arg5[%dma_wait3A_38, %dma_wait3A_39] : memref<1000000x128xf32, #tpu.memory_space<hbm>> -> memref<1000000x128xf32, #tpu.memory_space<hbm>>
    tpu.wait_indirect_dma semaphore(%arg16 : memref<!tpu.dma_semaphore, #tpu.memory_space<semaphore_mem>>) src(%dma_wait3A_40 : memref<1000000x128xf32, #tpu.memory_space<hbm>>) dst(%arg12 : memref<128x128xf32, #tpu.memory_space<vmem>>)
    %add3A_41 = arith.constant 0 : i32
    %add3A_42 = vector.broadcast %add3A_41 : i32 to vector<16xi32>
    %add3A_43 = arith.addi %add3A_42, %iota3A : vector<16xi32>
    %broadcast_in_dim3A = arith.constant 0.000000e+00 : f32
    %broadcast_in_dim3A_44 = vector.broadcast %broadcast_in_dim3A : f32 to vector<16xf32>
    %scan3A = arith.constant 0 : i32
    %scan3A_45 = arith.constant 32 : i32
    %scan3A_46 = arith.addi %scan3A, %scan3A_45 : i32
    %scan3A_47 = arith.constant 1 : i32
    %scan3A_48 = scf.for %scan3A_494 = %scan3A to %scan3A_46 step %scan3A_47 iter_args(%scan3A_495 = %broadcast_in_dim3A_44) -> (vector<16xf32>)  : i32 {
      %broadcast_in_dim3A_496 = arith.constant 0 : i32
      %broadcast_in_dim3A_497 = vector.broadcast %broadcast_in_dim3A_496 : i32 to vector<16xi32>
      %mul3A_498 = arith.constant 4 : i32
      %mul3A_499 = arith.muli %scan3A_494, %mul3A_498 : i32
      %add3A_500 = arith.constant 0 : i32
      %add3A_501 = arith.addi %mul3A_499, %add3A_500 : i32
      %add3A_502 = vector.broadcast %add3A_501 : i32 to vector<16xi32>
      %add3A_503 = arith.addi %broadcast_in_dim3A_497, %add3A_502 : vector<16xi32>
      %gather3A = tpu.vector_load_idx %arg9[%add3A_43, %add3A_503] : memref<128x128xf32, #tpu.memory_space<vmem>>[vector<16xi32>, vector<16xi32>], vector<16xf32>,
      %gather3A_504 = tpu.vector_load_idx %arg12[%add3A_43, %add3A_503] : memref<128x128xf32, #tpu.memory_space<vmem>>[vector<16xi32>, vector<16xi32>], vector<16xf32>,
      %mul3A_505 = arith.mulf %gather3A, %gather3A_504 : vector<16xf32>
      %add3A_506 = arith.addf %scan3A_495, %mul3A_505 : vector<16xf32>
      %broadcast_in_dim3A_507 = arith.constant 0 : i32
      %broadcast_in_dim3A_508 = vector.broadcast %broadcast_in_dim3A_507 : i32 to vector<16xi32>
      %mul3A_509 = arith.constant 4 : i32
      %mul3A_510 = arith.muli %scan3A_494, %mul3A_509 : i32
      %add3A_511 = arith.constant 1 : i32
      %add3A_512 = arith.addi %mul3A_510, %add3A_511 : i32
      %add3A_513 = vector.broadcast %add3A_512 : i32 to vector<16xi32>
      %add3A_514 = arith.addi %broadcast_in_dim3A_508, %add3A_513 : vector<16xi32>
      %gather3A_515 = tpu.vector_load_idx %arg9[%add3A_43, %add3A_514] : memref<128x128xf32, #tpu.memory_space<vmem>>[vector<16xi32>, vector<16xi32>], vector<16xf32>,
      %gather3A_516 = tpu.vector_load_idx %arg12[%add3A_43, %add3A_514] : memref<128x128xf32, #tpu.memory_space<vmem>>[vector<16xi32>, vector<16xi32>], vector<16xf32>,
      %mul3A_517 = arith.mulf %gather3A_515, %gather3A_516 : vector<16xf32>
      %add3A_518 = arith.addf %add3A_506, %mul3A_517 : vector<16xf32>
      %broadcast_in_dim3A_519 = arith.constant 0 : i32
      %broadcast_in_dim3A_520 = vector.broadcast %broadcast_in_dim3A_519 : i32 to vector<16xi32>
      %mul3A_521 = arith.constant 4 : i32
      %mul3A_522 = arith.muli %scan3A_494, %mul3A_521 : i32
      %add3A_523 = arith.constant 2 : i32
      %add3A_524 = arith.addi %mul3A_522, %add3A_523 : i32
      %add3A_525 = vector.broadcast %add3A_524 : i32 to vector<16xi32>
      %add3A_526 = arith.addi %broadcast_in_dim3A_520, %add3A_525 : vector<16xi32>
      %gather3A_527 = tpu.vector_load_idx %arg9[%add3A_43, %add3A_526] : memref<128x128xf32, #tpu.memory_space<vmem>>[vector<16xi32>, vector<16xi32>], vector<16xf32>,
      %gather3A_528 = tpu.vector_load_idx %arg12[%add3A_43, %add3A_526] : memref<128x128xf32, #tpu.memory_space<vmem>>[vector<16xi32>, vector<16xi32>], vector<16xf32>,
      %mul3A_529 = arith.mulf %gather3A_527, %gather3A_528 : vector<16xf32>
      %add3A_530 = arith.addf %add3A_518, %mul3A_529 : vector<16xf32>
      %broadcast_in_dim3A_531 = arith.constant 0 : i32
      %broadcast_in_dim3A_532 = vector.broadcast %broadcast_in_dim3A_531 : i32 to vector<16xi32>
      %mul3A_533 = arith.constant 4 : i32
      %mul3A_534 = arith.muli %scan3A_494, %mul3A_533 : i32
      %add3A_535 = arith.constant 3 : i32
      %add3A_536 = arith.addi %mul3A_534, %add3A_535 : i32
      %add3A_537 = vector.broadcast %add3A_536 : i32 to vector<16xi32>
      %add3A_538 = arith.addi %broadcast_in_dim3A_532, %add3A_537 : vector<16xi32>
      %gather3A_539 = tpu.vector_load_idx %arg9[%add3A_43, %add3A_538] : memref<128x128xf32, #tpu.memory_space<vmem>>[vector<16xi32>, vector<16xi32>], vector<16xf32>,
      %gather3A_540 = tpu.vector_load_idx %arg12[%add3A_43, %add3A_538] : memref<128x128xf32, #tpu.memory_space<vmem>>[vector<16xi32>, vector<16xi32>], vector<16xf32>,
      %mul3A_541 = arith.mulf %gather3A_539, %gather3A_540 : vector<16xf32>
      %add3A_542 = arith.addf %add3A_530, %mul3A_541 : vector<16xf32>
      scf.yield %add3A_542 : vector<16xf32>
    }
    %scan3A_49 = arith.constant 32 : i32
    %swap3A = arith.constant 0 : index
    %swap3A_50 = tpu.vector_load %arg15[%swap3A] {strides = array<i32>} : memref<512xf32, #tpu.memory_space<vmem>>, vector<16xf32>,
    tpu.vector_store %arg15[%swap3A], %scan3A_48 {strides = array<i32>} : memref<512xf32, #tpu.memory_space<vmem>>, vector<16xf32>,
    %add3A_51 = arith.constant 16 : i32
    %add3A_52 = vector.broadcast %add3A_51 : i32 to vector<16xi32>
    %add3A_53 = arith.addi %add3A_52, %iota3A : vector<16xi32>
    %broadcast_in_dim3A_54 = arith.constant 0.000000e+00 : f32
    %broadcast_in_dim3A_55 = vector.broadcast %broadcast_in_dim3A_54 : f32 to vector<16xf32>
    %scan3A_56 = arith.constant 0 : i32
    %scan3A_57 = arith.constant 32 : i32
    %scan3A_58 = arith.addi %scan3A_56, %scan3A_57 : i32
    %scan3A_59 = arith.constant 1 : i32
    %scan3A_60 = scf.for %scan3A_494 = %scan3A_56 to %scan3A_58 step %scan3A_59 iter_args(%scan3A_495 = %broadcast_in_dim3A_55) -> (vector<16xf32>)  : i32 {
      %broadcast_in_dim3A_496 = arith.constant 0 : i32
      %broadcast_in_dim3A_497 = vector.broadcast %broadcast_in_dim3A_496 : i32 to vector<16xi32>
      %mul3A_498 = arith.constant 4 : i32
      %mul3A_499 = arith.muli %scan3A_494, %mul3A_498 : i32
      %add3A_500 = arith.constant 0 : i32
      %add3A_501 = arith.addi %mul3A_499, %add3A_500 : i32
      %add3A_502 = vector.broadcast %add3A_501 : i32 to vector<16xi32>
      %add3A_503 = arith.addi %broadcast_in_dim3A_497, %add3A_502 : vector<16xi32>
      %gather3A = tpu.vector_load_idx %arg9[%add3A_53, %add3A_503] : memref<128x128xf32, #tpu.memory_space<vmem>>[vector<16xi32>, vector<16xi32>], vector<16xf32>,
      %gather3A_504 = tpu.vector_load_idx %arg12[%add3A_53, %add3A_503] : memref<128x128xf32, #tpu.memory_space<vmem>>[vector<16xi32>, vector<16xi32>], vector<16xf32>,
      %mul3A_505 = arith.mulf %gather3A, %gather3A_504 : vector<16xf32>
      %add3A_506 = arith.addf %scan3A_495, %mul3A_505 : vector<16xf32>
      %broadcast_in_dim3A_507 = arith.constant 0 : i32
      %broadcast_in_dim3A_508 = vector.broadcast %broadcast_in_dim3A_507 : i32 to vector<16xi32>
      %mul3A_509 = arith.constant 4 : i32
      %mul3A_510 = arith.muli %scan3A_494, %mul3A_509 : i32
      %add3A_511 = arith.constant 1 : i32
      %add3A_512 = arith.addi %mul3A_510, %add3A_511 : i32
      %add3A_513 = vector.broadcast %add3A_512 : i32 to vector<16xi32>
      %add3A_514 = arith.addi %broadcast_in_dim3A_508, %add3A_513 : vector<16xi32>
      %gather3A_515 = tpu.vector_load_idx %arg9[%add3A_53, %add3A_514] : memref<128x128xf32, #tpu.memory_space<vmem>>[vector<16xi32>, vector<16xi32>], vector<16xf32>,
      %gather3A_516 = tpu.vector_load_idx %arg12[%add3A_53, %add3A_514] : memref<128x128xf32, #tpu.memory_space<vmem>>[vector<16xi32>, vector<16xi32>], vector<16xf32>,
      %mul3A_517 = arith.mulf %gather3A_515, %gather3A_516 : vector<16xf32>
      %add3A_518 = arith.addf %add3A_506, %mul3A_517 : vector<16xf32>
      %broadcast_in_dim3A_519 = arith.constant 0 : i32
      %broadcast_in_dim3A_520 = vector.broadcast %broadcast_in_dim3A_519 : i32 to vector<16xi32>
      %mul3A_521 = arith.constant 4 : i32
      %mul3A_522 = arith.muli %scan3A_494, %mul3A_521 : i32
      %add3A_523 = arith.constant 2 : i32
      %add3A_524 = arith.addi %mul3A_522, %add3A_523 : i32
      %add3A_525 = vector.broadcast %add3A_524 : i32 to vector<16xi32>
      %add3A_526 = arith.addi %broadcast_in_dim3A_520, %add3A_525 : vector<16xi32>
      %gather3A_527 = tpu.vector_load_idx %arg9[%add3A_53, %add3A_526] : memref<128x128xf32, #tpu.memory_space<vmem>>[vector<16xi32>, vector<16xi32>], vector<16xf32>,
      %gather3A_528 = tpu.vector_load_idx %arg12[%add3A_53, %add3A_526] : memref<128x128xf32, #tpu.memory_space<vmem>>[vector<16xi32>, vector<16xi32>], vector<16xf32>,
      %mul3A_529 = arith.mulf %gather3A_527, %gather3A_528 : vector<16xf32>
      %add3A_530 = arith.addf %add3A_518, %mul3A_529 : vector<16xf32>
      %broadcast_in_dim3A_531 = arith.constant 0 : i32
      %broadcast_in_dim3A_532 = vector.broadcast %broadcast_in_dim3A_531 : i32 to vector<16xi32>
      %mul3A_533 = arith.constant 4 : i32
      %mul3A_534 = arith.muli %scan3A_494, %mul3A_533 : i32
      %add3A_535 = arith.constant 3 : i32
      %add3A_536 = arith.addi %mul3A_534, %add3A_535 : i32
      %add3A_537 = vector.broadcast %add3A_536 : i32 to vector<16xi32>
      %add3A_538 = arith.addi %broadcast_in_dim3A_532, %add3A_537 : vector<16xi32>
      %gather3A_539 = tpu.vector_load_idx %arg9[%add3A_53, %add3A_538] : memref<128x128xf32, #tpu.memory_space<vmem>>[vector<16xi32>, vector<16xi32>], vector<16xf32>,
      %gather3A_540 = tpu.vector_load_idx %arg12[%add3A_53, %add3A_538] : memref<128x128xf32, #tpu.memory_space<vmem>>[vector<16xi32>, vector<16xi32>], vector<16xf32>,
      %mul3A_541 = arith.mulf %gather3A_539, %gather3A_540 : vector<16xf32>
      %add3A_542 = arith.addf %add3A_530, %mul3A_541 : vector<16xf32>
      scf.yield %add3A_542 : vector<16xf32>
    }
    %scan3A_61 = arith.constant 32 : i32
    %swap3A_62 = arith.constant 16 : index
    %swap3A_63 = tpu.vector_load %arg15[%swap3A_62] {strides = array<i32>} : memref<512xf32, #tpu.memory_space<vmem>>, vector<16xf32>,
    tpu.vector_store %arg15[%swap3A_62], %scan3A_60 {strides = array<i32>} : memref<512xf32, #tpu.memory_space<vmem>>, vector<16xf32>,
    %add3A_64 = arith.constant 32 : i32
    %add3A_65 = vector.broadcast %add3A_64 : i32 to vector<16xi32>
    %add3A_66 = arith.addi %add3A_65, %iota3A : vector<16xi32>
    %broadcast_in_dim3A_67 = arith.constant 0.000000e+00 : f32
    %broadcast_in_dim3A_68 = vector.broadcast %broadcast_in_dim3A_67 : f32 to vector<16xf32>
    %scan3A_69 = arith.constant 0 : i32
    %scan3A_70 = arith.constant 32 : i32
    %scan3A_71 = arith.addi %scan3A_69, %scan3A_70 : i32
    %scan3A_72 = arith.constant 1 : i32
    %scan3A_73 = scf.for %scan3A_494 = %scan3A_69 to %scan3A_71 step %scan3A_72 iter_args(%scan3A_495 = %broadcast_in_dim3A_68) -> (vector<16xf32>)  : i32 {
      %broadcast_in_dim3A_496 = arith.constant 0 : i32
      %broadcast_in_dim3A_497 = vector.broadcast %broadcast_in_dim3A_496 : i32 to vector<16xi32>
      %mul3A_498 = arith.constant 4 : i32
      %mul3A_499 = arith.muli %scan3A_494, %mul3A_498 : i32
      %add3A_500 = arith.constant 0 : i32
      %add3A_501 = arith.addi %mul3A_499, %add3A_500 : i32
      %add3A_502 = vector.broadcast %add3A_501 : i32 to vector<16xi32>
      %add3A_503 = arith.addi %broadcast_in_dim3A_497, %add3A_502 : vector<16xi32>
      %gather3A = tpu.vector_load_idx %arg9[%add3A_66, %add3A_503] : memref<128x128xf32, #tpu.memory_space<vmem>>[vector<16xi32>, vector<16xi32>], vector<16xf32>,
      %gather3A_504 = tpu.vector_load_idx %arg12[%add3A_66, %add3A_503] : memref<128x128xf32, #tpu.memory_space<vmem>>[vector<16xi32>, vector<16xi32>], vector<16xf32>,
      %mul3A_505 = arith.mulf %gather3A, %gather3A_504 : vector<16xf32>
      %add3A_506 = arith.addf %scan3A_495, %mul3A_505 : vector<16xf32>
      %broadcast_in_dim3A_507 = arith.constant 0 : i32
      %broadcast_in_dim3A_508 = vector.broadcast %broadcast_in_dim3A_507 : i32 to vector<16xi32>
      %mul3A_509 = arith.constant 4 : i32
      %mul3A_510 = arith.muli %scan3A_494, %mul3A_509 : i32
      %add3A_511 = arith.constant 1 : i32
      %add3A_512 = arith.addi %mul3A_510, %add3A_511 : i32
      %add3A_513 = vector.broadcast %add3A_512 : i32 to vector<16xi32>
      %add3A_514 = arith.addi %broadcast_in_dim3A_508, %add3A_513 : vector<16xi32>
      %gather3A_515 = tpu.vector_load_idx %arg9[%add3A_66, %add3A_514] : memref<128x128xf32, #tpu.memory_space<vmem>>[vector<16xi32>, vector<16xi32>], vector<16xf32>,
      %gather3A_516 = tpu.vector_load_idx %arg12[%add3A_66, %add3A_514] : memref<128x128xf32, #tpu.memory_space<vmem>>[vector<16xi32>, vector<16xi32>], vector<16xf32>,
      %mul3A_517 = arith.mulf %gather3A_515, %gather3A_516 : vector<16xf32>
      %add3A_518 = arith.addf %add3A_506, %mul3A_517 : vector<16xf32>
      %broadcast_in_dim3A_519 = arith.constant 0 : i32
      %broadcast_in_dim3A_520 = vector.broadcast %broadcast_in_dim3A_519 : i32 to vector<16xi32>
      %mul3A_521 = arith.constant 4 : i32
      %mul3A_522 = arith.muli %scan3A_494, %mul3A_521 : i32
      %add3A_523 = arith.constant 2 : i32
      %add3A_524 = arith.addi %mul3A_522, %add3A_523 : i32
      %add3A_525 = vector.broadcast %add3A_524 : i32 to vector<16xi32>
      %add3A_526 = arith.addi %broadcast_in_dim3A_520, %add3A_525 : vector<16xi32>
      %gather3A_527 = tpu.vector_load_idx %arg9[%add3A_66, %add3A_526] : memref<128x128xf32, #tpu.memory_space<vmem>>[vector<16xi32>, vector<16xi32>], vector<16xf32>,
      %gather3A_528 = tpu.vector_load_idx %arg12[%add3A_66, %add3A_526] : memref<128x128xf32, #tpu.memory_space<vmem>>[vector<16xi32>, vector<16xi32>], vector<16xf32>,
      %mul3A_529 = arith.mulf %gather3A_527, %gather3A_528 : vector<16xf32>
      %add3A_530 = arith.addf %add3A_518, %mul3A_529 : vector<16xf32>
      %broadcast_in_dim3A_531 = arith.constant 0 : i32
      %broadcast_in_dim3A_532 = vector.broadcast %broadcast_in_dim3A_531 : i32 to vector<16xi32>
      %mul3A_533 = arith.constant 4 : i32
      %mul3A_534 = arith.muli %scan3A_494, %mul3A_533 : i32
      %add3A_535 = arith.constant 3 : i32
      %add3A_536 = arith.addi %mul3A_534, %add3A_535 : i32
      %add3A_537 = vector.broadcast %add3A_536 : i32 to vector<16xi32>
      %add3A_538 = arith.addi %broadcast_in_dim3A_532, %add3A_537 : vector<16xi32>
      %gather3A_539 = tpu.vector_load_idx %arg9[%add3A_66, %add3A_538] : memref<128x128xf32, #tpu.memory_space<vmem>>[vector<16xi32>, vector<16xi32>], vector<16xf32>,
      %gather3A_540 = tpu.vector_load_idx %arg12[%add3A_66, %add3A_538] : memref<128x128xf32, #tpu.memory_space<vmem>>[vector<16xi32>, vector<16xi32>], vector<16xf32>,
      %mul3A_541 = arith.mulf %gather3A_539, %gather3A_540 : vector<16xf32>
      %add3A_542 = arith.addf %add3A_530, %mul3A_541 : vector<16xf32>
      scf.yield %add3A_542 : vector<16xf32>
    }
    %scan3A_74 = arith.constant 32 : i32
    %swap3A_75 = arith.constant 32 : index
    %swap3A_76 = tpu.vector_load %arg15[%swap3A_75] {strides = array<i32>} : memref<512xf32, #tpu.memory_space<vmem>>, vector<16xf32>,
    tpu.vector_store %arg15[%swap3A_75], %scan3A_73 {strides = array<i32>} : memref<512xf32, #tpu.memory_space<vmem>>, vector<16xf32>,
    %add3A_77 = arith.constant 48 : i32
    %add3A_78 = vector.broadcast %add3A_77 : i32 to vector<16xi32>
    %add3A_79 = arith.addi %add3A_78, %iota3A : vector<16xi32>
    %broadcast_in_dim3A_80 = arith.constant 0.000000e+00 : f32
    %broadcast_in_dim3A_81 = vector.broadcast %broadcast_in_dim3A_80 : f32 to vector<16xf32>
    %scan3A_82 = arith.constant 0 : i32
    %scan3A_83 = arith.constant 32 : i32
    %scan3A_84 = arith.addi %scan3A_82, %scan3A_83 : i32
    %scan3A_85 = arith.constant 1 : i32
    %scan3A_86 = scf.for %scan3A_494 = %scan3A_82 to %scan3A_84 step %scan3A_85 iter_args(%scan3A_495 = %broadcast_in_dim3A_81) -> (vector<16xf32>)  : i32 {
      %broadcast_in_dim3A_496 = arith.constant 0 : i32
      %broadcast_in_dim3A_497 = vector.broadcast %broadcast_in_dim3A_496 : i32 to vector<16xi32>
      %mul3A_498 = arith.constant 4 : i32
      %mul3A_499 = arith.muli %scan3A_494, %mul3A_498 : i32
      %add3A_500 = arith.constant 0 : i32
      %add3A_501 = arith.addi %mul3A_499, %add3A_500 : i32
      %add3A_502 = vector.broadcast %add3A_501 : i32 to vector<16xi32>
      %add3A_503 = arith.addi %broadcast_in_dim3A_497, %add3A_502 : vector<16xi32>
      %gather3A = tpu.vector_load_idx %arg9[%add3A_79, %add3A_503] : memref<128x128xf32, #tpu.memory_space<vmem>>[vector<16xi32>, vector<16xi32>], vector<16xf32>,
      %gather3A_504 = tpu.vector_load_idx %arg12[%add3A_79, %add3A_503] : memref<128x128xf32, #tpu.memory_space<vmem>>[vector<16xi32>, vector<16xi32>], vector<16xf32>,
      %mul3A_505 = arith.mulf %gather3A, %gather3A_504 : vector<16xf32>
      %add3A_506 = arith.addf %scan3A_495, %mul3A_505 : vector<16xf32>
      %broadcast_in_dim3A_507 = arith.constant 0 : i32
      %broadcast_in_dim3A_508 = vector.broadcast %broadcast_in_dim3A_507 : i32 to vector<16xi32>
      %mul3A_509 = arith.constant 4 : i32
      %mul3A_510 = arith.muli %scan3A_494, %mul3A_509 : i32
      %add3A_511 = arith.constant 1 : i32
      %add3A_512 = arith.addi %mul3A_510, %add3A_511 : i32
      %add3A_513 = vector.broadcast %add3A_512 : i32 to vector<16xi32>
      %add3A_514 = arith.addi %broadcast_in_dim3A_508, %add3A_513 : vector<16xi32>
      %gather3A_515 = tpu.vector_load_idx %arg9[%add3A_79, %add3A_514] : memref<128x128xf32, #tpu.memory_space<vmem>>[vector<16xi32>, vector<16xi32>], vector<16xf32>,
      %gather3A_516 = tpu.vector_load_idx %arg12[%add3A_79, %add3A_514] : memref<128x128xf32, #tpu.memory_space<vmem>>[vector<16xi32>, vector<16xi32>], vector<16xf32>,
      %mul3A_517 = arith.mulf %gather3A_515, %gather3A_516 : vector<16xf32>
      %add3A_518 = arith.addf %add3A_506, %mul3A_517 : vector<16xf32>
      %broadcast_in_dim3A_519 = arith.constant 0 : i32
      %broadcast_in_dim3A_520 = vector.broadcast %broadcast_in_dim3A_519 : i32 to vector<16xi32>
      %mul3A_521 = arith.constant 4 : i32
      %mul3A_522 = arith.muli %scan3A_494, %mul3A_521 : i32
      %add3A_523 = arith.constant 2 : i32
      %add3A_524 = arith.addi %mul3A_522, %add3A_523 : i32
      %add3A_525 = vector.broadcast %add3A_524 : i32 to vector<16xi32>
      %add3A_526 = arith.addi %broadcast_in_dim3A_520, %add3A_525 : vector<16xi32>
      %gather3A_527 = tpu.vector_load_idx %arg9[%add3A_79, %add3A_526] : memref<128x128xf32, #tpu.memory_space<vmem>>[vector<16xi32>, vector<16xi32>], vector<16xf32>,
      %gather3A_528 = tpu.vector_load_idx %arg12[%add3A_79, %add3A_526] : memref<128x128xf32, #tpu.memory_space<vmem>>[vector<16xi32>, vector<16xi32>], vector<16xf32>,
      %mul3A_529 = arith.mulf %gather3A_527, %gather3A_528 : vector<16xf32>
      %add3A_530 = arith.addf %add3A_518, %mul3A_529 : vector<16xf32>
      %broadcast_in_dim3A_531 = arith.constant 0 : i32
      %broadcast_in_dim3A_532 = vector.broadcast %broadcast_in_dim3A_531 : i32 to vector<16xi32>
      %mul3A_533 = arith.constant 4 : i32
      %mul3A_534 = arith.muli %scan3A_494, %mul3A_533 : i32
      %add3A_535 = arith.constant 3 : i32
      %add3A_536 = arith.addi %mul3A_534, %add3A_535 : i32
      %add3A_537 = vector.broadcast %add3A_536 : i32 to vector<16xi32>
      %add3A_538 = arith.addi %broadcast_in_dim3A_532, %add3A_537 : vector<16xi32>
      %gather3A_539 = tpu.vector_load_idx %arg9[%add3A_79, %add3A_538] : memref<128x128xf32, #tpu.memory_space<vmem>>[vector<16xi32>, vector<16xi32>], vector<16xf32>,
      %gather3A_540 = tpu.vector_load_idx %arg12[%add3A_79, %add3A_538] : memref<128x128xf32, #tpu.memory_space<vmem>>[vector<16xi32>, vector<16xi32>], vector<16xf32>,
      %mul3A_541 = arith.mulf %gather3A_539, %gather3A_540 : vector<16xf32>
      %add3A_542 = arith.addf %add3A_530, %mul3A_541 : vector<16xf32>
      scf.yield %add3A_542 : vector<16xf32>
    }
    %scan3A_87 = arith.constant 32 : i32
    %swap3A_88 = arith.constant 48 : index
    %swap3A_89 = tpu.vector_load %arg15[%swap3A_88] {strides = array<i32>} : memref<512xf32, #tpu.memory_space<vmem>>, vector<16xf32>,
    tpu.vector_store %arg15[%swap3A_88], %scan3A_86 {strides = array<i32>} : memref<512xf32, #tpu.memory_space<vmem>>, vector<16xf32>,
    %add3A_90 = arith.constant 64 : i32
    %add3A_91 = vector.broadcast %add3A_90 : i32 to vector<16xi32>
    %add3A_92 = arith.addi %add3A_91, %iota3A : vector<16xi32>
    %broadcast_in_dim3A_93 = arith.constant 0.000000e+00 : f32
    %broadcast_in_dim3A_94 = vector.broadcast %broadcast_in_dim3A_93 : f32 to vector<16xf32>
    %scan3A_95 = arith.constant 0 : i32
    %scan3A_96 = arith.constant 32 : i32
    %scan3A_97 = arith.addi %scan3A_95, %scan3A_96 : i32
    %scan3A_98 = arith.constant 1 : i32
    %scan3A_99 = scf.for %scan3A_494 = %scan3A_95 to %scan3A_97 step %scan3A_98 iter_args(%scan3A_495 = %broadcast_in_dim3A_94) -> (vector<16xf32>)  : i32 {
      %broadcast_in_dim3A_496 = arith.constant 0 : i32
      %broadcast_in_dim3A_497 = vector.broadcast %broadcast_in_dim3A_496 : i32 to vector<16xi32>
      %mul3A_498 = arith.constant 4 : i32
      %mul3A_499 = arith.muli %scan3A_494, %mul3A_498 : i32
      %add3A_500 = arith.constant 0 : i32
      %add3A_501 = arith.addi %mul3A_499, %add3A_500 : i32
      %add3A_502 = vector.broadcast %add3A_501 : i32 to vector<16xi32>
      %add3A_503 = arith.addi %broadcast_in_dim3A_497, %add3A_502 : vector<16xi32>
      %gather3A = tpu.vector_load_idx %arg9[%add3A_92, %add3A_503] : memref<128x128xf32, #tpu.memory_space<vmem>>[vector<16xi32>, vector<16xi32>], vector<16xf32>,
      %gather3A_504 = tpu.vector_load_idx %arg12[%add3A_92, %add3A_503] : memref<128x128xf32, #tpu.memory_space<vmem>>[vector<16xi32>, vector<16xi32>], vector<16xf32>,
      %mul3A_505 = arith.mulf %gather3A, %gather3A_504 : vector<16xf32>
      %add3A_506 = arith.addf %scan3A_495, %mul3A_505 : vector<16xf32>
      %broadcast_in_dim3A_507 = arith.constant 0 : i32
      %broadcast_in_dim3A_508 = vector.broadcast %broadcast_in_dim3A_507 : i32 to vector<16xi32>
      %mul3A_509 = arith.constant 4 : i32
      %mul3A_510 = arith.muli %scan3A_494, %mul3A_509 : i32
      %add3A_511 = arith.constant 1 : i32
      %add3A_512 = arith.addi %mul3A_510, %add3A_511 : i32
      %add3A_513 = vector.broadcast %add3A_512 : i32 to vector<16xi32>
      %add3A_514 = arith.addi %broadcast_in_dim3A_508, %add3A_513 : vector<16xi32>
      %gather3A_515 = tpu.vector_load_idx %arg9[%add3A_92, %add3A_514] : memref<128x128xf32, #tpu.memory_space<vmem>>[vector<16xi32>, vector<16xi32>], vector<16xf32>,
      %gather3A_516 = tpu.vector_load_idx %arg12[%add3A_92, %add3A_514] : memref<128x128xf32, #tpu.memory_space<vmem>>[vector<16xi32>, vector<16xi32>], vector<16xf32>,
      %mul3A_517 = arith.mulf %gather3A_515, %gather3A_516 : vector<16xf32>
      %add3A_518 = arith.addf %add3A_506, %mul3A_517 : vector<16xf32>
      %broadcast_in_dim3A_519 = arith.constant 0 : i32
      %broadcast_in_dim3A_520 = vector.broadcast %broadcast_in_dim3A_519 : i32 to vector<16xi32>
      %mul3A_521 = arith.constant 4 : i32
      %mul3A_522 = arith.muli %scan3A_494, %mul3A_521 : i32
      %add3A_523 = arith.constant 2 : i32
      %add3A_524 = arith.addi %mul3A_522, %add3A_523 : i32
      %add3A_525 = vector.broadcast %add3A_524 : i32 to vector<16xi32>
      %add3A_526 = arith.addi %broadcast_in_dim3A_520, %add3A_525 : vector<16xi32>
      %gather3A_527 = tpu.vector_load_idx %arg9[%add3A_92, %add3A_526] : memref<128x128xf32, #tpu.memory_space<vmem>>[vector<16xi32>, vector<16xi32>], vector<16xf32>,
      %gather3A_528 = tpu.vector_load_idx %arg12[%add3A_92, %add3A_526] : memref<128x128xf32, #tpu.memory_space<vmem>>[vector<16xi32>, vector<16xi32>], vector<16xf32>,
      %mul3A_529 = arith.mulf %gather3A_527, %gather3A_528 : vector<16xf32>
      %add3A_530 = arith.addf %add3A_518, %mul3A_529 : vector<16xf32>
      %broadcast_in_dim3A_531 = arith.constant 0 : i32
      %broadcast_in_dim3A_532 = vector.broadcast %broadcast_in_dim3A_531 : i32 to vector<16xi32>
      %mul3A_533 = arith.constant 4 : i32
      %mul3A_534 = arith.muli %scan3A_494, %mul3A_533 : i32
      %add3A_535 = arith.constant 3 : i32
      %add3A_536 = arith.addi %mul3A_534, %add3A_535 : i32
      %add3A_537 = vector.broadcast %add3A_536 : i32 to vector<16xi32>
      %add3A_538 = arith.addi %broadcast_in_dim3A_532, %add3A_537 : vector<16xi32>
      %gather3A_539 = tpu.vector_load_idx %arg9[%add3A_92, %add3A_538] : memref<128x128xf32, #tpu.memory_space<vmem>>[vector<16xi32>, vector<16xi32>], vector<16xf32>,
      %gather3A_540 = tpu.vector_load_idx %arg12[%add3A_92, %add3A_538] : memref<128x128xf32, #tpu.memory_space<vmem>>[vector<16xi32>, vector<16xi32>], vector<16xf32>,
      %mul3A_541 = arith.mulf %gather3A_539, %gather3A_540 : vector<16xf32>
      %add3A_542 = arith.addf %add3A_530, %mul3A_541 : vector<16xf32>
      scf.yield %add3A_542 : vector<16xf32>
    }
    %scan3A_100 = arith.constant 32 : i32
    %swap3A_101 = arith.constant 64 : index
    %swap3A_102 = tpu.vector_load %arg15[%swap3A_101] {strides = array<i32>} : memref<512xf32, #tpu.memory_space<vmem>>, vector<16xf32>,
    tpu.vector_store %arg15[%swap3A_101], %scan3A_99 {strides = array<i32>} : memref<512xf32, #tpu.memory_space<vmem>>, vector<16xf32>,
    %add3A_103 = arith.constant 80 : i32
    %add3A_104 = vector.broadcast %add3A_103 : i32 to vector<16xi32>
    %add3A_105 = arith.addi %add3A_104, %iota3A : vector<16xi32>
    %broadcast_in_dim3A_106 = arith.constant 0.000000e+00 : f32
    %broadcast_in_dim3A_107 = vector.broadcast %broadcast_in_dim3A_106 : f32 to vector<16xf32>
    %scan3A_108 = arith.constant 0 : i32
    %scan3A_109 = arith.constant 32 : i32
    %scan3A_110 = arith.addi %scan3A_108, %scan3A_109 : i32
    %scan3A_111 = arith.constant 1 : i32
    %scan3A_112 = scf.for %scan3A_494 = %scan3A_108 to %scan3A_110 step %scan3A_111 iter_args(%scan3A_495 = %broadcast_in_dim3A_107) -> (vector<16xf32>)  : i32 {
      %broadcast_in_dim3A_496 = arith.constant 0 : i32
      %broadcast_in_dim3A_497 = vector.broadcast %broadcast_in_dim3A_496 : i32 to vector<16xi32>
      %mul3A_498 = arith.constant 4 : i32
      %mul3A_499 = arith.muli %scan3A_494, %mul3A_498 : i32
      %add3A_500 = arith.constant 0 : i32
      %add3A_501 = arith.addi %mul3A_499, %add3A_500 : i32
      %add3A_502 = vector.broadcast %add3A_501 : i32 to vector<16xi32>
      %add3A_503 = arith.addi %broadcast_in_dim3A_497, %add3A_502 : vector<16xi32>
      %gather3A = tpu.vector_load_idx %arg9[%add3A_105, %add3A_503] : memref<128x128xf32, #tpu.memory_space<vmem>>[vector<16xi32>, vector<16xi32>], vector<16xf32>,
      %gather3A_504 = tpu.vector_load_idx %arg12[%add3A_105, %add3A_503] : memref<128x128xf32, #tpu.memory_space<vmem>>[vector<16xi32>, vector<16xi32>], vector<16xf32>,
      %mul3A_505 = arith.mulf %gather3A, %gather3A_504 : vector<16xf32>
      %add3A_506 = arith.addf %scan3A_495, %mul3A_505 : vector<16xf32>
      %broadcast_in_dim3A_507 = arith.constant 0 : i32
      %broadcast_in_dim3A_508 = vector.broadcast %broadcast_in_dim3A_507 : i32 to vector<16xi32>
      %mul3A_509 = arith.constant 4 : i32
      %mul3A_510 = arith.muli %scan3A_494, %mul3A_509 : i32
      %add3A_511 = arith.constant 1 : i32
      %add3A_512 = arith.addi %mul3A_510, %add3A_511 : i32
      %add3A_513 = vector.broadcast %add3A_512 : i32 to vector<16xi32>
      %add3A_514 = arith.addi %broadcast_in_dim3A_508, %add3A_513 : vector<16xi32>
      %gather3A_515 = tpu.vector_load_idx %arg9[%add3A_105, %add3A_514] : memref<128x128xf32, #tpu.memory_space<vmem>>[vector<16xi32>, vector<16xi32>], vector<16xf32>,
      %gather3A_516 = tpu.vector_load_idx %arg12[%add3A_105, %add3A_514] : memref<128x128xf32, #tpu.memory_space<vmem>>[vector<16xi32>, vector<16xi32>], vector<16xf32>,
      %mul3A_517 = arith.mulf %gather3A_515, %gather3A_516 : vector<16xf32>
      %add3A_518 = arith.addf %add3A_506, %mul3A_517 : vector<16xf32>
      %broadcast_in_dim3A_519 = arith.constant 0 : i32
      %broadcast_in_dim3A_520 = vector.broadcast %broadcast_in_dim3A_519 : i32 to vector<16xi32>
      %mul3A_521 = arith.constant 4 : i32
      %mul3A_522 = arith.muli %scan3A_494, %mul3A_521 : i32
      %add3A_523 = arith.constant 2 : i32
      %add3A_524 = arith.addi %mul3A_522, %add3A_523 : i32
      %add3A_525 = vector.broadcast %add3A_524 : i32 to vector<16xi32>
      %add3A_526 = arith.addi %broadcast_in_dim3A_520, %add3A_525 : vector<16xi32>
      %gather3A_527 = tpu.vector_load_idx %arg9[%add3A_105, %add3A_526] : memref<128x128xf32, #tpu.memory_space<vmem>>[vector<16xi32>, vector<16xi32>], vector<16xf32>,
      %gather3A_528 = tpu.vector_load_idx %arg12[%add3A_105, %add3A_526] : memref<128x128xf32, #tpu.memory_space<vmem>>[vector<16xi32>, vector<16xi32>], vector<16xf32>,
      %mul3A_529 = arith.mulf %gather3A_527, %gather3A_528 : vector<16xf32>
      %add3A_530 = arith.addf %add3A_518, %mul3A_529 : vector<16xf32>
      %broadcast_in_dim3A_531 = arith.constant 0 : i32
      %broadcast_in_dim3A_532 = vector.broadcast %broadcast_in_dim3A_531 : i32 to vector<16xi32>
      %mul3A_533 = arith.constant 4 : i32
      %mul3A_534 = arith.muli %scan3A_494, %mul3A_533 : i32
      %add3A_535 = arith.constant 3 : i32
      %add3A_536 = arith.addi %mul3A_534, %add3A_535 : i32
      %add3A_537 = vector.broadcast %add3A_536 : i32 to vector<16xi32>
      %add3A_538 = arith.addi %broadcast_in_dim3A_532, %add3A_537 : vector<16xi32>
      %gather3A_539 = tpu.vector_load_idx %arg9[%add3A_105, %add3A_538] : memref<128x128xf32, #tpu.memory_space<vmem>>[vector<16xi32>, vector<16xi32>], vector<16xf32>,
      %gather3A_540 = tpu.vector_load_idx %arg12[%add3A_105, %add3A_538] : memref<128x128xf32, #tpu.memory_space<vmem>>[vector<16xi32>, vector<16xi32>], vector<16xf32>,
      %mul3A_541 = arith.mulf %gather3A_539, %gather3A_540 : vector<16xf32>
      %add3A_542 = arith.addf %add3A_530, %mul3A_541 : vector<16xf32>
      scf.yield %add3A_542 : vector<16xf32>
    }
    %scan3A_113 = arith.constant 32 : i32
    %swap3A_114 = arith.constant 80 : index
    %swap3A_115 = tpu.vector_load %arg15[%swap3A_114] {strides = array<i32>} : memref<512xf32, #tpu.memory_space<vmem>>, vector<16xf32>,
    tpu.vector_store %arg15[%swap3A_114], %scan3A_112 {strides = array<i32>} : memref<512xf32, #tpu.memory_space<vmem>>, vector<16xf32>,
    %add3A_116 = arith.constant 96 : i32
    %add3A_117 = vector.broadcast %add3A_116 : i32 to vector<16xi32>
    %add3A_118 = arith.addi %add3A_117, %iota3A : vector<16xi32>
    %broadcast_in_dim3A_119 = arith.constant 0.000000e+00 : f32
    %broadcast_in_dim3A_120 = vector.broadcast %broadcast_in_dim3A_119 : f32 to vector<16xf32>
    %scan3A_121 = arith.constant 0 : i32
    %scan3A_122 = arith.constant 32 : i32
    %scan3A_123 = arith.addi %scan3A_121, %scan3A_122 : i32
    %scan3A_124 = arith.constant 1 : i32
    %scan3A_125 = scf.for %scan3A_494 = %scan3A_121 to %scan3A_123 step %scan3A_124 iter_args(%scan3A_495 = %broadcast_in_dim3A_120) -> (vector<16xf32>)  : i32 {
      %broadcast_in_dim3A_496 = arith.constant 0 : i32
      %broadcast_in_dim3A_497 = vector.broadcast %broadcast_in_dim3A_496 : i32 to vector<16xi32>
      %mul3A_498 = arith.constant 4 : i32
      %mul3A_499 = arith.muli %scan3A_494, %mul3A_498 : i32
      %add3A_500 = arith.constant 0 : i32
      %add3A_501 = arith.addi %mul3A_499, %add3A_500 : i32
      %add3A_502 = vector.broadcast %add3A_501 : i32 to vector<16xi32>
      %add3A_503 = arith.addi %broadcast_in_dim3A_497, %add3A_502 : vector<16xi32>
      %gather3A = tpu.vector_load_idx %arg9[%add3A_118, %add3A_503] : memref<128x128xf32, #tpu.memory_space<vmem>>[vector<16xi32>, vector<16xi32>], vector<16xf32>,
      %gather3A_504 = tpu.vector_load_idx %arg12[%add3A_118, %add3A_503] : memref<128x128xf32, #tpu.memory_space<vmem>>[vector<16xi32>, vector<16xi32>], vector<16xf32>,
      %mul3A_505 = arith.mulf %gather3A, %gather3A_504 : vector<16xf32>
      %add3A_506 = arith.addf %scan3A_495, %mul3A_505 : vector<16xf32>
      %broadcast_in_dim3A_507 = arith.constant 0 : i32
      %broadcast_in_dim3A_508 = vector.broadcast %broadcast_in_dim3A_507 : i32 to vector<16xi32>
      %mul3A_509 = arith.constant 4 : i32
      %mul3A_510 = arith.muli %scan3A_494, %mul3A_509 : i32
      %add3A_511 = arith.constant 1 : i32
      %add3A_512 = arith.addi %mul3A_510, %add3A_511 : i32
      %add3A_513 = vector.broadcast %add3A_512 : i32 to vector<16xi32>
      %add3A_514 = arith.addi %broadcast_in_dim3A_508, %add3A_513 : vector<16xi32>
      %gather3A_515 = tpu.vector_load_idx %arg9[%add3A_118, %add3A_514] : memref<128x128xf32, #tpu.memory_space<vmem>>[vector<16xi32>, vector<16xi32>], vector<16xf32>,
      %gather3A_516 = tpu.vector_load_idx %arg12[%add3A_118, %add3A_514] : memref<128x128xf32, #tpu.memory_space<vmem>>[vector<16xi32>, vector<16xi32>], vector<16xf32>,
      %mul3A_517 = arith.mulf %gather3A_515, %gather3A_516 : vector<16xf32>
      %add3A_518 = arith.addf %add3A_506, %mul3A_517 : vector<16xf32>
      %broadcast_in_dim3A_519 = arith.constant 0 : i32
      %broadcast_in_dim3A_520 = vector.broadcast %broadcast_in_dim3A_519 : i32 to vector<16xi32>
      %mul3A_521 = arith.constant 4 : i32
      %mul3A_522 = arith.muli %scan3A_494, %mul3A_521 : i32
      %add3A_523 = arith.constant 2 : i32
      %add3A_524 = arith.addi %mul3A_522, %add3A_523 : i32
      %add3A_525 = vector.broadcast %add3A_524 : i32 to vector<16xi32>
      %add3A_526 = arith.addi %broadcast_in_dim3A_520, %add3A_525 : vector<16xi32>
      %gather3A_527 = tpu.vector_load_idx %arg9[%add3A_118, %add3A_526] : memref<128x128xf32, #tpu.memory_space<vmem>>[vector<16xi32>, vector<16xi32>], vector<16xf32>,
      %gather3A_528 = tpu.vector_load_idx %arg12[%add3A_118, %add3A_526] : memref<128x128xf32, #tpu.memory_space<vmem>>[vector<16xi32>, vector<16xi32>], vector<16xf32>,
      %mul3A_529 = arith.mulf %gather3A_527, %gather3A_528 : vector<16xf32>
      %add3A_530 = arith.addf %add3A_518, %mul3A_529 : vector<16xf32>
      %broadcast_in_dim3A_531 = arith.constant 0 : i32
      %broadcast_in_dim3A_532 = vector.broadcast %broadcast_in_dim3A_531 : i32 to vector<16xi32>
      %mul3A_533 = arith.constant 4 : i32
      %mul3A_534 = arith.muli %scan3A_494, %mul3A_533 : i32
      %add3A_535 = arith.constant 3 : i32
      %add3A_536 = arith.addi %mul3A_534, %add3A_535 : i32
      %add3A_537 = vector.broadcast %add3A_536 : i32 to vector<16xi32>
      %add3A_538 = arith.addi %broadcast_in_dim3A_532, %add3A_537 : vector<16xi32>
      %gather3A_539 = tpu.vector_load_idx %arg9[%add3A_118, %add3A_538] : memref<128x128xf32, #tpu.memory_space<vmem>>[vector<16xi32>, vector<16xi32>], vector<16xf32>,
      %gather3A_540 = tpu.vector_load_idx %arg12[%add3A_118, %add3A_538] : memref<128x128xf32, #tpu.memory_space<vmem>>[vector<16xi32>, vector<16xi32>], vector<16xf32>,
      %mul3A_541 = arith.mulf %gather3A_539, %gather3A_540 : vector<16xf32>
      %add3A_542 = arith.addf %add3A_530, %mul3A_541 : vector<16xf32>
      scf.yield %add3A_542 : vector<16xf32>
    }
    %scan3A_126 = arith.constant 32 : i32
    %swap3A_127 = arith.constant 96 : index
    %swap3A_128 = tpu.vector_load %arg15[%swap3A_127] {strides = array<i32>} : memref<512xf32, #tpu.memory_space<vmem>>, vector<16xf32>,
    tpu.vector_store %arg15[%swap3A_127], %scan3A_125 {strides = array<i32>} : memref<512xf32, #tpu.memory_space<vmem>>, vector<16xf32>,
    %add3A_129 = arith.constant 112 : i32
    %add3A_130 = vector.broadcast %add3A_129 : i32 to vector<16xi32>
    %add3A_131 = arith.addi %add3A_130, %iota3A : vector<16xi32>
    %broadcast_in_dim3A_132 = arith.constant 0.000000e+00 : f32
    %broadcast_in_dim3A_133 = vector.broadcast %broadcast_in_dim3A_132 : f32 to vector<16xf32>
    %scan3A_134 = arith.constant 0 : i32
    %scan3A_135 = arith.constant 32 : i32
    %scan3A_136 = arith.addi %scan3A_134, %scan3A_135 : i32
    %scan3A_137 = arith.constant 1 : i32
    %scan3A_138 = scf.for %scan3A_494 = %scan3A_134 to %scan3A_136 step %scan3A_137 iter_args(%scan3A_495 = %broadcast_in_dim3A_133) -> (vector<16xf32>)  : i32 {
      %broadcast_in_dim3A_496 = arith.constant 0 : i32
      %broadcast_in_dim3A_497 = vector.broadcast %broadcast_in_dim3A_496 : i32 to vector<16xi32>
      %mul3A_498 = arith.constant 4 : i32
      %mul3A_499 = arith.muli %scan3A_494, %mul3A_498 : i32
      %add3A_500 = arith.constant 0 : i32
      %add3A_501 = arith.addi %mul3A_499, %add3A_500 : i32
      %add3A_502 = vector.broadcast %add3A_501 : i32 to vector<16xi32>
      %add3A_503 = arith.addi %broadcast_in_dim3A_497, %add3A_502 : vector<16xi32>
      %gather3A = tpu.vector_load_idx %arg9[%add3A_131, %add3A_503] : memref<128x128xf32, #tpu.memory_space<vmem>>[vector<16xi32>, vector<16xi32>], vector<16xf32>,
      %gather3A_504 = tpu.vector_load_idx %arg12[%add3A_131, %add3A_503] : memref<128x128xf32, #tpu.memory_space<vmem>>[vector<16xi32>, vector<16xi32>], vector<16xf32>,
      %mul3A_505 = arith.mulf %gather3A, %gather3A_504 : vector<16xf32>
      %add3A_506 = arith.addf %scan3A_495, %mul3A_505 : vector<16xf32>
      %broadcast_in_dim3A_507 = arith.constant 0 : i32
      %broadcast_in_dim3A_508 = vector.broadcast %broadcast_in_dim3A_507 : i32 to vector<16xi32>
      %mul3A_509 = arith.constant 4 : i32
      %mul3A_510 = arith.muli %scan3A_494, %mul3A_509 : i32
      %add3A_511 = arith.constant 1 : i32
      %add3A_512 = arith.addi %mul3A_510, %add3A_511 : i32
      %add3A_513 = vector.broadcast %add3A_512 : i32 to vector<16xi32>
      %add3A_514 = arith.addi %broadcast_in_dim3A_508, %add3A_513 : vector<16xi32>
      %gather3A_515 = tpu.vector_load_idx %arg9[%add3A_131, %add3A_514] : memref<128x128xf32, #tpu.memory_space<vmem>>[vector<16xi32>, vector<16xi32>], vector<16xf32>,
      %gather3A_516 = tpu.vector_load_idx %arg12[%add3A_131, %add3A_514] : memref<128x128xf32, #tpu.memory_space<vmem>>[vector<16xi32>, vector<16xi32>], vector<16xf32>,
      %mul3A_517 = arith.mulf %gather3A_515, %gather3A_516 : vector<16xf32>
      %add3A_518 = arith.addf %add3A_506, %mul3A_517 : vector<16xf32>
      %broadcast_in_dim3A_519 = arith.constant 0 : i32
      %broadcast_in_dim3A_520 = vector.broadcast %broadcast_in_dim3A_519 : i32 to vector<16xi32>
      %mul3A_521 = arith.constant 4 : i32
      %mul3A_522 = arith.muli %scan3A_494, %mul3A_521 : i32
      %add3A_523 = arith.constant 2 : i32
      %add3A_524 = arith.addi %mul3A_522, %add3A_523 : i32
      %add3A_525 = vector.broadcast %add3A_524 : i32 to vector<16xi32>
      %add3A_526 = arith.addi %broadcast_in_dim3A_520, %add3A_525 : vector<16xi32>
      %gather3A_527 = tpu.vector_load_idx %arg9[%add3A_131, %add3A_526] : memref<128x128xf32, #tpu.memory_space<vmem>>[vector<16xi32>, vector<16xi32>], vector<16xf32>,
      %gather3A_528 = tpu.vector_load_idx %arg12[%add3A_131, %add3A_526] : memref<128x128xf32, #tpu.memory_space<vmem>>[vector<16xi32>, vector<16xi32>], vector<16xf32>,
      %mul3A_529 = arith.mulf %gather3A_527, %gather3A_528 : vector<16xf32>
      %add3A_530 = arith.addf %add3A_518, %mul3A_529 : vector<16xf32>
      %broadcast_in_dim3A_531 = arith.constant 0 : i32
      %broadcast_in_dim3A_532 = vector.broadcast %broadcast_in_dim3A_531 : i32 to vector<16xi32>
      %mul3A_533 = arith.constant 4 : i32
      %mul3A_534 = arith.muli %scan3A_494, %mul3A_533 : i32
      %add3A_535 = arith.constant 3 : i32
      %add3A_536 = arith.addi %mul3A_534, %add3A_535 : i32
      %add3A_537 = vector.broadcast %add3A_536 : i32 to vector<16xi32>
      %add3A_538 = arith.addi %broadcast_in_dim3A_532, %add3A_537 : vector<16xi32>
      %gather3A_539 = tpu.vector_load_idx %arg9[%add3A_131, %add3A_538] : memref<128x128xf32, #tpu.memory_space<vmem>>[vector<16xi32>, vector<16xi32>], vector<16xf32>,
      %gather3A_540 = tpu.vector_load_idx %arg12[%add3A_131, %add3A_538] : memref<128x128xf32, #tpu.memory_space<vmem>>[vector<16xi32>, vector<16xi32>], vector<16xf32>,
      %mul3A_541 = arith.mulf %gather3A_539, %gather3A_540 : vector<16xf32>
      %add3A_542 = arith.addf %add3A_530, %mul3A_541 : vector<16xf32>
      scf.yield %add3A_542 : vector<16xf32>
    }
    %scan3A_139 = arith.constant 32 : i32
    %swap3A_140 = arith.constant 112 : index
    %swap3A_141 = tpu.vector_load %arg15[%swap3A_140] {strides = array<i32>} : memref<512xf32, #tpu.memory_space<vmem>>, vector<16xf32>,
    tpu.vector_store %arg15[%swap3A_140], %scan3A_138 {strides = array<i32>} : memref<512xf32, #tpu.memory_space<vmem>>, vector<16xf32>,
    %dma_start3A_142 = arith.constant 384 : i32
    %dma_start3A_143 = tpu.memref_slice %arg7[%dma_start3A_142] : memref<512xi32, #tpu.memory_space<vmem>> -> memref<128xi32, #tpu.memory_space<vmem>>
    %dma_start3A_144 = arith.constant 0 : i32
    %dma_start3A_145 = arith.constant 0 : i32
    %dma_start3A_146 = tpu.memref_slice %arg4[%dma_start3A_144, %dma_start3A_145] : memref<1000000x128xf32, #tpu.memory_space<hbm>> -> memref<1000000x128xf32, #tpu.memory_space<hbm>>
    tpu.enqueue_indirect_dma source(%dma_start3A_146 : memref<1000000x128xf32, #tpu.memory_space<hbm>>) target(%arg9 : memref<128x128xf32, #tpu.memory_space<vmem>>) offsets(%dma_start3A_143 : memref<128xi32, #tpu.memory_space<vmem>>) semaphore(%arg16 : memref<!tpu.dma_semaphore, #tpu.memory_space<semaphore_mem>>)
    %dma_start3A_147 = arith.constant 384 : i32
    %dma_start3A_148 = tpu.memref_slice %arg8[%dma_start3A_147] : memref<512xi32, #tpu.memory_space<vmem>> -> memref<128xi32, #tpu.memory_space<vmem>>
    %dma_start3A_149 = arith.constant 0 : i32
    %dma_start3A_150 = arith.constant 0 : i32
    %dma_start3A_151 = tpu.memref_slice %arg5[%dma_start3A_149, %dma_start3A_150] : memref<1000000x128xf32, #tpu.memory_space<hbm>> -> memref<1000000x128xf32, #tpu.memory_space<hbm>>
    tpu.enqueue_indirect_dma source(%dma_start3A_151 : memref<1000000x128xf32, #tpu.memory_space<hbm>>) target(%arg12 : memref<128x128xf32, #tpu.memory_space<vmem>>) offsets(%dma_start3A_148 : memref<128xi32, #tpu.memory_space<vmem>>) semaphore(%arg16 : memref<!tpu.dma_semaphore, #tpu.memory_space<semaphore_mem>>)
    %dma_wait3A_152 = arith.constant 128 : i32
    %dma_wait3A_153 = tpu.memref_slice %arg7[%dma_wait3A_152] : memref<512xi32, #tpu.memory_space<vmem>> -> memref<128xi32, #tpu.memory_space<vmem>>
    %dma_wait3A_154 = arith.constant 0 : i32
    %dma_wait3A_155 = arith.constant 0 : i32
    %dma_wait3A_156 = tpu.memref_slice %arg4[%dma_wait3A_154, %dma_wait3A_155] : memref<1000000x128xf32, #tpu.memory_space<hbm>> -> memref<1000000x128xf32, #tpu.memory_space<hbm>>
    tpu.wait_indirect_dma semaphore(%arg16 : memref<!tpu.dma_semaphore, #tpu.memory_space<semaphore_mem>>) src(%dma_wait3A_156 : memref<1000000x128xf32, #tpu.memory_space<hbm>>) dst(%arg10 : memref<128x128xf32, #tpu.memory_space<vmem>>)
    %dma_wait3A_157 = arith.constant 128 : i32
    %dma_wait3A_158 = tpu.memref_slice %arg8[%dma_wait3A_157] : memref<512xi32, #tpu.memory_space<vmem>> -> memref<128xi32, #tpu.memory_space<vmem>>
    %dma_wait3A_159 = arith.constant 0 : i32
    %dma_wait3A_160 = arith.constant 0 : i32
    %dma_wait3A_161 = tpu.memref_slice %arg5[%dma_wait3A_159, %dma_wait3A_160] : memref<1000000x128xf32, #tpu.memory_space<hbm>> -> memref<1000000x128xf32, #tpu.memory_space<hbm>>
    tpu.wait_indirect_dma semaphore(%arg16 : memref<!tpu.dma_semaphore, #tpu.memory_space<semaphore_mem>>) src(%dma_wait3A_161 : memref<1000000x128xf32, #tpu.memory_space<hbm>>) dst(%arg13 : memref<128x128xf32, #tpu.memory_space<vmem>>)
    %add3A_162 = arith.constant 0 : i32
    %add3A_163 = vector.broadcast %add3A_162 : i32 to vector<16xi32>
    %add3A_164 = arith.addi %add3A_163, %iota3A : vector<16xi32>
    %broadcast_in_dim3A_165 = arith.constant 0.000000e+00 : f32
    %broadcast_in_dim3A_166 = vector.broadcast %broadcast_in_dim3A_165 : f32 to vector<16xf32>
    %scan3A_167 = arith.constant 0 : i32
    %scan3A_168 = arith.constant 32 : i32
    %scan3A_169 = arith.addi %scan3A_167, %scan3A_168 : i32
    %scan3A_170 = arith.constant 1 : i32
    %scan3A_171 = scf.for %scan3A_494 = %scan3A_167 to %scan3A_169 step %scan3A_170 iter_args(%scan3A_495 = %broadcast_in_dim3A_166) -> (vector<16xf32>)  : i32 {
      %broadcast_in_dim3A_496 = arith.constant 0 : i32
      %broadcast_in_dim3A_497 = vector.broadcast %broadcast_in_dim3A_496 : i32 to vector<16xi32>
      %mul3A_498 = arith.constant 4 : i32
      %mul3A_499 = arith.muli %scan3A_494, %mul3A_498 : i32
      %add3A_500 = arith.constant 0 : i32
      %add3A_501 = arith.addi %mul3A_499, %add3A_500 : i32
      %add3A_502 = vector.broadcast %add3A_501 : i32 to vector<16xi32>
      %add3A_503 = arith.addi %broadcast_in_dim3A_497, %add3A_502 : vector<16xi32>
      %gather3A = tpu.vector_load_idx %arg10[%add3A_164, %add3A_503] : memref<128x128xf32, #tpu.memory_space<vmem>>[vector<16xi32>, vector<16xi32>], vector<16xf32>,
      %gather3A_504 = tpu.vector_load_idx %arg13[%add3A_164, %add3A_503] : memref<128x128xf32, #tpu.memory_space<vmem>>[vector<16xi32>, vector<16xi32>], vector<16xf32>,
      %mul3A_505 = arith.mulf %gather3A, %gather3A_504 : vector<16xf32>
      %add3A_506 = arith.addf %scan3A_495, %mul3A_505 : vector<16xf32>
      %broadcast_in_dim3A_507 = arith.constant 0 : i32
      %broadcast_in_dim3A_508 = vector.broadcast %broadcast_in_dim3A_507 : i32 to vector<16xi32>
      %mul3A_509 = arith.constant 4 : i32
      %mul3A_510 = arith.muli %scan3A_494, %mul3A_509 : i32
      %add3A_511 = arith.constant 1 : i32
      %add3A_512 = arith.addi %mul3A_510, %add3A_511 : i32
      %add3A_513 = vector.broadcast %add3A_512 : i32 to vector<16xi32>
      %add3A_514 = arith.addi %broadcast_in_dim3A_508, %add3A_513 : vector<16xi32>
      %gather3A_515 = tpu.vector_load_idx %arg10[%add3A_164, %add3A_514] : memref<128x128xf32, #tpu.memory_space<vmem>>[vector<16xi32>, vector<16xi32>], vector<16xf32>,
      %gather3A_516 = tpu.vector_load_idx %arg13[%add3A_164, %add3A_514] : memref<128x128xf32, #tpu.memory_space<vmem>>[vector<16xi32>, vector<16xi32>], vector<16xf32>,
      %mul3A_517 = arith.mulf %gather3A_515, %gather3A_516 : vector<16xf32>
      %add3A_518 = arith.addf %add3A_506, %mul3A_517 : vector<16xf32>
      %broadcast_in_dim3A_519 = arith.constant 0 : i32
      %broadcast_in_dim3A_520 = vector.broadcast %broadcast_in_dim3A_519 : i32 to vector<16xi32>
      %mul3A_521 = arith.constant 4 : i32
      %mul3A_522 = arith.muli %scan3A_494, %mul3A_521 : i32
      %add3A_523 = arith.constant 2 : i32
      %add3A_524 = arith.addi %mul3A_522, %add3A_523 : i32
      %add3A_525 = vector.broadcast %add3A_524 : i32 to vector<16xi32>
      %add3A_526 = arith.addi %broadcast_in_dim3A_520, %add3A_525 : vector<16xi32>
      %gather3A_527 = tpu.vector_load_idx %arg10[%add3A_164, %add3A_526] : memref<128x128xf32, #tpu.memory_space<vmem>>[vector<16xi32>, vector<16xi32>], vector<16xf32>,
      %gather3A_528 = tpu.vector_load_idx %arg13[%add3A_164, %add3A_526] : memref<128x128xf32, #tpu.memory_space<vmem>>[vector<16xi32>, vector<16xi32>], vector<16xf32>,
      %mul3A_529 = arith.mulf %gather3A_527, %gather3A_528 : vector<16xf32>
      %add3A_530 = arith.addf %add3A_518, %mul3A_529 : vector<16xf32>
      %broadcast_in_dim3A_531 = arith.constant 0 : i32
      %broadcast_in_dim3A_532 = vector.broadcast %broadcast_in_dim3A_531 : i32 to vector<16xi32>
      %mul3A_533 = arith.constant 4 : i32
      %mul3A_534 = arith.muli %scan3A_494, %mul3A_533 : i32
      %add3A_535 = arith.constant 3 : i32
      %add3A_536 = arith.addi %mul3A_534, %add3A_535 : i32
      %add3A_537 = vector.broadcast %add3A_536 : i32 to vector<16xi32>
      %add3A_538 = arith.addi %broadcast_in_dim3A_532, %add3A_537 : vector<16xi32>
      %gather3A_539 = tpu.vector_load_idx %arg10[%add3A_164, %add3A_538] : memref<128x128xf32, #tpu.memory_space<vmem>>[vector<16xi32>, vector<16xi32>], vector<16xf32>,
      %gather3A_540 = tpu.vector_load_idx %arg13[%add3A_164, %add3A_538] : memref<128x128xf32, #tpu.memory_space<vmem>>[vector<16xi32>, vector<16xi32>], vector<16xf32>,
      %mul3A_541 = arith.mulf %gather3A_539, %gather3A_540 : vector<16xf32>
      %add3A_542 = arith.addf %add3A_530, %mul3A_541 : vector<16xf32>
      scf.yield %add3A_542 : vector<16xf32>
    }
    %scan3A_172 = arith.constant 32 : i32
    %swap3A_173 = arith.constant 128 : index
    %swap3A_174 = tpu.vector_load %arg15[%swap3A_173] {strides = array<i32>} : memref<512xf32, #tpu.memory_space<vmem>>, vector<16xf32>,
    tpu.vector_store %arg15[%swap3A_173], %scan3A_171 {strides = array<i32>} : memref<512xf32, #tpu.memory_space<vmem>>, vector<16xf32>,
    %add3A_175 = arith.constant 16 : i32
    %add3A_176 = vector.broadcast %add3A_175 : i32 to vector<16xi32>
    %add3A_177 = arith.addi %add3A_176, %iota3A : vector<16xi32>
    %broadcast_in_dim3A_178 = arith.constant 0.000000e+00 : f32
    %broadcast_in_dim3A_179 = vector.broadcast %broadcast_in_dim3A_178 : f32 to vector<16xf32>
    %scan3A_180 = arith.constant 0 : i32
    %scan3A_181 = arith.constant 32 : i32
    %scan3A_182 = arith.addi %scan3A_180, %scan3A_181 : i32
    %scan3A_183 = arith.constant 1 : i32
    %scan3A_184 = scf.for %scan3A_494 = %scan3A_180 to %scan3A_182 step %scan3A_183 iter_args(%scan3A_495 = %broadcast_in_dim3A_179) -> (vector<16xf32>)  : i32 {
      %broadcast_in_dim3A_496 = arith.constant 0 : i32
      %broadcast_in_dim3A_497 = vector.broadcast %broadcast_in_dim3A_496 : i32 to vector<16xi32>
      %mul3A_498 = arith.constant 4 : i32
      %mul3A_499 = arith.muli %scan3A_494, %mul3A_498 : i32
      %add3A_500 = arith.constant 0 : i32
      %add3A_501 = arith.addi %mul3A_499, %add3A_500 : i32
      %add3A_502 = vector.broadcast %add3A_501 : i32 to vector<16xi32>
      %add3A_503 = arith.addi %broadcast_in_dim3A_497, %add3A_502 : vector<16xi32>
      %gather3A = tpu.vector_load_idx %arg10[%add3A_177, %add3A_503] : memref<128x128xf32, #tpu.memory_space<vmem>>[vector<16xi32>, vector<16xi32>], vector<16xf32>,
      %gather3A_504 = tpu.vector_load_idx %arg13[%add3A_177, %add3A_503] : memref<128x128xf32, #tpu.memory_space<vmem>>[vector<16xi32>, vector<16xi32>], vector<16xf32>,
      %mul3A_505 = arith.mulf %gather3A, %gather3A_504 : vector<16xf32>
      %add3A_506 = arith.addf %scan3A_495, %mul3A_505 : vector<16xf32>
      %broadcast_in_dim3A_507 = arith.constant 0 : i32
      %broadcast_in_dim3A_508 = vector.broadcast %broadcast_in_dim3A_507 : i32 to vector<16xi32>
      %mul3A_509 = arith.constant 4 : i32
      %mul3A_510 = arith.muli %scan3A_494, %mul3A_509 : i32
      %add3A_511 = arith.constant 1 : i32
      %add3A_512 = arith.addi %mul3A_510, %add3A_511 : i32
      %add3A_513 = vector.broadcast %add3A_512 : i32 to vector<16xi32>
      %add3A_514 = arith.addi %broadcast_in_dim3A_508, %add3A_513 : vector<16xi32>
      %gather3A_515 = tpu.vector_load_idx %arg10[%add3A_177, %add3A_514] : memref<128x128xf32, #tpu.memory_space<vmem>>[vector<16xi32>, vector<16xi32>], vector<16xf32>,
      %gather3A_516 = tpu.vector_load_idx %arg13[%add3A_177, %add3A_514] : memref<128x128xf32, #tpu.memory_space<vmem>>[vector<16xi32>, vector<16xi32>], vector<16xf32>,
      %mul3A_517 = arith.mulf %gather3A_515, %gather3A_516 : vector<16xf32>
      %add3A_518 = arith.addf %add3A_506, %mul3A_517 : vector<16xf32>
      %broadcast_in_dim3A_519 = arith.constant 0 : i32
      %broadcast_in_dim3A_520 = vector.broadcast %broadcast_in_dim3A_519 : i32 to vector<16xi32>
      %mul3A_521 = arith.constant 4 : i32
      %mul3A_522 = arith.muli %scan3A_494, %mul3A_521 : i32
      %add3A_523 = arith.constant 2 : i32
      %add3A_524 = arith.addi %mul3A_522, %add3A_523 : i32
      %add3A_525 = vector.broadcast %add3A_524 : i32 to vector<16xi32>
      %add3A_526 = arith.addi %broadcast_in_dim3A_520, %add3A_525 : vector<16xi32>
      %gather3A_527 = tpu.vector_load_idx %arg10[%add3A_177, %add3A_526] : memref<128x128xf32, #tpu.memory_space<vmem>>[vector<16xi32>, vector<16xi32>], vector<16xf32>,
      %gather3A_528 = tpu.vector_load_idx %arg13[%add3A_177, %add3A_526] : memref<128x128xf32, #tpu.memory_space<vmem>>[vector<16xi32>, vector<16xi32>], vector<16xf32>,
      %mul3A_529 = arith.mulf %gather3A_527, %gather3A_528 : vector<16xf32>
      %add3A_530 = arith.addf %add3A_518, %mul3A_529 : vector<16xf32>
      %broadcast_in_dim3A_531 = arith.constant 0 : i32
      %broadcast_in_dim3A_532 = vector.broadcast %broadcast_in_dim3A_531 : i32 to vector<16xi32>
      %mul3A_533 = arith.constant 4 : i32
      %mul3A_534 = arith.muli %scan3A_494, %mul3A_533 : i32
      %add3A_535 = arith.constant 3 : i32
      %add3A_536 = arith.addi %mul3A_534, %add3A_535 : i32
      %add3A_537 = vector.broadcast %add3A_536 : i32 to vector<16xi32>
      %add3A_538 = arith.addi %broadcast_in_dim3A_532, %add3A_537 : vector<16xi32>
      %gather3A_539 = tpu.vector_load_idx %arg10[%add3A_177, %add3A_538] : memref<128x128xf32, #tpu.memory_space<vmem>>[vector<16xi32>, vector<16xi32>], vector<16xf32>,
      %gather3A_540 = tpu.vector_load_idx %arg13[%add3A_177, %add3A_538] : memref<128x128xf32, #tpu.memory_space<vmem>>[vector<16xi32>, vector<16xi32>], vector<16xf32>,
      %mul3A_541 = arith.mulf %gather3A_539, %gather3A_540 : vector<16xf32>
      %add3A_542 = arith.addf %add3A_530, %mul3A_541 : vector<16xf32>
      scf.yield %add3A_542 : vector<16xf32>
    }
    %scan3A_185 = arith.constant 32 : i32
    %swap3A_186 = arith.constant 144 : index
    %swap3A_187 = tpu.vector_load %arg15[%swap3A_186] {strides = array<i32>} : memref<512xf32, #tpu.memory_space<vmem>>, vector<16xf32>,
    tpu.vector_store %arg15[%swap3A_186], %scan3A_184 {strides = array<i32>} : memref<512xf32, #tpu.memory_space<vmem>>, vector<16xf32>,
    %add3A_188 = arith.constant 32 : i32
    %add3A_189 = vector.broadcast %add3A_188 : i32 to vector<16xi32>
    %add3A_190 = arith.addi %add3A_189, %iota3A : vector<16xi32>
    %broadcast_in_dim3A_191 = arith.constant 0.000000e+00 : f32
    %broadcast_in_dim3A_192 = vector.broadcast %broadcast_in_dim3A_191 : f32 to vector<16xf32>
    %scan3A_193 = arith.constant 0 : i32
    %scan3A_194 = arith.constant 32 : i32
    %scan3A_195 = arith.addi %scan3A_193, %scan3A_194 : i32
    %scan3A_196 = arith.constant 1 : i32
    %scan3A_197 = scf.for %scan3A_494 = %scan3A_193 to %scan3A_195 step %scan3A_196 iter_args(%scan3A_495 = %broadcast_in_dim3A_192) -> (vector<16xf32>)  : i32 {
      %broadcast_in_dim3A_496 = arith.constant 0 : i32
      %broadcast_in_dim3A_497 = vector.broadcast %broadcast_in_dim3A_496 : i32 to vector<16xi32>
      %mul3A_498 = arith.constant 4 : i32
      %mul3A_499 = arith.muli %scan3A_494, %mul3A_498 : i32
      %add3A_500 = arith.constant 0 : i32
      %add3A_501 = arith.addi %mul3A_499, %add3A_500 : i32
      %add3A_502 = vector.broadcast %add3A_501 : i32 to vector<16xi32>
      %add3A_503 = arith.addi %broadcast_in_dim3A_497, %add3A_502 : vector<16xi32>
      %gather3A = tpu.vector_load_idx %arg10[%add3A_190, %add3A_503] : memref<128x128xf32, #tpu.memory_space<vmem>>[vector<16xi32>, vector<16xi32>], vector<16xf32>,
      %gather3A_504 = tpu.vector_load_idx %arg13[%add3A_190, %add3A_503] : memref<128x128xf32, #tpu.memory_space<vmem>>[vector<16xi32>, vector<16xi32>], vector<16xf32>,
      %mul3A_505 = arith.mulf %gather3A, %gather3A_504 : vector<16xf32>
      %add3A_506 = arith.addf %scan3A_495, %mul3A_505 : vector<16xf32>
      %broadcast_in_dim3A_507 = arith.constant 0 : i32
      %broadcast_in_dim3A_508 = vector.broadcast %broadcast_in_dim3A_507 : i32 to vector<16xi32>
      %mul3A_509 = arith.constant 4 : i32
      %mul3A_510 = arith.muli %scan3A_494, %mul3A_509 : i32
      %add3A_511 = arith.constant 1 : i32
      %add3A_512 = arith.addi %mul3A_510, %add3A_511 : i32
      %add3A_513 = vector.broadcast %add3A_512 : i32 to vector<16xi32>
      %add3A_514 = arith.addi %broadcast_in_dim3A_508, %add3A_513 : vector<16xi32>
      %gather3A_515 = tpu.vector_load_idx %arg10[%add3A_190, %add3A_514] : memref<128x128xf32, #tpu.memory_space<vmem>>[vector<16xi32>, vector<16xi32>], vector<16xf32>,
      %gather3A_516 = tpu.vector_load_idx %arg13[%add3A_190, %add3A_514] : memref<128x128xf32, #tpu.memory_space<vmem>>[vector<16xi32>, vector<16xi32>], vector<16xf32>,
      %mul3A_517 = arith.mulf %gather3A_515, %gather3A_516 : vector<16xf32>
      %add3A_518 = arith.addf %add3A_506, %mul3A_517 : vector<16xf32>
      %broadcast_in_dim3A_519 = arith.constant 0 : i32
      %broadcast_in_dim3A_520 = vector.broadcast %broadcast_in_dim3A_519 : i32 to vector<16xi32>
      %mul3A_521 = arith.constant 4 : i32
      %mul3A_522 = arith.muli %scan3A_494, %mul3A_521 : i32
      %add3A_523 = arith.constant 2 : i32
      %add3A_524 = arith.addi %mul3A_522, %add3A_523 : i32
      %add3A_525 = vector.broadcast %add3A_524 : i32 to vector<16xi32>
      %add3A_526 = arith.addi %broadcast_in_dim3A_520, %add3A_525 : vector<16xi32>
      %gather3A_527 = tpu.vector_load_idx %arg10[%add3A_190, %add3A_526] : memref<128x128xf32, #tpu.memory_space<vmem>>[vector<16xi32>, vector<16xi32>], vector<16xf32>,
      %gather3A_528 = tpu.vector_load_idx %arg13[%add3A_190, %add3A_526] : memref<128x128xf32, #tpu.memory_space<vmem>>[vector<16xi32>, vector<16xi32>], vector<16xf32>,
      %mul3A_529 = arith.mulf %gather3A_527, %gather3A_528 : vector<16xf32>
      %add3A_530 = arith.addf %add3A_518, %mul3A_529 : vector<16xf32>
      %broadcast_in_dim3A_531 = arith.constant 0 : i32
      %broadcast_in_dim3A_532 = vector.broadcast %broadcast_in_dim3A_531 : i32 to vector<16xi32>
      %mul3A_533 = arith.constant 4 : i32
      %mul3A_534 = arith.muli %scan3A_494, %mul3A_533 : i32
      %add3A_535 = arith.constant 3 : i32
      %add3A_536 = arith.addi %mul3A_534, %add3A_535 : i32
      %add3A_537 = vector.broadcast %add3A_536 : i32 to vector<16xi32>
      %add3A_538 = arith.addi %broadcast_in_dim3A_532, %add3A_537 : vector<16xi32>
      %gather3A_539 = tpu.vector_load_idx %arg10[%add3A_190, %add3A_538] : memref<128x128xf32, #tpu.memory_space<vmem>>[vector<16xi32>, vector<16xi32>], vector<16xf32>,
      %gather3A_540 = tpu.vector_load_idx %arg13[%add3A_190, %add3A_538] : memref<128x128xf32, #tpu.memory_space<vmem>>[vector<16xi32>, vector<16xi32>], vector<16xf32>,
      %mul3A_541 = arith.mulf %gather3A_539, %gather3A_540 : vector<16xf32>
      %add3A_542 = arith.addf %add3A_530, %mul3A_541 : vector<16xf32>
      scf.yield %add3A_542 : vector<16xf32>
    }
    %scan3A_198 = arith.constant 32 : i32
    %swap3A_199 = arith.constant 160 : index
    %swap3A_200 = tpu.vector_load %arg15[%swap3A_199] {strides = array<i32>} : memref<512xf32, #tpu.memory_space<vmem>>, vector<16xf32>,
    tpu.vector_store %arg15[%swap3A_199], %scan3A_197 {strides = array<i32>} : memref<512xf32, #tpu.memory_space<vmem>>, vector<16xf32>,
    %add3A_201 = arith.constant 48 : i32
    %add3A_202 = vector.broadcast %add3A_201 : i32 to vector<16xi32>
    %add3A_203 = arith.addi %add3A_202, %iota3A : vector<16xi32>
    %broadcast_in_dim3A_204 = arith.constant 0.000000e+00 : f32
    %broadcast_in_dim3A_205 = vector.broadcast %broadcast_in_dim3A_204 : f32 to vector<16xf32>
    %scan3A_206 = arith.constant 0 : i32
    %scan3A_207 = arith.constant 32 : i32
    %scan3A_208 = arith.addi %scan3A_206, %scan3A_207 : i32
    %scan3A_209 = arith.constant 1 : i32
    %scan3A_210 = scf.for %scan3A_494 = %scan3A_206 to %scan3A_208 step %scan3A_209 iter_args(%scan3A_495 = %broadcast_in_dim3A_205) -> (vector<16xf32>)  : i32 {
      %broadcast_in_dim3A_496 = arith.constant 0 : i32
      %broadcast_in_dim3A_497 = vector.broadcast %broadcast_in_dim3A_496 : i32 to vector<16xi32>
      %mul3A_498 = arith.constant 4 : i32
      %mul3A_499 = arith.muli %scan3A_494, %mul3A_498 : i32
      %add3A_500 = arith.constant 0 : i32
      %add3A_501 = arith.addi %mul3A_499, %add3A_500 : i32
      %add3A_502 = vector.broadcast %add3A_501 : i32 to vector<16xi32>
      %add3A_503 = arith.addi %broadcast_in_dim3A_497, %add3A_502 : vector<16xi32>
      %gather3A = tpu.vector_load_idx %arg10[%add3A_203, %add3A_503] : memref<128x128xf32, #tpu.memory_space<vmem>>[vector<16xi32>, vector<16xi32>], vector<16xf32>,
      %gather3A_504 = tpu.vector_load_idx %arg13[%add3A_203, %add3A_503] : memref<128x128xf32, #tpu.memory_space<vmem>>[vector<16xi32>, vector<16xi32>], vector<16xf32>,
      %mul3A_505 = arith.mulf %gather3A, %gather3A_504 : vector<16xf32>
      %add3A_506 = arith.addf %scan3A_495, %mul3A_505 : vector<16xf32>
      %broadcast_in_dim3A_507 = arith.constant 0 : i32
      %broadcast_in_dim3A_508 = vector.broadcast %broadcast_in_dim3A_507 : i32 to vector<16xi32>
      %mul3A_509 = arith.constant 4 : i32
      %mul3A_510 = arith.muli %scan3A_494, %mul3A_509 : i32
      %add3A_511 = arith.constant 1 : i32
      %add3A_512 = arith.addi %mul3A_510, %add3A_511 : i32
      %add3A_513 = vector.broadcast %add3A_512 : i32 to vector<16xi32>
      %add3A_514 = arith.addi %broadcast_in_dim3A_508, %add3A_513 : vector<16xi32>
      %gather3A_515 = tpu.vector_load_idx %arg10[%add3A_203, %add3A_514] : memref<128x128xf32, #tpu.memory_space<vmem>>[vector<16xi32>, vector<16xi32>], vector<16xf32>,
      %gather3A_516 = tpu.vector_load_idx %arg13[%add3A_203, %add3A_514] : memref<128x128xf32, #tpu.memory_space<vmem>>[vector<16xi32>, vector<16xi32>], vector<16xf32>,
      %mul3A_517 = arith.mulf %gather3A_515, %gather3A_516 : vector<16xf32>
      %add3A_518 = arith.addf %add3A_506, %mul3A_517 : vector<16xf32>
      %broadcast_in_dim3A_519 = arith.constant 0 : i32
      %broadcast_in_dim3A_520 = vector.broadcast %broadcast_in_dim3A_519 : i32 to vector<16xi32>
      %mul3A_521 = arith.constant 4 : i32
      %mul3A_522 = arith.muli %scan3A_494, %mul3A_521 : i32
      %add3A_523 = arith.constant 2 : i32
      %add3A_524 = arith.addi %mul3A_522, %add3A_523 : i32
      %add3A_525 = vector.broadcast %add3A_524 : i32 to vector<16xi32>
      %add3A_526 = arith.addi %broadcast_in_dim3A_520, %add3A_525 : vector<16xi32>
      %gather3A_527 = tpu.vector_load_idx %arg10[%add3A_203, %add3A_526] : memref<128x128xf32, #tpu.memory_space<vmem>>[vector<16xi32>, vector<16xi32>], vector<16xf32>,
      %gather3A_528 = tpu.vector_load_idx %arg13[%add3A_203, %add3A_526] : memref<128x128xf32, #tpu.memory_space<vmem>>[vector<16xi32>, vector<16xi32>], vector<16xf32>,
      %mul3A_529 = arith.mulf %gather3A_527, %gather3A_528 : vector<16xf32>
      %add3A_530 = arith.addf %add3A_518, %mul3A_529 : vector<16xf32>
      %broadcast_in_dim3A_531 = arith.constant 0 : i32
      %broadcast_in_dim3A_532 = vector.broadcast %broadcast_in_dim3A_531 : i32 to vector<16xi32>
      %mul3A_533 = arith.constant 4 : i32
      %mul3A_534 = arith.muli %scan3A_494, %mul3A_533 : i32
      %add3A_535 = arith.constant 3 : i32
      %add3A_536 = arith.addi %mul3A_534, %add3A_535 : i32
      %add3A_537 = vector.broadcast %add3A_536 : i32 to vector<16xi32>
      %add3A_538 = arith.addi %broadcast_in_dim3A_532, %add3A_537 : vector<16xi32>
      %gather3A_539 = tpu.vector_load_idx %arg10[%add3A_203, %add3A_538] : memref<128x128xf32, #tpu.memory_space<vmem>>[vector<16xi32>, vector<16xi32>], vector<16xf32>,
      %gather3A_540 = tpu.vector_load_idx %arg13[%add3A_203, %add3A_538] : memref<128x128xf32, #tpu.memory_space<vmem>>[vector<16xi32>, vector<16xi32>], vector<16xf32>,
      %mul3A_541 = arith.mulf %gather3A_539, %gather3A_540 : vector<16xf32>
      %add3A_542 = arith.addf %add3A_530, %mul3A_541 : vector<16xf32>
      scf.yield %add3A_542 : vector<16xf32>
    }
    %scan3A_211 = arith.constant 32 : i32
    %swap3A_212 = arith.constant 176 : index
    %swap3A_213 = tpu.vector_load %arg15[%swap3A_212] {strides = array<i32>} : memref<512xf32, #tpu.memory_space<vmem>>, vector<16xf32>,
    tpu.vector_store %arg15[%swap3A_212], %scan3A_210 {strides = array<i32>} : memref<512xf32, #tpu.memory_space<vmem>>, vector<16xf32>,
    %add3A_214 = arith.constant 64 : i32
    %add3A_215 = vector.broadcast %add3A_214 : i32 to vector<16xi32>
    %add3A_216 = arith.addi %add3A_215, %iota3A : vector<16xi32>
    %broadcast_in_dim3A_217 = arith.constant 0.000000e+00 : f32
    %broadcast_in_dim3A_218 = vector.broadcast %broadcast_in_dim3A_217 : f32 to vector<16xf32>
    %scan3A_219 = arith.constant 0 : i32
    %scan3A_220 = arith.constant 32 : i32
    %scan3A_221 = arith.addi %scan3A_219, %scan3A_220 : i32
    %scan3A_222 = arith.constant 1 : i32
    %scan3A_223 = scf.for %scan3A_494 = %scan3A_219 to %scan3A_221 step %scan3A_222 iter_args(%scan3A_495 = %broadcast_in_dim3A_218) -> (vector<16xf32>)  : i32 {
      %broadcast_in_dim3A_496 = arith.constant 0 : i32
      %broadcast_in_dim3A_497 = vector.broadcast %broadcast_in_dim3A_496 : i32 to vector<16xi32>
      %mul3A_498 = arith.constant 4 : i32
      %mul3A_499 = arith.muli %scan3A_494, %mul3A_498 : i32
      %add3A_500 = arith.constant 0 : i32
      %add3A_501 = arith.addi %mul3A_499, %add3A_500 : i32
      %add3A_502 = vector.broadcast %add3A_501 : i32 to vector<16xi32>
      %add3A_503 = arith.addi %broadcast_in_dim3A_497, %add3A_502 : vector<16xi32>
      %gather3A = tpu.vector_load_idx %arg10[%add3A_216, %add3A_503] : memref<128x128xf32, #tpu.memory_space<vmem>>[vector<16xi32>, vector<16xi32>], vector<16xf32>,
      %gather3A_504 = tpu.vector_load_idx %arg13[%add3A_216, %add3A_503] : memref<128x128xf32, #tpu.memory_space<vmem>>[vector<16xi32>, vector<16xi32>], vector<16xf32>,
      %mul3A_505 = arith.mulf %gather3A, %gather3A_504 : vector<16xf32>
      %add3A_506 = arith.addf %scan3A_495, %mul3A_505 : vector<16xf32>
      %broadcast_in_dim3A_507 = arith.constant 0 : i32
      %broadcast_in_dim3A_508 = vector.broadcast %broadcast_in_dim3A_507 : i32 to vector<16xi32>
      %mul3A_509 = arith.constant 4 : i32
      %mul3A_510 = arith.muli %scan3A_494, %mul3A_509 : i32
      %add3A_511 = arith.constant 1 : i32
      %add3A_512 = arith.addi %mul3A_510, %add3A_511 : i32
      %add3A_513 = vector.broadcast %add3A_512 : i32 to vector<16xi32>
      %add3A_514 = arith.addi %broadcast_in_dim3A_508, %add3A_513 : vector<16xi32>
      %gather3A_515 = tpu.vector_load_idx %arg10[%add3A_216, %add3A_514] : memref<128x128xf32, #tpu.memory_space<vmem>>[vector<16xi32>, vector<16xi32>], vector<16xf32>,
      %gather3A_516 = tpu.vector_load_idx %arg13[%add3A_216, %add3A_514] : memref<128x128xf32, #tpu.memory_space<vmem>>[vector<16xi32>, vector<16xi32>], vector<16xf32>,
      %mul3A_517 = arith.mulf %gather3A_515, %gather3A_516 : vector<16xf32>
      %add3A_518 = arith.addf %add3A_506, %mul3A_517 : vector<16xf32>
      %broadcast_in_dim3A_519 = arith.constant 0 : i32
      %broadcast_in_dim3A_520 = vector.broadcast %broadcast_in_dim3A_519 : i32 to vector<16xi32>
      %mul3A_521 = arith.constant 4 : i32
      %mul3A_522 = arith.muli %scan3A_494, %mul3A_521 : i32
      %add3A_523 = arith.constant 2 : i32
      %add3A_524 = arith.addi %mul3A_522, %add3A_523 : i32
      %add3A_525 = vector.broadcast %add3A_524 : i32 to vector<16xi32>
      %add3A_526 = arith.addi %broadcast_in_dim3A_520, %add3A_525 : vector<16xi32>
      %gather3A_527 = tpu.vector_load_idx %arg10[%add3A_216, %add3A_526] : memref<128x128xf32, #tpu.memory_space<vmem>>[vector<16xi32>, vector<16xi32>], vector<16xf32>,
      %gather3A_528 = tpu.vector_load_idx %arg13[%add3A_216, %add3A_526] : memref<128x128xf32, #tpu.memory_space<vmem>>[vector<16xi32>, vector<16xi32>], vector<16xf32>,
      %mul3A_529 = arith.mulf %gather3A_527, %gather3A_528 : vector<16xf32>
      %add3A_530 = arith.addf %add3A_518, %mul3A_529 : vector<16xf32>
      %broadcast_in_dim3A_531 = arith.constant 0 : i32
      %broadcast_in_dim3A_532 = vector.broadcast %broadcast_in_dim3A_531 : i32 to vector<16xi32>
      %mul3A_533 = arith.constant 4 : i32
      %mul3A_534 = arith.muli %scan3A_494, %mul3A_533 : i32
      %add3A_535 = arith.constant 3 : i32
      %add3A_536 = arith.addi %mul3A_534, %add3A_535 : i32
      %add3A_537 = vector.broadcast %add3A_536 : i32 to vector<16xi32>
      %add3A_538 = arith.addi %broadcast_in_dim3A_532, %add3A_537 : vector<16xi32>
      %gather3A_539 = tpu.vector_load_idx %arg10[%add3A_216, %add3A_538] : memref<128x128xf32, #tpu.memory_space<vmem>>[vector<16xi32>, vector<16xi32>], vector<16xf32>,
      %gather3A_540 = tpu.vector_load_idx %arg13[%add3A_216, %add3A_538] : memref<128x128xf32, #tpu.memory_space<vmem>>[vector<16xi32>, vector<16xi32>], vector<16xf32>,
      %mul3A_541 = arith.mulf %gather3A_539, %gather3A_540 : vector<16xf32>
      %add3A_542 = arith.addf %add3A_530, %mul3A_541 : vector<16xf32>
      scf.yield %add3A_542 : vector<16xf32>
    }
    %scan3A_224 = arith.constant 32 : i32
    %swap3A_225 = arith.constant 192 : index
    %swap3A_226 = tpu.vector_load %arg15[%swap3A_225] {strides = array<i32>} : memref<512xf32, #tpu.memory_space<vmem>>, vector<16xf32>,
    tpu.vector_store %arg15[%swap3A_225], %scan3A_223 {strides = array<i32>} : memref<512xf32, #tpu.memory_space<vmem>>, vector<16xf32>,
    %add3A_227 = arith.constant 80 : i32
    %add3A_228 = vector.broadcast %add3A_227 : i32 to vector<16xi32>
    %add3A_229 = arith.addi %add3A_228, %iota3A : vector<16xi32>
    %broadcast_in_dim3A_230 = arith.constant 0.000000e+00 : f32
    %broadcast_in_dim3A_231 = vector.broadcast %broadcast_in_dim3A_230 : f32 to vector<16xf32>
    %scan3A_232 = arith.constant 0 : i32
    %scan3A_233 = arith.constant 32 : i32
    %scan3A_234 = arith.addi %scan3A_232, %scan3A_233 : i32
    %scan3A_235 = arith.constant 1 : i32
    %scan3A_236 = scf.for %scan3A_494 = %scan3A_232 to %scan3A_234 step %scan3A_235 iter_args(%scan3A_495 = %broadcast_in_dim3A_231) -> (vector<16xf32>)  : i32 {
      %broadcast_in_dim3A_496 = arith.constant 0 : i32
      %broadcast_in_dim3A_497 = vector.broadcast %broadcast_in_dim3A_496 : i32 to vector<16xi32>
      %mul3A_498 = arith.constant 4 : i32
      %mul3A_499 = arith.muli %scan3A_494, %mul3A_498 : i32
      %add3A_500 = arith.constant 0 : i32
      %add3A_501 = arith.addi %mul3A_499, %add3A_500 : i32
      %add3A_502 = vector.broadcast %add3A_501 : i32 to vector<16xi32>
      %add3A_503 = arith.addi %broadcast_in_dim3A_497, %add3A_502 : vector<16xi32>
      %gather3A = tpu.vector_load_idx %arg10[%add3A_229, %add3A_503] : memref<128x128xf32, #tpu.memory_space<vmem>>[vector<16xi32>, vector<16xi32>], vector<16xf32>,
      %gather3A_504 = tpu.vector_load_idx %arg13[%add3A_229, %add3A_503] : memref<128x128xf32, #tpu.memory_space<vmem>>[vector<16xi32>, vector<16xi32>], vector<16xf32>,
      %mul3A_505 = arith.mulf %gather3A, %gather3A_504 : vector<16xf32>
      %add3A_506 = arith.addf %scan3A_495, %mul3A_505 : vector<16xf32>
      %broadcast_in_dim3A_507 = arith.constant 0 : i32
      %broadcast_in_dim3A_508 = vector.broadcast %broadcast_in_dim3A_507 : i32 to vector<16xi32>
      %mul3A_509 = arith.constant 4 : i32
      %mul3A_510 = arith.muli %scan3A_494, %mul3A_509 : i32
      %add3A_511 = arith.constant 1 : i32
      %add3A_512 = arith.addi %mul3A_510, %add3A_511 : i32
      %add3A_513 = vector.broadcast %add3A_512 : i32 to vector<16xi32>
      %add3A_514 = arith.addi %broadcast_in_dim3A_508, %add3A_513 : vector<16xi32>
      %gather3A_515 = tpu.vector_load_idx %arg10[%add3A_229, %add3A_514] : memref<128x128xf32, #tpu.memory_space<vmem>>[vector<16xi32>, vector<16xi32>], vector<16xf32>,
      %gather3A_516 = tpu.vector_load_idx %arg13[%add3A_229, %add3A_514] : memref<128x128xf32, #tpu.memory_space<vmem>>[vector<16xi32>, vector<16xi32>], vector<16xf32>,
      %mul3A_517 = arith.mulf %gather3A_515, %gather3A_516 : vector<16xf32>
      %add3A_518 = arith.addf %add3A_506, %mul3A_517 : vector<16xf32>
      %broadcast_in_dim3A_519 = arith.constant 0 : i32
      %broadcast_in_dim3A_520 = vector.broadcast %broadcast_in_dim3A_519 : i32 to vector<16xi32>
      %mul3A_521 = arith.constant 4 : i32
      %mul3A_522 = arith.muli %scan3A_494, %mul3A_521 : i32
      %add3A_523 = arith.constant 2 : i32
      %add3A_524 = arith.addi %mul3A_522, %add3A_523 : i32
      %add3A_525 = vector.broadcast %add3A_524 : i32 to vector<16xi32>
      %add3A_526 = arith.addi %broadcast_in_dim3A_520, %add3A_525 : vector<16xi32>
      %gather3A_527 = tpu.vector_load_idx %arg10[%add3A_229, %add3A_526] : memref<128x128xf32, #tpu.memory_space<vmem>>[vector<16xi32>, vector<16xi32>], vector<16xf32>,
      %gather3A_528 = tpu.vector_load_idx %arg13[%add3A_229, %add3A_526] : memref<128x128xf32, #tpu.memory_space<vmem>>[vector<16xi32>, vector<16xi32>], vector<16xf32>,
      %mul3A_529 = arith.mulf %gather3A_527, %gather3A_528 : vector<16xf32>
      %add3A_530 = arith.addf %add3A_518, %mul3A_529 : vector<16xf32>
      %broadcast_in_dim3A_531 = arith.constant 0 : i32
      %broadcast_in_dim3A_532 = vector.broadcast %broadcast_in_dim3A_531 : i32 to vector<16xi32>
      %mul3A_533 = arith.constant 4 : i32
      %mul3A_534 = arith.muli %scan3A_494, %mul3A_533 : i32
      %add3A_535 = arith.constant 3 : i32
      %add3A_536 = arith.addi %mul3A_534, %add3A_535 : i32
      %add3A_537 = vector.broadcast %add3A_536 : i32 to vector<16xi32>
      %add3A_538 = arith.addi %broadcast_in_dim3A_532, %add3A_537 : vector<16xi32>
      %gather3A_539 = tpu.vector_load_idx %arg10[%add3A_229, %add3A_538] : memref<128x128xf32, #tpu.memory_space<vmem>>[vector<16xi32>, vector<16xi32>], vector<16xf32>,
      %gather3A_540 = tpu.vector_load_idx %arg13[%add3A_229, %add3A_538] : memref<128x128xf32, #tpu.memory_space<vmem>>[vector<16xi32>, vector<16xi32>], vector<16xf32>,
      %mul3A_541 = arith.mulf %gather3A_539, %gather3A_540 : vector<16xf32>
      %add3A_542 = arith.addf %add3A_530, %mul3A_541 : vector<16xf32>
      scf.yield %add3A_542 : vector<16xf32>
    }
    %scan3A_237 = arith.constant 32 : i32
    %swap3A_238 = arith.constant 208 : index
    %swap3A_239 = tpu.vector_load %arg15[%swap3A_238] {strides = array<i32>} : memref<512xf32, #tpu.memory_space<vmem>>, vector<16xf32>,
    tpu.vector_store %arg15[%swap3A_238], %scan3A_236 {strides = array<i32>} : memref<512xf32, #tpu.memory_space<vmem>>, vector<16xf32>,
    %add3A_240 = arith.constant 96 : i32
    %add3A_241 = vector.broadcast %add3A_240 : i32 to vector<16xi32>
    %add3A_242 = arith.addi %add3A_241, %iota3A : vector<16xi32>
    %broadcast_in_dim3A_243 = arith.constant 0.000000e+00 : f32
    %broadcast_in_dim3A_244 = vector.broadcast %broadcast_in_dim3A_243 : f32 to vector<16xf32>
    %scan3A_245 = arith.constant 0 : i32
    %scan3A_246 = arith.constant 32 : i32
    %scan3A_247 = arith.addi %scan3A_245, %scan3A_246 : i32
    %scan3A_248 = arith.constant 1 : i32
    %scan3A_249 = scf.for %scan3A_494 = %scan3A_245 to %scan3A_247 step %scan3A_248 iter_args(%scan3A_495 = %broadcast_in_dim3A_244) -> (vector<16xf32>)  : i32 {
      %broadcast_in_dim3A_496 = arith.constant 0 : i32
      %broadcast_in_dim3A_497 = vector.broadcast %broadcast_in_dim3A_496 : i32 to vector<16xi32>
      %mul3A_498 = arith.constant 4 : i32
      %mul3A_499 = arith.muli %scan3A_494, %mul3A_498 : i32
      %add3A_500 = arith.constant 0 : i32
      %add3A_501 = arith.addi %mul3A_499, %add3A_500 : i32
      %add3A_502 = vector.broadcast %add3A_501 : i32 to vector<16xi32>
      %add3A_503 = arith.addi %broadcast_in_dim3A_497, %add3A_502 : vector<16xi32>
      %gather3A = tpu.vector_load_idx %arg10[%add3A_242, %add3A_503] : memref<128x128xf32, #tpu.memory_space<vmem>>[vector<16xi32>, vector<16xi32>], vector<16xf32>,
      %gather3A_504 = tpu.vector_load_idx %arg13[%add3A_242, %add3A_503] : memref<128x128xf32, #tpu.memory_space<vmem>>[vector<16xi32>, vector<16xi32>], vector<16xf32>,
      %mul3A_505 = arith.mulf %gather3A, %gather3A_504 : vector<16xf32>
      %add3A_506 = arith.addf %scan3A_495, %mul3A_505 : vector<16xf32>
      %broadcast_in_dim3A_507 = arith.constant 0 : i32
      %broadcast_in_dim3A_508 = vector.broadcast %broadcast_in_dim3A_507 : i32 to vector<16xi32>
      %mul3A_509 = arith.constant 4 : i32
      %mul3A_510 = arith.muli %scan3A_494, %mul3A_509 : i32
      %add3A_511 = arith.constant 1 : i32
      %add3A_512 = arith.addi %mul3A_510, %add3A_511 : i32
      %add3A_513 = vector.broadcast %add3A_512 : i32 to vector<16xi32>
      %add3A_514 = arith.addi %broadcast_in_dim3A_508, %add3A_513 : vector<16xi32>
      %gather3A_515 = tpu.vector_load_idx %arg10[%add3A_242, %add3A_514] : memref<128x128xf32, #tpu.memory_space<vmem>>[vector<16xi32>, vector<16xi32>], vector<16xf32>,
      %gather3A_516 = tpu.vector_load_idx %arg13[%add3A_242, %add3A_514] : memref<128x128xf32, #tpu.memory_space<vmem>>[vector<16xi32>, vector<16xi32>], vector<16xf32>,
      %mul3A_517 = arith.mulf %gather3A_515, %gather3A_516 : vector<16xf32>
      %add3A_518 = arith.addf %add3A_506, %mul3A_517 : vector<16xf32>
      %broadcast_in_dim3A_519 = arith.constant 0 : i32
      %broadcast_in_dim3A_520 = vector.broadcast %broadcast_in_dim3A_519 : i32 to vector<16xi32>
      %mul3A_521 = arith.constant 4 : i32
      %mul3A_522 = arith.muli %scan3A_494, %mul3A_521 : i32
      %add3A_523 = arith.constant 2 : i32
      %add3A_524 = arith.addi %mul3A_522, %add3A_523 : i32
      %add3A_525 = vector.broadcast %add3A_524 : i32 to vector<16xi32>
      %add3A_526 = arith.addi %broadcast_in_dim3A_520, %add3A_525 : vector<16xi32>
      %gather3A_527 = tpu.vector_load_idx %arg10[%add3A_242, %add3A_526] : memref<128x128xf32, #tpu.memory_space<vmem>>[vector<16xi32>, vector<16xi32>], vector<16xf32>,
      %gather3A_528 = tpu.vector_load_idx %arg13[%add3A_242, %add3A_526] : memref<128x128xf32, #tpu.memory_space<vmem>>[vector<16xi32>, vector<16xi32>], vector<16xf32>,
      %mul3A_529 = arith.mulf %gather3A_527, %gather3A_528 : vector<16xf32>
      %add3A_530 = arith.addf %add3A_518, %mul3A_529 : vector<16xf32>
      %broadcast_in_dim3A_531 = arith.constant 0 : i32
      %broadcast_in_dim3A_532 = vector.broadcast %broadcast_in_dim3A_531 : i32 to vector<16xi32>
      %mul3A_533 = arith.constant 4 : i32
      %mul3A_534 = arith.muli %scan3A_494, %mul3A_533 : i32
      %add3A_535 = arith.constant 3 : i32
      %add3A_536 = arith.addi %mul3A_534, %add3A_535 : i32
      %add3A_537 = vector.broadcast %add3A_536 : i32 to vector<16xi32>
      %add3A_538 = arith.addi %broadcast_in_dim3A_532, %add3A_537 : vector<16xi32>
      %gather3A_539 = tpu.vector_load_idx %arg10[%add3A_242, %add3A_538] : memref<128x128xf32, #tpu.memory_space<vmem>>[vector<16xi32>, vector<16xi32>], vector<16xf32>,
      %gather3A_540 = tpu.vector_load_idx %arg13[%add3A_242, %add3A_538] : memref<128x128xf32, #tpu.memory_space<vmem>>[vector<16xi32>, vector<16xi32>], vector<16xf32>,
      %mul3A_541 = arith.mulf %gather3A_539, %gather3A_540 : vector<16xf32>
      %add3A_542 = arith.addf %add3A_530, %mul3A_541 : vector<16xf32>
      scf.yield %add3A_542 : vector<16xf32>
    }
    %scan3A_250 = arith.constant 32 : i32
    %swap3A_251 = arith.constant 224 : index
    %swap3A_252 = tpu.vector_load %arg15[%swap3A_251] {strides = array<i32>} : memref<512xf32, #tpu.memory_space<vmem>>, vector<16xf32>,
    tpu.vector_store %arg15[%swap3A_251], %scan3A_249 {strides = array<i32>} : memref<512xf32, #tpu.memory_space<vmem>>, vector<16xf32>,
    %add3A_253 = arith.constant 112 : i32
    %add3A_254 = vector.broadcast %add3A_253 : i32 to vector<16xi32>
    %add3A_255 = arith.addi %add3A_254, %iota3A : vector<16xi32>
    %broadcast_in_dim3A_256 = arith.constant 0.000000e+00 : f32
    %broadcast_in_dim3A_257 = vector.broadcast %broadcast_in_dim3A_256 : f32 to vector<16xf32>
    %scan3A_258 = arith.constant 0 : i32
    %scan3A_259 = arith.constant 32 : i32
    %scan3A_260 = arith.addi %scan3A_258, %scan3A_259 : i32
    %scan3A_261 = arith.constant 1 : i32
    %scan3A_262 = scf.for %scan3A_494 = %scan3A_258 to %scan3A_260 step %scan3A_261 iter_args(%scan3A_495 = %broadcast_in_dim3A_257) -> (vector<16xf32>)  : i32 {
      %broadcast_in_dim3A_496 = arith.constant 0 : i32
      %broadcast_in_dim3A_497 = vector.broadcast %broadcast_in_dim3A_496 : i32 to vector<16xi32>
      %mul3A_498 = arith.constant 4 : i32
      %mul3A_499 = arith.muli %scan3A_494, %mul3A_498 : i32
      %add3A_500 = arith.constant 0 : i32
      %add3A_501 = arith.addi %mul3A_499, %add3A_500 : i32
      %add3A_502 = vector.broadcast %add3A_501 : i32 to vector<16xi32>
      %add3A_503 = arith.addi %broadcast_in_dim3A_497, %add3A_502 : vector<16xi32>
      %gather3A = tpu.vector_load_idx %arg10[%add3A_255, %add3A_503] : memref<128x128xf32, #tpu.memory_space<vmem>>[vector<16xi32>, vector<16xi32>], vector<16xf32>,
      %gather3A_504 = tpu.vector_load_idx %arg13[%add3A_255, %add3A_503] : memref<128x128xf32, #tpu.memory_space<vmem>>[vector<16xi32>, vector<16xi32>], vector<16xf32>,
      %mul3A_505 = arith.mulf %gather3A, %gather3A_504 : vector<16xf32>
      %add3A_506 = arith.addf %scan3A_495, %mul3A_505 : vector<16xf32>
      %broadcast_in_dim3A_507 = arith.constant 0 : i32
      %broadcast_in_dim3A_508 = vector.broadcast %broadcast_in_dim3A_507 : i32 to vector<16xi32>
      %mul3A_509 = arith.constant 4 : i32
      %mul3A_510 = arith.muli %scan3A_494, %mul3A_509 : i32
      %add3A_511 = arith.constant 1 : i32
      %add3A_512 = arith.addi %mul3A_510, %add3A_511 : i32
      %add3A_513 = vector.broadcast %add3A_512 : i32 to vector<16xi32>
      %add3A_514 = arith.addi %broadcast_in_dim3A_508, %add3A_513 : vector<16xi32>
      %gather3A_515 = tpu.vector_load_idx %arg10[%add3A_255, %add3A_514] : memref<128x128xf32, #tpu.memory_space<vmem>>[vector<16xi32>, vector<16xi32>], vector<16xf32>,
      %gather3A_516 = tpu.vector_load_idx %arg13[%add3A_255, %add3A_514] : memref<128x128xf32, #tpu.memory_space<vmem>>[vector<16xi32>, vector<16xi32>], vector<16xf32>,
      %mul3A_517 = arith.mulf %gather3A_515, %gather3A_516 : vector<16xf32>
      %add3A_518 = arith.addf %add3A_506, %mul3A_517 : vector<16xf32>
      %broadcast_in_dim3A_519 = arith.constant 0 : i32
      %broadcast_in_dim3A_520 = vector.broadcast %broadcast_in_dim3A_519 : i32 to vector<16xi32>
      %mul3A_521 = arith.constant 4 : i32
      %mul3A_522 = arith.muli %scan3A_494, %mul3A_521 : i32
      %add3A_523 = arith.constant 2 : i32
      %add3A_524 = arith.addi %mul3A_522, %add3A_523 : i32
      %add3A_525 = vector.broadcast %add3A_524 : i32 to vector<16xi32>
      %add3A_526 = arith.addi %broadcast_in_dim3A_520, %add3A_525 : vector<16xi32>
      %gather3A_527 = tpu.vector_load_idx %arg10[%add3A_255, %add3A_526] : memref<128x128xf32, #tpu.memory_space<vmem>>[vector<16xi32>, vector<16xi32>], vector<16xf32>,
      %gather3A_528 = tpu.vector_load_idx %arg13[%add3A_255, %add3A_526] : memref<128x128xf32, #tpu.memory_space<vmem>>[vector<16xi32>, vector<16xi32>], vector<16xf32>,
      %mul3A_529 = arith.mulf %gather3A_527, %gather3A_528 : vector<16xf32>
      %add3A_530 = arith.addf %add3A_518, %mul3A_529 : vector<16xf32>
      %broadcast_in_dim3A_531 = arith.constant 0 : i32
      %broadcast_in_dim3A_532 = vector.broadcast %broadcast_in_dim3A_531 : i32 to vector<16xi32>
      %mul3A_533 = arith.constant 4 : i32
      %mul3A_534 = arith.muli %scan3A_494, %mul3A_533 : i32
      %add3A_535 = arith.constant 3 : i32
      %add3A_536 = arith.addi %mul3A_534, %add3A_535 : i32
      %add3A_537 = vector.broadcast %add3A_536 : i32 to vector<16xi32>
      %add3A_538 = arith.addi %broadcast_in_dim3A_532, %add3A_537 : vector<16xi32>
      %gather3A_539 = tpu.vector_load_idx %arg10[%add3A_255, %add3A_538] : memref<128x128xf32, #tpu.memory_space<vmem>>[vector<16xi32>, vector<16xi32>], vector<16xf32>,
      %gather3A_540 = tpu.vector_load_idx %arg13[%add3A_255, %add3A_538] : memref<128x128xf32, #tpu.memory_space<vmem>>[vector<16xi32>, vector<16xi32>], vector<16xf32>,
      %mul3A_541 = arith.mulf %gather3A_539, %gather3A_540 : vector<16xf32>
      %add3A_542 = arith.addf %add3A_530, %mul3A_541 : vector<16xf32>
      scf.yield %add3A_542 : vector<16xf32>
    }
    %scan3A_263 = arith.constant 32 : i32
    %swap3A_264 = arith.constant 240 : index
    %swap3A_265 = tpu.vector_load %arg15[%swap3A_264] {strides = array<i32>} : memref<512xf32, #tpu.memory_space<vmem>>, vector<16xf32>,
    tpu.vector_store %arg15[%swap3A_264], %scan3A_262 {strides = array<i32>} : memref<512xf32, #tpu.memory_space<vmem>>, vector<16xf32>,
    %dma_wait3A_266 = arith.constant 256 : i32
    %dma_wait3A_267 = tpu.memref_slice %arg7[%dma_wait3A_266] : memref<512xi32, #tpu.memory_space<vmem>> -> memref<128xi32, #tpu.memory_space<vmem>>
    %dma_wait3A_268 = arith.constant 0 : i32
    %dma_wait3A_269 = arith.constant 0 : i32
    %dma_wait3A_270 = tpu.memref_slice %arg4[%dma_wait3A_268, %dma_wait3A_269] : memref<1000000x128xf32, #tpu.memory_space<hbm>> -> memref<1000000x128xf32, #tpu.memory_space<hbm>>
    tpu.wait_indirect_dma semaphore(%arg16 : memref<!tpu.dma_semaphore, #tpu.memory_space<semaphore_mem>>) src(%dma_wait3A_270 : memref<1000000x128xf32, #tpu.memory_space<hbm>>) dst(%arg11 : memref<128x128xf32, #tpu.memory_space<vmem>>)
    %dma_wait3A_271 = arith.constant 256 : i32
    %dma_wait3A_272 = tpu.memref_slice %arg8[%dma_wait3A_271] : memref<512xi32, #tpu.memory_space<vmem>> -> memref<128xi32, #tpu.memory_space<vmem>>
    %dma_wait3A_273 = arith.constant 0 : i32
    %dma_wait3A_274 = arith.constant 0 : i32
    %dma_wait3A_275 = tpu.memref_slice %arg5[%dma_wait3A_273, %dma_wait3A_274] : memref<1000000x128xf32, #tpu.memory_space<hbm>> -> memref<1000000x128xf32, #tpu.memory_space<hbm>>
    tpu.wait_indirect_dma semaphore(%arg16 : memref<!tpu.dma_semaphore, #tpu.memory_space<semaphore_mem>>) src(%dma_wait3A_275 : memref<1000000x128xf32, #tpu.memory_space<hbm>>) dst(%arg14 : memref<128x128xf32, #tpu.memory_space<vmem>>)
    %add3A_276 = arith.constant 0 : i32
    %add3A_277 = vector.broadcast %add3A_276 : i32 to vector<16xi32>
    %add3A_278 = arith.addi %add3A_277, %iota3A : vector<16xi32>
    %broadcast_in_dim3A_279 = arith.constant 0.000000e+00 : f32
    %broadcast_in_dim3A_280 = vector.broadcast %broadcast_in_dim3A_279 : f32 to vector<16xf32>
    %scan3A_281 = arith.constant 0 : i32
    %scan3A_282 = arith.constant 32 : i32
    %scan3A_283 = arith.addi %scan3A_281, %scan3A_282 : i32
    %scan3A_284 = arith.constant 1 : i32
    %scan3A_285 = scf.for %scan3A_494 = %scan3A_281 to %scan3A_283 step %scan3A_284 iter_args(%scan3A_495 = %broadcast_in_dim3A_280) -> (vector<16xf32>)  : i32 {
      %broadcast_in_dim3A_496 = arith.constant 0 : i32
      %broadcast_in_dim3A_497 = vector.broadcast %broadcast_in_dim3A_496 : i32 to vector<16xi32>
      %mul3A_498 = arith.constant 4 : i32
      %mul3A_499 = arith.muli %scan3A_494, %mul3A_498 : i32
      %add3A_500 = arith.constant 0 : i32
      %add3A_501 = arith.addi %mul3A_499, %add3A_500 : i32
      %add3A_502 = vector.broadcast %add3A_501 : i32 to vector<16xi32>
      %add3A_503 = arith.addi %broadcast_in_dim3A_497, %add3A_502 : vector<16xi32>
      %gather3A = tpu.vector_load_idx %arg11[%add3A_278, %add3A_503] : memref<128x128xf32, #tpu.memory_space<vmem>>[vector<16xi32>, vector<16xi32>], vector<16xf32>,
      %gather3A_504 = tpu.vector_load_idx %arg14[%add3A_278, %add3A_503] : memref<128x128xf32, #tpu.memory_space<vmem>>[vector<16xi32>, vector<16xi32>], vector<16xf32>,
      %mul3A_505 = arith.mulf %gather3A, %gather3A_504 : vector<16xf32>
      %add3A_506 = arith.addf %scan3A_495, %mul3A_505 : vector<16xf32>
      %broadcast_in_dim3A_507 = arith.constant 0 : i32
      %broadcast_in_dim3A_508 = vector.broadcast %broadcast_in_dim3A_507 : i32 to vector<16xi32>
      %mul3A_509 = arith.constant 4 : i32
      %mul3A_510 = arith.muli %scan3A_494, %mul3A_509 : i32
      %add3A_511 = arith.constant 1 : i32
      %add3A_512 = arith.addi %mul3A_510, %add3A_511 : i32
      %add3A_513 = vector.broadcast %add3A_512 : i32 to vector<16xi32>
      %add3A_514 = arith.addi %broadcast_in_dim3A_508, %add3A_513 : vector<16xi32>
      %gather3A_515 = tpu.vector_load_idx %arg11[%add3A_278, %add3A_514] : memref<128x128xf32, #tpu.memory_space<vmem>>[vector<16xi32>, vector<16xi32>], vector<16xf32>,
      %gather3A_516 = tpu.vector_load_idx %arg14[%add3A_278, %add3A_514] : memref<128x128xf32, #tpu.memory_space<vmem>>[vector<16xi32>, vector<16xi32>], vector<16xf32>,
      %mul3A_517 = arith.mulf %gather3A_515, %gather3A_516 : vector<16xf32>
      %add3A_518 = arith.addf %add3A_506, %mul3A_517 : vector<16xf32>
      %broadcast_in_dim3A_519 = arith.constant 0 : i32
      %broadcast_in_dim3A_520 = vector.broadcast %broadcast_in_dim3A_519 : i32 to vector<16xi32>
      %mul3A_521 = arith.constant 4 : i32
      %mul3A_522 = arith.muli %scan3A_494, %mul3A_521 : i32
      %add3A_523 = arith.constant 2 : i32
      %add3A_524 = arith.addi %mul3A_522, %add3A_523 : i32
      %add3A_525 = vector.broadcast %add3A_524 : i32 to vector<16xi32>
      %add3A_526 = arith.addi %broadcast_in_dim3A_520, %add3A_525 : vector<16xi32>
      %gather3A_527 = tpu.vector_load_idx %arg11[%add3A_278, %add3A_526] : memref<128x128xf32, #tpu.memory_space<vmem>>[vector<16xi32>, vector<16xi32>], vector<16xf32>,
      %gather3A_528 = tpu.vector_load_idx %arg14[%add3A_278, %add3A_526] : memref<128x128xf32, #tpu.memory_space<vmem>>[vector<16xi32>, vector<16xi32>], vector<16xf32>,
      %mul3A_529 = arith.mulf %gather3A_527, %gather3A_528 : vector<16xf32>
      %add3A_530 = arith.addf %add3A_518, %mul3A_529 : vector<16xf32>
      %broadcast_in_dim3A_531 = arith.constant 0 : i32
      %broadcast_in_dim3A_532 = vector.broadcast %broadcast_in_dim3A_531 : i32 to vector<16xi32>
      %mul3A_533 = arith.constant 4 : i32
      %mul3A_534 = arith.muli %scan3A_494, %mul3A_533 : i32
      %add3A_535 = arith.constant 3 : i32
      %add3A_536 = arith.addi %mul3A_534, %add3A_535 : i32
      %add3A_537 = vector.broadcast %add3A_536 : i32 to vector<16xi32>
      %add3A_538 = arith.addi %broadcast_in_dim3A_532, %add3A_537 : vector<16xi32>
      %gather3A_539 = tpu.vector_load_idx %arg11[%add3A_278, %add3A_538] : memref<128x128xf32, #tpu.memory_space<vmem>>[vector<16xi32>, vector<16xi32>], vector<16xf32>,
      %gather3A_540 = tpu.vector_load_idx %arg14[%add3A_278, %add3A_538] : memref<128x128xf32, #tpu.memory_space<vmem>>[vector<16xi32>, vector<16xi32>], vector<16xf32>,
      %mul3A_541 = arith.mulf %gather3A_539, %gather3A_540 : vector<16xf32>
      %add3A_542 = arith.addf %add3A_530, %mul3A_541 : vector<16xf32>
      scf.yield %add3A_542 : vector<16xf32>
    }
    %scan3A_286 = arith.constant 32 : i32
    %swap3A_287 = arith.constant 256 : index
    %swap3A_288 = tpu.vector_load %arg15[%swap3A_287] {strides = array<i32>} : memref<512xf32, #tpu.memory_space<vmem>>, vector<16xf32>,
    tpu.vector_store %arg15[%swap3A_287], %scan3A_285 {strides = array<i32>} : memref<512xf32, #tpu.memory_space<vmem>>, vector<16xf32>,
    %add3A_289 = arith.constant 16 : i32
    %add3A_290 = vector.broadcast %add3A_289 : i32 to vector<16xi32>
    %add3A_291 = arith.addi %add3A_290, %iota3A : vector<16xi32>
    %broadcast_in_dim3A_292 = arith.constant 0.000000e+00 : f32
    %broadcast_in_dim3A_293 = vector.broadcast %broadcast_in_dim3A_292 : f32 to vector<16xf32>
    %scan3A_294 = arith.constant 0 : i32
    %scan3A_295 = arith.constant 32 : i32
    %scan3A_296 = arith.addi %scan3A_294, %scan3A_295 : i32
    %scan3A_297 = arith.constant 1 : i32
    %scan3A_298 = scf.for %scan3A_494 = %scan3A_294 to %scan3A_296 step %scan3A_297 iter_args(%scan3A_495 = %broadcast_in_dim3A_293) -> (vector<16xf32>)  : i32 {
      %broadcast_in_dim3A_496 = arith.constant 0 : i32
      %broadcast_in_dim3A_497 = vector.broadcast %broadcast_in_dim3A_496 : i32 to vector<16xi32>
      %mul3A_498 = arith.constant 4 : i32
      %mul3A_499 = arith.muli %scan3A_494, %mul3A_498 : i32
      %add3A_500 = arith.constant 0 : i32
      %add3A_501 = arith.addi %mul3A_499, %add3A_500 : i32
      %add3A_502 = vector.broadcast %add3A_501 : i32 to vector<16xi32>
      %add3A_503 = arith.addi %broadcast_in_dim3A_497, %add3A_502 : vector<16xi32>
      %gather3A = tpu.vector_load_idx %arg11[%add3A_291, %add3A_503] : memref<128x128xf32, #tpu.memory_space<vmem>>[vector<16xi32>, vector<16xi32>], vector<16xf32>,
      %gather3A_504 = tpu.vector_load_idx %arg14[%add3A_291, %add3A_503] : memref<128x128xf32, #tpu.memory_space<vmem>>[vector<16xi32>, vector<16xi32>], vector<16xf32>,
      %mul3A_505 = arith.mulf %gather3A, %gather3A_504 : vector<16xf32>
      %add3A_506 = arith.addf %scan3A_495, %mul3A_505 : vector<16xf32>
      %broadcast_in_dim3A_507 = arith.constant 0 : i32
      %broadcast_in_dim3A_508 = vector.broadcast %broadcast_in_dim3A_507 : i32 to vector<16xi32>
      %mul3A_509 = arith.constant 4 : i32
      %mul3A_510 = arith.muli %scan3A_494, %mul3A_509 : i32
      %add3A_511 = arith.constant 1 : i32
      %add3A_512 = arith.addi %mul3A_510, %add3A_511 : i32
      %add3A_513 = vector.broadcast %add3A_512 : i32 to vector<16xi32>
      %add3A_514 = arith.addi %broadcast_in_dim3A_508, %add3A_513 : vector<16xi32>
      %gather3A_515 = tpu.vector_load_idx %arg11[%add3A_291, %add3A_514] : memref<128x128xf32, #tpu.memory_space<vmem>>[vector<16xi32>, vector<16xi32>], vector<16xf32>,
      %gather3A_516 = tpu.vector_load_idx %arg14[%add3A_291, %add3A_514] : memref<128x128xf32, #tpu.memory_space<vmem>>[vector<16xi32>, vector<16xi32>], vector<16xf32>,
      %mul3A_517 = arith.mulf %gather3A_515, %gather3A_516 : vector<16xf32>
      %add3A_518 = arith.addf %add3A_506, %mul3A_517 : vector<16xf32>
      %broadcast_in_dim3A_519 = arith.constant 0 : i32
      %broadcast_in_dim3A_520 = vector.broadcast %broadcast_in_dim3A_519 : i32 to vector<16xi32>
      %mul3A_521 = arith.constant 4 : i32
      %mul3A_522 = arith.muli %scan3A_494, %mul3A_521 : i32
      %add3A_523 = arith.constant 2 : i32
      %add3A_524 = arith.addi %mul3A_522, %add3A_523 : i32
      %add3A_525 = vector.broadcast %add3A_524 : i32 to vector<16xi32>
      %add3A_526 = arith.addi %broadcast_in_dim3A_520, %add3A_525 : vector<16xi32>
      %gather3A_527 = tpu.vector_load_idx %arg11[%add3A_291, %add3A_526] : memref<128x128xf32, #tpu.memory_space<vmem>>[vector<16xi32>, vector<16xi32>], vector<16xf32>,
      %gather3A_528 = tpu.vector_load_idx %arg14[%add3A_291, %add3A_526] : memref<128x128xf32, #tpu.memory_space<vmem>>[vector<16xi32>, vector<16xi32>], vector<16xf32>,
      %mul3A_529 = arith.mulf %gather3A_527, %gather3A_528 : vector<16xf32>
      %add3A_530 = arith.addf %add3A_518, %mul3A_529 : vector<16xf32>
      %broadcast_in_dim3A_531 = arith.constant 0 : i32
      %broadcast_in_dim3A_532 = vector.broadcast %broadcast_in_dim3A_531 : i32 to vector<16xi32>
      %mul3A_533 = arith.constant 4 : i32
      %mul3A_534 = arith.muli %scan3A_494, %mul3A_533 : i32
      %add3A_535 = arith.constant 3 : i32
      %add3A_536 = arith.addi %mul3A_534, %add3A_535 : i32
      %add3A_537 = vector.broadcast %add3A_536 : i32 to vector<16xi32>
      %add3A_538 = arith.addi %broadcast_in_dim3A_532, %add3A_537 : vector<16xi32>
      %gather3A_539 = tpu.vector_load_idx %arg11[%add3A_291, %add3A_538] : memref<128x128xf32, #tpu.memory_space<vmem>>[vector<16xi32>, vector<16xi32>], vector<16xf32>,
      %gather3A_540 = tpu.vector_load_idx %arg14[%add3A_291, %add3A_538] : memref<128x128xf32, #tpu.memory_space<vmem>>[vector<16xi32>, vector<16xi32>], vector<16xf32>,
      %mul3A_541 = arith.mulf %gather3A_539, %gather3A_540 : vector<16xf32>
      %add3A_542 = arith.addf %add3A_530, %mul3A_541 : vector<16xf32>
      scf.yield %add3A_542 : vector<16xf32>
    }
    %scan3A_299 = arith.constant 32 : i32
    %swap3A_300 = arith.constant 272 : index
    %swap3A_301 = tpu.vector_load %arg15[%swap3A_300] {strides = array<i32>} : memref<512xf32, #tpu.memory_space<vmem>>, vector<16xf32>,
    tpu.vector_store %arg15[%swap3A_300], %scan3A_298 {strides = array<i32>} : memref<512xf32, #tpu.memory_space<vmem>>, vector<16xf32>,
    %add3A_302 = arith.constant 32 : i32
    %add3A_303 = vector.broadcast %add3A_302 : i32 to vector<16xi32>
    %add3A_304 = arith.addi %add3A_303, %iota3A : vector<16xi32>
    %broadcast_in_dim3A_305 = arith.constant 0.000000e+00 : f32
    %broadcast_in_dim3A_306 = vector.broadcast %broadcast_in_dim3A_305 : f32 to vector<16xf32>
    %scan3A_307 = arith.constant 0 : i32
    %scan3A_308 = arith.constant 32 : i32
    %scan3A_309 = arith.addi %scan3A_307, %scan3A_308 : i32
    %scan3A_310 = arith.constant 1 : i32
    %scan3A_311 = scf.for %scan3A_494 = %scan3A_307 to %scan3A_309 step %scan3A_310 iter_args(%scan3A_495 = %broadcast_in_dim3A_306) -> (vector<16xf32>)  : i32 {
      %broadcast_in_dim3A_496 = arith.constant 0 : i32
      %broadcast_in_dim3A_497 = vector.broadcast %broadcast_in_dim3A_496 : i32 to vector<16xi32>
      %mul3A_498 = arith.constant 4 : i32
      %mul3A_499 = arith.muli %scan3A_494, %mul3A_498 : i32
      %add3A_500 = arith.constant 0 : i32
      %add3A_501 = arith.addi %mul3A_499, %add3A_500 : i32
      %add3A_502 = vector.broadcast %add3A_501 : i32 to vector<16xi32>
      %add3A_503 = arith.addi %broadcast_in_dim3A_497, %add3A_502 : vector<16xi32>
      %gather3A = tpu.vector_load_idx %arg11[%add3A_304, %add3A_503] : memref<128x128xf32, #tpu.memory_space<vmem>>[vector<16xi32>, vector<16xi32>], vector<16xf32>,
      %gather3A_504 = tpu.vector_load_idx %arg14[%add3A_304, %add3A_503] : memref<128x128xf32, #tpu.memory_space<vmem>>[vector<16xi32>, vector<16xi32>], vector<16xf32>,
      %mul3A_505 = arith.mulf %gather3A, %gather3A_504 : vector<16xf32>
      %add3A_506 = arith.addf %scan3A_495, %mul3A_505 : vector<16xf32>
      %broadcast_in_dim3A_507 = arith.constant 0 : i32
      %broadcast_in_dim3A_508 = vector.broadcast %broadcast_in_dim3A_507 : i32 to vector<16xi32>
      %mul3A_509 = arith.constant 4 : i32
      %mul3A_510 = arith.muli %scan3A_494, %mul3A_509 : i32
      %add3A_511 = arith.constant 1 : i32
      %add3A_512 = arith.addi %mul3A_510, %add3A_511 : i32
      %add3A_513 = vector.broadcast %add3A_512 : i32 to vector<16xi32>
      %add3A_514 = arith.addi %broadcast_in_dim3A_508, %add3A_513 : vector<16xi32>
      %gather3A_515 = tpu.vector_load_idx %arg11[%add3A_304, %add3A_514] : memref<128x128xf32, #tpu.memory_space<vmem>>[vector<16xi32>, vector<16xi32>], vector<16xf32>,
      %gather3A_516 = tpu.vector_load_idx %arg14[%add3A_304, %add3A_514] : memref<128x128xf32, #tpu.memory_space<vmem>>[vector<16xi32>, vector<16xi32>], vector<16xf32>,
      %mul3A_517 = arith.mulf %gather3A_515, %gather3A_516 : vector<16xf32>
      %add3A_518 = arith.addf %add3A_506, %mul3A_517 : vector<16xf32>
      %broadcast_in_dim3A_519 = arith.constant 0 : i32
      %broadcast_in_dim3A_520 = vector.broadcast %broadcast_in_dim3A_519 : i32 to vector<16xi32>
      %mul3A_521 = arith.constant 4 : i32
      %mul3A_522 = arith.muli %scan3A_494, %mul3A_521 : i32
      %add3A_523 = arith.constant 2 : i32
      %add3A_524 = arith.addi %mul3A_522, %add3A_523 : i32
      %add3A_525 = vector.broadcast %add3A_524 : i32 to vector<16xi32>
      %add3A_526 = arith.addi %broadcast_in_dim3A_520, %add3A_525 : vector<16xi32>
      %gather3A_527 = tpu.vector_load_idx %arg11[%add3A_304, %add3A_526] : memref<128x128xf32, #tpu.memory_space<vmem>>[vector<16xi32>, vector<16xi32>], vector<16xf32>,
      %gather3A_528 = tpu.vector_load_idx %arg14[%add3A_304, %add3A_526] : memref<128x128xf32, #tpu.memory_space<vmem>>[vector<16xi32>, vector<16xi32>], vector<16xf32>,
      %mul3A_529 = arith.mulf %gather3A_527, %gather3A_528 : vector<16xf32>
      %add3A_530 = arith.addf %add3A_518, %mul3A_529 : vector<16xf32>
      %broadcast_in_dim3A_531 = arith.constant 0 : i32
      %broadcast_in_dim3A_532 = vector.broadcast %broadcast_in_dim3A_531 : i32 to vector<16xi32>
      %mul3A_533 = arith.constant 4 : i32
      %mul3A_534 = arith.muli %scan3A_494, %mul3A_533 : i32
      %add3A_535 = arith.constant 3 : i32
      %add3A_536 = arith.addi %mul3A_534, %add3A_535 : i32
      %add3A_537 = vector.broadcast %add3A_536 : i32 to vector<16xi32>
      %add3A_538 = arith.addi %broadcast_in_dim3A_532, %add3A_537 : vector<16xi32>
      %gather3A_539 = tpu.vector_load_idx %arg11[%add3A_304, %add3A_538] : memref<128x128xf32, #tpu.memory_space<vmem>>[vector<16xi32>, vector<16xi32>], vector<16xf32>,
      %gather3A_540 = tpu.vector_load_idx %arg14[%add3A_304, %add3A_538] : memref<128x128xf32, #tpu.memory_space<vmem>>[vector<16xi32>, vector<16xi32>], vector<16xf32>,
      %mul3A_541 = arith.mulf %gather3A_539, %gather3A_540 : vector<16xf32>
      %add3A_542 = arith.addf %add3A_530, %mul3A_541 : vector<16xf32>
      scf.yield %add3A_542 : vector<16xf32>
    }
    %scan3A_312 = arith.constant 32 : i32
    %swap3A_313 = arith.constant 288 : index
    %swap3A_314 = tpu.vector_load %arg15[%swap3A_313] {strides = array<i32>} : memref<512xf32, #tpu.memory_space<vmem>>, vector<16xf32>,
    tpu.vector_store %arg15[%swap3A_313], %scan3A_311 {strides = array<i32>} : memref<512xf32, #tpu.memory_space<vmem>>, vector<16xf32>,
    %add3A_315 = arith.constant 48 : i32
    %add3A_316 = vector.broadcast %add3A_315 : i32 to vector<16xi32>
    %add3A_317 = arith.addi %add3A_316, %iota3A : vector<16xi32>
    %broadcast_in_dim3A_318 = arith.constant 0.000000e+00 : f32
    %broadcast_in_dim3A_319 = vector.broadcast %broadcast_in_dim3A_318 : f32 to vector<16xf32>
    %scan3A_320 = arith.constant 0 : i32
    %scan3A_321 = arith.constant 32 : i32
    %scan3A_322 = arith.addi %scan3A_320, %scan3A_321 : i32
    %scan3A_323 = arith.constant 1 : i32
    %scan3A_324 = scf.for %scan3A_494 = %scan3A_320 to %scan3A_322 step %scan3A_323 iter_args(%scan3A_495 = %broadcast_in_dim3A_319) -> (vector<16xf32>)  : i32 {
      %broadcast_in_dim3A_496 = arith.constant 0 : i32
      %broadcast_in_dim3A_497 = vector.broadcast %broadcast_in_dim3A_496 : i32 to vector<16xi32>
      %mul3A_498 = arith.constant 4 : i32
      %mul3A_499 = arith.muli %scan3A_494, %mul3A_498 : i32
      %add3A_500 = arith.constant 0 : i32
      %add3A_501 = arith.addi %mul3A_499, %add3A_500 : i32
      %add3A_502 = vector.broadcast %add3A_501 : i32 to vector<16xi32>
      %add3A_503 = arith.addi %broadcast_in_dim3A_497, %add3A_502 : vector<16xi32>
      %gather3A = tpu.vector_load_idx %arg11[%add3A_317, %add3A_503] : memref<128x128xf32, #tpu.memory_space<vmem>>[vector<16xi32>, vector<16xi32>], vector<16xf32>,
      %gather3A_504 = tpu.vector_load_idx %arg14[%add3A_317, %add3A_503] : memref<128x128xf32, #tpu.memory_space<vmem>>[vector<16xi32>, vector<16xi32>], vector<16xf32>,
      %mul3A_505 = arith.mulf %gather3A, %gather3A_504 : vector<16xf32>
      %add3A_506 = arith.addf %scan3A_495, %mul3A_505 : vector<16xf32>
      %broadcast_in_dim3A_507 = arith.constant 0 : i32
      %broadcast_in_dim3A_508 = vector.broadcast %broadcast_in_dim3A_507 : i32 to vector<16xi32>
      %mul3A_509 = arith.constant 4 : i32
      %mul3A_510 = arith.muli %scan3A_494, %mul3A_509 : i32
      %add3A_511 = arith.constant 1 : i32
      %add3A_512 = arith.addi %mul3A_510, %add3A_511 : i32
      %add3A_513 = vector.broadcast %add3A_512 : i32 to vector<16xi32>
      %add3A_514 = arith.addi %broadcast_in_dim3A_508, %add3A_513 : vector<16xi32>
      %gather3A_515 = tpu.vector_load_idx %arg11[%add3A_317, %add3A_514] : memref<128x128xf32, #tpu.memory_space<vmem>>[vector<16xi32>, vector<16xi32>], vector<16xf32>,
      %gather3A_516 = tpu.vector_load_idx %arg14[%add3A_317, %add3A_514] : memref<128x128xf32, #tpu.memory_space<vmem>>[vector<16xi32>, vector<16xi32>], vector<16xf32>,
      %mul3A_517 = arith.mulf %gather3A_515, %gather3A_516 : vector<16xf32>
      %add3A_518 = arith.addf %add3A_506, %mul3A_517 : vector<16xf32>
      %broadcast_in_dim3A_519 = arith.constant 0 : i32
      %broadcast_in_dim3A_520 = vector.broadcast %broadcast_in_dim3A_519 : i32 to vector<16xi32>
      %mul3A_521 = arith.constant 4 : i32
      %mul3A_522 = arith.muli %scan3A_494, %mul3A_521 : i32
      %add3A_523 = arith.constant 2 : i32
      %add3A_524 = arith.addi %mul3A_522, %add3A_523 : i32
      %add3A_525 = vector.broadcast %add3A_524 : i32 to vector<16xi32>
      %add3A_526 = arith.addi %broadcast_in_dim3A_520, %add3A_525 : vector<16xi32>
      %gather3A_527 = tpu.vector_load_idx %arg11[%add3A_317, %add3A_526] : memref<128x128xf32, #tpu.memory_space<vmem>>[vector<16xi32>, vector<16xi32>], vector<16xf32>,
      %gather3A_528 = tpu.vector_load_idx %arg14[%add3A_317, %add3A_526] : memref<128x128xf32, #tpu.memory_space<vmem>>[vector<16xi32>, vector<16xi32>], vector<16xf32>,
      %mul3A_529 = arith.mulf %gather3A_527, %gather3A_528 : vector<16xf32>
      %add3A_530 = arith.addf %add3A_518, %mul3A_529 : vector<16xf32>
      %broadcast_in_dim3A_531 = arith.constant 0 : i32
      %broadcast_in_dim3A_532 = vector.broadcast %broadcast_in_dim3A_531 : i32 to vector<16xi32>
      %mul3A_533 = arith.constant 4 : i32
      %mul3A_534 = arith.muli %scan3A_494, %mul3A_533 : i32
      %add3A_535 = arith.constant 3 : i32
      %add3A_536 = arith.addi %mul3A_534, %add3A_535 : i32
      %add3A_537 = vector.broadcast %add3A_536 : i32 to vector<16xi32>
      %add3A_538 = arith.addi %broadcast_in_dim3A_532, %add3A_537 : vector<16xi32>
      %gather3A_539 = tpu.vector_load_idx %arg11[%add3A_317, %add3A_538] : memref<128x128xf32, #tpu.memory_space<vmem>>[vector<16xi32>, vector<16xi32>], vector<16xf32>,
      %gather3A_540 = tpu.vector_load_idx %arg14[%add3A_317, %add3A_538] : memref<128x128xf32, #tpu.memory_space<vmem>>[vector<16xi32>, vector<16xi32>], vector<16xf32>,
      %mul3A_541 = arith.mulf %gather3A_539, %gather3A_540 : vector<16xf32>
      %add3A_542 = arith.addf %add3A_530, %mul3A_541 : vector<16xf32>
      scf.yield %add3A_542 : vector<16xf32>
    }
    %scan3A_325 = arith.constant 32 : i32
    %swap3A_326 = arith.constant 304 : index
    %swap3A_327 = tpu.vector_load %arg15[%swap3A_326] {strides = array<i32>} : memref<512xf32, #tpu.memory_space<vmem>>, vector<16xf32>,
    tpu.vector_store %arg15[%swap3A_326], %scan3A_324 {strides = array<i32>} : memref<512xf32, #tpu.memory_space<vmem>>, vector<16xf32>,
    %add3A_328 = arith.constant 64 : i32
    %add3A_329 = vector.broadcast %add3A_328 : i32 to vector<16xi32>
    %add3A_330 = arith.addi %add3A_329, %iota3A : vector<16xi32>
    %broadcast_in_dim3A_331 = arith.constant 0.000000e+00 : f32
    %broadcast_in_dim3A_332 = vector.broadcast %broadcast_in_dim3A_331 : f32 to vector<16xf32>
    %scan3A_333 = arith.constant 0 : i32
    %scan3A_334 = arith.constant 32 : i32
    %scan3A_335 = arith.addi %scan3A_333, %scan3A_334 : i32
    %scan3A_336 = arith.constant 1 : i32
    %scan3A_337 = scf.for %scan3A_494 = %scan3A_333 to %scan3A_335 step %scan3A_336 iter_args(%scan3A_495 = %broadcast_in_dim3A_332) -> (vector<16xf32>)  : i32 {
      %broadcast_in_dim3A_496 = arith.constant 0 : i32
      %broadcast_in_dim3A_497 = vector.broadcast %broadcast_in_dim3A_496 : i32 to vector<16xi32>
      %mul3A_498 = arith.constant 4 : i32
      %mul3A_499 = arith.muli %scan3A_494, %mul3A_498 : i32
      %add3A_500 = arith.constant 0 : i32
      %add3A_501 = arith.addi %mul3A_499, %add3A_500 : i32
      %add3A_502 = vector.broadcast %add3A_501 : i32 to vector<16xi32>
      %add3A_503 = arith.addi %broadcast_in_dim3A_497, %add3A_502 : vector<16xi32>
      %gather3A = tpu.vector_load_idx %arg11[%add3A_330, %add3A_503] : memref<128x128xf32, #tpu.memory_space<vmem>>[vector<16xi32>, vector<16xi32>], vector<16xf32>,
      %gather3A_504 = tpu.vector_load_idx %arg14[%add3A_330, %add3A_503] : memref<128x128xf32, #tpu.memory_space<vmem>>[vector<16xi32>, vector<16xi32>], vector<16xf32>,
      %mul3A_505 = arith.mulf %gather3A, %gather3A_504 : vector<16xf32>
      %add3A_506 = arith.addf %scan3A_495, %mul3A_505 : vector<16xf32>
      %broadcast_in_dim3A_507 = arith.constant 0 : i32
      %broadcast_in_dim3A_508 = vector.broadcast %broadcast_in_dim3A_507 : i32 to vector<16xi32>
      %mul3A_509 = arith.constant 4 : i32
      %mul3A_510 = arith.muli %scan3A_494, %mul3A_509 : i32
      %add3A_511 = arith.constant 1 : i32
      %add3A_512 = arith.addi %mul3A_510, %add3A_511 : i32
      %add3A_513 = vector.broadcast %add3A_512 : i32 to vector<16xi32>
      %add3A_514 = arith.addi %broadcast_in_dim3A_508, %add3A_513 : vector<16xi32>
      %gather3A_515 = tpu.vector_load_idx %arg11[%add3A_330, %add3A_514] : memref<128x128xf32, #tpu.memory_space<vmem>>[vector<16xi32>, vector<16xi32>], vector<16xf32>,
      %gather3A_516 = tpu.vector_load_idx %arg14[%add3A_330, %add3A_514] : memref<128x128xf32, #tpu.memory_space<vmem>>[vector<16xi32>, vector<16xi32>], vector<16xf32>,
      %mul3A_517 = arith.mulf %gather3A_515, %gather3A_516 : vector<16xf32>
      %add3A_518 = arith.addf %add3A_506, %mul3A_517 : vector<16xf32>
      %broadcast_in_dim3A_519 = arith.constant 0 : i32
      %broadcast_in_dim3A_520 = vector.broadcast %broadcast_in_dim3A_519 : i32 to vector<16xi32>
      %mul3A_521 = arith.constant 4 : i32
      %mul3A_522 = arith.muli %scan3A_494, %mul3A_521 : i32
      %add3A_523 = arith.constant 2 : i32
      %add3A_524 = arith.addi %mul3A_522, %add3A_523 : i32
      %add3A_525 = vector.broadcast %add3A_524 : i32 to vector<16xi32>
      %add3A_526 = arith.addi %broadcast_in_dim3A_520, %add3A_525 : vector<16xi32>
      %gather3A_527 = tpu.vector_load_idx %arg11[%add3A_330, %add3A_526] : memref<128x128xf32, #tpu.memory_space<vmem>>[vector<16xi32>, vector<16xi32>], vector<16xf32>,
      %gather3A_528 = tpu.vector_load_idx %arg14[%add3A_330, %add3A_526] : memref<128x128xf32, #tpu.memory_space<vmem>>[vector<16xi32>, vector<16xi32>], vector<16xf32>,
      %mul3A_529 = arith.mulf %gather3A_527, %gather3A_528 : vector<16xf32>
      %add3A_530 = arith.addf %add3A_518, %mul3A_529 : vector<16xf32>
      %broadcast_in_dim3A_531 = arith.constant 0 : i32
      %broadcast_in_dim3A_532 = vector.broadcast %broadcast_in_dim3A_531 : i32 to vector<16xi32>
      %mul3A_533 = arith.constant 4 : i32
      %mul3A_534 = arith.muli %scan3A_494, %mul3A_533 : i32
      %add3A_535 = arith.constant 3 : i32
      %add3A_536 = arith.addi %mul3A_534, %add3A_535 : i32
      %add3A_537 = vector.broadcast %add3A_536 : i32 to vector<16xi32>
      %add3A_538 = arith.addi %broadcast_in_dim3A_532, %add3A_537 : vector<16xi32>
      %gather3A_539 = tpu.vector_load_idx %arg11[%add3A_330, %add3A_538] : memref<128x128xf32, #tpu.memory_space<vmem>>[vector<16xi32>, vector<16xi32>], vector<16xf32>,
      %gather3A_540 = tpu.vector_load_idx %arg14[%add3A_330, %add3A_538] : memref<128x128xf32, #tpu.memory_space<vmem>>[vector<16xi32>, vector<16xi32>], vector<16xf32>,
      %mul3A_541 = arith.mulf %gather3A_539, %gather3A_540 : vector<16xf32>
      %add3A_542 = arith.addf %add3A_530, %mul3A_541 : vector<16xf32>
      scf.yield %add3A_542 : vector<16xf32>
    }
    %scan3A_338 = arith.constant 32 : i32
    %swap3A_339 = arith.constant 320 : index
    %swap3A_340 = tpu.vector_load %arg15[%swap3A_339] {strides = array<i32>} : memref<512xf32, #tpu.memory_space<vmem>>, vector<16xf32>,
    tpu.vector_store %arg15[%swap3A_339], %scan3A_337 {strides = array<i32>} : memref<512xf32, #tpu.memory_space<vmem>>, vector<16xf32>,
    %add3A_341 = arith.constant 80 : i32
    %add3A_342 = vector.broadcast %add3A_341 : i32 to vector<16xi32>
    %add3A_343 = arith.addi %add3A_342, %iota3A : vector<16xi32>
    %broadcast_in_dim3A_344 = arith.constant 0.000000e+00 : f32
    %broadcast_in_dim3A_345 = vector.broadcast %broadcast_in_dim3A_344 : f32 to vector<16xf32>
    %scan3A_346 = arith.constant 0 : i32
    %scan3A_347 = arith.constant 32 : i32
    %scan3A_348 = arith.addi %scan3A_346, %scan3A_347 : i32
    %scan3A_349 = arith.constant 1 : i32
    %scan3A_350 = scf.for %scan3A_494 = %scan3A_346 to %scan3A_348 step %scan3A_349 iter_args(%scan3A_495 = %broadcast_in_dim3A_345) -> (vector<16xf32>)  : i32 {
      %broadcast_in_dim3A_496 = arith.constant 0 : i32
      %broadcast_in_dim3A_497 = vector.broadcast %broadcast_in_dim3A_496 : i32 to vector<16xi32>
      %mul3A_498 = arith.constant 4 : i32
      %mul3A_499 = arith.muli %scan3A_494, %mul3A_498 : i32
      %add3A_500 = arith.constant 0 : i32
      %add3A_501 = arith.addi %mul3A_499, %add3A_500 : i32
      %add3A_502 = vector.broadcast %add3A_501 : i32 to vector<16xi32>
      %add3A_503 = arith.addi %broadcast_in_dim3A_497, %add3A_502 : vector<16xi32>
      %gather3A = tpu.vector_load_idx %arg11[%add3A_343, %add3A_503] : memref<128x128xf32, #tpu.memory_space<vmem>>[vector<16xi32>, vector<16xi32>], vector<16xf32>,
      %gather3A_504 = tpu.vector_load_idx %arg14[%add3A_343, %add3A_503] : memref<128x128xf32, #tpu.memory_space<vmem>>[vector<16xi32>, vector<16xi32>], vector<16xf32>,
      %mul3A_505 = arith.mulf %gather3A, %gather3A_504 : vector<16xf32>
      %add3A_506 = arith.addf %scan3A_495, %mul3A_505 : vector<16xf32>
      %broadcast_in_dim3A_507 = arith.constant 0 : i32
      %broadcast_in_dim3A_508 = vector.broadcast %broadcast_in_dim3A_507 : i32 to vector<16xi32>
      %mul3A_509 = arith.constant 4 : i32
      %mul3A_510 = arith.muli %scan3A_494, %mul3A_509 : i32
      %add3A_511 = arith.constant 1 : i32
      %add3A_512 = arith.addi %mul3A_510, %add3A_511 : i32
      %add3A_513 = vector.broadcast %add3A_512 : i32 to vector<16xi32>
      %add3A_514 = arith.addi %broadcast_in_dim3A_508, %add3A_513 : vector<16xi32>
      %gather3A_515 = tpu.vector_load_idx %arg11[%add3A_343, %add3A_514] : memref<128x128xf32, #tpu.memory_space<vmem>>[vector<16xi32>, vector<16xi32>], vector<16xf32>,
      %gather3A_516 = tpu.vector_load_idx %arg14[%add3A_343, %add3A_514] : memref<128x128xf32, #tpu.memory_space<vmem>>[vector<16xi32>, vector<16xi32>], vector<16xf32>,
      %mul3A_517 = arith.mulf %gather3A_515, %gather3A_516 : vector<16xf32>
      %add3A_518 = arith.addf %add3A_506, %mul3A_517 : vector<16xf32>
      %broadcast_in_dim3A_519 = arith.constant 0 : i32
      %broadcast_in_dim3A_520 = vector.broadcast %broadcast_in_dim3A_519 : i32 to vector<16xi32>
      %mul3A_521 = arith.constant 4 : i32
      %mul3A_522 = arith.muli %scan3A_494, %mul3A_521 : i32
      %add3A_523 = arith.constant 2 : i32
      %add3A_524 = arith.addi %mul3A_522, %add3A_523 : i32
      %add3A_525 = vector.broadcast %add3A_524 : i32 to vector<16xi32>
      %add3A_526 = arith.addi %broadcast_in_dim3A_520, %add3A_525 : vector<16xi32>
      %gather3A_527 = tpu.vector_load_idx %arg11[%add3A_343, %add3A_526] : memref<128x128xf32, #tpu.memory_space<vmem>>[vector<16xi32>, vector<16xi32>], vector<16xf32>,
      %gather3A_528 = tpu.vector_load_idx %arg14[%add3A_343, %add3A_526] : memref<128x128xf32, #tpu.memory_space<vmem>>[vector<16xi32>, vector<16xi32>], vector<16xf32>,
      %mul3A_529 = arith.mulf %gather3A_527, %gather3A_528 : vector<16xf32>
      %add3A_530 = arith.addf %add3A_518, %mul3A_529 : vector<16xf32>
      %broadcast_in_dim3A_531 = arith.constant 0 : i32
      %broadcast_in_dim3A_532 = vector.broadcast %broadcast_in_dim3A_531 : i32 to vector<16xi32>
      %mul3A_533 = arith.constant 4 : i32
      %mul3A_534 = arith.muli %scan3A_494, %mul3A_533 : i32
      %add3A_535 = arith.constant 3 : i32
      %add3A_536 = arith.addi %mul3A_534, %add3A_535 : i32
      %add3A_537 = vector.broadcast %add3A_536 : i32 to vector<16xi32>
      %add3A_538 = arith.addi %broadcast_in_dim3A_532, %add3A_537 : vector<16xi32>
      %gather3A_539 = tpu.vector_load_idx %arg11[%add3A_343, %add3A_538] : memref<128x128xf32, #tpu.memory_space<vmem>>[vector<16xi32>, vector<16xi32>], vector<16xf32>,
      %gather3A_540 = tpu.vector_load_idx %arg14[%add3A_343, %add3A_538] : memref<128x128xf32, #tpu.memory_space<vmem>>[vector<16xi32>, vector<16xi32>], vector<16xf32>,
      %mul3A_541 = arith.mulf %gather3A_539, %gather3A_540 : vector<16xf32>
      %add3A_542 = arith.addf %add3A_530, %mul3A_541 : vector<16xf32>
      scf.yield %add3A_542 : vector<16xf32>
    }
    %scan3A_351 = arith.constant 32 : i32
    %swap3A_352 = arith.constant 336 : index
    %swap3A_353 = tpu.vector_load %arg15[%swap3A_352] {strides = array<i32>} : memref<512xf32, #tpu.memory_space<vmem>>, vector<16xf32>,
    tpu.vector_store %arg15[%swap3A_352], %scan3A_350 {strides = array<i32>} : memref<512xf32, #tpu.memory_space<vmem>>, vector<16xf32>,
    %add3A_354 = arith.constant 96 : i32
    %add3A_355 = vector.broadcast %add3A_354 : i32 to vector<16xi32>
    %add3A_356 = arith.addi %add3A_355, %iota3A : vector<16xi32>
    %broadcast_in_dim3A_357 = arith.constant 0.000000e+00 : f32
    %broadcast_in_dim3A_358 = vector.broadcast %broadcast_in_dim3A_357 : f32 to vector<16xf32>
    %scan3A_359 = arith.constant 0 : i32
    %scan3A_360 = arith.constant 32 : i32
    %scan3A_361 = arith.addi %scan3A_359, %scan3A_360 : i32
    %scan3A_362 = arith.constant 1 : i32
    %scan3A_363 = scf.for %scan3A_494 = %scan3A_359 to %scan3A_361 step %scan3A_362 iter_args(%scan3A_495 = %broadcast_in_dim3A_358) -> (vector<16xf32>)  : i32 {
      %broadcast_in_dim3A_496 = arith.constant 0 : i32
      %broadcast_in_dim3A_497 = vector.broadcast %broadcast_in_dim3A_496 : i32 to vector<16xi32>
      %mul3A_498 = arith.constant 4 : i32
      %mul3A_499 = arith.muli %scan3A_494, %mul3A_498 : i32
      %add3A_500 = arith.constant 0 : i32
      %add3A_501 = arith.addi %mul3A_499, %add3A_500 : i32
      %add3A_502 = vector.broadcast %add3A_501 : i32 to vector<16xi32>
      %add3A_503 = arith.addi %broadcast_in_dim3A_497, %add3A_502 : vector<16xi32>
      %gather3A = tpu.vector_load_idx %arg11[%add3A_356, %add3A_503] : memref<128x128xf32, #tpu.memory_space<vmem>>[vector<16xi32>, vector<16xi32>], vector<16xf32>,
      %gather3A_504 = tpu.vector_load_idx %arg14[%add3A_356, %add3A_503] : memref<128x128xf32, #tpu.memory_space<vmem>>[vector<16xi32>, vector<16xi32>], vector<16xf32>,
      %mul3A_505 = arith.mulf %gather3A, %gather3A_504 : vector<16xf32>
      %add3A_506 = arith.addf %scan3A_495, %mul3A_505 : vector<16xf32>
      %broadcast_in_dim3A_507 = arith.constant 0 : i32
      %broadcast_in_dim3A_508 = vector.broadcast %broadcast_in_dim3A_507 : i32 to vector<16xi32>
      %mul3A_509 = arith.constant 4 : i32
      %mul3A_510 = arith.muli %scan3A_494, %mul3A_509 : i32
      %add3A_511 = arith.constant 1 : i32
      %add3A_512 = arith.addi %mul3A_510, %add3A_511 : i32
      %add3A_513 = vector.broadcast %add3A_512 : i32 to vector<16xi32>
      %add3A_514 = arith.addi %broadcast_in_dim3A_508, %add3A_513 : vector<16xi32>
      %gather3A_515 = tpu.vector_load_idx %arg11[%add3A_356, %add3A_514] : memref<128x128xf32, #tpu.memory_space<vmem>>[vector<16xi32>, vector<16xi32>], vector<16xf32>,
      %gather3A_516 = tpu.vector_load_idx %arg14[%add3A_356, %add3A_514] : memref<128x128xf32, #tpu.memory_space<vmem>>[vector<16xi32>, vector<16xi32>], vector<16xf32>,
      %mul3A_517 = arith.mulf %gather3A_515, %gather3A_516 : vector<16xf32>
      %add3A_518 = arith.addf %add3A_506, %mul3A_517 : vector<16xf32>
      %broadcast_in_dim3A_519 = arith.constant 0 : i32
      %broadcast_in_dim3A_520 = vector.broadcast %broadcast_in_dim3A_519 : i32 to vector<16xi32>
      %mul3A_521 = arith.constant 4 : i32
      %mul3A_522 = arith.muli %scan3A_494, %mul3A_521 : i32
      %add3A_523 = arith.constant 2 : i32
      %add3A_524 = arith.addi %mul3A_522, %add3A_523 : i32
      %add3A_525 = vector.broadcast %add3A_524 : i32 to vector<16xi32>
      %add3A_526 = arith.addi %broadcast_in_dim3A_520, %add3A_525 : vector<16xi32>
      %gather3A_527 = tpu.vector_load_idx %arg11[%add3A_356, %add3A_526] : memref<128x128xf32, #tpu.memory_space<vmem>>[vector<16xi32>, vector<16xi32>], vector<16xf32>,
      %gather3A_528 = tpu.vector_load_idx %arg14[%add3A_356, %add3A_526] : memref<128x128xf32, #tpu.memory_space<vmem>>[vector<16xi32>, vector<16xi32>], vector<16xf32>,
      %mul3A_529 = arith.mulf %gather3A_527, %gather3A_528 : vector<16xf32>
      %add3A_530 = arith.addf %add3A_518, %mul3A_529 : vector<16xf32>
      %broadcast_in_dim3A_531 = arith.constant 0 : i32
      %broadcast_in_dim3A_532 = vector.broadcast %broadcast_in_dim3A_531 : i32 to vector<16xi32>
      %mul3A_533 = arith.constant 4 : i32
      %mul3A_534 = arith.muli %scan3A_494, %mul3A_533 : i32
      %add3A_535 = arith.constant 3 : i32
      %add3A_536 = arith.addi %mul3A_534, %add3A_535 : i32
      %add3A_537 = vector.broadcast %add3A_536 : i32 to vector<16xi32>
      %add3A_538 = arith.addi %broadcast_in_dim3A_532, %add3A_537 : vector<16xi32>
      %gather3A_539 = tpu.vector_load_idx %arg11[%add3A_356, %add3A_538] : memref<128x128xf32, #tpu.memory_space<vmem>>[vector<16xi32>, vector<16xi32>], vector<16xf32>,
      %gather3A_540 = tpu.vector_load_idx %arg14[%add3A_356, %add3A_538] : memref<128x128xf32, #tpu.memory_space<vmem>>[vector<16xi32>, vector<16xi32>], vector<16xf32>,
      %mul3A_541 = arith.mulf %gather3A_539, %gather3A_540 : vector<16xf32>
      %add3A_542 = arith.addf %add3A_530, %mul3A_541 : vector<16xf32>
      scf.yield %add3A_542 : vector<16xf32>
    }
    %scan3A_364 = arith.constant 32 : i32
    %swap3A_365 = arith.constant 352 : index
    %swap3A_366 = tpu.vector_load %arg15[%swap3A_365] {strides = array<i32>} : memref<512xf32, #tpu.memory_space<vmem>>, vector<16xf32>,
    tpu.vector_store %arg15[%swap3A_365], %scan3A_363 {strides = array<i32>} : memref<512xf32, #tpu.memory_space<vmem>>, vector<16xf32>,
    %add3A_367 = arith.constant 112 : i32
    %add3A_368 = vector.broadcast %add3A_367 : i32 to vector<16xi32>
    %add3A_369 = arith.addi %add3A_368, %iota3A : vector<16xi32>
    %broadcast_in_dim3A_370 = arith.constant 0.000000e+00 : f32
    %broadcast_in_dim3A_371 = vector.broadcast %broadcast_in_dim3A_370 : f32 to vector<16xf32>
    %scan3A_372 = arith.constant 0 : i32
    %scan3A_373 = arith.constant 32 : i32
    %scan3A_374 = arith.addi %scan3A_372, %scan3A_373 : i32
    %scan3A_375 = arith.constant 1 : i32
    %scan3A_376 = scf.for %scan3A_494 = %scan3A_372 to %scan3A_374 step %scan3A_375 iter_args(%scan3A_495 = %broadcast_in_dim3A_371) -> (vector<16xf32>)  : i32 {
      %broadcast_in_dim3A_496 = arith.constant 0 : i32
      %broadcast_in_dim3A_497 = vector.broadcast %broadcast_in_dim3A_496 : i32 to vector<16xi32>
      %mul3A_498 = arith.constant 4 : i32
      %mul3A_499 = arith.muli %scan3A_494, %mul3A_498 : i32
      %add3A_500 = arith.constant 0 : i32
      %add3A_501 = arith.addi %mul3A_499, %add3A_500 : i32
      %add3A_502 = vector.broadcast %add3A_501 : i32 to vector<16xi32>
      %add3A_503 = arith.addi %broadcast_in_dim3A_497, %add3A_502 : vector<16xi32>
      %gather3A = tpu.vector_load_idx %arg11[%add3A_369, %add3A_503] : memref<128x128xf32, #tpu.memory_space<vmem>>[vector<16xi32>, vector<16xi32>], vector<16xf32>,
      %gather3A_504 = tpu.vector_load_idx %arg14[%add3A_369, %add3A_503] : memref<128x128xf32, #tpu.memory_space<vmem>>[vector<16xi32>, vector<16xi32>], vector<16xf32>,
      %mul3A_505 = arith.mulf %gather3A, %gather3A_504 : vector<16xf32>
      %add3A_506 = arith.addf %scan3A_495, %mul3A_505 : vector<16xf32>
      %broadcast_in_dim3A_507 = arith.constant 0 : i32
      %broadcast_in_dim3A_508 = vector.broadcast %broadcast_in_dim3A_507 : i32 to vector<16xi32>
      %mul3A_509 = arith.constant 4 : i32
      %mul3A_510 = arith.muli %scan3A_494, %mul3A_509 : i32
      %add3A_511 = arith.constant 1 : i32
      %add3A_512 = arith.addi %mul3A_510, %add3A_511 : i32
      %add3A_513 = vector.broadcast %add3A_512 : i32 to vector<16xi32>
      %add3A_514 = arith.addi %broadcast_in_dim3A_508, %add3A_513 : vector<16xi32>
      %gather3A_515 = tpu.vector_load_idx %arg11[%add3A_369, %add3A_514] : memref<128x128xf32, #tpu.memory_space<vmem>>[vector<16xi32>, vector<16xi32>], vector<16xf32>,
      %gather3A_516 = tpu.vector_load_idx %arg14[%add3A_369, %add3A_514] : memref<128x128xf32, #tpu.memory_space<vmem>>[vector<16xi32>, vector<16xi32>], vector<16xf32>,
      %mul3A_517 = arith.mulf %gather3A_515, %gather3A_516 : vector<16xf32>
      %add3A_518 = arith.addf %add3A_506, %mul3A_517 : vector<16xf32>
      %broadcast_in_dim3A_519 = arith.constant 0 : i32
      %broadcast_in_dim3A_520 = vector.broadcast %broadcast_in_dim3A_519 : i32 to vector<16xi32>
      %mul3A_521 = arith.constant 4 : i32
      %mul3A_522 = arith.muli %scan3A_494, %mul3A_521 : i32
      %add3A_523 = arith.constant 2 : i32
      %add3A_524 = arith.addi %mul3A_522, %add3A_523 : i32
      %add3A_525 = vector.broadcast %add3A_524 : i32 to vector<16xi32>
      %add3A_526 = arith.addi %broadcast_in_dim3A_520, %add3A_525 : vector<16xi32>
      %gather3A_527 = tpu.vector_load_idx %arg11[%add3A_369, %add3A_526] : memref<128x128xf32, #tpu.memory_space<vmem>>[vector<16xi32>, vector<16xi32>], vector<16xf32>,
      %gather3A_528 = tpu.vector_load_idx %arg14[%add3A_369, %add3A_526] : memref<128x128xf32, #tpu.memory_space<vmem>>[vector<16xi32>, vector<16xi32>], vector<16xf32>,
      %mul3A_529 = arith.mulf %gather3A_527, %gather3A_528 : vector<16xf32>
      %add3A_530 = arith.addf %add3A_518, %mul3A_529 : vector<16xf32>
      %broadcast_in_dim3A_531 = arith.constant 0 : i32
      %broadcast_in_dim3A_532 = vector.broadcast %broadcast_in_dim3A_531 : i32 to vector<16xi32>
      %mul3A_533 = arith.constant 4 : i32
      %mul3A_534 = arith.muli %scan3A_494, %mul3A_533 : i32
      %add3A_535 = arith.constant 3 : i32
      %add3A_536 = arith.addi %mul3A_534, %add3A_535 : i32
      %add3A_537 = vector.broadcast %add3A_536 : i32 to vector<16xi32>
      %add3A_538 = arith.addi %broadcast_in_dim3A_532, %add3A_537 : vector<16xi32>
      %gather3A_539 = tpu.vector_load_idx %arg11[%add3A_369, %add3A_538] : memref<128x128xf32, #tpu.memory_space<vmem>>[vector<16xi32>, vector<16xi32>], vector<16xf32>,
      %gather3A_540 = tpu.vector_load_idx %arg14[%add3A_369, %add3A_538] : memref<128x128xf32, #tpu.memory_space<vmem>>[vector<16xi32>, vector<16xi32>], vector<16xf32>,
      %mul3A_541 = arith.mulf %gather3A_539, %gather3A_540 : vector<16xf32>
      %add3A_542 = arith.addf %add3A_530, %mul3A_541 : vector<16xf32>
      scf.yield %add3A_542 : vector<16xf32>
    }
    %scan3A_377 = arith.constant 32 : i32
    %swap3A_378 = arith.constant 368 : index
    %swap3A_379 = tpu.vector_load %arg15[%swap3A_378] {strides = array<i32>} : memref<512xf32, #tpu.memory_space<vmem>>, vector<16xf32>,
    tpu.vector_store %arg15[%swap3A_378], %scan3A_376 {strides = array<i32>} : memref<512xf32, #tpu.memory_space<vmem>>, vector<16xf32>,
    %dma_wait3A_380 = arith.constant 384 : i32
    %dma_wait3A_381 = tpu.memref_slice %arg7[%dma_wait3A_380] : memref<512xi32, #tpu.memory_space<vmem>> -> memref<128xi32, #tpu.memory_space<vmem>>
    %dma_wait3A_382 = arith.constant 0 : i32
    %dma_wait3A_383 = arith.constant 0 : i32
    %dma_wait3A_384 = tpu.memref_slice %arg4[%dma_wait3A_382, %dma_wait3A_383] : memref<1000000x128xf32, #tpu.memory_space<hbm>> -> memref<1000000x128xf32, #tpu.memory_space<hbm>>
    tpu.wait_indirect_dma semaphore(%arg16 : memref<!tpu.dma_semaphore, #tpu.memory_space<semaphore_mem>>) src(%dma_wait3A_384 : memref<1000000x128xf32, #tpu.memory_space<hbm>>) dst(%arg9 : memref<128x128xf32, #tpu.memory_space<vmem>>)
    %dma_wait3A_385 = arith.constant 384 : i32
    %dma_wait3A_386 = tpu.memref_slice %arg8[%dma_wait3A_385] : memref<512xi32, #tpu.memory_space<vmem>> -> memref<128xi32, #tpu.memory_space<vmem>>
    %dma_wait3A_387 = arith.constant 0 : i32
    %dma_wait3A_388 = arith.constant 0 : i32
    %dma_wait3A_389 = tpu.memref_slice %arg5[%dma_wait3A_387, %dma_wait3A_388] : memref<1000000x128xf32, #tpu.memory_space<hbm>> -> memref<1000000x128xf32, #tpu.memory_space<hbm>>
    tpu.wait_indirect_dma semaphore(%arg16 : memref<!tpu.dma_semaphore, #tpu.memory_space<semaphore_mem>>) src(%dma_wait3A_389 : memref<1000000x128xf32, #tpu.memory_space<hbm>>) dst(%arg12 : memref<128x128xf32, #tpu.memory_space<vmem>>)
    %add3A_390 = arith.constant 0 : i32
    %add3A_391 = vector.broadcast %add3A_390 : i32 to vector<16xi32>
    %add3A_392 = arith.addi %add3A_391, %iota3A : vector<16xi32>
    %broadcast_in_dim3A_393 = arith.constant 0.000000e+00 : f32
    %broadcast_in_dim3A_394 = vector.broadcast %broadcast_in_dim3A_393 : f32 to vector<16xf32>
    %scan3A_395 = arith.constant 0 : i32
    %scan3A_396 = arith.constant 32 : i32
    %scan3A_397 = arith.addi %scan3A_395, %scan3A_396 : i32
    %scan3A_398 = arith.constant 1 : i32
    %scan3A_399 = scf.for %scan3A_494 = %scan3A_395 to %scan3A_397 step %scan3A_398 iter_args(%scan3A_495 = %broadcast_in_dim3A_394) -> (vector<16xf32>)  : i32 {
      %broadcast_in_dim3A_496 = arith.constant 0 : i32
      %broadcast_in_dim3A_497 = vector.broadcast %broadcast_in_dim3A_496 : i32 to vector<16xi32>
      %mul3A_498 = arith.constant 4 : i32
      %mul3A_499 = arith.muli %scan3A_494, %mul3A_498 : i32
      %add3A_500 = arith.constant 0 : i32
      %add3A_501 = arith.addi %mul3A_499, %add3A_500 : i32
      %add3A_502 = vector.broadcast %add3A_501 : i32 to vector<16xi32>
      %add3A_503 = arith.addi %broadcast_in_dim3A_497, %add3A_502 : vector<16xi32>
      %gather3A = tpu.vector_load_idx %arg9[%add3A_392, %add3A_503] : memref<128x128xf32, #tpu.memory_space<vmem>>[vector<16xi32>, vector<16xi32>], vector<16xf32>,
      %gather3A_504 = tpu.vector_load_idx %arg12[%add3A_392, %add3A_503] : memref<128x128xf32, #tpu.memory_space<vmem>>[vector<16xi32>, vector<16xi32>], vector<16xf32>,
      %mul3A_505 = arith.mulf %gather3A, %gather3A_504 : vector<16xf32>
      %add3A_506 = arith.addf %scan3A_495, %mul3A_505 : vector<16xf32>
      %broadcast_in_dim3A_507 = arith.constant 0 : i32
      %broadcast_in_dim3A_508 = vector.broadcast %broadcast_in_dim3A_507 : i32 to vector<16xi32>
      %mul3A_509 = arith.constant 4 : i32
      %mul3A_510 = arith.muli %scan3A_494, %mul3A_509 : i32
      %add3A_511 = arith.constant 1 : i32
      %add3A_512 = arith.addi %mul3A_510, %add3A_511 : i32
      %add3A_513 = vector.broadcast %add3A_512 : i32 to vector<16xi32>
      %add3A_514 = arith.addi %broadcast_in_dim3A_508, %add3A_513 : vector<16xi32>
      %gather3A_515 = tpu.vector_load_idx %arg9[%add3A_392, %add3A_514] : memref<128x128xf32, #tpu.memory_space<vmem>>[vector<16xi32>, vector<16xi32>], vector<16xf32>,
      %gather3A_516 = tpu.vector_load_idx %arg12[%add3A_392, %add3A_514] : memref<128x128xf32, #tpu.memory_space<vmem>>[vector<16xi32>, vector<16xi32>], vector<16xf32>,
      %mul3A_517 = arith.mulf %gather3A_515, %gather3A_516 : vector<16xf32>
      %add3A_518 = arith.addf %add3A_506, %mul3A_517 : vector<16xf32>
      %broadcast_in_dim3A_519 = arith.constant 0 : i32
      %broadcast_in_dim3A_520 = vector.broadcast %broadcast_in_dim3A_519 : i32 to vector<16xi32>
      %mul3A_521 = arith.constant 4 : i32
      %mul3A_522 = arith.muli %scan3A_494, %mul3A_521 : i32
      %add3A_523 = arith.constant 2 : i32
      %add3A_524 = arith.addi %mul3A_522, %add3A_523 : i32
      %add3A_525 = vector.broadcast %add3A_524 : i32 to vector<16xi32>
      %add3A_526 = arith.addi %broadcast_in_dim3A_520, %add3A_525 : vector<16xi32>
      %gather3A_527 = tpu.vector_load_idx %arg9[%add3A_392, %add3A_526] : memref<128x128xf32, #tpu.memory_space<vmem>>[vector<16xi32>, vector<16xi32>], vector<16xf32>,
      %gather3A_528 = tpu.vector_load_idx %arg12[%add3A_392, %add3A_526] : memref<128x128xf32, #tpu.memory_space<vmem>>[vector<16xi32>, vector<16xi32>], vector<16xf32>,
      %mul3A_529 = arith.mulf %gather3A_527, %gather3A_528 : vector<16xf32>
      %add3A_530 = arith.addf %add3A_518, %mul3A_529 : vector<16xf32>
      %broadcast_in_dim3A_531 = arith.constant 0 : i32
      %broadcast_in_dim3A_532 = vector.broadcast %broadcast_in_dim3A_531 : i32 to vector<16xi32>
      %mul3A_533 = arith.constant 4 : i32
      %mul3A_534 = arith.muli %scan3A_494, %mul3A_533 : i32
      %add3A_535 = arith.constant 3 : i32
      %add3A_536 = arith.addi %mul3A_534, %add3A_535 : i32
      %add3A_537 = vector.broadcast %add3A_536 : i32 to vector<16xi32>
      %add3A_538 = arith.addi %broadcast_in_dim3A_532, %add3A_537 : vector<16xi32>
      %gather3A_539 = tpu.vector_load_idx %arg9[%add3A_392, %add3A_538] : memref<128x128xf32, #tpu.memory_space<vmem>>[vector<16xi32>, vector<16xi32>], vector<16xf32>,
      %gather3A_540 = tpu.vector_load_idx %arg12[%add3A_392, %add3A_538] : memref<128x128xf32, #tpu.memory_space<vmem>>[vector<16xi32>, vector<16xi32>], vector<16xf32>,
      %mul3A_541 = arith.mulf %gather3A_539, %gather3A_540 : vector<16xf32>
      %add3A_542 = arith.addf %add3A_530, %mul3A_541 : vector<16xf32>
      scf.yield %add3A_542 : vector<16xf32>
    }
    %scan3A_400 = arith.constant 32 : i32
    %swap3A_401 = arith.constant 384 : index
    %swap3A_402 = tpu.vector_load %arg15[%swap3A_401] {strides = array<i32>} : memref<512xf32, #tpu.memory_space<vmem>>, vector<16xf32>,
    tpu.vector_store %arg15[%swap3A_401], %scan3A_399 {strides = array<i32>} : memref<512xf32, #tpu.memory_space<vmem>>, vector<16xf32>,
    %add3A_403 = arith.constant 16 : i32
    %add3A_404 = vector.broadcast %add3A_403 : i32 to vector<16xi32>
    %add3A_405 = arith.addi %add3A_404, %iota3A : vector<16xi32>
    %broadcast_in_dim3A_406 = arith.constant 0.000000e+00 : f32
    %broadcast_in_dim3A_407 = vector.broadcast %broadcast_in_dim3A_406 : f32 to vector<16xf32>
    %scan3A_408 = arith.constant 0 : i32
    %scan3A_409 = arith.constant 32 : i32
    %scan3A_410 = arith.addi %scan3A_408, %scan3A_409 : i32
    %scan3A_411 = arith.constant 1 : i32
    %scan3A_412 = scf.for %scan3A_494 = %scan3A_408 to %scan3A_410 step %scan3A_411 iter_args(%scan3A_495 = %broadcast_in_dim3A_407) -> (vector<16xf32>)  : i32 {
      %broadcast_in_dim3A_496 = arith.constant 0 : i32
      %broadcast_in_dim3A_497 = vector.broadcast %broadcast_in_dim3A_496 : i32 to vector<16xi32>
      %mul3A_498 = arith.constant 4 : i32
      %mul3A_499 = arith.muli %scan3A_494, %mul3A_498 : i32
      %add3A_500 = arith.constant 0 : i32
      %add3A_501 = arith.addi %mul3A_499, %add3A_500 : i32
      %add3A_502 = vector.broadcast %add3A_501 : i32 to vector<16xi32>
      %add3A_503 = arith.addi %broadcast_in_dim3A_497, %add3A_502 : vector<16xi32>
      %gather3A = tpu.vector_load_idx %arg9[%add3A_405, %add3A_503] : memref<128x128xf32, #tpu.memory_space<vmem>>[vector<16xi32>, vector<16xi32>], vector<16xf32>,
      %gather3A_504 = tpu.vector_load_idx %arg12[%add3A_405, %add3A_503] : memref<128x128xf32, #tpu.memory_space<vmem>>[vector<16xi32>, vector<16xi32>], vector<16xf32>,
      %mul3A_505 = arith.mulf %gather3A, %gather3A_504 : vector<16xf32>
      %add3A_506 = arith.addf %scan3A_495, %mul3A_505 : vector<16xf32>
      %broadcast_in_dim3A_507 = arith.constant 0 : i32
      %broadcast_in_dim3A_508 = vector.broadcast %broadcast_in_dim3A_507 : i32 to vector<16xi32>
      %mul3A_509 = arith.constant 4 : i32
      %mul3A_510 = arith.muli %scan3A_494, %mul3A_509 : i32
      %add3A_511 = arith.constant 1 : i32
      %add3A_512 = arith.addi %mul3A_510, %add3A_511 : i32
      %add3A_513 = vector.broadcast %add3A_512 : i32 to vector<16xi32>
      %add3A_514 = arith.addi %broadcast_in_dim3A_508, %add3A_513 : vector<16xi32>
      %gather3A_515 = tpu.vector_load_idx %arg9[%add3A_405, %add3A_514] : memref<128x128xf32, #tpu.memory_space<vmem>>[vector<16xi32>, vector<16xi32>], vector<16xf32>,
      %gather3A_516 = tpu.vector_load_idx %arg12[%add3A_405, %add3A_514] : memref<128x128xf32, #tpu.memory_space<vmem>>[vector<16xi32>, vector<16xi32>], vector<16xf32>,
      %mul3A_517 = arith.mulf %gather3A_515, %gather3A_516 : vector<16xf32>
      %add3A_518 = arith.addf %add3A_506, %mul3A_517 : vector<16xf32>
      %broadcast_in_dim3A_519 = arith.constant 0 : i32
      %broadcast_in_dim3A_520 = vector.broadcast %broadcast_in_dim3A_519 : i32 to vector<16xi32>
      %mul3A_521 = arith.constant 4 : i32
      %mul3A_522 = arith.muli %scan3A_494, %mul3A_521 : i32
      %add3A_523 = arith.constant 2 : i32
      %add3A_524 = arith.addi %mul3A_522, %add3A_523 : i32
      %add3A_525 = vector.broadcast %add3A_524 : i32 to vector<16xi32>
      %add3A_526 = arith.addi %broadcast_in_dim3A_520, %add3A_525 : vector<16xi32>
      %gather3A_527 = tpu.vector_load_idx %arg9[%add3A_405, %add3A_526] : memref<128x128xf32, #tpu.memory_space<vmem>>[vector<16xi32>, vector<16xi32>], vector<16xf32>,
      %gather3A_528 = tpu.vector_load_idx %arg12[%add3A_405, %add3A_526] : memref<128x128xf32, #tpu.memory_space<vmem>>[vector<16xi32>, vector<16xi32>], vector<16xf32>,
      %mul3A_529 = arith.mulf %gather3A_527, %gather3A_528 : vector<16xf32>
      %add3A_530 = arith.addf %add3A_518, %mul3A_529 : vector<16xf32>
      %broadcast_in_dim3A_531 = arith.constant 0 : i32
      %broadcast_in_dim3A_532 = vector.broadcast %broadcast_in_dim3A_531 : i32 to vector<16xi32>
      %mul3A_533 = arith.constant 4 : i32
      %mul3A_534 = arith.muli %scan3A_494, %mul3A_533 : i32
      %add3A_535 = arith.constant 3 : i32
      %add3A_536 = arith.addi %mul3A_534, %add3A_535 : i32
      %add3A_537 = vector.broadcast %add3A_536 : i32 to vector<16xi32>
      %add3A_538 = arith.addi %broadcast_in_dim3A_532, %add3A_537 : vector<16xi32>
      %gather3A_539 = tpu.vector_load_idx %arg9[%add3A_405, %add3A_538] : memref<128x128xf32, #tpu.memory_space<vmem>>[vector<16xi32>, vector<16xi32>], vector<16xf32>,
      %gather3A_540 = tpu.vector_load_idx %arg12[%add3A_405, %add3A_538] : memref<128x128xf32, #tpu.memory_space<vmem>>[vector<16xi32>, vector<16xi32>], vector<16xf32>,
      %mul3A_541 = arith.mulf %gather3A_539, %gather3A_540 : vector<16xf32>
      %add3A_542 = arith.addf %add3A_530, %mul3A_541 : vector<16xf32>
      scf.yield %add3A_542 : vector<16xf32>
    }
    %scan3A_413 = arith.constant 32 : i32
    %swap3A_414 = arith.constant 400 : index
    %swap3A_415 = tpu.vector_load %arg15[%swap3A_414] {strides = array<i32>} : memref<512xf32, #tpu.memory_space<vmem>>, vector<16xf32>,
    tpu.vector_store %arg15[%swap3A_414], %scan3A_412 {strides = array<i32>} : memref<512xf32, #tpu.memory_space<vmem>>, vector<16xf32>,
    %add3A_416 = arith.constant 32 : i32
    %add3A_417 = vector.broadcast %add3A_416 : i32 to vector<16xi32>
    %add3A_418 = arith.addi %add3A_417, %iota3A : vector<16xi32>
    %broadcast_in_dim3A_419 = arith.constant 0.000000e+00 : f32
    %broadcast_in_dim3A_420 = vector.broadcast %broadcast_in_dim3A_419 : f32 to vector<16xf32>
    %scan3A_421 = arith.constant 0 : i32
    %scan3A_422 = arith.constant 32 : i32
    %scan3A_423 = arith.addi %scan3A_421, %scan3A_422 : i32
    %scan3A_424 = arith.constant 1 : i32
    %scan3A_425 = scf.for %scan3A_494 = %scan3A_421 to %scan3A_423 step %scan3A_424 iter_args(%scan3A_495 = %broadcast_in_dim3A_420) -> (vector<16xf32>)  : i32 {
      %broadcast_in_dim3A_496 = arith.constant 0 : i32
      %broadcast_in_dim3A_497 = vector.broadcast %broadcast_in_dim3A_496 : i32 to vector<16xi32>
      %mul3A_498 = arith.constant 4 : i32
      %mul3A_499 = arith.muli %scan3A_494, %mul3A_498 : i32
      %add3A_500 = arith.constant 0 : i32
      %add3A_501 = arith.addi %mul3A_499, %add3A_500 : i32
      %add3A_502 = vector.broadcast %add3A_501 : i32 to vector<16xi32>
      %add3A_503 = arith.addi %broadcast_in_dim3A_497, %add3A_502 : vector<16xi32>
      %gather3A = tpu.vector_load_idx %arg9[%add3A_418, %add3A_503] : memref<128x128xf32, #tpu.memory_space<vmem>>[vector<16xi32>, vector<16xi32>], vector<16xf32>,
      %gather3A_504 = tpu.vector_load_idx %arg12[%add3A_418, %add3A_503] : memref<128x128xf32, #tpu.memory_space<vmem>>[vector<16xi32>, vector<16xi32>], vector<16xf32>,
      %mul3A_505 = arith.mulf %gather3A, %gather3A_504 : vector<16xf32>
      %add3A_506 = arith.addf %scan3A_495, %mul3A_505 : vector<16xf32>
      %broadcast_in_dim3A_507 = arith.constant 0 : i32
      %broadcast_in_dim3A_508 = vector.broadcast %broadcast_in_dim3A_507 : i32 to vector<16xi32>
      %mul3A_509 = arith.constant 4 : i32
      %mul3A_510 = arith.muli %scan3A_494, %mul3A_509 : i32
      %add3A_511 = arith.constant 1 : i32
      %add3A_512 = arith.addi %mul3A_510, %add3A_511 : i32
      %add3A_513 = vector.broadcast %add3A_512 : i32 to vector<16xi32>
      %add3A_514 = arith.addi %broadcast_in_dim3A_508, %add3A_513 : vector<16xi32>
      %gather3A_515 = tpu.vector_load_idx %arg9[%add3A_418, %add3A_514] : memref<128x128xf32, #tpu.memory_space<vmem>>[vector<16xi32>, vector<16xi32>], vector<16xf32>,
      %gather3A_516 = tpu.vector_load_idx %arg12[%add3A_418, %add3A_514] : memref<128x128xf32, #tpu.memory_space<vmem>>[vector<16xi32>, vector<16xi32>], vector<16xf32>,
      %mul3A_517 = arith.mulf %gather3A_515, %gather3A_516 : vector<16xf32>
      %add3A_518 = arith.addf %add3A_506, %mul3A_517 : vector<16xf32>
      %broadcast_in_dim3A_519 = arith.constant 0 : i32
      %broadcast_in_dim3A_520 = vector.broadcast %broadcast_in_dim3A_519 : i32 to vector<16xi32>
      %mul3A_521 = arith.constant 4 : i32
      %mul3A_522 = arith.muli %scan3A_494, %mul3A_521 : i32
      %add3A_523 = arith.constant 2 : i32
      %add3A_524 = arith.addi %mul3A_522, %add3A_523 : i32
      %add3A_525 = vector.broadcast %add3A_524 : i32 to vector<16xi32>
      %add3A_526 = arith.addi %broadcast_in_dim3A_520, %add3A_525 : vector<16xi32>
      %gather3A_527 = tpu.vector_load_idx %arg9[%add3A_418, %add3A_526] : memref<128x128xf32, #tpu.memory_space<vmem>>[vector<16xi32>, vector<16xi32>], vector<16xf32>,
      %gather3A_528 = tpu.vector_load_idx %arg12[%add3A_418, %add3A_526] : memref<128x128xf32, #tpu.memory_space<vmem>>[vector<16xi32>, vector<16xi32>], vector<16xf32>,
      %mul3A_529 = arith.mulf %gather3A_527, %gather3A_528 : vector<16xf32>
      %add3A_530 = arith.addf %add3A_518, %mul3A_529 : vector<16xf32>
      %broadcast_in_dim3A_531 = arith.constant 0 : i32
      %broadcast_in_dim3A_532 = vector.broadcast %broadcast_in_dim3A_531 : i32 to vector<16xi32>
      %mul3A_533 = arith.constant 4 : i32
      %mul3A_534 = arith.muli %scan3A_494, %mul3A_533 : i32
      %add3A_535 = arith.constant 3 : i32
      %add3A_536 = arith.addi %mul3A_534, %add3A_535 : i32
      %add3A_537 = vector.broadcast %add3A_536 : i32 to vector<16xi32>
      %add3A_538 = arith.addi %broadcast_in_dim3A_532, %add3A_537 : vector<16xi32>
      %gather3A_539 = tpu.vector_load_idx %arg9[%add3A_418, %add3A_538] : memref<128x128xf32, #tpu.memory_space<vmem>>[vector<16xi32>, vector<16xi32>], vector<16xf32>,
      %gather3A_540 = tpu.vector_load_idx %arg12[%add3A_418, %add3A_538] : memref<128x128xf32, #tpu.memory_space<vmem>>[vector<16xi32>, vector<16xi32>], vector<16xf32>,
      %mul3A_541 = arith.mulf %gather3A_539, %gather3A_540 : vector<16xf32>
      %add3A_542 = arith.addf %add3A_530, %mul3A_541 : vector<16xf32>
      scf.yield %add3A_542 : vector<16xf32>
    }
    %scan3A_426 = arith.constant 32 : i32
    %swap3A_427 = arith.constant 416 : index
    %swap3A_428 = tpu.vector_load %arg15[%swap3A_427] {strides = array<i32>} : memref<512xf32, #tpu.memory_space<vmem>>, vector<16xf32>,
    tpu.vector_store %arg15[%swap3A_427], %scan3A_425 {strides = array<i32>} : memref<512xf32, #tpu.memory_space<vmem>>, vector<16xf32>,
    %add3A_429 = arith.constant 48 : i32
    %add3A_430 = vector.broadcast %add3A_429 : i32 to vector<16xi32>
    %add3A_431 = arith.addi %add3A_430, %iota3A : vector<16xi32>
    %broadcast_in_dim3A_432 = arith.constant 0.000000e+00 : f32
    %broadcast_in_dim3A_433 = vector.broadcast %broadcast_in_dim3A_432 : f32 to vector<16xf32>
    %scan3A_434 = arith.constant 0 : i32
    %scan3A_435 = arith.constant 32 : i32
    %scan3A_436 = arith.addi %scan3A_434, %scan3A_435 : i32
    %scan3A_437 = arith.constant 1 : i32
    %scan3A_438 = scf.for %scan3A_494 = %scan3A_434 to %scan3A_436 step %scan3A_437 iter_args(%scan3A_495 = %broadcast_in_dim3A_433) -> (vector<16xf32>)  : i32 {
      %broadcast_in_dim3A_496 = arith.constant 0 : i32
      %broadcast_in_dim3A_497 = vector.broadcast %broadcast_in_dim3A_496 : i32 to vector<16xi32>
      %mul3A_498 = arith.constant 4 : i32
      %mul3A_499 = arith.muli %scan3A_494, %mul3A_498 : i32
      %add3A_500 = arith.constant 0 : i32
      %add3A_501 = arith.addi %mul3A_499, %add3A_500 : i32
      %add3A_502 = vector.broadcast %add3A_501 : i32 to vector<16xi32>
      %add3A_503 = arith.addi %broadcast_in_dim3A_497, %add3A_502 : vector<16xi32>
      %gather3A = tpu.vector_load_idx %arg9[%add3A_431, %add3A_503] : memref<128x128xf32, #tpu.memory_space<vmem>>[vector<16xi32>, vector<16xi32>], vector<16xf32>,
      %gather3A_504 = tpu.vector_load_idx %arg12[%add3A_431, %add3A_503] : memref<128x128xf32, #tpu.memory_space<vmem>>[vector<16xi32>, vector<16xi32>], vector<16xf32>,
      %mul3A_505 = arith.mulf %gather3A, %gather3A_504 : vector<16xf32>
      %add3A_506 = arith.addf %scan3A_495, %mul3A_505 : vector<16xf32>
      %broadcast_in_dim3A_507 = arith.constant 0 : i32
      %broadcast_in_dim3A_508 = vector.broadcast %broadcast_in_dim3A_507 : i32 to vector<16xi32>
      %mul3A_509 = arith.constant 4 : i32
      %mul3A_510 = arith.muli %scan3A_494, %mul3A_509 : i32
      %add3A_511 = arith.constant 1 : i32
      %add3A_512 = arith.addi %mul3A_510, %add3A_511 : i32
      %add3A_513 = vector.broadcast %add3A_512 : i32 to vector<16xi32>
      %add3A_514 = arith.addi %broadcast_in_dim3A_508, %add3A_513 : vector<16xi32>
      %gather3A_515 = tpu.vector_load_idx %arg9[%add3A_431, %add3A_514] : memref<128x128xf32, #tpu.memory_space<vmem>>[vector<16xi32>, vector<16xi32>], vector<16xf32>,
      %gather3A_516 = tpu.vector_load_idx %arg12[%add3A_431, %add3A_514] : memref<128x128xf32, #tpu.memory_space<vmem>>[vector<16xi32>, vector<16xi32>], vector<16xf32>,
      %mul3A_517 = arith.mulf %gather3A_515, %gather3A_516 : vector<16xf32>
      %add3A_518 = arith.addf %add3A_506, %mul3A_517 : vector<16xf32>
      %broadcast_in_dim3A_519 = arith.constant 0 : i32
      %broadcast_in_dim3A_520 = vector.broadcast %broadcast_in_dim3A_519 : i32 to vector<16xi32>
      %mul3A_521 = arith.constant 4 : i32
      %mul3A_522 = arith.muli %scan3A_494, %mul3A_521 : i32
      %add3A_523 = arith.constant 2 : i32
      %add3A_524 = arith.addi %mul3A_522, %add3A_523 : i32
      %add3A_525 = vector.broadcast %add3A_524 : i32 to vector<16xi32>
      %add3A_526 = arith.addi %broadcast_in_dim3A_520, %add3A_525 : vector<16xi32>
      %gather3A_527 = tpu.vector_load_idx %arg9[%add3A_431, %add3A_526] : memref<128x128xf32, #tpu.memory_space<vmem>>[vector<16xi32>, vector<16xi32>], vector<16xf32>,
      %gather3A_528 = tpu.vector_load_idx %arg12[%add3A_431, %add3A_526] : memref<128x128xf32, #tpu.memory_space<vmem>>[vector<16xi32>, vector<16xi32>], vector<16xf32>,
      %mul3A_529 = arith.mulf %gather3A_527, %gather3A_528 : vector<16xf32>
      %add3A_530 = arith.addf %add3A_518, %mul3A_529 : vector<16xf32>
      %broadcast_in_dim3A_531 = arith.constant 0 : i32
      %broadcast_in_dim3A_532 = vector.broadcast %broadcast_in_dim3A_531 : i32 to vector<16xi32>
      %mul3A_533 = arith.constant 4 : i32
      %mul3A_534 = arith.muli %scan3A_494, %mul3A_533 : i32
      %add3A_535 = arith.constant 3 : i32
      %add3A_536 = arith.addi %mul3A_534, %add3A_535 : i32
      %add3A_537 = vector.broadcast %add3A_536 : i32 to vector<16xi32>
      %add3A_538 = arith.addi %broadcast_in_dim3A_532, %add3A_537 : vector<16xi32>
      %gather3A_539 = tpu.vector_load_idx %arg9[%add3A_431, %add3A_538] : memref<128x128xf32, #tpu.memory_space<vmem>>[vector<16xi32>, vector<16xi32>], vector<16xf32>,
      %gather3A_540 = tpu.vector_load_idx %arg12[%add3A_431, %add3A_538] : memref<128x128xf32, #tpu.memory_space<vmem>>[vector<16xi32>, vector<16xi32>], vector<16xf32>,
      %mul3A_541 = arith.mulf %gather3A_539, %gather3A_540 : vector<16xf32>
      %add3A_542 = arith.addf %add3A_530, %mul3A_541 : vector<16xf32>
      scf.yield %add3A_542 : vector<16xf32>
    }
    %scan3A_439 = arith.constant 32 : i32
    %swap3A_440 = arith.constant 432 : index
    %swap3A_441 = tpu.vector_load %arg15[%swap3A_440] {strides = array<i32>} : memref<512xf32, #tpu.memory_space<vmem>>, vector<16xf32>,
    tpu.vector_store %arg15[%swap3A_440], %scan3A_438 {strides = array<i32>} : memref<512xf32, #tpu.memory_space<vmem>>, vector<16xf32>,
    %add3A_442 = arith.constant 64 : i32
    %add3A_443 = vector.broadcast %add3A_442 : i32 to vector<16xi32>
    %add3A_444 = arith.addi %add3A_443, %iota3A : vector<16xi32>
    %broadcast_in_dim3A_445 = arith.constant 0.000000e+00 : f32
    %broadcast_in_dim3A_446 = vector.broadcast %broadcast_in_dim3A_445 : f32 to vector<16xf32>
    %scan3A_447 = arith.constant 0 : i32
    %scan3A_448 = arith.constant 32 : i32
    %scan3A_449 = arith.addi %scan3A_447, %scan3A_448 : i32
    %scan3A_450 = arith.constant 1 : i32
    %scan3A_451 = scf.for %scan3A_494 = %scan3A_447 to %scan3A_449 step %scan3A_450 iter_args(%scan3A_495 = %broadcast_in_dim3A_446) -> (vector<16xf32>)  : i32 {
      %broadcast_in_dim3A_496 = arith.constant 0 : i32
      %broadcast_in_dim3A_497 = vector.broadcast %broadcast_in_dim3A_496 : i32 to vector<16xi32>
      %mul3A_498 = arith.constant 4 : i32
      %mul3A_499 = arith.muli %scan3A_494, %mul3A_498 : i32
      %add3A_500 = arith.constant 0 : i32
      %add3A_501 = arith.addi %mul3A_499, %add3A_500 : i32
      %add3A_502 = vector.broadcast %add3A_501 : i32 to vector<16xi32>
      %add3A_503 = arith.addi %broadcast_in_dim3A_497, %add3A_502 : vector<16xi32>
      %gather3A = tpu.vector_load_idx %arg9[%add3A_444, %add3A_503] : memref<128x128xf32, #tpu.memory_space<vmem>>[vector<16xi32>, vector<16xi32>], vector<16xf32>,
      %gather3A_504 = tpu.vector_load_idx %arg12[%add3A_444, %add3A_503] : memref<128x128xf32, #tpu.memory_space<vmem>>[vector<16xi32>, vector<16xi32>], vector<16xf32>,
      %mul3A_505 = arith.mulf %gather3A, %gather3A_504 : vector<16xf32>
      %add3A_506 = arith.addf %scan3A_495, %mul3A_505 : vector<16xf32>
      %broadcast_in_dim3A_507 = arith.constant 0 : i32
      %broadcast_in_dim3A_508 = vector.broadcast %broadcast_in_dim3A_507 : i32 to vector<16xi32>
      %mul3A_509 = arith.constant 4 : i32
      %mul3A_510 = arith.muli %scan3A_494, %mul3A_509 : i32
      %add3A_511 = arith.constant 1 : i32
      %add3A_512 = arith.addi %mul3A_510, %add3A_511 : i32
      %add3A_513 = vector.broadcast %add3A_512 : i32 to vector<16xi32>
      %add3A_514 = arith.addi %broadcast_in_dim3A_508, %add3A_513 : vector<16xi32>
      %gather3A_515 = tpu.vector_load_idx %arg9[%add3A_444, %add3A_514] : memref<128x128xf32, #tpu.memory_space<vmem>>[vector<16xi32>, vector<16xi32>], vector<16xf32>,
      %gather3A_516 = tpu.vector_load_idx %arg12[%add3A_444, %add3A_514] : memref<128x128xf32, #tpu.memory_space<vmem>>[vector<16xi32>, vector<16xi32>], vector<16xf32>,
      %mul3A_517 = arith.mulf %gather3A_515, %gather3A_516 : vector<16xf32>
      %add3A_518 = arith.addf %add3A_506, %mul3A_517 : vector<16xf32>
      %broadcast_in_dim3A_519 = arith.constant 0 : i32
      %broadcast_in_dim3A_520 = vector.broadcast %broadcast_in_dim3A_519 : i32 to vector<16xi32>
      %mul3A_521 = arith.constant 4 : i32
      %mul3A_522 = arith.muli %scan3A_494, %mul3A_521 : i32
      %add3A_523 = arith.constant 2 : i32
      %add3A_524 = arith.addi %mul3A_522, %add3A_523 : i32
      %add3A_525 = vector.broadcast %add3A_524 : i32 to vector<16xi32>
      %add3A_526 = arith.addi %broadcast_in_dim3A_520, %add3A_525 : vector<16xi32>
      %gather3A_527 = tpu.vector_load_idx %arg9[%add3A_444, %add3A_526] : memref<128x128xf32, #tpu.memory_space<vmem>>[vector<16xi32>, vector<16xi32>], vector<16xf32>,
      %gather3A_528 = tpu.vector_load_idx %arg12[%add3A_444, %add3A_526] : memref<128x128xf32, #tpu.memory_space<vmem>>[vector<16xi32>, vector<16xi32>], vector<16xf32>,
      %mul3A_529 = arith.mulf %gather3A_527, %gather3A_528 : vector<16xf32>
      %add3A_530 = arith.addf %add3A_518, %mul3A_529 : vector<16xf32>
      %broadcast_in_dim3A_531 = arith.constant 0 : i32
      %broadcast_in_dim3A_532 = vector.broadcast %broadcast_in_dim3A_531 : i32 to vector<16xi32>
      %mul3A_533 = arith.constant 4 : i32
      %mul3A_534 = arith.muli %scan3A_494, %mul3A_533 : i32
      %add3A_535 = arith.constant 3 : i32
      %add3A_536 = arith.addi %mul3A_534, %add3A_535 : i32
      %add3A_537 = vector.broadcast %add3A_536 : i32 to vector<16xi32>
      %add3A_538 = arith.addi %broadcast_in_dim3A_532, %add3A_537 : vector<16xi32>
      %gather3A_539 = tpu.vector_load_idx %arg9[%add3A_444, %add3A_538] : memref<128x128xf32, #tpu.memory_space<vmem>>[vector<16xi32>, vector<16xi32>], vector<16xf32>,
      %gather3A_540 = tpu.vector_load_idx %arg12[%add3A_444, %add3A_538] : memref<128x128xf32, #tpu.memory_space<vmem>>[vector<16xi32>, vector<16xi32>], vector<16xf32>,
      %mul3A_541 = arith.mulf %gather3A_539, %gather3A_540 : vector<16xf32>
      %add3A_542 = arith.addf %add3A_530, %mul3A_541 : vector<16xf32>
      scf.yield %add3A_542 : vector<16xf32>
    }
    %scan3A_452 = arith.constant 32 : i32
    %swap3A_453 = arith.constant 448 : index
    %swap3A_454 = tpu.vector_load %arg15[%swap3A_453] {strides = array<i32>} : memref<512xf32, #tpu.memory_space<vmem>>, vector<16xf32>,
    tpu.vector_store %arg15[%swap3A_453], %scan3A_451 {strides = array<i32>} : memref<512xf32, #tpu.memory_space<vmem>>, vector<16xf32>,
    %add3A_455 = arith.constant 80 : i32
    %add3A_456 = vector.broadcast %add3A_455 : i32 to vector<16xi32>
    %add3A_457 = arith.addi %add3A_456, %iota3A : vector<16xi32>
    %broadcast_in_dim3A_458 = arith.constant 0.000000e+00 : f32
    %broadcast_in_dim3A_459 = vector.broadcast %broadcast_in_dim3A_458 : f32 to vector<16xf32>
    %scan3A_460 = arith.constant 0 : i32
    %scan3A_461 = arith.constant 32 : i32
    %scan3A_462 = arith.addi %scan3A_460, %scan3A_461 : i32
    %scan3A_463 = arith.constant 1 : i32
    %scan3A_464 = scf.for %scan3A_494 = %scan3A_460 to %scan3A_462 step %scan3A_463 iter_args(%scan3A_495 = %broadcast_in_dim3A_459) -> (vector<16xf32>)  : i32 {
      %broadcast_in_dim3A_496 = arith.constant 0 : i32
      %broadcast_in_dim3A_497 = vector.broadcast %broadcast_in_dim3A_496 : i32 to vector<16xi32>
      %mul3A_498 = arith.constant 4 : i32
      %mul3A_499 = arith.muli %scan3A_494, %mul3A_498 : i32
      %add3A_500 = arith.constant 0 : i32
      %add3A_501 = arith.addi %mul3A_499, %add3A_500 : i32
      %add3A_502 = vector.broadcast %add3A_501 : i32 to vector<16xi32>
      %add3A_503 = arith.addi %broadcast_in_dim3A_497, %add3A_502 : vector<16xi32>
      %gather3A = tpu.vector_load_idx %arg9[%add3A_457, %add3A_503] : memref<128x128xf32, #tpu.memory_space<vmem>>[vector<16xi32>, vector<16xi32>], vector<16xf32>,
      %gather3A_504 = tpu.vector_load_idx %arg12[%add3A_457, %add3A_503] : memref<128x128xf32, #tpu.memory_space<vmem>>[vector<16xi32>, vector<16xi32>], vector<16xf32>,
      %mul3A_505 = arith.mulf %gather3A, %gather3A_504 : vector<16xf32>
      %add3A_506 = arith.addf %scan3A_495, %mul3A_505 : vector<16xf32>
      %broadcast_in_dim3A_507 = arith.constant 0 : i32
      %broadcast_in_dim3A_508 = vector.broadcast %broadcast_in_dim3A_507 : i32 to vector<16xi32>
      %mul3A_509 = arith.constant 4 : i32
      %mul3A_510 = arith.muli %scan3A_494, %mul3A_509 : i32
      %add3A_511 = arith.constant 1 : i32
      %add3A_512 = arith.addi %mul3A_510, %add3A_511 : i32
      %add3A_513 = vector.broadcast %add3A_512 : i32 to vector<16xi32>
      %add3A_514 = arith.addi %broadcast_in_dim3A_508, %add3A_513 : vector<16xi32>
      %gather3A_515 = tpu.vector_load_idx %arg9[%add3A_457, %add3A_514] : memref<128x128xf32, #tpu.memory_space<vmem>>[vector<16xi32>, vector<16xi32>], vector<16xf32>,
      %gather3A_516 = tpu.vector_load_idx %arg12[%add3A_457, %add3A_514] : memref<128x128xf32, #tpu.memory_space<vmem>>[vector<16xi32>, vector<16xi32>], vector<16xf32>,
      %mul3A_517 = arith.mulf %gather3A_515, %gather3A_516 : vector<16xf32>
      %add3A_518 = arith.addf %add3A_506, %mul3A_517 : vector<16xf32>
      %broadcast_in_dim3A_519 = arith.constant 0 : i32
      %broadcast_in_dim3A_520 = vector.broadcast %broadcast_in_dim3A_519 : i32 to vector<16xi32>
      %mul3A_521 = arith.constant 4 : i32
      %mul3A_522 = arith.muli %scan3A_494, %mul3A_521 : i32
      %add3A_523 = arith.constant 2 : i32
      %add3A_524 = arith.addi %mul3A_522, %add3A_523 : i32
      %add3A_525 = vector.broadcast %add3A_524 : i32 to vector<16xi32>
      %add3A_526 = arith.addi %broadcast_in_dim3A_520, %add3A_525 : vector<16xi32>
      %gather3A_527 = tpu.vector_load_idx %arg9[%add3A_457, %add3A_526] : memref<128x128xf32, #tpu.memory_space<vmem>>[vector<16xi32>, vector<16xi32>], vector<16xf32>,
      %gather3A_528 = tpu.vector_load_idx %arg12[%add3A_457, %add3A_526] : memref<128x128xf32, #tpu.memory_space<vmem>>[vector<16xi32>, vector<16xi32>], vector<16xf32>,
      %mul3A_529 = arith.mulf %gather3A_527, %gather3A_528 : vector<16xf32>
      %add3A_530 = arith.addf %add3A_518, %mul3A_529 : vector<16xf32>
      %broadcast_in_dim3A_531 = arith.constant 0 : i32
      %broadcast_in_dim3A_532 = vector.broadcast %broadcast_in_dim3A_531 : i32 to vector<16xi32>
      %mul3A_533 = arith.constant 4 : i32
      %mul3A_534 = arith.muli %scan3A_494, %mul3A_533 : i32
      %add3A_535 = arith.constant 3 : i32
      %add3A_536 = arith.addi %mul3A_534, %add3A_535 : i32
      %add3A_537 = vector.broadcast %add3A_536 : i32 to vector<16xi32>
      %add3A_538 = arith.addi %broadcast_in_dim3A_532, %add3A_537 : vector<16xi32>
      %gather3A_539 = tpu.vector_load_idx %arg9[%add3A_457, %add3A_538] : memref<128x128xf32, #tpu.memory_space<vmem>>[vector<16xi32>, vector<16xi32>], vector<16xf32>,
      %gather3A_540 = tpu.vector_load_idx %arg12[%add3A_457, %add3A_538] : memref<128x128xf32, #tpu.memory_space<vmem>>[vector<16xi32>, vector<16xi32>], vector<16xf32>,
      %mul3A_541 = arith.mulf %gather3A_539, %gather3A_540 : vector<16xf32>
      %add3A_542 = arith.addf %add3A_530, %mul3A_541 : vector<16xf32>
      scf.yield %add3A_542 : vector<16xf32>
    }
    %scan3A_465 = arith.constant 32 : i32
    %swap3A_466 = arith.constant 464 : index
    %swap3A_467 = tpu.vector_load %arg15[%swap3A_466] {strides = array<i32>} : memref<512xf32, #tpu.memory_space<vmem>>, vector<16xf32>,
    tpu.vector_store %arg15[%swap3A_466], %scan3A_464 {strides = array<i32>} : memref<512xf32, #tpu.memory_space<vmem>>, vector<16xf32>,
    %add3A_468 = arith.constant 96 : i32
    %add3A_469 = vector.broadcast %add3A_468 : i32 to vector<16xi32>
    %add3A_470 = arith.addi %add3A_469, %iota3A : vector<16xi32>
    %broadcast_in_dim3A_471 = arith.constant 0.000000e+00 : f32
    %broadcast_in_dim3A_472 = vector.broadcast %broadcast_in_dim3A_471 : f32 to vector<16xf32>
    %scan3A_473 = arith.constant 0 : i32
    %scan3A_474 = arith.constant 32 : i32
    %scan3A_475 = arith.addi %scan3A_473, %scan3A_474 : i32
    %scan3A_476 = arith.constant 1 : i32
    %scan3A_477 = scf.for %scan3A_494 = %scan3A_473 to %scan3A_475 step %scan3A_476 iter_args(%scan3A_495 = %broadcast_in_dim3A_472) -> (vector<16xf32>)  : i32 {
      %broadcast_in_dim3A_496 = arith.constant 0 : i32
      %broadcast_in_dim3A_497 = vector.broadcast %broadcast_in_dim3A_496 : i32 to vector<16xi32>
      %mul3A_498 = arith.constant 4 : i32
      %mul3A_499 = arith.muli %scan3A_494, %mul3A_498 : i32
      %add3A_500 = arith.constant 0 : i32
      %add3A_501 = arith.addi %mul3A_499, %add3A_500 : i32
      %add3A_502 = vector.broadcast %add3A_501 : i32 to vector<16xi32>
      %add3A_503 = arith.addi %broadcast_in_dim3A_497, %add3A_502 : vector<16xi32>
      %gather3A = tpu.vector_load_idx %arg9[%add3A_470, %add3A_503] : memref<128x128xf32, #tpu.memory_space<vmem>>[vector<16xi32>, vector<16xi32>], vector<16xf32>,
      %gather3A_504 = tpu.vector_load_idx %arg12[%add3A_470, %add3A_503] : memref<128x128xf32, #tpu.memory_space<vmem>>[vector<16xi32>, vector<16xi32>], vector<16xf32>,
      %mul3A_505 = arith.mulf %gather3A, %gather3A_504 : vector<16xf32>
      %add3A_506 = arith.addf %scan3A_495, %mul3A_505 : vector<16xf32>
      %broadcast_in_dim3A_507 = arith.constant 0 : i32
      %broadcast_in_dim3A_508 = vector.broadcast %broadcast_in_dim3A_507 : i32 to vector<16xi32>
      %mul3A_509 = arith.constant 4 : i32
      %mul3A_510 = arith.muli %scan3A_494, %mul3A_509 : i32
      %add3A_511 = arith.constant 1 : i32
      %add3A_512 = arith.addi %mul3A_510, %add3A_511 : i32
      %add3A_513 = vector.broadcast %add3A_512 : i32 to vector<16xi32>
      %add3A_514 = arith.addi %broadcast_in_dim3A_508, %add3A_513 : vector<16xi32>
      %gather3A_515 = tpu.vector_load_idx %arg9[%add3A_470, %add3A_514] : memref<128x128xf32, #tpu.memory_space<vmem>>[vector<16xi32>, vector<16xi32>], vector<16xf32>,
      %gather3A_516 = tpu.vector_load_idx %arg12[%add3A_470, %add3A_514] : memref<128x128xf32, #tpu.memory_space<vmem>>[vector<16xi32>, vector<16xi32>], vector<16xf32>,
      %mul3A_517 = arith.mulf %gather3A_515, %gather3A_516 : vector<16xf32>
      %add3A_518 = arith.addf %add3A_506, %mul3A_517 : vector<16xf32>
      %broadcast_in_dim3A_519 = arith.constant 0 : i32
      %broadcast_in_dim3A_520 = vector.broadcast %broadcast_in_dim3A_519 : i32 to vector<16xi32>
      %mul3A_521 = arith.constant 4 : i32
      %mul3A_522 = arith.muli %scan3A_494, %mul3A_521 : i32
      %add3A_523 = arith.constant 2 : i32
      %add3A_524 = arith.addi %mul3A_522, %add3A_523 : i32
      %add3A_525 = vector.broadcast %add3A_524 : i32 to vector<16xi32>
      %add3A_526 = arith.addi %broadcast_in_dim3A_520, %add3A_525 : vector<16xi32>
      %gather3A_527 = tpu.vector_load_idx %arg9[%add3A_470, %add3A_526] : memref<128x128xf32, #tpu.memory_space<vmem>>[vector<16xi32>, vector<16xi32>], vector<16xf32>,
      %gather3A_528 = tpu.vector_load_idx %arg12[%add3A_470, %add3A_526] : memref<128x128xf32, #tpu.memory_space<vmem>>[vector<16xi32>, vector<16xi32>], vector<16xf32>,
      %mul3A_529 = arith.mulf %gather3A_527, %gather3A_528 : vector<16xf32>
      %add3A_530 = arith.addf %add3A_518, %mul3A_529 : vector<16xf32>
      %broadcast_in_dim3A_531 = arith.constant 0 : i32
      %broadcast_in_dim3A_532 = vector.broadcast %broadcast_in_dim3A_531 : i32 to vector<16xi32>
      %mul3A_533 = arith.constant 4 : i32
      %mul3A_534 = arith.muli %scan3A_494, %mul3A_533 : i32
      %add3A_535 = arith.constant 3 : i32
      %add3A_536 = arith.addi %mul3A_534, %add3A_535 : i32
      %add3A_537 = vector.broadcast %add3A_536 : i32 to vector<16xi32>
      %add3A_538 = arith.addi %broadcast_in_dim3A_532, %add3A_537 : vector<16xi32>
      %gather3A_539 = tpu.vector_load_idx %arg9[%add3A_470, %add3A_538] : memref<128x128xf32, #tpu.memory_space<vmem>>[vector<16xi32>, vector<16xi32>], vector<16xf32>,
      %gather3A_540 = tpu.vector_load_idx %arg12[%add3A_470, %add3A_538] : memref<128x128xf32, #tpu.memory_space<vmem>>[vector<16xi32>, vector<16xi32>], vector<16xf32>,
      %mul3A_541 = arith.mulf %gather3A_539, %gather3A_540 : vector<16xf32>
      %add3A_542 = arith.addf %add3A_530, %mul3A_541 : vector<16xf32>
      scf.yield %add3A_542 : vector<16xf32>
    }
    %scan3A_478 = arith.constant 32 : i32
    %swap3A_479 = arith.constant 480 : index
    %swap3A_480 = tpu.vector_load %arg15[%swap3A_479] {strides = array<i32>} : memref<512xf32, #tpu.memory_space<vmem>>, vector<16xf32>,
    tpu.vector_store %arg15[%swap3A_479], %scan3A_477 {strides = array<i32>} : memref<512xf32, #tpu.memory_space<vmem>>, vector<16xf32>,
    %add3A_481 = arith.constant 112 : i32
    %add3A_482 = vector.broadcast %add3A_481 : i32 to vector<16xi32>
    %add3A_483 = arith.addi %add3A_482, %iota3A : vector<16xi32>
    %broadcast_in_dim3A_484 = arith.constant 0.000000e+00 : f32
    %broadcast_in_dim3A_485 = vector.broadcast %broadcast_in_dim3A_484 : f32 to vector<16xf32>
    %scan3A_486 = arith.constant 0 : i32
    %scan3A_487 = arith.constant 32 : i32
    %scan3A_488 = arith.addi %scan3A_486, %scan3A_487 : i32
    %scan3A_489 = arith.constant 1 : i32
    %scan3A_490 = scf.for %scan3A_494 = %scan3A_486 to %scan3A_488 step %scan3A_489 iter_args(%scan3A_495 = %broadcast_in_dim3A_485) -> (vector<16xf32>)  : i32 {
      %broadcast_in_dim3A_496 = arith.constant 0 : i32
      %broadcast_in_dim3A_497 = vector.broadcast %broadcast_in_dim3A_496 : i32 to vector<16xi32>
      %mul3A_498 = arith.constant 4 : i32
      %mul3A_499 = arith.muli %scan3A_494, %mul3A_498 : i32
      %add3A_500 = arith.constant 0 : i32
      %add3A_501 = arith.addi %mul3A_499, %add3A_500 : i32
      %add3A_502 = vector.broadcast %add3A_501 : i32 to vector<16xi32>
      %add3A_503 = arith.addi %broadcast_in_dim3A_497, %add3A_502 : vector<16xi32>
      %gather3A = tpu.vector_load_idx %arg9[%add3A_483, %add3A_503] : memref<128x128xf32, #tpu.memory_space<vmem>>[vector<16xi32>, vector<16xi32>], vector<16xf32>,
      %gather3A_504 = tpu.vector_load_idx %arg12[%add3A_483, %add3A_503] : memref<128x128xf32, #tpu.memory_space<vmem>>[vector<16xi32>, vector<16xi32>], vector<16xf32>,
      %mul3A_505 = arith.mulf %gather3A, %gather3A_504 : vector<16xf32>
      %add3A_506 = arith.addf %scan3A_495, %mul3A_505 : vector<16xf32>
      %broadcast_in_dim3A_507 = arith.constant 0 : i32
      %broadcast_in_dim3A_508 = vector.broadcast %broadcast_in_dim3A_507 : i32 to vector<16xi32>
      %mul3A_509 = arith.constant 4 : i32
      %mul3A_510 = arith.muli %scan3A_494, %mul3A_509 : i32
      %add3A_511 = arith.constant 1 : i32
      %add3A_512 = arith.addi %mul3A_510, %add3A_511 : i32
      %add3A_513 = vector.broadcast %add3A_512 : i32 to vector<16xi32>
      %add3A_514 = arith.addi %broadcast_in_dim3A_508, %add3A_513 : vector<16xi32>
      %gather3A_515 = tpu.vector_load_idx %arg9[%add3A_483, %add3A_514] : memref<128x128xf32, #tpu.memory_space<vmem>>[vector<16xi32>, vector<16xi32>], vector<16xf32>,
      %gather3A_516 = tpu.vector_load_idx %arg12[%add3A_483, %add3A_514] : memref<128x128xf32, #tpu.memory_space<vmem>>[vector<16xi32>, vector<16xi32>], vector<16xf32>,
      %mul3A_517 = arith.mulf %gather3A_515, %gather3A_516 : vector<16xf32>
      %add3A_518 = arith.addf %add3A_506, %mul3A_517 : vector<16xf32>
      %broadcast_in_dim3A_519 = arith.constant 0 : i32
      %broadcast_in_dim3A_520 = vector.broadcast %broadcast_in_dim3A_519 : i32 to vector<16xi32>
      %mul3A_521 = arith.constant 4 : i32
      %mul3A_522 = arith.muli %scan3A_494, %mul3A_521 : i32
      %add3A_523 = arith.constant 2 : i32
      %add3A_524 = arith.addi %mul3A_522, %add3A_523 : i32
      %add3A_525 = vector.broadcast %add3A_524 : i32 to vector<16xi32>
      %add3A_526 = arith.addi %broadcast_in_dim3A_520, %add3A_525 : vector<16xi32>
      %gather3A_527 = tpu.vector_load_idx %arg9[%add3A_483, %add3A_526] : memref<128x128xf32, #tpu.memory_space<vmem>>[vector<16xi32>, vector<16xi32>], vector<16xf32>,
      %gather3A_528 = tpu.vector_load_idx %arg12[%add3A_483, %add3A_526] : memref<128x128xf32, #tpu.memory_space<vmem>>[vector<16xi32>, vector<16xi32>], vector<16xf32>,
      %mul3A_529 = arith.mulf %gather3A_527, %gather3A_528 : vector<16xf32>
      %add3A_530 = arith.addf %add3A_518, %mul3A_529 : vector<16xf32>
      %broadcast_in_dim3A_531 = arith.constant 0 : i32
      %broadcast_in_dim3A_532 = vector.broadcast %broadcast_in_dim3A_531 : i32 to vector<16xi32>
      %mul3A_533 = arith.constant 4 : i32
      %mul3A_534 = arith.muli %scan3A_494, %mul3A_533 : i32
      %add3A_535 = arith.constant 3 : i32
      %add3A_536 = arith.addi %mul3A_534, %add3A_535 : i32
      %add3A_537 = vector.broadcast %add3A_536 : i32 to vector<16xi32>
      %add3A_538 = arith.addi %broadcast_in_dim3A_532, %add3A_537 : vector<16xi32>
      %gather3A_539 = tpu.vector_load_idx %arg9[%add3A_483, %add3A_538] : memref<128x128xf32, #tpu.memory_space<vmem>>[vector<16xi32>, vector<16xi32>], vector<16xf32>,
      %gather3A_540 = tpu.vector_load_idx %arg12[%add3A_483, %add3A_538] : memref<128x128xf32, #tpu.memory_space<vmem>>[vector<16xi32>, vector<16xi32>], vector<16xf32>,
      %mul3A_541 = arith.mulf %gather3A_539, %gather3A_540 : vector<16xf32>
      %add3A_542 = arith.addf %add3A_530, %mul3A_541 : vector<16xf32>
      scf.yield %add3A_542 : vector<16xf32>
    }
    %scan3A_491 = arith.constant 32 : i32
    %swap3A_492 = arith.constant 496 : index
    %swap3A_493 = tpu.vector_load %arg15[%swap3A_492] {strides = array<i32>} : memref<512xf32, #tpu.memory_space<vmem>>, vector<16xf32>,
    tpu.vector_store %arg15[%swap3A_492], %scan3A_490 {strides = array<i32>} : memref<512xf32, #tpu.memory_space<vmem>>, vector<16xf32>,
    "tpu.region"() ({
      %run_scoped3A = tpu.sem_alloc : memref<!tpu.dma_semaphore, #tpu.memory_space<semaphore_mem>>
      %dma_start3A_494 = tpu.memref_slice %arg6[%multiple_of3A] : memref<16384xf32, #tpu.memory_space<hbm>> -> memref<512xf32, #tpu.memory_space<hbm>>
      %dma_start3A_495 = tpu.memref_slice %arg6[%multiple_of3A] : memref<16384xf32, #tpu.memory_space<hbm>> -> memref<512xf32, #tpu.memory_space<hbm>>
      tpu.enqueue_dma source(%arg15 : memref<512xf32, #tpu.memory_space<vmem>>) target(%dma_start3A_495 : memref<512xf32, #tpu.memory_space<hbm>>) target_semaphore(%run_scoped3A : memref<!tpu.dma_semaphore, #tpu.memory_space<semaphore_mem>>)
      %dma_wait3A_496 = tpu.memref_slice %arg6[%multiple_of3A] : memref<16384xf32, #tpu.memory_space<hbm>> -> memref<512xf32, #tpu.memory_space<hbm>>
      %dma_wait3A_497 = tpu.memref_slice %arg6[%multiple_of3A] : memref<16384xf32, #tpu.memory_space<hbm>> -> memref<512xf32, #tpu.memory_space<hbm>>
      tpu.wait_dma2 semaphore(%run_scoped3A : memref<!tpu.dma_semaphore, #tpu.memory_space<semaphore_mem>>) src(%arg15 : memref<512xf32, #tpu.memory_space<vmem>>) dst(%dma_wait3A_497 : memref<512xf32, #tpu.memory_space<hbm>>)
      tpu.yield
    }) : () -> ()
    return
  }
}

#map = affine_map<(d0, d1) -> (0)>
module attributes {stable_mosaic.version = 14 : i64} {
  func.func @_bias_body(%arg0: i32, %arg1: i32, %arg2: memref<16384xi32, #tpu.memory_space<hbm>>, %arg3: memref<16384xi32, #tpu.memory_space<hbm>>, %arg4: memref<1000000xf32, #tpu.memory_space<hbm>>, %arg5: memref<1000000xf32, #tpu.memory_space<hbm>>, %arg6: memref<1xf32, #tpu.memory_space<hbm>>, %arg7: memref<16384xf32, #tpu.memory_space<hbm>>, %arg8: memref<16384xf32, #tpu.memory_space<hbm>>, %arg9: memref<512xi32, #tpu.memory_space<vmem>>, %arg10: memref<512xi32, #tpu.memory_space<vmem>>, %arg11: memref<512xf32, #tpu.memory_space<vmem>>, %arg12: memref<512xf32, #tpu.memory_space<vmem>>, %arg13: memref<1xf32, #tpu.memory_space<vmem>>, %arg14: memref<512xf32, #tpu.memory_space<vmem>>, %arg15: memref<512xf32, #tpu.memory_space<vmem>>, %arg16: memref<!tpu.dma_semaphore, #tpu.memory_space<semaphore_mem>>) attributes {dimension_semantics = [#tpu.dimension_semantics<core_parallel>, #tpu.dimension_semantics<subcore_parallel>], iteration_bounds = array<i64: 2, 16>, scalar_prefetch = 0 : i64, scratch_operands = 8 : i64, tpu.core_type = #tpu.core_type<sc_vector_subcore>, window_params = [{transform_indices = #map}, {transform_indices = #map}, {transform_indices = #map}, {transform_indices = #map}, {transform_indices = #map}, {transform_indices = #map}, {transform_indices = #map}]} {
    %mul3A = arith.constant 2 : i32
    %mul3A_0 = arith.muli %arg1, %mul3A : i32
    %add3A = arith.addi %mul3A_0, %arg0 : i32
    %mul3A_1 = arith.constant 512 : i32
    %mul3A_2 = arith.muli %add3A, %mul3A_1 : i32
    %multiple_of3A = tpu.assume_multiple %mul3A_2, 512 : i32
    %dma_start3A = tpu.memref_slice %arg2[%multiple_of3A] : memref<16384xi32, #tpu.memory_space<hbm>> -> memref<512xi32, #tpu.memory_space<hbm>>
    %dma_start3A_3 = tpu.memref_slice %arg2[%multiple_of3A] : memref<16384xi32, #tpu.memory_space<hbm>> -> memref<512xi32, #tpu.memory_space<hbm>>
    tpu.enqueue_dma source(%dma_start3A_3 : memref<512xi32, #tpu.memory_space<hbm>>) target(%arg9 : memref<512xi32, #tpu.memory_space<vmem>>) target_semaphore(%arg16 : memref<!tpu.dma_semaphore, #tpu.memory_space<semaphore_mem>>)
    %dma_start3A_4 = tpu.memref_slice %arg3[%multiple_of3A] : memref<16384xi32, #tpu.memory_space<hbm>> -> memref<512xi32, #tpu.memory_space<hbm>>
    %dma_start3A_5 = tpu.memref_slice %arg3[%multiple_of3A] : memref<16384xi32, #tpu.memory_space<hbm>> -> memref<512xi32, #tpu.memory_space<hbm>>
    tpu.enqueue_dma source(%dma_start3A_5 : memref<512xi32, #tpu.memory_space<hbm>>) target(%arg10 : memref<512xi32, #tpu.memory_space<vmem>>) target_semaphore(%arg16 : memref<!tpu.dma_semaphore, #tpu.memory_space<semaphore_mem>>)
    %dma_start3A_6 = tpu.memref_slice %arg7[%multiple_of3A] : memref<16384xf32, #tpu.memory_space<hbm>> -> memref<512xf32, #tpu.memory_space<hbm>>
    %dma_start3A_7 = tpu.memref_slice %arg7[%multiple_of3A] : memref<16384xf32, #tpu.memory_space<hbm>> -> memref<512xf32, #tpu.memory_space<hbm>>
    tpu.enqueue_dma source(%dma_start3A_7 : memref<512xf32, #tpu.memory_space<hbm>>) target(%arg14 : memref<512xf32, #tpu.memory_space<vmem>>) target_semaphore(%arg16 : memref<!tpu.dma_semaphore, #tpu.memory_space<semaphore_mem>>)
    tpu.enqueue_dma source(%arg6 : memref<1xf32, #tpu.memory_space<hbm>>) target(%arg13 : memref<1xf32, #tpu.memory_space<vmem>>) target_semaphore(%arg16 : memref<!tpu.dma_semaphore, #tpu.memory_space<semaphore_mem>>)
    %dma_wait3A = tpu.memref_slice %arg2[%multiple_of3A] : memref<16384xi32, #tpu.memory_space<hbm>> -> memref<512xi32, #tpu.memory_space<hbm>>
    %dma_wait3A_8 = tpu.memref_slice %arg2[%multiple_of3A] : memref<16384xi32, #tpu.memory_space<hbm>> -> memref<512xi32, #tpu.memory_space<hbm>>
    tpu.wait_dma2 semaphore(%arg16 : memref<!tpu.dma_semaphore, #tpu.memory_space<semaphore_mem>>) src(%dma_wait3A_8 : memref<512xi32, #tpu.memory_space<hbm>>) dst(%arg9 : memref<512xi32, #tpu.memory_space<vmem>>)
    %dma_wait3A_9 = tpu.memref_slice %arg3[%multiple_of3A] : memref<16384xi32, #tpu.memory_space<hbm>> -> memref<512xi32, #tpu.memory_space<hbm>>
    %dma_wait3A_10 = tpu.memref_slice %arg3[%multiple_of3A] : memref<16384xi32, #tpu.memory_space<hbm>> -> memref<512xi32, #tpu.memory_space<hbm>>
    tpu.wait_dma2 semaphore(%arg16 : memref<!tpu.dma_semaphore, #tpu.memory_space<semaphore_mem>>) src(%dma_wait3A_10 : memref<512xi32, #tpu.memory_space<hbm>>) dst(%arg10 : memref<512xi32, #tpu.memory_space<vmem>>)
    %dma_start3A_11 = arith.constant 0 : i32
    %dma_start3A_12 = tpu.memref_slice %arg4[%dma_start3A_11] : memref<1000000xf32, #tpu.memory_space<hbm>> -> memref<1000000xf32, #tpu.memory_space<hbm>>
    tpu.enqueue_indirect_dma source(%dma_start3A_12 : memref<1000000xf32, #tpu.memory_space<hbm>>) target(%arg11 : memref<512xf32, #tpu.memory_space<vmem>>) offsets(%arg9 : memref<512xi32, #tpu.memory_space<vmem>>) semaphore(%arg16 : memref<!tpu.dma_semaphore, #tpu.memory_space<semaphore_mem>>)
    %dma_start3A_13 = arith.constant 0 : i32
    %dma_start3A_14 = tpu.memref_slice %arg5[%dma_start3A_13] : memref<1000000xf32, #tpu.memory_space<hbm>> -> memref<1000000xf32, #tpu.memory_space<hbm>>
    tpu.enqueue_indirect_dma source(%dma_start3A_14 : memref<1000000xf32, #tpu.memory_space<hbm>>) target(%arg12 : memref<512xf32, #tpu.memory_space<vmem>>) offsets(%arg10 : memref<512xi32, #tpu.memory_space<vmem>>) semaphore(%arg16 : memref<!tpu.dma_semaphore, #tpu.memory_space<semaphore_mem>>)
    %dma_wait3A_15 = tpu.memref_slice %arg7[%multiple_of3A] : memref<16384xf32, #tpu.memory_space<hbm>> -> memref<512xf32, #tpu.memory_space<hbm>>
    %dma_wait3A_16 = tpu.memref_slice %arg7[%multiple_of3A] : memref<16384xf32, #tpu.memory_space<hbm>> -> memref<512xf32, #tpu.memory_space<hbm>>
    tpu.wait_dma2 semaphore(%arg16 : memref<!tpu.dma_semaphore, #tpu.memory_space<semaphore_mem>>) src(%dma_wait3A_16 : memref<512xf32, #tpu.memory_space<hbm>>) dst(%arg14 : memref<512xf32, #tpu.memory_space<vmem>>)
    tpu.wait_dma2 semaphore(%arg16 : memref<!tpu.dma_semaphore, #tpu.memory_space<semaphore_mem>>) src(%arg6 : memref<1xf32, #tpu.memory_space<hbm>>) dst(%arg13 : memref<1xf32, #tpu.memory_space<vmem>>)
    %broadcast_in_dim3A = arith.constant 0 : i32
    %broadcast_in_dim3A_17 = vector.broadcast %broadcast_in_dim3A : i32 to vector<16xi32>
    %gather3A = tpu.vector_load_idx %arg13[%broadcast_in_dim3A_17] : memref<1xf32, #tpu.memory_space<vmem>>[vector<16xi32>], vector<16xf32>,
    %dma_wait3A_18 = arith.constant 0 : i32
    %dma_wait3A_19 = tpu.memref_slice %arg4[%dma_wait3A_18] : memref<1000000xf32, #tpu.memory_space<hbm>> -> memref<1000000xf32, #tpu.memory_space<hbm>>
    tpu.wait_indirect_dma semaphore(%arg16 : memref<!tpu.dma_semaphore, #tpu.memory_space<semaphore_mem>>) src(%dma_wait3A_19 : memref<1000000xf32, #tpu.memory_space<hbm>>) dst(%arg11 : memref<512xf32, #tpu.memory_space<vmem>>)
    %dma_wait3A_20 = arith.constant 0 : i32
    %dma_wait3A_21 = tpu.memref_slice %arg5[%dma_wait3A_20] : memref<1000000xf32, #tpu.memory_space<hbm>> -> memref<1000000xf32, #tpu.memory_space<hbm>>
    tpu.wait_indirect_dma semaphore(%arg16 : memref<!tpu.dma_semaphore, #tpu.memory_space<semaphore_mem>>) src(%dma_wait3A_21 : memref<1000000xf32, #tpu.memory_space<hbm>>) dst(%arg12 : memref<512xf32, #tpu.memory_space<vmem>>)
    %get3A = arith.constant 0 : index
    %get3A_22 = tpu.vector_load %arg14[%get3A] {strides = array<i32>} : memref<512xf32, #tpu.memory_space<vmem>>, vector<16xf32>,
    %get3A_23 = arith.constant 0 : index
    %get3A_24 = tpu.vector_load %arg11[%get3A_23] {strides = array<i32>} : memref<512xf32, #tpu.memory_space<vmem>>, vector<16xf32>,
    %add3A_25 = arith.addf %get3A_22, %get3A_24 : vector<16xf32>
    %get3A_26 = arith.constant 0 : index
    %get3A_27 = tpu.vector_load %arg12[%get3A_26] {strides = array<i32>} : memref<512xf32, #tpu.memory_space<vmem>>, vector<16xf32>,
    %add3A_28 = arith.addf %add3A_25, %get3A_27 : vector<16xf32>
    %add3A_29 = arith.addf %add3A_28, %gather3A : vector<16xf32>
    %swap3A = arith.constant 0 : index
    %swap3A_30 = tpu.vector_load %arg15[%swap3A] {strides = array<i32>} : memref<512xf32, #tpu.memory_space<vmem>>, vector<16xf32>,
    tpu.vector_store %arg15[%swap3A], %add3A_29 {strides = array<i32>} : memref<512xf32, #tpu.memory_space<vmem>>, vector<16xf32>,
    %get3A_31 = arith.constant 16 : index
    %get3A_32 = tpu.vector_load %arg14[%get3A_31] {strides = array<i32>} : memref<512xf32, #tpu.memory_space<vmem>>, vector<16xf32>,
    %get3A_33 = arith.constant 16 : index
    %get3A_34 = tpu.vector_load %arg11[%get3A_33] {strides = array<i32>} : memref<512xf32, #tpu.memory_space<vmem>>, vector<16xf32>,
    %add3A_35 = arith.addf %get3A_32, %get3A_34 : vector<16xf32>
    %get3A_36 = arith.constant 16 : index
    %get3A_37 = tpu.vector_load %arg12[%get3A_36] {strides = array<i32>} : memref<512xf32, #tpu.memory_space<vmem>>, vector<16xf32>,
    %add3A_38 = arith.addf %add3A_35, %get3A_37 : vector<16xf32>
    %add3A_39 = arith.addf %add3A_38, %gather3A : vector<16xf32>
    %swap3A_40 = arith.constant 16 : index
    %swap3A_41 = tpu.vector_load %arg15[%swap3A_40] {strides = array<i32>} : memref<512xf32, #tpu.memory_space<vmem>>, vector<16xf32>,
    tpu.vector_store %arg15[%swap3A_40], %add3A_39 {strides = array<i32>} : memref<512xf32, #tpu.memory_space<vmem>>, vector<16xf32>,
    %get3A_42 = arith.constant 32 : index
    %get3A_43 = tpu.vector_load %arg14[%get3A_42] {strides = array<i32>} : memref<512xf32, #tpu.memory_space<vmem>>, vector<16xf32>,
    %get3A_44 = arith.constant 32 : index
    %get3A_45 = tpu.vector_load %arg11[%get3A_44] {strides = array<i32>} : memref<512xf32, #tpu.memory_space<vmem>>, vector<16xf32>,
    %add3A_46 = arith.addf %get3A_43, %get3A_45 : vector<16xf32>
    %get3A_47 = arith.constant 32 : index
    %get3A_48 = tpu.vector_load %arg12[%get3A_47] {strides = array<i32>} : memref<512xf32, #tpu.memory_space<vmem>>, vector<16xf32>,
    %add3A_49 = arith.addf %add3A_46, %get3A_48 : vector<16xf32>
    %add3A_50 = arith.addf %add3A_49, %gather3A : vector<16xf32>
    %swap3A_51 = arith.constant 32 : index
    %swap3A_52 = tpu.vector_load %arg15[%swap3A_51] {strides = array<i32>} : memref<512xf32, #tpu.memory_space<vmem>>, vector<16xf32>,
    tpu.vector_store %arg15[%swap3A_51], %add3A_50 {strides = array<i32>} : memref<512xf32, #tpu.memory_space<vmem>>, vector<16xf32>,
    %get3A_53 = arith.constant 48 : index
    %get3A_54 = tpu.vector_load %arg14[%get3A_53] {strides = array<i32>} : memref<512xf32, #tpu.memory_space<vmem>>, vector<16xf32>,
    %get3A_55 = arith.constant 48 : index
    %get3A_56 = tpu.vector_load %arg11[%get3A_55] {strides = array<i32>} : memref<512xf32, #tpu.memory_space<vmem>>, vector<16xf32>,
    %add3A_57 = arith.addf %get3A_54, %get3A_56 : vector<16xf32>
    %get3A_58 = arith.constant 48 : index
    %get3A_59 = tpu.vector_load %arg12[%get3A_58] {strides = array<i32>} : memref<512xf32, #tpu.memory_space<vmem>>, vector<16xf32>,
    %add3A_60 = arith.addf %add3A_57, %get3A_59 : vector<16xf32>
    %add3A_61 = arith.addf %add3A_60, %gather3A : vector<16xf32>
    %swap3A_62 = arith.constant 48 : index
    %swap3A_63 = tpu.vector_load %arg15[%swap3A_62] {strides = array<i32>} : memref<512xf32, #tpu.memory_space<vmem>>, vector<16xf32>,
    tpu.vector_store %arg15[%swap3A_62], %add3A_61 {strides = array<i32>} : memref<512xf32, #tpu.memory_space<vmem>>, vector<16xf32>,
    %get3A_64 = arith.constant 64 : index
    %get3A_65 = tpu.vector_load %arg14[%get3A_64] {strides = array<i32>} : memref<512xf32, #tpu.memory_space<vmem>>, vector<16xf32>,
    %get3A_66 = arith.constant 64 : index
    %get3A_67 = tpu.vector_load %arg11[%get3A_66] {strides = array<i32>} : memref<512xf32, #tpu.memory_space<vmem>>, vector<16xf32>,
    %add3A_68 = arith.addf %get3A_65, %get3A_67 : vector<16xf32>
    %get3A_69 = arith.constant 64 : index
    %get3A_70 = tpu.vector_load %arg12[%get3A_69] {strides = array<i32>} : memref<512xf32, #tpu.memory_space<vmem>>, vector<16xf32>,
    %add3A_71 = arith.addf %add3A_68, %get3A_70 : vector<16xf32>
    %add3A_72 = arith.addf %add3A_71, %gather3A : vector<16xf32>
    %swap3A_73 = arith.constant 64 : index
    %swap3A_74 = tpu.vector_load %arg15[%swap3A_73] {strides = array<i32>} : memref<512xf32, #tpu.memory_space<vmem>>, vector<16xf32>,
    tpu.vector_store %arg15[%swap3A_73], %add3A_72 {strides = array<i32>} : memref<512xf32, #tpu.memory_space<vmem>>, vector<16xf32>,
    %get3A_75 = arith.constant 80 : index
    %get3A_76 = tpu.vector_load %arg14[%get3A_75] {strides = array<i32>} : memref<512xf32, #tpu.memory_space<vmem>>, vector<16xf32>,
    %get3A_77 = arith.constant 80 : index
    %get3A_78 = tpu.vector_load %arg11[%get3A_77] {strides = array<i32>} : memref<512xf32, #tpu.memory_space<vmem>>, vector<16xf32>,
    %add3A_79 = arith.addf %get3A_76, %get3A_78 : vector<16xf32>
    %get3A_80 = arith.constant 80 : index
    %get3A_81 = tpu.vector_load %arg12[%get3A_80] {strides = array<i32>} : memref<512xf32, #tpu.memory_space<vmem>>, vector<16xf32>,
    %add3A_82 = arith.addf %add3A_79, %get3A_81 : vector<16xf32>
    %add3A_83 = arith.addf %add3A_82, %gather3A : vector<16xf32>
    %swap3A_84 = arith.constant 80 : index
    %swap3A_85 = tpu.vector_load %arg15[%swap3A_84] {strides = array<i32>} : memref<512xf32, #tpu.memory_space<vmem>>, vector<16xf32>,
    tpu.vector_store %arg15[%swap3A_84], %add3A_83 {strides = array<i32>} : memref<512xf32, #tpu.memory_space<vmem>>, vector<16xf32>,
    %get3A_86 = arith.constant 96 : index
    %get3A_87 = tpu.vector_load %arg14[%get3A_86] {strides = array<i32>} : memref<512xf32, #tpu.memory_space<vmem>>, vector<16xf32>,
    %get3A_88 = arith.constant 96 : index
    %get3A_89 = tpu.vector_load %arg11[%get3A_88] {strides = array<i32>} : memref<512xf32, #tpu.memory_space<vmem>>, vector<16xf32>,
    %add3A_90 = arith.addf %get3A_87, %get3A_89 : vector<16xf32>
    %get3A_91 = arith.constant 96 : index
    %get3A_92 = tpu.vector_load %arg12[%get3A_91] {strides = array<i32>} : memref<512xf32, #tpu.memory_space<vmem>>, vector<16xf32>,
    %add3A_93 = arith.addf %add3A_90, %get3A_92 : vector<16xf32>
    %add3A_94 = arith.addf %add3A_93, %gather3A : vector<16xf32>
    %swap3A_95 = arith.constant 96 : index
    %swap3A_96 = tpu.vector_load %arg15[%swap3A_95] {strides = array<i32>} : memref<512xf32, #tpu.memory_space<vmem>>, vector<16xf32>,
    tpu.vector_store %arg15[%swap3A_95], %add3A_94 {strides = array<i32>} : memref<512xf32, #tpu.memory_space<vmem>>, vector<16xf32>,
    %get3A_97 = arith.constant 112 : index
    %get3A_98 = tpu.vector_load %arg14[%get3A_97] {strides = array<i32>} : memref<512xf32, #tpu.memory_space<vmem>>, vector<16xf32>,
    %get3A_99 = arith.constant 112 : index
    %get3A_100 = tpu.vector_load %arg11[%get3A_99] {strides = array<i32>} : memref<512xf32, #tpu.memory_space<vmem>>, vector<16xf32>,
    %add3A_101 = arith.addf %get3A_98, %get3A_100 : vector<16xf32>
    %get3A_102 = arith.constant 112 : index
    %get3A_103 = tpu.vector_load %arg12[%get3A_102] {strides = array<i32>} : memref<512xf32, #tpu.memory_space<vmem>>, vector<16xf32>,
    %add3A_104 = arith.addf %add3A_101, %get3A_103 : vector<16xf32>
    %add3A_105 = arith.addf %add3A_104, %gather3A : vector<16xf32>
    %swap3A_106 = arith.constant 112 : index
    %swap3A_107 = tpu.vector_load %arg15[%swap3A_106] {strides = array<i32>} : memref<512xf32, #tpu.memory_space<vmem>>, vector<16xf32>,
    tpu.vector_store %arg15[%swap3A_106], %add3A_105 {strides = array<i32>} : memref<512xf32, #tpu.memory_space<vmem>>, vector<16xf32>,
    %get3A_108 = arith.constant 128 : index
    %get3A_109 = tpu.vector_load %arg14[%get3A_108] {strides = array<i32>} : memref<512xf32, #tpu.memory_space<vmem>>, vector<16xf32>,
    %get3A_110 = arith.constant 128 : index
    %get3A_111 = tpu.vector_load %arg11[%get3A_110] {strides = array<i32>} : memref<512xf32, #tpu.memory_space<vmem>>, vector<16xf32>,
    %add3A_112 = arith.addf %get3A_109, %get3A_111 : vector<16xf32>
    %get3A_113 = arith.constant 128 : index
    %get3A_114 = tpu.vector_load %arg12[%get3A_113] {strides = array<i32>} : memref<512xf32, #tpu.memory_space<vmem>>, vector<16xf32>,
    %add3A_115 = arith.addf %add3A_112, %get3A_114 : vector<16xf32>
    %add3A_116 = arith.addf %add3A_115, %gather3A : vector<16xf32>
    %swap3A_117 = arith.constant 128 : index
    %swap3A_118 = tpu.vector_load %arg15[%swap3A_117] {strides = array<i32>} : memref<512xf32, #tpu.memory_space<vmem>>, vector<16xf32>,
    tpu.vector_store %arg15[%swap3A_117], %add3A_116 {strides = array<i32>} : memref<512xf32, #tpu.memory_space<vmem>>, vector<16xf32>,
    %get3A_119 = arith.constant 144 : index
    %get3A_120 = tpu.vector_load %arg14[%get3A_119] {strides = array<i32>} : memref<512xf32, #tpu.memory_space<vmem>>, vector<16xf32>,
    %get3A_121 = arith.constant 144 : index
    %get3A_122 = tpu.vector_load %arg11[%get3A_121] {strides = array<i32>} : memref<512xf32, #tpu.memory_space<vmem>>, vector<16xf32>,
    %add3A_123 = arith.addf %get3A_120, %get3A_122 : vector<16xf32>
    %get3A_124 = arith.constant 144 : index
    %get3A_125 = tpu.vector_load %arg12[%get3A_124] {strides = array<i32>} : memref<512xf32, #tpu.memory_space<vmem>>, vector<16xf32>,
    %add3A_126 = arith.addf %add3A_123, %get3A_125 : vector<16xf32>
    %add3A_127 = arith.addf %add3A_126, %gather3A : vector<16xf32>
    %swap3A_128 = arith.constant 144 : index
    %swap3A_129 = tpu.vector_load %arg15[%swap3A_128] {strides = array<i32>} : memref<512xf32, #tpu.memory_space<vmem>>, vector<16xf32>,
    tpu.vector_store %arg15[%swap3A_128], %add3A_127 {strides = array<i32>} : memref<512xf32, #tpu.memory_space<vmem>>, vector<16xf32>,
    %get3A_130 = arith.constant 160 : index
    %get3A_131 = tpu.vector_load %arg14[%get3A_130] {strides = array<i32>} : memref<512xf32, #tpu.memory_space<vmem>>, vector<16xf32>,
    %get3A_132 = arith.constant 160 : index
    %get3A_133 = tpu.vector_load %arg11[%get3A_132] {strides = array<i32>} : memref<512xf32, #tpu.memory_space<vmem>>, vector<16xf32>,
    %add3A_134 = arith.addf %get3A_131, %get3A_133 : vector<16xf32>
    %get3A_135 = arith.constant 160 : index
    %get3A_136 = tpu.vector_load %arg12[%get3A_135] {strides = array<i32>} : memref<512xf32, #tpu.memory_space<vmem>>, vector<16xf32>,
    %add3A_137 = arith.addf %add3A_134, %get3A_136 : vector<16xf32>
    %add3A_138 = arith.addf %add3A_137, %gather3A : vector<16xf32>
    %swap3A_139 = arith.constant 160 : index
    %swap3A_140 = tpu.vector_load %arg15[%swap3A_139] {strides = array<i32>} : memref<512xf32, #tpu.memory_space<vmem>>, vector<16xf32>,
    tpu.vector_store %arg15[%swap3A_139], %add3A_138 {strides = array<i32>} : memref<512xf32, #tpu.memory_space<vmem>>, vector<16xf32>,
    %get3A_141 = arith.constant 176 : index
    %get3A_142 = tpu.vector_load %arg14[%get3A_141] {strides = array<i32>} : memref<512xf32, #tpu.memory_space<vmem>>, vector<16xf32>,
    %get3A_143 = arith.constant 176 : index
    %get3A_144 = tpu.vector_load %arg11[%get3A_143] {strides = array<i32>} : memref<512xf32, #tpu.memory_space<vmem>>, vector<16xf32>,
    %add3A_145 = arith.addf %get3A_142, %get3A_144 : vector<16xf32>
    %get3A_146 = arith.constant 176 : index
    %get3A_147 = tpu.vector_load %arg12[%get3A_146] {strides = array<i32>} : memref<512xf32, #tpu.memory_space<vmem>>, vector<16xf32>,
    %add3A_148 = arith.addf %add3A_145, %get3A_147 : vector<16xf32>
    %add3A_149 = arith.addf %add3A_148, %gather3A : vector<16xf32>
    %swap3A_150 = arith.constant 176 : index
    %swap3A_151 = tpu.vector_load %arg15[%swap3A_150] {strides = array<i32>} : memref<512xf32, #tpu.memory_space<vmem>>, vector<16xf32>,
    tpu.vector_store %arg15[%swap3A_150], %add3A_149 {strides = array<i32>} : memref<512xf32, #tpu.memory_space<vmem>>, vector<16xf32>,
    %get3A_152 = arith.constant 192 : index
    %get3A_153 = tpu.vector_load %arg14[%get3A_152] {strides = array<i32>} : memref<512xf32, #tpu.memory_space<vmem>>, vector<16xf32>,
    %get3A_154 = arith.constant 192 : index
    %get3A_155 = tpu.vector_load %arg11[%get3A_154] {strides = array<i32>} : memref<512xf32, #tpu.memory_space<vmem>>, vector<16xf32>,
    %add3A_156 = arith.addf %get3A_153, %get3A_155 : vector<16xf32>
    %get3A_157 = arith.constant 192 : index
    %get3A_158 = tpu.vector_load %arg12[%get3A_157] {strides = array<i32>} : memref<512xf32, #tpu.memory_space<vmem>>, vector<16xf32>,
    %add3A_159 = arith.addf %add3A_156, %get3A_158 : vector<16xf32>
    %add3A_160 = arith.addf %add3A_159, %gather3A : vector<16xf32>
    %swap3A_161 = arith.constant 192 : index
    %swap3A_162 = tpu.vector_load %arg15[%swap3A_161] {strides = array<i32>} : memref<512xf32, #tpu.memory_space<vmem>>, vector<16xf32>,
    tpu.vector_store %arg15[%swap3A_161], %add3A_160 {strides = array<i32>} : memref<512xf32, #tpu.memory_space<vmem>>, vector<16xf32>,
    %get3A_163 = arith.constant 208 : index
    %get3A_164 = tpu.vector_load %arg14[%get3A_163] {strides = array<i32>} : memref<512xf32, #tpu.memory_space<vmem>>, vector<16xf32>,
    %get3A_165 = arith.constant 208 : index
    %get3A_166 = tpu.vector_load %arg11[%get3A_165] {strides = array<i32>} : memref<512xf32, #tpu.memory_space<vmem>>, vector<16xf32>,
    %add3A_167 = arith.addf %get3A_164, %get3A_166 : vector<16xf32>
    %get3A_168 = arith.constant 208 : index
    %get3A_169 = tpu.vector_load %arg12[%get3A_168] {strides = array<i32>} : memref<512xf32, #tpu.memory_space<vmem>>, vector<16xf32>,
    %add3A_170 = arith.addf %add3A_167, %get3A_169 : vector<16xf32>
    %add3A_171 = arith.addf %add3A_170, %gather3A : vector<16xf32>
    %swap3A_172 = arith.constant 208 : index
    %swap3A_173 = tpu.vector_load %arg15[%swap3A_172] {strides = array<i32>} : memref<512xf32, #tpu.memory_space<vmem>>, vector<16xf32>,
    tpu.vector_store %arg15[%swap3A_172], %add3A_171 {strides = array<i32>} : memref<512xf32, #tpu.memory_space<vmem>>, vector<16xf32>,
    %get3A_174 = arith.constant 224 : index
    %get3A_175 = tpu.vector_load %arg14[%get3A_174] {strides = array<i32>} : memref<512xf32, #tpu.memory_space<vmem>>, vector<16xf32>,
    %get3A_176 = arith.constant 224 : index
    %get3A_177 = tpu.vector_load %arg11[%get3A_176] {strides = array<i32>} : memref<512xf32, #tpu.memory_space<vmem>>, vector<16xf32>,
    %add3A_178 = arith.addf %get3A_175, %get3A_177 : vector<16xf32>
    %get3A_179 = arith.constant 224 : index
    %get3A_180 = tpu.vector_load %arg12[%get3A_179] {strides = array<i32>} : memref<512xf32, #tpu.memory_space<vmem>>, vector<16xf32>,
    %add3A_181 = arith.addf %add3A_178, %get3A_180 : vector<16xf32>
    %add3A_182 = arith.addf %add3A_181, %gather3A : vector<16xf32>
    %swap3A_183 = arith.constant 224 : index
    %swap3A_184 = tpu.vector_load %arg15[%swap3A_183] {strides = array<i32>} : memref<512xf32, #tpu.memory_space<vmem>>, vector<16xf32>,
    tpu.vector_store %arg15[%swap3A_183], %add3A_182 {strides = array<i32>} : memref<512xf32, #tpu.memory_space<vmem>>, vector<16xf32>,
    %get3A_185 = arith.constant 240 : index
    %get3A_186 = tpu.vector_load %arg14[%get3A_185] {strides = array<i32>} : memref<512xf32, #tpu.memory_space<vmem>>, vector<16xf32>,
    %get3A_187 = arith.constant 240 : index
    %get3A_188 = tpu.vector_load %arg11[%get3A_187] {strides = array<i32>} : memref<512xf32, #tpu.memory_space<vmem>>, vector<16xf32>,
    %add3A_189 = arith.addf %get3A_186, %get3A_188 : vector<16xf32>
    %get3A_190 = arith.constant 240 : index
    %get3A_191 = tpu.vector_load %arg12[%get3A_190] {strides = array<i32>} : memref<512xf32, #tpu.memory_space<vmem>>, vector<16xf32>,
    %add3A_192 = arith.addf %add3A_189, %get3A_191 : vector<16xf32>
    %add3A_193 = arith.addf %add3A_192, %gather3A : vector<16xf32>
    %swap3A_194 = arith.constant 240 : index
    %swap3A_195 = tpu.vector_load %arg15[%swap3A_194] {strides = array<i32>} : memref<512xf32, #tpu.memory_space<vmem>>, vector<16xf32>,
    tpu.vector_store %arg15[%swap3A_194], %add3A_193 {strides = array<i32>} : memref<512xf32, #tpu.memory_space<vmem>>, vector<16xf32>,
    %get3A_196 = arith.constant 256 : index
    %get3A_197 = tpu.vector_load %arg14[%get3A_196] {strides = array<i32>} : memref<512xf32, #tpu.memory_space<vmem>>, vector<16xf32>,
    %get3A_198 = arith.constant 256 : index
    %get3A_199 = tpu.vector_load %arg11[%get3A_198] {strides = array<i32>} : memref<512xf32, #tpu.memory_space<vmem>>, vector<16xf32>,
    %add3A_200 = arith.addf %get3A_197, %get3A_199 : vector<16xf32>
    %get3A_201 = arith.constant 256 : index
    %get3A_202 = tpu.vector_load %arg12[%get3A_201] {strides = array<i32>} : memref<512xf32, #tpu.memory_space<vmem>>, vector<16xf32>,
    %add3A_203 = arith.addf %add3A_200, %get3A_202 : vector<16xf32>
    %add3A_204 = arith.addf %add3A_203, %gather3A : vector<16xf32>
    %swap3A_205 = arith.constant 256 : index
    %swap3A_206 = tpu.vector_load %arg15[%swap3A_205] {strides = array<i32>} : memref<512xf32, #tpu.memory_space<vmem>>, vector<16xf32>,
    tpu.vector_store %arg15[%swap3A_205], %add3A_204 {strides = array<i32>} : memref<512xf32, #tpu.memory_space<vmem>>, vector<16xf32>,
    %get3A_207 = arith.constant 272 : index
    %get3A_208 = tpu.vector_load %arg14[%get3A_207] {strides = array<i32>} : memref<512xf32, #tpu.memory_space<vmem>>, vector<16xf32>,
    %get3A_209 = arith.constant 272 : index
    %get3A_210 = tpu.vector_load %arg11[%get3A_209] {strides = array<i32>} : memref<512xf32, #tpu.memory_space<vmem>>, vector<16xf32>,
    %add3A_211 = arith.addf %get3A_208, %get3A_210 : vector<16xf32>
    %get3A_212 = arith.constant 272 : index
    %get3A_213 = tpu.vector_load %arg12[%get3A_212] {strides = array<i32>} : memref<512xf32, #tpu.memory_space<vmem>>, vector<16xf32>,
    %add3A_214 = arith.addf %add3A_211, %get3A_213 : vector<16xf32>
    %add3A_215 = arith.addf %add3A_214, %gather3A : vector<16xf32>
    %swap3A_216 = arith.constant 272 : index
    %swap3A_217 = tpu.vector_load %arg15[%swap3A_216] {strides = array<i32>} : memref<512xf32, #tpu.memory_space<vmem>>, vector<16xf32>,
    tpu.vector_store %arg15[%swap3A_216], %add3A_215 {strides = array<i32>} : memref<512xf32, #tpu.memory_space<vmem>>, vector<16xf32>,
    %get3A_218 = arith.constant 288 : index
    %get3A_219 = tpu.vector_load %arg14[%get3A_218] {strides = array<i32>} : memref<512xf32, #tpu.memory_space<vmem>>, vector<16xf32>,
    %get3A_220 = arith.constant 288 : index
    %get3A_221 = tpu.vector_load %arg11[%get3A_220] {strides = array<i32>} : memref<512xf32, #tpu.memory_space<vmem>>, vector<16xf32>,
    %add3A_222 = arith.addf %get3A_219, %get3A_221 : vector<16xf32>
    %get3A_223 = arith.constant 288 : index
    %get3A_224 = tpu.vector_load %arg12[%get3A_223] {strides = array<i32>} : memref<512xf32, #tpu.memory_space<vmem>>, vector<16xf32>,
    %add3A_225 = arith.addf %add3A_222, %get3A_224 : vector<16xf32>
    %add3A_226 = arith.addf %add3A_225, %gather3A : vector<16xf32>
    %swap3A_227 = arith.constant 288 : index
    %swap3A_228 = tpu.vector_load %arg15[%swap3A_227] {strides = array<i32>} : memref<512xf32, #tpu.memory_space<vmem>>, vector<16xf32>,
    tpu.vector_store %arg15[%swap3A_227], %add3A_226 {strides = array<i32>} : memref<512xf32, #tpu.memory_space<vmem>>, vector<16xf32>,
    %get3A_229 = arith.constant 304 : index
    %get3A_230 = tpu.vector_load %arg14[%get3A_229] {strides = array<i32>} : memref<512xf32, #tpu.memory_space<vmem>>, vector<16xf32>,
    %get3A_231 = arith.constant 304 : index
    %get3A_232 = tpu.vector_load %arg11[%get3A_231] {strides = array<i32>} : memref<512xf32, #tpu.memory_space<vmem>>, vector<16xf32>,
    %add3A_233 = arith.addf %get3A_230, %get3A_232 : vector<16xf32>
    %get3A_234 = arith.constant 304 : index
    %get3A_235 = tpu.vector_load %arg12[%get3A_234] {strides = array<i32>} : memref<512xf32, #tpu.memory_space<vmem>>, vector<16xf32>,
    %add3A_236 = arith.addf %add3A_233, %get3A_235 : vector<16xf32>
    %add3A_237 = arith.addf %add3A_236, %gather3A : vector<16xf32>
    %swap3A_238 = arith.constant 304 : index
    %swap3A_239 = tpu.vector_load %arg15[%swap3A_238] {strides = array<i32>} : memref<512xf32, #tpu.memory_space<vmem>>, vector<16xf32>,
    tpu.vector_store %arg15[%swap3A_238], %add3A_237 {strides = array<i32>} : memref<512xf32, #tpu.memory_space<vmem>>, vector<16xf32>,
    %get3A_240 = arith.constant 320 : index
    %get3A_241 = tpu.vector_load %arg14[%get3A_240] {strides = array<i32>} : memref<512xf32, #tpu.memory_space<vmem>>, vector<16xf32>,
    %get3A_242 = arith.constant 320 : index
    %get3A_243 = tpu.vector_load %arg11[%get3A_242] {strides = array<i32>} : memref<512xf32, #tpu.memory_space<vmem>>, vector<16xf32>,
    %add3A_244 = arith.addf %get3A_241, %get3A_243 : vector<16xf32>
    %get3A_245 = arith.constant 320 : index
    %get3A_246 = tpu.vector_load %arg12[%get3A_245] {strides = array<i32>} : memref<512xf32, #tpu.memory_space<vmem>>, vector<16xf32>,
    %add3A_247 = arith.addf %add3A_244, %get3A_246 : vector<16xf32>
    %add3A_248 = arith.addf %add3A_247, %gather3A : vector<16xf32>
    %swap3A_249 = arith.constant 320 : index
    %swap3A_250 = tpu.vector_load %arg15[%swap3A_249] {strides = array<i32>} : memref<512xf32, #tpu.memory_space<vmem>>, vector<16xf32>,
    tpu.vector_store %arg15[%swap3A_249], %add3A_248 {strides = array<i32>} : memref<512xf32, #tpu.memory_space<vmem>>, vector<16xf32>,
    %get3A_251 = arith.constant 336 : index
    %get3A_252 = tpu.vector_load %arg14[%get3A_251] {strides = array<i32>} : memref<512xf32, #tpu.memory_space<vmem>>, vector<16xf32>,
    %get3A_253 = arith.constant 336 : index
    %get3A_254 = tpu.vector_load %arg11[%get3A_253] {strides = array<i32>} : memref<512xf32, #tpu.memory_space<vmem>>, vector<16xf32>,
    %add3A_255 = arith.addf %get3A_252, %get3A_254 : vector<16xf32>
    %get3A_256 = arith.constant 336 : index
    %get3A_257 = tpu.vector_load %arg12[%get3A_256] {strides = array<i32>} : memref<512xf32, #tpu.memory_space<vmem>>, vector<16xf32>,
    %add3A_258 = arith.addf %add3A_255, %get3A_257 : vector<16xf32>
    %add3A_259 = arith.addf %add3A_258, %gather3A : vector<16xf32>
    %swap3A_260 = arith.constant 336 : index
    %swap3A_261 = tpu.vector_load %arg15[%swap3A_260] {strides = array<i32>} : memref<512xf32, #tpu.memory_space<vmem>>, vector<16xf32>,
    tpu.vector_store %arg15[%swap3A_260], %add3A_259 {strides = array<i32>} : memref<512xf32, #tpu.memory_space<vmem>>, vector<16xf32>,
    %get3A_262 = arith.constant 352 : index
    %get3A_263 = tpu.vector_load %arg14[%get3A_262] {strides = array<i32>} : memref<512xf32, #tpu.memory_space<vmem>>, vector<16xf32>,
    %get3A_264 = arith.constant 352 : index
    %get3A_265 = tpu.vector_load %arg11[%get3A_264] {strides = array<i32>} : memref<512xf32, #tpu.memory_space<vmem>>, vector<16xf32>,
    %add3A_266 = arith.addf %get3A_263, %get3A_265 : vector<16xf32>
    %get3A_267 = arith.constant 352 : index
    %get3A_268 = tpu.vector_load %arg12[%get3A_267] {strides = array<i32>} : memref<512xf32, #tpu.memory_space<vmem>>, vector<16xf32>,
    %add3A_269 = arith.addf %add3A_266, %get3A_268 : vector<16xf32>
    %add3A_270 = arith.addf %add3A_269, %gather3A : vector<16xf32>
    %swap3A_271 = arith.constant 352 : index
    %swap3A_272 = tpu.vector_load %arg15[%swap3A_271] {strides = array<i32>} : memref<512xf32, #tpu.memory_space<vmem>>, vector<16xf32>,
    tpu.vector_store %arg15[%swap3A_271], %add3A_270 {strides = array<i32>} : memref<512xf32, #tpu.memory_space<vmem>>, vector<16xf32>,
    %get3A_273 = arith.constant 368 : index
    %get3A_274 = tpu.vector_load %arg14[%get3A_273] {strides = array<i32>} : memref<512xf32, #tpu.memory_space<vmem>>, vector<16xf32>,
    %get3A_275 = arith.constant 368 : index
    %get3A_276 = tpu.vector_load %arg11[%get3A_275] {strides = array<i32>} : memref<512xf32, #tpu.memory_space<vmem>>, vector<16xf32>,
    %add3A_277 = arith.addf %get3A_274, %get3A_276 : vector<16xf32>
    %get3A_278 = arith.constant 368 : index
    %get3A_279 = tpu.vector_load %arg12[%get3A_278] {strides = array<i32>} : memref<512xf32, #tpu.memory_space<vmem>>, vector<16xf32>,
    %add3A_280 = arith.addf %add3A_277, %get3A_279 : vector<16xf32>
    %add3A_281 = arith.addf %add3A_280, %gather3A : vector<16xf32>
    %swap3A_282 = arith.constant 368 : index
    %swap3A_283 = tpu.vector_load %arg15[%swap3A_282] {strides = array<i32>} : memref<512xf32, #tpu.memory_space<vmem>>, vector<16xf32>,
    tpu.vector_store %arg15[%swap3A_282], %add3A_281 {strides = array<i32>} : memref<512xf32, #tpu.memory_space<vmem>>, vector<16xf32>,
    %get3A_284 = arith.constant 384 : index
    %get3A_285 = tpu.vector_load %arg14[%get3A_284] {strides = array<i32>} : memref<512xf32, #tpu.memory_space<vmem>>, vector<16xf32>,
    %get3A_286 = arith.constant 384 : index
    %get3A_287 = tpu.vector_load %arg11[%get3A_286] {strides = array<i32>} : memref<512xf32, #tpu.memory_space<vmem>>, vector<16xf32>,
    %add3A_288 = arith.addf %get3A_285, %get3A_287 : vector<16xf32>
    %get3A_289 = arith.constant 384 : index
    %get3A_290 = tpu.vector_load %arg12[%get3A_289] {strides = array<i32>} : memref<512xf32, #tpu.memory_space<vmem>>, vector<16xf32>,
    %add3A_291 = arith.addf %add3A_288, %get3A_290 : vector<16xf32>
    %add3A_292 = arith.addf %add3A_291, %gather3A : vector<16xf32>
    %swap3A_293 = arith.constant 384 : index
    %swap3A_294 = tpu.vector_load %arg15[%swap3A_293] {strides = array<i32>} : memref<512xf32, #tpu.memory_space<vmem>>, vector<16xf32>,
    tpu.vector_store %arg15[%swap3A_293], %add3A_292 {strides = array<i32>} : memref<512xf32, #tpu.memory_space<vmem>>, vector<16xf32>,
    %get3A_295 = arith.constant 400 : index
    %get3A_296 = tpu.vector_load %arg14[%get3A_295] {strides = array<i32>} : memref<512xf32, #tpu.memory_space<vmem>>, vector<16xf32>,
    %get3A_297 = arith.constant 400 : index
    %get3A_298 = tpu.vector_load %arg11[%get3A_297] {strides = array<i32>} : memref<512xf32, #tpu.memory_space<vmem>>, vector<16xf32>,
    %add3A_299 = arith.addf %get3A_296, %get3A_298 : vector<16xf32>
    %get3A_300 = arith.constant 400 : index
    %get3A_301 = tpu.vector_load %arg12[%get3A_300] {strides = array<i32>} : memref<512xf32, #tpu.memory_space<vmem>>, vector<16xf32>,
    %add3A_302 = arith.addf %add3A_299, %get3A_301 : vector<16xf32>
    %add3A_303 = arith.addf %add3A_302, %gather3A : vector<16xf32>
    %swap3A_304 = arith.constant 400 : index
    %swap3A_305 = tpu.vector_load %arg15[%swap3A_304] {strides = array<i32>} : memref<512xf32, #tpu.memory_space<vmem>>, vector<16xf32>,
    tpu.vector_store %arg15[%swap3A_304], %add3A_303 {strides = array<i32>} : memref<512xf32, #tpu.memory_space<vmem>>, vector<16xf32>,
    %get3A_306 = arith.constant 416 : index
    %get3A_307 = tpu.vector_load %arg14[%get3A_306] {strides = array<i32>} : memref<512xf32, #tpu.memory_space<vmem>>, vector<16xf32>,
    %get3A_308 = arith.constant 416 : index
    %get3A_309 = tpu.vector_load %arg11[%get3A_308] {strides = array<i32>} : memref<512xf32, #tpu.memory_space<vmem>>, vector<16xf32>,
    %add3A_310 = arith.addf %get3A_307, %get3A_309 : vector<16xf32>
    %get3A_311 = arith.constant 416 : index
    %get3A_312 = tpu.vector_load %arg12[%get3A_311] {strides = array<i32>} : memref<512xf32, #tpu.memory_space<vmem>>, vector<16xf32>,
    %add3A_313 = arith.addf %add3A_310, %get3A_312 : vector<16xf32>
    %add3A_314 = arith.addf %add3A_313, %gather3A : vector<16xf32>
    %swap3A_315 = arith.constant 416 : index
    %swap3A_316 = tpu.vector_load %arg15[%swap3A_315] {strides = array<i32>} : memref<512xf32, #tpu.memory_space<vmem>>, vector<16xf32>,
    tpu.vector_store %arg15[%swap3A_315], %add3A_314 {strides = array<i32>} : memref<512xf32, #tpu.memory_space<vmem>>, vector<16xf32>,
    %get3A_317 = arith.constant 432 : index
    %get3A_318 = tpu.vector_load %arg14[%get3A_317] {strides = array<i32>} : memref<512xf32, #tpu.memory_space<vmem>>, vector<16xf32>,
    %get3A_319 = arith.constant 432 : index
    %get3A_320 = tpu.vector_load %arg11[%get3A_319] {strides = array<i32>} : memref<512xf32, #tpu.memory_space<vmem>>, vector<16xf32>,
    %add3A_321 = arith.addf %get3A_318, %get3A_320 : vector<16xf32>
    %get3A_322 = arith.constant 432 : index
    %get3A_323 = tpu.vector_load %arg12[%get3A_322] {strides = array<i32>} : memref<512xf32, #tpu.memory_space<vmem>>, vector<16xf32>,
    %add3A_324 = arith.addf %add3A_321, %get3A_323 : vector<16xf32>
    %add3A_325 = arith.addf %add3A_324, %gather3A : vector<16xf32>
    %swap3A_326 = arith.constant 432 : index
    %swap3A_327 = tpu.vector_load %arg15[%swap3A_326] {strides = array<i32>} : memref<512xf32, #tpu.memory_space<vmem>>, vector<16xf32>,
    tpu.vector_store %arg15[%swap3A_326], %add3A_325 {strides = array<i32>} : memref<512xf32, #tpu.memory_space<vmem>>, vector<16xf32>,
    %get3A_328 = arith.constant 448 : index
    %get3A_329 = tpu.vector_load %arg14[%get3A_328] {strides = array<i32>} : memref<512xf32, #tpu.memory_space<vmem>>, vector<16xf32>,
    %get3A_330 = arith.constant 448 : index
    %get3A_331 = tpu.vector_load %arg11[%get3A_330] {strides = array<i32>} : memref<512xf32, #tpu.memory_space<vmem>>, vector<16xf32>,
    %add3A_332 = arith.addf %get3A_329, %get3A_331 : vector<16xf32>
    %get3A_333 = arith.constant 448 : index
    %get3A_334 = tpu.vector_load %arg12[%get3A_333] {strides = array<i32>} : memref<512xf32, #tpu.memory_space<vmem>>, vector<16xf32>,
    %add3A_335 = arith.addf %add3A_332, %get3A_334 : vector<16xf32>
    %add3A_336 = arith.addf %add3A_335, %gather3A : vector<16xf32>
    %swap3A_337 = arith.constant 448 : index
    %swap3A_338 = tpu.vector_load %arg15[%swap3A_337] {strides = array<i32>} : memref<512xf32, #tpu.memory_space<vmem>>, vector<16xf32>,
    tpu.vector_store %arg15[%swap3A_337], %add3A_336 {strides = array<i32>} : memref<512xf32, #tpu.memory_space<vmem>>, vector<16xf32>,
    %get3A_339 = arith.constant 464 : index
    %get3A_340 = tpu.vector_load %arg14[%get3A_339] {strides = array<i32>} : memref<512xf32, #tpu.memory_space<vmem>>, vector<16xf32>,
    %get3A_341 = arith.constant 464 : index
    %get3A_342 = tpu.vector_load %arg11[%get3A_341] {strides = array<i32>} : memref<512xf32, #tpu.memory_space<vmem>>, vector<16xf32>,
    %add3A_343 = arith.addf %get3A_340, %get3A_342 : vector<16xf32>
    %get3A_344 = arith.constant 464 : index
    %get3A_345 = tpu.vector_load %arg12[%get3A_344] {strides = array<i32>} : memref<512xf32, #tpu.memory_space<vmem>>, vector<16xf32>,
    %add3A_346 = arith.addf %add3A_343, %get3A_345 : vector<16xf32>
    %add3A_347 = arith.addf %add3A_346, %gather3A : vector<16xf32>
    %swap3A_348 = arith.constant 464 : index
    %swap3A_349 = tpu.vector_load %arg15[%swap3A_348] {strides = array<i32>} : memref<512xf32, #tpu.memory_space<vmem>>, vector<16xf32>,
    tpu.vector_store %arg15[%swap3A_348], %add3A_347 {strides = array<i32>} : memref<512xf32, #tpu.memory_space<vmem>>, vector<16xf32>,
    %get3A_350 = arith.constant 480 : index
    %get3A_351 = tpu.vector_load %arg14[%get3A_350] {strides = array<i32>} : memref<512xf32, #tpu.memory_space<vmem>>, vector<16xf32>,
    %get3A_352 = arith.constant 480 : index
    %get3A_353 = tpu.vector_load %arg11[%get3A_352] {strides = array<i32>} : memref<512xf32, #tpu.memory_space<vmem>>, vector<16xf32>,
    %add3A_354 = arith.addf %get3A_351, %get3A_353 : vector<16xf32>
    %get3A_355 = arith.constant 480 : index
    %get3A_356 = tpu.vector_load %arg12[%get3A_355] {strides = array<i32>} : memref<512xf32, #tpu.memory_space<vmem>>, vector<16xf32>,
    %add3A_357 = arith.addf %add3A_354, %get3A_356 : vector<16xf32>
    %add3A_358 = arith.addf %add3A_357, %gather3A : vector<16xf32>
    %swap3A_359 = arith.constant 480 : index
    %swap3A_360 = tpu.vector_load %arg15[%swap3A_359] {strides = array<i32>} : memref<512xf32, #tpu.memory_space<vmem>>, vector<16xf32>,
    tpu.vector_store %arg15[%swap3A_359], %add3A_358 {strides = array<i32>} : memref<512xf32, #tpu.memory_space<vmem>>, vector<16xf32>,
    %get3A_361 = arith.constant 496 : index
    %get3A_362 = tpu.vector_load %arg14[%get3A_361] {strides = array<i32>} : memref<512xf32, #tpu.memory_space<vmem>>, vector<16xf32>,
    %get3A_363 = arith.constant 496 : index
    %get3A_364 = tpu.vector_load %arg11[%get3A_363] {strides = array<i32>} : memref<512xf32, #tpu.memory_space<vmem>>, vector<16xf32>,
    %add3A_365 = arith.addf %get3A_362, %get3A_364 : vector<16xf32>
    %get3A_366 = arith.constant 496 : index
    %get3A_367 = tpu.vector_load %arg12[%get3A_366] {strides = array<i32>} : memref<512xf32, #tpu.memory_space<vmem>>, vector<16xf32>,
    %add3A_368 = arith.addf %add3A_365, %get3A_367 : vector<16xf32>
    %add3A_369 = arith.addf %add3A_368, %gather3A : vector<16xf32>
    %swap3A_370 = arith.constant 496 : index
    %swap3A_371 = tpu.vector_load %arg15[%swap3A_370] {strides = array<i32>} : memref<512xf32, #tpu.memory_space<vmem>>, vector<16xf32>,
    tpu.vector_store %arg15[%swap3A_370], %add3A_369 {strides = array<i32>} : memref<512xf32, #tpu.memory_space<vmem>>, vector<16xf32>,
    "tpu.region"() ({
      %run_scoped3A = tpu.sem_alloc : memref<!tpu.dma_semaphore, #tpu.memory_space<semaphore_mem>>
      %dma_start3A_372 = tpu.memref_slice %arg8[%multiple_of3A] : memref<16384xf32, #tpu.memory_space<hbm>> -> memref<512xf32, #tpu.memory_space<hbm>>
      %dma_start3A_373 = tpu.memref_slice %arg8[%multiple_of3A] : memref<16384xf32, #tpu.memory_space<hbm>> -> memref<512xf32, #tpu.memory_space<hbm>>
      tpu.enqueue_dma source(%arg15 : memref<512xf32, #tpu.memory_space<vmem>>) target(%dma_start3A_373 : memref<512xf32, #tpu.memory_space<hbm>>) target_semaphore(%run_scoped3A : memref<!tpu.dma_semaphore, #tpu.memory_space<semaphore_mem>>)
      %dma_wait3A_374 = tpu.memref_slice %arg8[%multiple_of3A] : memref<16384xf32, #tpu.memory_space<hbm>> -> memref<512xf32, #tpu.memory_space<hbm>>
      %dma_wait3A_375 = tpu.memref_slice %arg8[%multiple_of3A] : memref<16384xf32, #tpu.memory_space<hbm>> -> memref<512xf32, #tpu.memory_space<hbm>>
      tpu.wait_dma2 semaphore(%run_scoped3A : memref<!tpu.dma_semaphore, #tpu.memory_space<semaphore_mem>>) src(%arg15 : memref<512xf32, #tpu.memory_space<vmem>>) dst(%dma_wait3A_375 : memref<512xf32, #tpu.memory_space<hbm>>)
      tpu.yield
    }) : () -> ()
    return
  }
}

</mosaic_0001>

<sc_bundles>
// kernel: kernel.4.cloned.1.call-start
scs
__scs_entry_jumppad:
0x0: {  	(pc) =	sbr.rel $0x88, $3  }
0x1: {  	(tag) =	ssettag $0x0;
	lr =	simm.s32 $0x1  }
0x2: {  	[smem:$0x3F9A] =	sst lr;
	_ =	strace $0xD0000000  }
0x3: {  	_ = 	snop  }
0x4: {  	_ = 	snop  }
0x5: {  	_ = 	snop  }
0x6: {  	_ = 	snop  }
0x7: {  	_ = 	snop  }
__scs_overlays_trampoline_lowered:
0x8: {  	[smem:$0x3FA9] =	sst s0  }
0x9: {  	[smem:$0x3FAA] =	sst s1  }
0xa: {  	[smem:$0x3FAB] =	sst s2  }
0xb: {  	[smem:$0x3FAC] =	sst s3  }
0xc: {  	[smem:$0x3FAD] =	sst s4  }
0xd: {  	[smem:$0x3FAE] =	sst s5  }
0xe: {  	[smem:$0x3FAF] =	sst s6  }
0xf: {  	[smem:$0x3FB0] =	sst s7  }
0x10: {  	[smem:$0x3FB1] =	sst s8  }
0x11: {  	[smem:$0x3FB2] =	sst s9;
	s0 =	simm.s32 @!p0 $0x0  }
0x12: {  	s1 =	sld [smem:$0x3F98];
	s0 =	simm.s32 @p0 $0x1  }
0x13: {  	[smem:$0x3FB3] =	sst s0;
	s0 =	simm.s32 @!p1 $0x0  }
0x14: {  	s2 =	sld [smem:$0x3F97];
	s0 =	simm.s32 @p1 $0x1  }
0x15: {  	[smem:$0x3FB4] =	sst s0;
	s0 =	simm.s32 @!p2 $0x0  }
0x16: {  	s3 =	sld [smem:$0x3FDB];
	s0 =	simm.s32 @p2 $0x1  }
0x17: {  	s4 =	simm.s32 $0x1BF5;
	[smem:$0x3FB6] =	sst s0  }
0x18: {  	s0 =	sld [smem:$0x3F99];
	_ =	swait.ge [sflag:s4], $0x0  }
0x19: {  	s7 =	sld [smem:$0x3F9A]  }
0x1a: {  	s8 =	sadd.s32 $0xFFFFE003, lr  }
0x1b: {  	s9 =	sadd.s32 $0xFFFFFEF7, lr;
	s5 =	simm.s32 $0xFFFFFFFF;
	p2 =	slt.u32 s8, $0xFFFFF086  }
0x1c: {  	p1 =	slt.u32 s9, $0xF7A;
	s5 =	simm.s32 @!p2 $0x0  }
0x1d: {  	s5 =	simm.s32 @p1 $0x1;
	p0 =	seq.s32 s7, s2  }
0x1e: {  	s7 =	smul.u32 @!p0 $0xF7A, s2;
	p2 =	seq.s32 @!p0 s5, $0x0  }
0x1f: {  	s9 =	smul.u32 $0xF7A, s1;
	s8 =	simm.s32 @!p0 $0x1BF5;
	p2 =	por !p2, p0  }
0x20: {  	[sflag:s8] =	ssyncset.s32 @!p0 $0xFFFFF086;
	s6 =	sadd.s32 @!p0 s3, s7;
	s7 =	simm.s32 @!p0 $0x108  }
0x21: {  	s3 =	sadd.s32 s3, s9;
	s6 =	sadd.s32 @!p0 $0x88, s6;
	s7 =	simm.s32 @p2 $0x1082  }
0x22: {  	[simem:s7], [sflag:s8] =	dma.local @!p0 [hbm:s6], $0xF7A  }
0x23: {  	s9 =	sor.u32 $0xD0000000, s2;
	s6 =	simm.s32 $0x108;
	_ =	swait.ge @!p0 [sflag:s8], $0x0  }
0x24: {  	s3 =	sadd.s32 $0x88, s3;
	s6 =	simm.s32 @!p1 $0x1082;
	[sflag:s4] =	ssyncset.s32 $0xFFFFF086  }
0x25: {  	[simem:s6], [sflag:s4] =	dma.local [hbm:s3], $0xF7A  }
0x26: {  	[smem:$0x3F9A] =	sst s1;
	(tag) =	ssettag s2;
	_ =	strace s9  }
0x27: {  	s1 =	sld [smem:$0x3FAA]  }
0x28: {  	s2 =	sld [smem:$0x3FAB]  }
0x29: {  	s4 =	sld [smem:$0x3FAD]  }
0x2a: {  	p0 =	seq.s32 s5, $0x0;
	s5 =	sld [smem:$0x3FAE]  }
0x2b: {  	s6 =	sld [smem:$0x3FAF]  }
0x2c: {  	s7 =	sld [smem:$0x3FB0]  }
0x2d: {  	s3 =	simm.s32 $0x108;
	s8 =	sld [smem:$0x3FB1]  }
0x2e: {  	s3 =	simm.s32 @!p0 $0x1082;
	s9 =	sld [smem:$0x3FB2]  }
0x2f: {  	lr =	sadd.s32 s0, s3;
	s0 =	sld [smem:$0x3FA9]  }
0x30: {  	s3 =	sld [smem:$0x3FAC]  }
0x31: {  	[smem:$0x3FB5] =	sst s10  }
0x32: {  	s10 =	sld [smem:$0x3FB3];
	_ =	sdelay $0x3  }
0x33: {  	p0 =	seq.s32 s10, $0x1;
	s10 =	sld [smem:$0x3FB5];
	_ =	sdelay $0x3  }
0x34: {  	[smem:$0x3FB5] =	sst s10  }
0x35: {  	s10 =	sld [smem:$0x3FB4];
	_ =	sdelay $0x3  }
0x36: {  	p1 =	seq.s32 s10, $0x1;
	s10 =	sld [smem:$0x3FB5];
	_ =	sdelay $0x3  }
0x37: {  	[smem:$0x3FB5] =	sst s10  }
0x38: {  	s10 =	sld [smem:$0x3FB6]  }
0x39: {  	_ = 	snop;
	(pc) =	sbr.ind lr, $3  }
0x3a: {  	_ = 	snop  }
0x3b: {  	_ = 	snop  }
0x3c: {  	p2 =	seq.s32 s10, $0x1;
	s10 =	sld [smem:$0x3FB5]  }
0x3d: {  	_ =	shalt  }
0x3e: {  	_ =	shalt  }
0x3f: {  	_ =	shalt  }
0x40: {  	_ =	shalt  }
0x41: {  	_ =	shalt  }
0x42: {  	_ =	shalt  }
0x43: {  	_ =	shalt  }
0x44: {  	_ =	shalt  }
0x45: {  	_ =	shalt  }
0x46: {  	_ =	shalt  }
0x47: {  	_ =	shalt  }
0x48: {  	_ =	shalt  }
0x49: {  	_ =	shalt  }
0x4a: {  	_ =	shalt  }
0x4b: {  	_ =	shalt  }
0x4c: {  	_ =	shalt  }
0x4d: {  	_ =	shalt  }
0x4e: {  	_ =	shalt  }
0x4f: {  	_ =	shalt  }
0x50: {  	_ =	shalt  }
0x51: {  	_ =	shalt  }
0x52: {  	_ =	shalt  }
0x53: {  	_ =	shalt  }
0x54: {  	_ =	shalt  }
0x55: {  	_ =	shalt  }
0x56: {  	_ =	shalt  }
0x57: {  	_ =	shalt  }
0x58: {  	_ =	shalt  }
0x59: {  	_ =	shalt  }
0x5a: {  	_ =	shalt  }
0x5b: {  	_ =	shalt  }
0x5c: {  	_ =	shalt  }
0x5d: {  	_ =	shalt  }
0x5e: {  	_ =	shalt  }
0x5f: {  	_ =	shalt  }
0x60: {  	_ =	shalt  }
0x61: {  	_ =	shalt  }
0x62: {  	_ =	shalt  }
0x63: {  	_ =	shalt  }
0x64: {  	_ =	shalt  }
0x65: {  	_ =	shalt  }
0x66: {  	_ =	shalt  }
0x67: {  	_ =	shalt  }
0x68: {  	_ =	shalt  }
0x69: {  	_ =	shalt  }
0x6a: {  	_ =	shalt  }
0x6b: {  	_ =	shalt  }
0x6c: {  	_ =	shalt  }
0x6d: {  	_ =	shalt  }
0x6e: {  	_ =	shalt  }
0x6f: {  	_ =	shalt  }
0x70: {  	_ =	shalt  }
0x71: {  	_ =	shalt  }
0x72: {  	_ =	shalt  }
0x73: {  	_ =	shalt  }
0x74: {  	_ =	shalt  }
0x75: {  	_ =	shalt  }
0x76: {  	_ =	shalt  }
0x77: {  	_ =	shalt  }
0x78: {  	_ =	shalt  }
0x79: {  	_ =	shalt  }
0x7a: {  	_ =	shalt  }
0x7b: {  	_ =	shalt  }
0x7c: {  	_ =	shalt  }
0x7d: {  	_ =	shalt  }
0x7e: {  	_ =	shalt  }
0x7f: {  	_ =	shalt  }
0x80: {  	_ =	shalt  }
0x81: {  	_ =	shalt  }
0x82: {  	_ =	shalt  }
0x83: {  	_ =	shalt  }
0x84: {  	_ =	shalt  }
0x85: {  	_ =	shalt  }
0x86: {  	_ =	shalt  }
0x87: {  	_ =	shalt  }
.Lfunc_end0:
.L_simem_size_0:
called_computation_lowered:
.L_overlay_start_0:
0x88: {  	s2 =	sld [smem:$0x3FD9]  }
0x89: {  	s3 =	sld [smem:$0x3FFE];
	_ =	sdelay $0x1  }
0x8a: {  	s1 =	srdreg.scid  }
0x8b: {  	s0 =	sand.u32 $0x1, s1  }
0x8c: {  	s17 =	sshll.u32 s0, $0xA;
	s2 =	sadd.s32 s3, s2  }
0x8d: {  	s2 =	sadd.s32 s2, s17  }
0x8e: {  	[smem:$0x3FC1] =	sst s2  }
0x8f: {  	_ = 	snop  }
0x90: {  	s2 =	sld [smem:$0x3FC9]  }
0x91: {  	s18 =	sld [smem:$0x3FC8]  }
0x92: {  	s4 =	sld [smem:$0x3FC7]  }
0x93: {  	s5 =	sld [smem:$0x3FC6];
	(tm) =	ssettm $0x1  }
0x94: {  	s6 =	sld [smem:$0x3FFB];
	_ =	sdelay $0x3  }
0x95: {  	_ =	strace s6  }
0x96: {  	s6 =	sld [smem:$0x3FFC];
	_ =	sdelay $0x3  }
0x97: {  	_ =	strace s6  }
0x98: {  	s6 =	sld [smem:$0x3FFD];
	_ =	sdelay $0x3  }
0x99: {  	_ =	strace s6  }
0x9a: {  	_ =	strace $0x8FFFFFFF  }
0x9b: {  	s19 =	sld [smem:$0x3FDB];
	_ =	sdelay $0x1  }
0x9c: {  	s7 =	simm.s32 $_scs_section_size  }
0x9d: {  	s8 =	simm.s32 $_size__tile_overlayer_lowered;
	s9 =	simm.s32 $_tile_overlayer_lowered  }
0x9e: {  	s22 =	simm.s32 $0x1BFF;
	s21 =	sshll.u32 s9, $0x1;
	s6 =	sadd.s32 s7, s19  }
0x9f: {  	s10 =	simm.s32 $0x0;
	s20 =	sshll.u32 s8, $0x1;
	s8 =	sadd.s32 s21, s6  }
0xa0: {  	[timem:s10], [sflag:s22] =	dma.local [hbm:s8], s20  }
0xa1: {  	_ =	swait.ge [sflag:s22], s20  }
0xa2: {  	s7 =	ssub.s32 $0x0, s20;
	[sflag:s22] =	ssyncset.done $0x0  }
0xa3: {  	[sflag:s22] =	ssyncadd.s32 s7;
	_ =	sdelay $0x1  }
0xa4: {  	s23 =	simm.s32 $0x1B8B  }
0xa5: {  	_ =	swait.ge [sflag:s23], $0x1  }
0xa6: {  	[sflag:s23] =	ssyncset.done $0x0  }
0xa7: {  	s25 =	simm.s32 $0x1B8E;
	s24 =	sld [smem:$0x3FFE];
	[sflag:s23] =	ssyncadd.s32 $0xFFFFFFFF  }
0xa8: {  	s26 =	simm.s32 $execute0_lowered;
	[smem:$0x3FD2] =	sst s25  }
0xa9: {  	s8 =	sshll.u32 s26, $0x1;
	_ =	strace $0x80000046;
	[dreg:$0x1] =	wrdreg $0xFFFFFFFF  }
0xaa: {  	s28 =	simm.s32 $_size_execute0_lowered;
	s6 =	sadd.s32 s6, s8;
	[dreg:$0x0] =	wrdreg $0x0  }
0xab: {  	s8 =	sshll.u32 s28, $0x1;
	[dreg:$0x2] =	wrdreg s6  }
0xac: {  	[dreg:$0x3] =	wrdreg s8  }
0xad: {  	[dreg:$0x4] =	wrdreg $0xC0  }
0xae: {  	_ =	task [dreg:s10], $0x5FFFF  }
0xaf: {  	[dreg:$0x1] =	wrdreg $0xFFFFFFFF  }
0xb0: {  	[dreg:$0x0] =	wrdreg $0x60  }
0xb1: {  	[dreg:$0x2] =	wrdreg s2  }
0xb2: {  	[dreg:$0x3] =	wrdreg s18  }
0xb3: {  	[dreg:$0x4] =	wrdreg s4  }
0xb4: {  	[dreg:$0x5] =	wrdreg s5  }
0xb5: {  	[dreg:$0x6] =	wrdreg s24  }
0xb6: {  	[dreg:$0x7] =	wrdreg $0x9  }
0xb7: {  	_ =	task.clear_ibuf [dreg:s10], $0x8FFFF;
	_ =	strace $0x90000046  }
0xb8: {  	s29 =	simm.s32 $0x9;
	_ =	strace $0x80000048  }
0xb9: {  	_ =	swait.ge [sflag:s29], $0x1  }
0xba: {  	[sflag:s29] =	ssyncadd.s32 $0xFFFFFFFF  }
0xbb: {  	_ =	strace $0x90000048  }
0xbc: {  	_ =	sfence  }
0xbd: {  	s30 =	sld [smem:$0x0];
	_ =	sdelay $0x2  }
0xbe: {  	s31 =	sshll.u32 s1, $0xD;
	s1 =	sshrl.u32 s1, $0x2  }
0xbf: {  	s3 =	sand.u32 $0x4000, s31;
	s1 =	sadd.s32 s1, s30  }
0xc0: {  	s0 =	sor.u32 s3, s0;
	s1 =	sshll.u32 s1, $0x11  }
0xc1: {  	s0 =	sor.u32 s1, s0  }
0xc2: {  	s0 =	sadd.s32 $0x8F2B, s0  }
0xc3: {  	[sflag:s0] =	ssyncadd.remote.s32 $0x1  }
0xc4: {  	_ =	sfence.sel $0xFFFF  }
0xc5: {  	[dreg:$0x0] =	wrdreg $0xFFFFFFFF;
	(pc) =	sbr.abs _section_cstart, $3  }
0xc6: {  	[dreg:$0x1] =	wrdreg $0xFFFFFFFF  }
0xc7: {  	_ =	task.clear_ibuf [dreg:s10], $0x2FFFF;
	_ =	strace $0x9FFFFFFF  }
0xc8: {  	(tm) =	ssettm $0x7FFFFFFF  }
0xc9: {  	_ =	shalt  }
tec
execute0_lowered:
.L_overlay_start_1:
0x0: {  	(tag) =	ssettag $0x1  }
0x1: {  	s5 =	rddreg [dreg:$0x0]  }
0x2: {  	s6 =	rddreg [dreg:$0x1]  }
0x3: {  	s1 =	rddreg [dreg:$0x2]  }
0x4: {  	s2 =	rddreg [dreg:$0x3]  }
0x5: {  	s7 =	rddreg [dreg:$0x4]  }
0x6: {  	s0 =	rddreg [dreg:$0x5];
	s8 =	srdreg.scid  }
0x7: {  	s4 =	simm.s32 $0x0;
	s3 =	stileid.u32;
	s11 =	simm.s32 $0x80  }
0x8: {  	s12 =	simm.s32 $0x400;
	s13 =	simm.s32 $0xC400;
	s14 =	simm.s32 $0x4400  }
0x9: {  	s15 =	simm.s32 $0x280;
	s16 =	simm.s32 $0x10400;
	s17 =	simm.s32 $0x100  }
0xa: {  	s18 =	simm.s32 $0x8400;
	s19 =	simm.s32 $0x300;
	s20 =	simm.s32 $0x14400  }
0xb: {  	s21 =	simm.s32 $0x1;
	s22 =	simm.s32 $0x180;
	s23 =	simm.s32 $0x380  }
0xc: {  	v0 =	vlaneseq.u32;
	s24 =	simm.s32 $0x18400;
	s25 =	simm.s32 $0x0;
	s8 =	sand.u32 $0x1, s8  }
0xd: {  	s9 =	sshll.u32 s3, $0x7;
	[smem:$0x7FF] =	sst s4;
	v0 =	vmul.u32 $0x80, v0;
	s10 =	sshll.u32 s8, $0x6  }
0xe: {  	s8 =	ssub.s32 $0x2, s8;
	_ =	strace $0x80000047;
	s9 =	sor.u32 s10, s9  }
0xf: {  	s31 =	sshrl.u32 s8, $0x1;
	s10 =	simm.s32 $0x200;
	v1 =	vor.u32 $0x800, v0;
	s7 =	sadd.s32 s9, s7  }
0x10: {  	v2 =	vor.u32 $0x1000, v0;
	v3 =	vor.u32 $0x1800, v0;
	v4 =	vor.u32 $0x2000, v0;
	s8 =	ssub.s32 s8, s31;
	s5 =	sadd.s32 s5, s9;
	s6 =	sadd.s32 s6, s9  }
0x11: {  	v5 =	vor.u32 $0x2800, v0;
	v6 =	vor.u32 $0x3000, v0;
	v7 =	vor.u32 $0x3800, v0;
	s9 =	simm.s32 $0x2;
	s7 =	sadd.s32 $0x200, s7;
	s8 =	smax.u32 s8, $0x1  }
.LBB2_1:
0x12: {  	[tilespmem:s4], [sflag:$0x2] =	stream.linear.gather [hbm4b:s5+s4], $0x200, $0x38;
	[tilespmem:$0x18600] =	vst v63  }
0x13: {  	_ =	swait.ge [sflag:s9], $0x200  }
0x14: {  	[sflag:s9] =	ssyncset.done $0x0  }
0x15: {  	[sflag:s9] =	ssyncadd.s32 $0xFFFFFE00  }
0x16: {  	[tilespmem:s10], [sflag:$0x2] =	stream.linear.gather [hbm4b:s6+s4], $0x200, $0x38;
	[tilespmem:$0x18600] =	vst v63  }
0x17: {  	_ =	swait.ge [sflag:s9], $0x200  }
0x18: {  	[sflag:s9] =	ssyncset.done $0x0  }
0x19: {  	[sflag:s9] =	ssyncadd.s32 $0xFFFFFE00  }
0x1a: {  	[tilespmem:s12], [sflag:$0x1] =	stream.indirect.gather [hbm4b:s1+s11], $0x80, s4, s11, $0xb8;
	[tilespmem:$0x18600] =	vst v63  }
0x1b: {  	_ = 	snop  }
0x1c: {  	[tilespmem:s13], [sflag:$0x1] =	stream.indirect.gather [hbm4b:s2+s11], $0x80, s10, s11, $0xb8;
	[tilespmem:$0x18600] =	vst v63  }
0x1d: {  	_ = 	snop  }
0x1e: {  	[tilespmem:s14], [sflag:$0x1] =	stream.indirect.gather [hbm4b:s1+s11], $0x80, s11, s11, $0xb8;
	[tilespmem:$0x18600] =	vst v63  }
0x1f: {  	_ = 	snop  }
0x20: {  	[tilespmem:s16], [sflag:$0x1] =	stream.indirect.gather [hbm4b:s2+s11], $0x80, s15, s11, $0xb8;
	[tilespmem:$0x18600] =	vst v63  }
0x21: {  	_ = 	snop  }
0x22: {  	v8 =	vmov s4;
	[tilespmem:s18], [sflag:$0x1] =	stream.indirect.gather [hbm4b:s1+s11], $0x80, s17, s11, $0xb8;
	[tilespmem:$0x18600] =	vst v63  }
0x23: {  	s26 =	simm.s32 $0x1;
	v8 =	vand.u32 $0x7C, v8  }
0x24: {  	v9 =	vmov s26;
	v8 =	vbroadcast v8, $0x0;
	[tilespmem:s20], [sflag:$0x1] =	stream.indirect.gather [hbm4b:s2+s11], $0x80, s19, s11, $0xb8;
	[tilespmem:$0x18600] =	vst v63  }
0x25: {  	s30 =	simm.s32 $0x2;
	v9 =	vand.u32 $0x7D, v9;
	_ =	swait.ge [sflag:s21], $0x4000  }
0x26: {  	v10 =	vmov s30;
	v9 =	vbroadcast v9, $0x0;
	v8 =	vor.u32 v0, v8;
	[sflag:s21] =	ssyncset.done $0x0  }
0x27: {  	s31 =	simm.s32 $0x3;
	v10 =	vand.u32 $0x7E, v10;
	[sflag:s21] =	ssyncadd.s32 $0xFFFFC000  }
0x28: {  	v11 =	vmov s31;
	v10 =	vbroadcast v10, $0x0;
	v9 =	vor.u32 v0, v9;
	_ =	swait.ge [sflag:s21], $0x4000  }
0x29: {  	s29 =	simm.s32 $0x4;
	v11 =	vand.u32 $0x7F, v11;
	[sflag:s21] =	ssyncset.done $0x0  }
0x2a: {  	v12 =	vmov s29;
	v11 =	vbroadcast v11, $0x0;
	v10 =	vor.u32 v0, v10;
	[sflag:s21] =	ssyncadd.s32 $0xFFFFC000  }
0x2b: {  	s30 =	simm.s32 $0x5;
	v12 =	vand.u32 $0x7C, v12;
	v14 =	vld.idx.msk [tilespmem:v8+s12+$0x0], $0xffff  }
0x2c: {  	v12 =	vbroadcast v12, $0x0;
	v19 =	vor.u32 v0, v11;
	v11 =	vmov s30;
	v17 =	vld.idx.msk [tilespmem:v8+s13+$0x0], $0xffff  }
0x2d: {  	s31 =	simm.s32 $0x6;
	v13 =	vand.u32 $0x7D, v11;
	v8 =	vld.idx.msk [tilespmem:v9+s12+$0x0], $0xffff  }
0x2e: {  	s28 =	simm.s32 $0x7;
	s26 =	simm.s32 $0x8;
	v15 =	vmov s31;
	v11 =	vor.u32 v0, v12;
	v13 =	vbroadcast v13, $0x0;
	v12 =	vld.idx.msk [tilespmem:v9+s13+$0x0], $0xffff  }
0x2f: {  	v16 =	vmov s28;
	v20 =	vmov s26;
	v15 =	vand.u32 $0x7E, v15;
	v9 =	vld.idx.msk [tilespmem:v10+s12+$0x0], $0xffff  }
0x30: {  	s28 =	simm.s32 $0x9;
	v22 =	vand.u32 $0x7F, v16;
	v21 =	vbroadcast v15, $0x0;
	v15 =	vor.u32 v0, v13;
	v16 =	vld.idx.msk [tilespmem:v10+s13+$0x0], $0xffff  }
0x31: {  	v18 =	vimm.f32 $0.0e+00;
	v25 =	vmov s28;
	v24 =	vand.u32 $0x7C, v20;
	v10 =	vld.idx.msk [tilespmem:v19+s12+$0x0], $0xffff  }
0x32: {  	s28 =	simm.s32 $0xA;
	v20 =	vbroadcast v22, $0x0;
	v13 =	vor.u32 v0, v21;
	v23 =	vmul.f32 v17, v14;
	v17 =	vld.idx.msk [tilespmem:v19+s13+$0x0], $0xffff  }
0x33: {  	v22 =	vand.u32 $0x7D, v25;
	v21 =	vmov s28;
	s28 =	simm.s32 $0xC;
	v19 =	vbroadcast v24, $0x0;
	v14 =	vld.idx.msk [tilespmem:v11+s12+$0x0], $0xffff  }
.LBB2_2:
0x34: {  	p0 =	sne.s32 s28, $0x7C;
	s29 =	sadd.s32 $0x3, s26;
	v24 =	vld.idx.msk [tilespmem:v11+s13+$0x0], $0xffff;
	v25 =	vor.u32 v0, v20;
	v18 =	vadd.f32 v23, v18;
	v20 =	vmul.f32 v12, v8;
	s26 =	smov.u32 s28  }
0x35: {  	v22 =	vbroadcast v22, $0x0;
	v21 =	vand.u32 $0x7E, v21;
	v23 =	vmov s29;
	v8 =	vld.idx.msk [tilespmem:v15+s12+$0x0], $0xffff  }
0x36: {  	v11 =	vor.u32 v0, v19;
	v19 =	vmul.f32 v16, v9;
	v12 =	vld.idx.msk [tilespmem:v15+s13+$0x0], $0xffff;
	v18 =	vadd.f32 v20, v18  }
.Ltmp0:
0x37: {  	v21 =	vbroadcast v21, $0x0;
	v20 =	vmov s28;
	v23 =	vand.u32 $0x7F, v23;
	v9 =	vld.idx.msk [tilespmem:v13+s12+$0x0], $0xffff;
	(pc) =	sbr.rel @p0 .LBB2_2-.Ltmp0, $4  }
0x38: {  	s29 =	sadd.s32 $0x1, s28;
	v15 =	vor.u32 v0, v22;
	v16 =	vld.idx.msk [tilespmem:v13+s13+$0x0], $0xffff;
	v18 =	vadd.f32 v19, v18;
	v19 =	vmul.f32 v17, v10  }
0x39: {  	v26 =	vmov s29;
	v22 =	vand.u32 $0x7C, v20;
	v20 =	vbroadcast v23, $0x0;
	v10 =	vld.idx.msk [tilespmem:v25+s12+$0x0], $0xffff  }
0x3a: {  	s29 =	sadd.s32 $0x2, s28;
	v13 =	vor.u32 v0, v21;
	v23 =	vmul.f32 v24, v14;
	v17 =	vld.idx.msk [tilespmem:v25+s13+$0x0], $0xffff;
	v18 =	vadd.f32 v19, v18  }
0x3b: {  	s28 =	sadd.s32 $0x4, s28;
	v21 =	vmov s29;
	v19 =	vbroadcast v22, $0x0;
	v22 =	vand.u32 $0x7D, v26;
	v14 =	vld.idx.msk [tilespmem:v11+s12+$0x0], $0xffff  }
0x3c: {  	_ =	sdelay $0x2  }
0x3d: {  	v18 =	vadd.f32 v23, v18;
	v8 =	vmul.f32 v12, v8  }
0x3e: {  	v11 =	vld.idx.msk [tilespmem:v11+s13+$0x0], $0xffff;
	v12 =	vor.u32 v0, v20  }
0x3f: {  	v20 =	vld.idx.msk [tilespmem:v15+s12+$0x0], $0xffff;
	v9 =	vmul.f32 v16, v9;
	v8 =	vadd.f32 v8, v18  }
0x40: {  	v15 =	vld.idx.msk [tilespmem:v15+s13+$0x0], $0xffff;
	v16 =	vbroadcast v22, $0x0;
	v18 =	vor.u32 v0, v19  }
0x41: {  	s26 =	sadd.s32 $0x3, s26;
	v19 =	vand.u32 $0x7E, v21;
	v21 =	vld.idx.msk [tilespmem:v13+s12+$0x0], $0xffff;
	v8 =	vadd.f32 v9, v8;
	v9 =	vmul.f32 v17, v10  }
0x42: {  	v13 =	vld.idx.msk [tilespmem:v13+s13+$0x0], $0xffff;
	v16 =	vor.u32 v0, v16;
	v10 =	vmov s26;
	v17 =	vbroadcast v19, $0x0  }
0x43: {  	v10 =	vand.u32 $0x7F, v10;
	v19 =	vld.idx.msk [tilespmem:v12+s12+$0x0], $0xffff;
	v11 =	vmul.f32 v11, v14;
	v8 =	vadd.f32 v9, v8  }
0x44: {  	v12 =	vld.idx.msk [tilespmem:v12+s13+$0x0], $0xffff;
	v9 =	vbroadcast v10, $0x0;
	v10 =	vor.u32 v0, v17  }
0x45: {  	v14 =	vld.idx.msk [tilespmem:v18+s12+$0x0], $0xffff;
	v8 =	vadd.f32 v11, v8;
	v11 =	vmul.f32 v15, v20  }
0x46: {  	v15 =	vld.idx.msk [tilespmem:v18+s13+$0x0], $0xffff;
	v9 =	vor.u32 v0, v9  }
0x47: {  	v17 =	vld.idx.msk [tilespmem:v16+s12+$0x0], $0xffff;
	v8 =	vadd.f32 v11, v8;
	v11 =	vmul.f32 v13, v21  }
0x48: {  	v13 =	vld.idx.msk [tilespmem:v16+s13+$0x0], $0xffff  }
0x49: {  	v16 =	vld.idx.msk [tilespmem:v10+s12+$0x0], $0xffff;
	v8 =	vadd.f32 v11, v8;
	v11 =	vmul.f32 v12, v19  }
0x4a: {  	v10 =	vld.idx.msk [tilespmem:v10+s13+$0x0], $0xffff  }
0x4b: {  	v12 =	vld.idx.msk [tilespmem:v9+s12+$0x0], $0xffff;
	v14 =	vmul.f32 v15, v14;
	v8 =	vadd.f32 v11, v8  }
0x4c: {  	v9 =	vld.idx.msk [tilespmem:v9+s13+$0x0], $0xffff  }
0x4d: {  	s31 =	simm.s32 $0x0;
	v11 =	vmul.f32 v13, v17;
	v8 =	vadd.f32 v14, v8  }
0x4e: {  	v13 =	vmov s31  }
0x4f: {  	s29 =	simm.s32 $0x1;
	v10 =	vmul.f32 v10, v16;
	v8 =	vadd.f32 v11, v8;
	v11 =	vand.u32 $0x7C, v13  }
0x50: {  	v13 =	vmov s29;
	v11 =	vbroadcast v11, $0x0  }
0x51: {  	s30 =	simm.s32 $0x2;
	v9 =	vmul.f32 v9, v12;
	v8 =	vadd.f32 v10, v8;
	v10 =	vand.u32 $0x7D, v13  }
0x52: {  	v12 =	vmov s30;
	v10 =	vbroadcast v10, $0x0;
	v11 =	vor.u32 v1, v11  }
0x53: {  	s31 =	simm.s32 $0x3;
	v8 =	vadd.f32 v9, v8;
	v9 =	vand.u32 $0x7E, v12  }
0x54: {  	v12 =	vmov s31;
	v9 =	vbroadcast v9, $0x0;
	v10 =	vor.u32 v1, v10  }
0x55: {  	s29 =	simm.s32 $0x4;
	v12 =	vand.u32 $0x7F, v12  }
0x56: {  	[tilespmem:$0x18400] =	vst v8;
	v8 =	vmov s29;
	v12 =	vbroadcast v12, $0x0;
	v13 =	vor.u32 v1, v9  }
0x57: {  	s30 =	simm.s32 $0x5;
	v8 =	vand.u32 $0x7C, v8;
	v14 =	vld.idx.msk [tilespmem:v11+s12+$0x0], $0xffff  }
0x58: {  	v9 =	vbroadcast v8, $0x0;
	v17 =	vld.idx.msk [tilespmem:v11+s13+$0x0], $0xffff;
	v19 =	vor.u32 v1, v12;
	v11 =	vmov s30  }
0x59: {  	s31 =	simm.s32 $0x6;
	v15 =	vand.u32 $0x7D, v11;
	v8 =	vld.idx.msk [tilespmem:v10+s12+$0x0], $0xffff  }
0x5a: {  	s28 =	simm.s32 $0x7;
	s26 =	simm.s32 $0x8;
	v16 =	vmov s31;
	v11 =	vor.u32 v1, v9;
	v12 =	vld.idx.msk [tilespmem:v10+s13+$0x0], $0xffff;
	v10 =	vbroadcast v15, $0x0  }
0x5b: {  	v20 =	vmov s26;
	v15 =	vand.u32 $0x7E, v16;
	v16 =	vmov s28;
	v9 =	vld.idx.msk [tilespmem:v13+s12+$0x0], $0xffff  }
0x5c: {  	s28 =	simm.s32 $0x9;
	v21 =	vbroadcast v15, $0x0;
	v22 =	vand.u32 $0x7F, v16;
	v16 =	vld.idx.msk [tilespmem:v13+s13+$0x0], $0xffff;
	v15 =	vor.u32 v1, v10  }
0x5d: {  	v18 =	vimm.f32 $0.0e+00;
	v24 =	vand.u32 $0x7C, v20;
	v25 =	vmov s28;
	v10 =	vld.idx.msk [tilespmem:v19+s12+$0x0], $0xffff  }
0x5e: {  	s28 =	simm.s32 $0xA;
	v20 =	vbroadcast v22, $0x0;
	v13 =	vor.u32 v1, v21;
	v23 =	vmul.f32 v17, v14;
	v17 =	vld.idx.msk [tilespmem:v19+s13+$0x0], $0xffff  }
0x5f: {  	v22 =	vand.u32 $0x7D, v25;
	v19 =	vbroadcast v24, $0x0;
	v21 =	vmov s28;
	s28 =	simm.s32 $0xC;
	v14 =	vld.idx.msk [tilespmem:v11+s12+$0x0], $0xffff  }
.LBB2_4:
0x60: {  	p0 =	sne.s32 s28, $0x7C;
	s29 =	sadd.s32 $0x3, s26;
	v24 =	vld.idx.msk [tilespmem:v11+s13+$0x0], $0xffff;
	v25 =	vor.u32 v1, v20;
	v18 =	vadd.f32 v23, v18;
	v20 =	vmul.f32 v12, v8;
	s26 =	smov.u32 s28  }
0x61: {  	v22 =	vbroadcast v22, $0x0;
	v21 =	vand.u32 $0x7E, v21;
	v23 =	vmov s29;
	v8 =	vld.idx.msk [tilespmem:v15+s12+$0x0], $0xffff  }
0x62: {  	v11 =	vor.u32 v1, v19;
	v19 =	vmul.f32 v16, v9;
	v12 =	vld.idx.msk [tilespmem:v15+s13+$0x0], $0xffff;
	v18 =	vadd.f32 v20, v18  }
.Ltmp1:
0x63: {  	v21 =	vbroadcast v21, $0x0;
	v20 =	vmov s28;
	v23 =	vand.u32 $0x7F, v23;
	v9 =	vld.idx.msk [tilespmem:v13+s12+$0x0], $0xffff;
	(pc) =	sbr.rel @p0 .LBB2_4-.Ltmp1, $4  }
0x64: {  	s29 =	sadd.s32 $0x1, s28;
	v15 =	vor.u32 v1, v22;
	v16 =	vld.idx.msk [tilespmem:v13+s13+$0x0], $0xffff;
	v18 =	vadd.f32 v19, v18;
	v19 =	vmul.f32 v17, v10  }
0x65: {  	v26 =	vmov s29;
	v22 =	vand.u32 $0x7C, v20;
	v20 =	vbroadcast v23, $0x0;
	v10 =	vld.idx.msk [tilespmem:v25+s12+$0x0], $0xffff  }
0x66: {  	s29 =	sadd.s32 $0x2, s28;
	v13 =	vor.u32 v1, v21;
	v23 =	vmul.f32 v24, v14;
	v17 =	vld.idx.msk [tilespmem:v25+s13+$0x0], $0xffff;
	v18 =	vadd.f32 v19, v18  }
0x67: {  	s28 =	sadd.s32 $0x4, s28;
	v21 =	vmov s29;
	v19 =	vbroadcast v22, $0x0;
	v22 =	vand.u32 $0x7D, v26;
	v14 =	vld.idx.msk [tilespmem:v11+s12+$0x0], $0xffff  }
0x68: {  	_ =	sdelay $0x2  }
0x69: {  	v18 =	vadd.f32 v23, v18;
	v8 =	vmul.f32 v12, v8  }
0x6a: {  	v11 =	vld.idx.msk [tilespmem:v11+s13+$0x0], $0xffff;
	v12 =	vor.u32 v1, v20  }
0x6b: {  	v20 =	vld.idx.msk [tilespmem:v15+s12+$0x0], $0xffff;
	v9 =	vmul.f32 v16, v9;
	v8 =	vadd.f32 v8, v18  }
0x6c: {  	v15 =	vld.idx.msk [tilespmem:v15+s13+$0x0], $0xffff;
	v16 =	vbroadcast v22, $0x0;
	v18 =	vor.u32 v1, v19  }
0x6d: {  	s26 =	sadd.s32 $0x3, s26;
	v19 =	vand.u32 $0x7E, v21;
	v21 =	vld.idx.msk [tilespmem:v13+s12+$0x0], $0xffff;
	v8 =	vadd.f32 v9, v8;
	v9 =	vmul.f32 v17, v10  }
0x6e: {  	v13 =	vld.idx.msk [tilespmem:v13+s13+$0x0], $0xffff;
	v16 =	vor.u32 v1, v16;
	v10 =	vmov s26;
	v17 =	vbroadcast v19, $0x0  }
0x6f: {  	v10 =	vand.u32 $0x7F, v10;
	v19 =	vld.idx.msk [tilespmem:v12+s12+$0x0], $0xffff;
	v11 =	vmul.f32 v11, v14;
	v8 =	vadd.f32 v9, v8  }
0x70: {  	v12 =	vld.idx.msk [tilespmem:v12+s13+$0x0], $0xffff;
	v9 =	vbroadcast v10, $0x0;
	v10 =	vor.u32 v1, v17  }
0x71: {  	v14 =	vld.idx.msk [tilespmem:v18+s12+$0x0], $0xffff;
	v8 =	vadd.f32 v11, v8;
	v11 =	vmul.f32 v15, v20  }
0x72: {  	v15 =	vld.idx.msk [tilespmem:v18+s13+$0x0], $0xffff;
	v9 =	vor.u32 v1, v9  }
0x73: {  	v17 =	vld.idx.msk [tilespmem:v16+s12+$0x0], $0xffff;
	v8 =	vadd.f32 v11, v8;
	v11 =	vmul.f32 v13, v21  }
0x74: {  	v13 =	vld.idx.msk [tilespmem:v16+s13+$0x0], $0xffff  }
0x75: {  	v16 =	vld.idx.msk [tilespmem:v10+s12+$0x0], $0xffff;
	v8 =	vadd.f32 v11, v8;
	v11 =	vmul.f32 v12, v19  }
0x76: {  	v10 =	vld.idx.msk [tilespmem:v10+s13+$0x0], $0xffff  }
0x77: {  	v12 =	vld.idx.msk [tilespmem:v9+s12+$0x0], $0xffff;
	v14 =	vmul.f32 v15, v14;
	v8 =	vadd.f32 v11, v8  }
0x78: {  	v9 =	vld.idx.msk [tilespmem:v9+s13+$0x0], $0xffff  }
0x79: {  	s31 =	simm.s32 $0x0;
	v11 =	vmul.f32 v13, v17;
	v8 =	vadd.f32 v14, v8  }
0x7a: {  	v13 =	vmov s31  }
0x7b: {  	s29 =	simm.s32 $0x1;
	v10 =	vmul.f32 v10, v16;
	v8 =	vadd.f32 v11, v8;
	v11 =	vand.u32 $0x7C, v13  }
0x7c: {  	v13 =	vmov s29;
	v11 =	vbroadcast v11, $0x0  }
0x7d: {  	s30 =	simm.s32 $0x2;
	v9 =	vmul.f32 v9, v12;
	v8 =	vadd.f32 v10, v8;
	v10 =	vand.u32 $0x7D, v13  }
0x7e: {  	v12 =	vmov s30;
	v10 =	vbroadcast v10, $0x0;
	v11 =	vor.u32 v2, v11  }
0x7f: {  	s31 =	simm.s32 $0x3;
	v8 =	vadd.f32 v9, v8;
	v9 =	vand.u32 $0x7E, v12  }
0x80: {  	v12 =	vmov s31;
	v9 =	vbroadcast v9, $0x0;
	v10 =	vor.u32 v2, v10  }
0x81: {  	s29 =	simm.s32 $0x4;
	v12 =	vand.u32 $0x7F, v12  }
0x82: {  	[tilespmem:$0x18410] =	vst v8;
	v8 =	vmov s29;
	v12 =	vbroadcast v12, $0x0;
	v13 =	vor.u32 v2, v9  }
0x83: {  	s30 =	simm.s32 $0x5;
	v8 =	vand.u32 $0x7C, v8;
	v14 =	vld.idx.msk [tilespmem:v11+s12+$0x0], $0xffff  }
0x84: {  	v9 =	vbroadcast v8, $0x0;
	v17 =	vld.idx.msk [tilespmem:v11+s13+$0x0], $0xffff;
	v19 =	vor.u32 v2, v12;
	v11 =	vmov s30  }
0x85: {  	s31 =	simm.s32 $0x6;
	v15 =	vand.u32 $0x7D, v11;
	v8 =	vld.idx.msk [tilespmem:v10+s12+$0x0], $0xffff  }
0x86: {  	s28 =	simm.s32 $0x7;
	s26 =	simm.s32 $0x8;
	v16 =	vmov s31;
	v11 =	vor.u32 v2, v9;
	v12 =	vld.idx.msk [tilespmem:v10+s13+$0x0], $0xffff;
	v10 =	vbroadcast v15, $0x0  }
0x87: {  	v20 =	vmov s26;
	v15 =	vand.u32 $0x7E, v16;
	v16 =	vmov s28;
	v9 =	vld.idx.msk [tilespmem:v13+s12+$0x0], $0xffff  }
0x88: {  	s28 =	simm.s32 $0x9;
	v21 =	vbroadcast v15, $0x0;
	v22 =	vand.u32 $0x7F, v16;
	v16 =	vld.idx.msk [tilespmem:v13+s13+$0x0], $0xffff;
	v15 =	vor.u32 v2, v10  }
0x89: {  	v18 =	vimm.f32 $0.0e+00;
	v24 =	vand.u32 $0x7C, v20;
	v25 =	vmov s28;
	v10 =	vld.idx.msk [tilespmem:v19+s12+$0x0], $0xffff  }
0x8a: {  	s28 =	simm.s32 $0xA;
	v20 =	vbroadcast v22, $0x0;
	v13 =	vor.u32 v2, v21;
	v23 =	vmul.f32 v17, v14;
	v17 =	vld.idx.msk [tilespmem:v19+s13+$0x0], $0xffff  }
0x8b: {  	v22 =	vand.u32 $0x7D, v25;
	v19 =	vbroadcast v24, $0x0;
	v21 =	vmov s28;
	s28 =	simm.s32 $0xC;
	v14 =	vld.idx.msk [tilespmem:v11+s12+$0x0], $0xffff  }
.LBB2_6:
0x8c: {  	p0 =	sne.s32 s28, $0x7C;
	s29 =	sadd.s32 $0x3, s26;
	v24 =	vld.idx.msk [tilespmem:v11+s13+$0x0], $0xffff;
	v25 =	vor.u32 v2, v20;
	v18 =	vadd.f32 v23, v18;
	v20 =	vmul.f32 v12, v8;
	s26 =	smov.u32 s28  }
0x8d: {  	v22 =	vbroadcast v22, $0x0;
	v21 =	vand.u32 $0x7E, v21;
	v23 =	vmov s29;
	v8 =	vld.idx.msk [tilespmem:v15+s12+$0x0], $0xffff  }
0x8e: {  	v11 =	vor.u32 v2, v19;
	v19 =	vmul.f32 v16, v9;
	v12 =	vld.idx.msk [tilespmem:v15+s13+$0x0], $0xffff;
	v18 =	vadd.f32 v20, v18  }
.Ltmp2:
0x8f: {  	v21 =	vbroadcast v21, $0x0;
	v20 =	vmov s28;
	v23 =	vand.u32 $0x7F, v23;
	v9 =	vld.idx.msk [tilespmem:v13+s12+$0x0], $0xffff;
	(pc) =	sbr.rel @p0 .LBB2_6-.Ltmp2, $4  }
0x90: {  	s29 =	sadd.s32 $0x1, s28;
	v15 =	vor.u32 v2, v22;
	v16 =	vld.idx.msk [tilespmem:v13+s13+$0x0], $0xffff;
	v18 =	vadd.f32 v19, v18;
	v19 =	vmul.f32 v17, v10  }
0x91: {  	v26 =	vmov s29;
	v22 =	vand.u32 $0x7C, v20;
	v20 =	vbroadcast v23, $0x0;
	v10 =	vld.idx.msk [tilespmem:v25+s12+$0x0], $0xffff  }
0x92: {  	s29 =	sadd.s32 $0x2, s28;
	v13 =	vor.u32 v2, v21;
	v23 =	vmul.f32 v24, v14;
	v17 =	vld.idx.msk [tilespmem:v25+s13+$0x0], $0xffff;
	v18 =	vadd.f32 v19, v18  }
0x93: {  	s28 =	sadd.s32 $0x4, s28;
	v21 =	vmov s29;
	v19 =	vbroadcast v22, $0x0;
	v22 =	vand.u32 $0x7D, v26;
	v14 =	vld.idx.msk [tilespmem:v11+s12+$0x0], $0xffff  }
0x94: {  	_ =	sdelay $0x2  }
0x95: {  	v18 =	vadd.f32 v23, v18;
	v8 =	vmul.f32 v12, v8  }
0x96: {  	v11 =	vld.idx.msk [tilespmem:v11+s13+$0x0], $0xffff;
	v12 =	vor.u32 v2, v20  }
0x97: {  	v20 =	vld.idx.msk [tilespmem:v15+s12+$0x0], $0xffff;
	v9 =	vmul.f32 v16, v9;
	v8 =	vadd.f32 v8, v18  }
0x98: {  	v15 =	vld.idx.msk [tilespmem:v15+s13+$0x0], $0xffff;
	v16 =	vbroadcast v22, $0x0;
	v18 =	vor.u32 v2, v19  }
0x99: {  	s26 =	sadd.s32 $0x3, s26;
	v19 =	vand.u32 $0x7E, v21;
	v21 =	vld.idx.msk [tilespmem:v13+s12+$0x0], $0xffff;
	v8 =	vadd.f32 v9, v8;
	v9 =	vmul.f32 v17, v10  }
0x9a: {  	v13 =	vld.idx.msk [tilespmem:v13+s13+$0x0], $0xffff;
	v16 =	vor.u32 v2, v16;
	v10 =	vmov s26;
	v17 =	vbroadcast v19, $0x0  }
0x9b: {  	v10 =	vand.u32 $0x7F, v10;
	v19 =	vld.idx.msk [tilespmem:v12+s12+$0x0], $0xffff;
	v11 =	vmul.f32 v11, v14;
	v8 =	vadd.f32 v9, v8  }
0x9c: {  	v12 =	vld.idx.msk [tilespmem:v12+s13+$0x0], $0xffff;
	v9 =	vbroadcast v10, $0x0;
	v10 =	vor.u32 v2, v17  }
0x9d: {  	v14 =	vld.idx.msk [tilespmem:v18+s12+$0x0], $0xffff;
	v8 =	vadd.f32 v11, v8;
	v11 =	vmul.f32 v15, v20  }
0x9e: {  	v15 =	vld.idx.msk [tilespmem:v18+s13+$0x0], $0xffff;
	v9 =	vor.u32 v2, v9  }
0x9f: {  	v17 =	vld.idx.msk [tilespmem:v16+s12+$0x0], $0xffff;
	v8 =	vadd.f32 v11, v8;
	v11 =	vmul.f32 v13, v21  }
0xa0: {  	v13 =	vld.idx.msk [tilespmem:v16+s13+$0x0], $0xffff  }
0xa1: {  	v16 =	vld.idx.msk [tilespmem:v10+s12+$0x0], $0xffff;
	v8 =	vadd.f32 v11, v8;
	v11 =	vmul.f32 v12, v19  }
0xa2: {  	v10 =	vld.idx.msk [tilespmem:v10+s13+$0x0], $0xffff  }
0xa3: {  	v12 =	vld.idx.msk [tilespmem:v9+s12+$0x0], $0xffff;
	v14 =	vmul.f32 v15, v14;
	v8 =	vadd.f32 v11, v8  }
0xa4: {  	v9 =	vld.idx.msk [tilespmem:v9+s13+$0x0], $0xffff  }
0xa5: {  	s31 =	simm.s32 $0x0;
	v11 =	vmul.f32 v13, v17;
	v8 =	vadd.f32 v14, v8  }
0xa6: {  	v13 =	vmov s31  }
0xa7: {  	s29 =	simm.s32 $0x1;
	v10 =	vmul.f32 v10, v16;
	v8 =	vadd.f32 v11, v8;
	v11 =	vand.u32 $0x7C, v13  }
0xa8: {  	v13 =	vmov s29;
	v11 =	vbroadcast v11, $0x0  }
0xa9: {  	s30 =	simm.s32 $0x2;
	v9 =	vmul.f32 v9, v12;
	v8 =	vadd.f32 v10, v8;
	v10 =	vand.u32 $0x7D, v13  }
0xaa: {  	v12 =	vmov s30;
	v10 =	vbroadcast v10, $0x0;
	v11 =	vor.u32 v3, v11  }
0xab: {  	s31 =	simm.s32 $0x3;
	v8 =	vadd.f32 v9, v8;
	v9 =	vand.u32 $0x7E, v12  }
0xac: {  	v12 =	vmov s31;
	v9 =	vbroadcast v9, $0x0;
	v10 =	vor.u32 v3, v10  }
0xad: {  	s29 =	simm.s32 $0x4;
	v12 =	vand.u32 $0x7F, v12  }
0xae: {  	[tilespmem:$0x18420] =	vst v8;
	v8 =	vmov s29;
	v12 =	vbroadcast v12, $0x0;
	v13 =	vor.u32 v3, v9  }
0xaf: {  	s30 =	simm.s32 $0x5;
	v8 =	vand.u32 $0x7C, v8;
	v14 =	vld.idx.msk [tilespmem:v11+s12+$0x0], $0xffff  }
0xb0: {  	v9 =	vbroadcast v8, $0x0;
	v17 =	vld.idx.msk [tilespmem:v11+s13+$0x0], $0xffff;
	v19 =	vor.u32 v3, v12;
	v11 =	vmov s30  }
0xb1: {  	s31 =	simm.s32 $0x6;
	v15 =	vand.u32 $0x7D, v11;
	v8 =	vld.idx.msk [tilespmem:v10+s12+$0x0], $0xffff  }
0xb2: {  	s28 =	simm.s32 $0x7;
	s26 =	simm.s32 $0x8;
	v16 =	vmov s31;
	v11 =	vor.u32 v3, v9;
	v12 =	vld.idx.msk [tilespmem:v10+s13+$0x0], $0xffff;
	v10 =	vbroadcast v15, $0x0  }
0xb3: {  	v20 =	vmov s26;
	v15 =	vand.u32 $0x7E, v16;
	v16 =	vmov s28;
	v9 =	vld.idx.msk [tilespmem:v13+s12+$0x0], $0xffff  }
0xb4: {  	s28 =	simm.s32 $0x9;
	v21 =	vbroadcast v15, $0x0;
	v22 =	vand.u32 $0x7F, v16;
	v16 =	vld.idx.msk [tilespmem:v13+s13+$0x0], $0xffff;
	v15 =	vor.u32 v3, v10  }
0xb5: {  	v18 =	vimm.f32 $0.0e+00;
	v24 =	vand.u32 $0x7C, v20;
	v25 =	vmov s28;
	v10 =	vld.idx.msk [tilespmem:v19+s12+$0x0], $0xffff  }
0xb6: {  	s28 =	simm.s32 $0xA;
	v20 =	vbroadcast v22, $0x0;
	v13 =	vor.u32 v3, v21;
	v23 =	vmul.f32 v17, v14;
	v17 =	vld.idx.msk [tilespmem:v19+s13+$0x0], $0xffff  }
0xb7: {  	v22 =	vand.u32 $0x7D, v25;
	v19 =	vbroadcast v24, $0x0;
	v21 =	vmov s28;
	s28 =	simm.s32 $0xC;
	v14 =	vld.idx.msk [tilespmem:v11+s12+$0x0], $0xffff  }
.LBB2_8:
0xb8: {  	p0 =	sne.s32 s28, $0x7C;
	s29 =	sadd.s32 $0x3, s26;
	v24 =	vld.idx.msk [tilespmem:v11+s13+$0x0], $0xffff;
	v25 =	vor.u32 v3, v20;
	v18 =	vadd.f32 v23, v18;
	v20 =	vmul.f32 v12, v8;
	s26 =	smov.u32 s28  }
0xb9: {  	v22 =	vbroadcast v22, $0x0;
	v21 =	vand.u32 $0x7E, v21;
	v23 =	vmov s29;
	v8 =	vld.idx.msk [tilespmem:v15+s12+$0x0], $0xffff  }
0xba: {  	v11 =	vor.u32 v3, v19;
	v19 =	vmul.f32 v16, v9;
	v12 =	vld.idx.msk [tilespmem:v15+s13+$0x0], $0xffff;
	v18 =	vadd.f32 v20, v18  }
.Ltmp3:
0xbb: {  	v21 =	vbroadcast v21, $0x0;
	v20 =	vmov s28;
	v23 =	vand.u32 $0x7F, v23;
	v9 =	vld.idx.msk [tilespmem:v13+s12+$0x0], $0xffff;
	(pc) =	sbr.rel @p0 .LBB2_8-.Ltmp3, $4  }
0xbc: {  	s29 =	sadd.s32 $0x1, s28;
	v15 =	vor.u32 v3, v22;
	v16 =	vld.idx.msk [tilespmem:v13+s13+$0x0], $0xffff;
	v18 =	vadd.f32 v19, v18;
	v19 =	vmul.f32 v17, v10  }
0xbd: {  	v26 =	vmov s29;
	v22 =	vand.u32 $0x7C, v20;
	v20 =	vbroadcast v23, $0x0;
	v10 =	vld.idx.msk [tilespmem:v25+s12+$0x0], $0xffff  }
0xbe: {  	s29 =	sadd.s32 $0x2, s28;
	v13 =	vor.u32 v3, v21;
	v23 =	vmul.f32 v24, v14;
	v17 =	vld.idx.msk [tilespmem:v25+s13+$0x0], $0xffff;
	v18 =	vadd.f32 v19, v18  }
0xbf: {  	s28 =	sadd.s32 $0x4, s28;
	v21 =	vmov s29;
	v19 =	vbroadcast v22, $0x0;
	v22 =	vand.u32 $0x7D, v26;
	v14 =	vld.idx.msk [tilespmem:v11+s12+$0x0], $0xffff  }
0xc0: {  	_ =	sdelay $0x2  }
0xc1: {  	v18 =	vadd.f32 v23, v18;
	v8 =	vmul.f32 v12, v8  }
0xc2: {  	v11 =	vld.idx.msk [tilespmem:v11+s13+$0x0], $0xffff;
	v12 =	vor.u32 v3, v20  }
0xc3: {  	v20 =	vld.idx.msk [tilespmem:v15+s12+$0x0], $0xffff;
	v9 =	vmul.f32 v16, v9;
	v8 =	vadd.f32 v8, v18  }
0xc4: {  	v15 =	vld.idx.msk [tilespmem:v15+s13+$0x0], $0xffff;
	v16 =	vbroadcast v22, $0x0;
	v18 =	vor.u32 v3, v19  }
0xc5: {  	s26 =	sadd.s32 $0x3, s26;
	v19 =	vand.u32 $0x7E, v21;
	v21 =	vld.idx.msk [tilespmem:v13+s12+$0x0], $0xffff;
	v8 =	vadd.f32 v9, v8;
	v9 =	vmul.f32 v17, v10  }
0xc6: {  	v13 =	vld.idx.msk [tilespmem:v13+s13+$0x0], $0xffff;
	v16 =	vor.u32 v3, v16;
	v10 =	vmov s26;
	v17 =	vbroadcast v19, $0x0  }
0xc7: {  	v10 =	vand.u32 $0x7F, v10;
	v19 =	vld.idx.msk [tilespmem:v12+s12+$0x0], $0xffff;
	v11 =	vmul.f32 v11, v14;
	v8 =	vadd.f32 v9, v8  }
0xc8: {  	v12 =	vld.idx.msk [tilespmem:v12+s13+$0x0], $0xffff;
	v9 =	vbroadcast v10, $0x0;
	v10 =	vor.u32 v3, v17  }
0xc9: {  	v14 =	vld.idx.msk [tilespmem:v18+s12+$0x0], $0xffff;
	v8 =	vadd.f32 v11, v8;
	v11 =	vmul.f32 v15, v20  }
0xca: {  	v15 =	vld.idx.msk [tilespmem:v18+s13+$0x0], $0xffff;
	v9 =	vor.u32 v3, v9  }
0xcb: {  	v17 =	vld.idx.msk [tilespmem:v16+s12+$0x0], $0xffff;
	v8 =	vadd.f32 v11, v8;
	v11 =	vmul.f32 v13, v21  }
0xcc: {  	v13 =	vld.idx.msk [tilespmem:v16+s13+$0x0], $0xffff  }
0xcd: {  	v16 =	vld.idx.msk [tilespmem:v10+s12+$0x0], $0xffff;
	v8 =	vadd.f32 v11, v8;
	v11 =	vmul.f32 v12, v19  }
0xce: {  	v10 =	vld.idx.msk [tilespmem:v10+s13+$0x0], $0xffff  }
0xcf: {  	v12 =	vld.idx.msk [tilespmem:v9+s12+$0x0], $0xffff;
	v14 =	vmul.f32 v15, v14;
	v8 =	vadd.f32 v11, v8  }
0xd0: {  	v9 =	vld.idx.msk [tilespmem:v9+s13+$0x0], $0xffff  }
0xd1: {  	s31 =	simm.s32 $0x0;
	v11 =	vmul.f32 v13, v17;
	v8 =	vadd.f32 v14, v8  }
0xd2: {  	v13 =	vmov s31  }
0xd3: {  	s29 =	simm.s32 $0x1;
	v10 =	vmul.f32 v10, v16;
	v8 =	vadd.f32 v11, v8;
	v11 =	vand.u32 $0x7C, v13  }
0xd4: {  	v13 =	vmov s29;
	v11 =	vbroadcast v11, $0x0  }
0xd5: {  	s30 =	simm.s32 $0x2;
	v9 =	vmul.f32 v9, v12;
	v8 =	vadd.f32 v10, v8;
	v10 =	vand.u32 $0x7D, v13  }
0xd6: {  	v12 =	vmov s30;
	v10 =	vbroadcast v10, $0x0;
	v11 =	vor.u32 v4, v11  }
0xd7: {  	s31 =	simm.s32 $0x3;
	v8 =	vadd.f32 v9, v8;
	v9 =	vand.u32 $0x7E, v12  }
0xd8: {  	v12 =	vmov s31;
	v9 =	vbroadcast v9, $0x0;
	v10 =	vor.u32 v4, v10  }
0xd9: {  	s29 =	simm.s32 $0x4;
	v12 =	vand.u32 $0x7F, v12  }
0xda: {  	[tilespmem:$0x18430] =	vst v8;
	v8 =	vmov s29;
	v12 =	vbroadcast v12, $0x0;
	v13 =	vor.u32 v4, v9  }
0xdb: {  	s30 =	simm.s32 $0x5;
	v8 =	vand.u32 $0x7C, v8;
	v14 =	vld.idx.msk [tilespmem:v11+s12+$0x0], $0xffff  }
0xdc: {  	v9 =	vbroadcast v8, $0x0;
	v17 =	vld.idx.msk [tilespmem:v11+s13+$0x0], $0xffff;
	v19 =	vor.u32 v4, v12;
	v11 =	vmov s30  }
0xdd: {  	s31 =	simm.s32 $0x6;
	v15 =	vand.u32 $0x7D, v11;
	v8 =	vld.idx.msk [tilespmem:v10+s12+$0x0], $0xffff  }
0xde: {  	s28 =	simm.s32 $0x7;
	s26 =	simm.s32 $0x8;
	v16 =	vmov s31;
	v11 =	vor.u32 v4, v9;
	v12 =	vld.idx.msk [tilespmem:v10+s13+$0x0], $0xffff;
	v10 =	vbroadcast v15, $0x0  }
0xdf: {  	v20 =	vmov s26;
	v15 =	vand.u32 $0x7E, v16;
	v16 =	vmov s28;
	v9 =	vld.idx.msk [tilespmem:v13+s12+$0x0], $0xffff  }
0xe0: {  	s28 =	simm.s32 $0x9;
	v21 =	vbroadcast v15, $0x0;
	v22 =	vand.u32 $0x7F, v16;
	v16 =	vld.idx.msk [tilespmem:v13+s13+$0x0], $0xffff;
	v15 =	vor.u32 v4, v10  }
0xe1: {  	v18 =	vimm.f32 $0.0e+00;
	v24 =	vand.u32 $0x7C, v20;
	v25 =	vmov s28;
	v10 =	vld.idx.msk [tilespmem:v19+s12+$0x0], $0xffff  }
0xe2: {  	s28 =	simm.s32 $0xA;
	v20 =	vbroadcast v22, $0x0;
	v13 =	vor.u32 v4, v21;
	v23 =	vmul.f32 v17, v14;
	v17 =	vld.idx.msk [tilespmem:v19+s13+$0x0], $0xffff  }
0xe3: {  	v22 =	vand.u32 $0x7D, v25;
	v19 =	vbroadcast v24, $0x0;
	v21 =	vmov s28;
	s28 =	simm.s32 $0xC;
	v14 =	vld.idx.msk [tilespmem:v11+s12+$0x0], $0xffff  }
.LBB2_10:
0xe4: {  	p0 =	sne.s32 s28, $0x7C;
	s29 =	sadd.s32 $0x3, s26;
	v24 =	vld.idx.msk [tilespmem:v11+s13+$0x0], $0xffff;
	v25 =	vor.u32 v4, v20;
	v18 =	vadd.f32 v23, v18;
	v20 =	vmul.f32 v12, v8;
	s26 =	smov.u32 s28  }
0xe5: {  	v22 =	vbroadcast v22, $0x0;
	v21 =	vand.u32 $0x7E, v21;
	v23 =	vmov s29;
	v8 =	vld.idx.msk [tilespmem:v15+s12+$0x0], $0xffff  }
0xe6: {  	v11 =	vor.u32 v4, v19;
	v19 =	vmul.f32 v16, v9;
	v12 =	vld.idx.msk [tilespmem:v15+s13+$0x0], $0xffff;
	v18 =	vadd.f32 v20, v18  }
.Ltmp4:
0xe7: {  	v21 =	vbroadcast v21, $0x0;
	v20 =	vmov s28;
	v23 =	vand.u32 $0x7F, v23;
	v9 =	vld.idx.msk [tilespmem:v13+s12+$0x0], $0xffff;
	(pc) =	sbr.rel @p0 .LBB2_10-.Ltmp4, $4  }
0xe8: {  	s29 =	sadd.s32 $0x1, s28;
	v15 =	vor.u32 v4, v22;
	v16 =	vld.idx.msk [tilespmem:v13+s13+$0x0], $0xffff;
	v18 =	vadd.f32 v19, v18;
	v19 =	vmul.f32 v17, v10  }
0xe9: {  	v26 =	vmov s29;
	v22 =	vand.u32 $0x7C, v20;
	v20 =	vbroadcast v23, $0x0;
	v10 =	vld.idx.msk [tilespmem:v25+s12+$0x0], $0xffff  }
0xea: {  	s29 =	sadd.s32 $0x2, s28;
	v13 =	vor.u32 v4, v21;
	v23 =	vmul.f32 v24, v14;
	v17 =	vld.idx.msk [tilespmem:v25+s13+$0x0], $0xffff;
	v18 =	vadd.f32 v19, v18  }
0xeb: {  	s28 =	sadd.s32 $0x4, s28;
	v21 =	vmov s29;
	v19 =	vbroadcast v22, $0x0;
	v22 =	vand.u32 $0x7D, v26;
	v14 =	vld.idx.msk [tilespmem:v11+s12+$0x0], $0xffff  }
0xec: {  	_ =	sdelay $0x2  }
0xed: {  	v18 =	vadd.f32 v23, v18;
	v8 =	vmul.f32 v12, v8  }
0xee: {  	v11 =	vld.idx.msk [tilespmem:v11+s13+$0x0], $0xffff;
	v12 =	vor.u32 v4, v20  }
0xef: {  	v20 =	vld.idx.msk [tilespmem:v15+s12+$0x0], $0xffff;
	v9 =	vmul.f32 v16, v9;
	v8 =	vadd.f32 v8, v18  }
0xf0: {  	v15 =	vld.idx.msk [tilespmem:v15+s13+$0x0], $0xffff;
	v16 =	vbroadcast v22, $0x0;
	v18 =	vor.u32 v4, v19  }
0xf1: {  	s26 =	sadd.s32 $0x3, s26;
	v19 =	vand.u32 $0x7E, v21;
	v21 =	vld.idx.msk [tilespmem:v13+s12+$0x0], $0xffff;
	v8 =	vadd.f32 v9, v8;
	v9 =	vmul.f32 v17, v10  }
0xf2: {  	v13 =	vld.idx.msk [tilespmem:v13+s13+$0x0], $0xffff;
	v16 =	vor.u32 v4, v16;
	v10 =	vmov s26;
	v17 =	vbroadcast v19, $0x0  }
0xf3: {  	v10 =	vand.u32 $0x7F, v10;
	v19 =	vld.idx.msk [tilespmem:v12+s12+$0x0], $0xffff;
	v11 =	vmul.f32 v11, v14;
	v8 =	vadd.f32 v9, v8  }
0xf4: {  	v12 =	vld.idx.msk [tilespmem:v12+s13+$0x0], $0xffff;
	v9 =	vbroadcast v10, $0x0;
	v10 =	vor.u32 v4, v17  }
0xf5: {  	v14 =	vld.idx.msk [tilespmem:v18+s12+$0x0], $0xffff;
	v8 =	vadd.f32 v11, v8;
	v11 =	vmul.f32 v15, v20  }
0xf6: {  	v15 =	vld.idx.msk [tilespmem:v18+s13+$0x0], $0xffff;
	v9 =	vor.u32 v4, v9  }
0xf7: {  	v17 =	vld.idx.msk [tilespmem:v16+s12+$0x0], $0xffff;
	v8 =	vadd.f32 v11, v8;
	v11 =	vmul.f32 v13, v21  }
0xf8: {  	v13 =	vld.idx.msk [tilespmem:v16+s13+$0x0], $0xffff  }
0xf9: {  	v16 =	vld.idx.msk [tilespmem:v10+s12+$0x0], $0xffff;
	v8 =	vadd.f32 v11, v8;
	v11 =	vmul.f32 v12, v19  }
0xfa: {  	v10 =	vld.idx.msk [tilespmem:v10+s13+$0x0], $0xffff  }
0xfb: {  	v12 =	vld.idx.msk [tilespmem:v9+s12+$0x0], $0xffff;
	v14 =	vmul.f32 v15, v14;
	v8 =	vadd.f32 v11, v8  }
0xfc: {  	v9 =	vld.idx.msk [tilespmem:v9+s13+$0x0], $0xffff  }
0xfd: {  	s31 =	simm.s32 $0x0;
	v11 =	vmul.f32 v13, v17;
	v8 =	vadd.f32 v14, v8  }
0xfe: {  	v13 =	vmov s31  }
0xff: {  	s29 =	simm.s32 $0x1;
	v10 =	vmul.f32 v10, v16;
	v8 =	vadd.f32 v11, v8;
	v11 =	vand.u32 $0x7C, v13  }
0x100: {  	v13 =	vmov s29;
	v11 =	vbroadcast v11, $0x0  }
0x101: {  	s30 =	simm.s32 $0x2;
	v9 =	vmul.f32 v9, v12;
	v8 =	vadd.f32 v10, v8;
	v10 =	vand.u32 $0x7D, v13  }
0x102: {  	v12 =	vmov s30;
	v10 =	vbroadcast v10, $0x0;
	v11 =	vor.u32 v5, v11  }
0x103: {  	s31 =	simm.s32 $0x3;
	v8 =	vadd.f32 v9, v8;
	v9 =	vand.u32 $0x7E, v12  }
0x104: {  	v12 =	vmov s31;
	v9 =	vbroadcast v9, $0x0;
	v10 =	vor.u32 v5, v10  }
0x105: {  	s29 =	simm.s32 $0x4;
	v12 =	vand.u32 $0x7F, v12  }
0x106: {  	[tilespmem:$0x18440] =	vst v8;
	v8 =	vmov s29;
	v12 =	vbroadcast v12, $0x0;
	v13 =	vor.u32 v5, v9  }
0x107: {  	s30 =	simm.s32 $0x5;
	v8 =	vand.u32 $0x7C, v8;
	v14 =	vld.idx.msk [tilespmem:v11+s12+$0x0], $0xffff  }
0x108: {  	v9 =	vbroadcast v8, $0x0;
	v17 =	vld.idx.msk [tilespmem:v11+s13+$0x0], $0xffff;
	v19 =	vor.u32 v5, v12;
	v11 =	vmov s30  }
0x109: {  	s31 =	simm.s32 $0x6;
	v15 =	vand.u32 $0x7D, v11;
	v8 =	vld.idx.msk [tilespmem:v10+s12+$0x0], $0xffff  }
0x10a: {  	s28 =	simm.s32 $0x7;
	s26 =	simm.s32 $0x8;
	v16 =	vmov s31;
	v11 =	vor.u32 v5, v9;
	v12 =	vld.idx.msk [tilespmem:v10+s13+$0x0], $0xffff;
	v10 =	vbroadcast v15, $0x0  }
0x10b: {  	v20 =	vmov s26;
	v15 =	vand.u32 $0x7E, v16;
	v16 =	vmov s28;
	v9 =	vld.idx.msk [tilespmem:v13+s12+$0x0], $0xffff  }
0x10c: {  	s28 =	simm.s32 $0x9;
	v21 =	vbroadcast v15, $0x0;
	v22 =	vand.u32 $0x7F, v16;
	v16 =	vld.idx.msk [tilespmem:v13+s13+$0x0], $0xffff;
	v15 =	vor.u32 v5, v10  }
0x10d: {  	v18 =	vimm.f32 $0.0e+00;
	v24 =	vand.u32 $0x7C, v20;
	v25 =	vmov s28;
	v10 =	vld.idx.msk [tilespmem:v19+s12+$0x0], $0xffff  }
0x10e: {  	s28 =	simm.s32 $0xA;
	v20 =	vbroadcast v22, $0x0;
	v13 =	vor.u32 v5, v21;
	v23 =	vmul.f32 v17, v14;
	v17 =	vld.idx.msk [tilespmem:v19+s13+$0x0], $0xffff  }
0x10f: {  	v22 =	vand.u32 $0x7D, v25;
	v19 =	vbroadcast v24, $0x0;
	v21 =	vmov s28;
	s28 =	simm.s32 $0xC;
	v14 =	vld.idx.msk [tilespmem:v11+s12+$0x0], $0xffff  }
.LBB2_12:
0x110: {  	p0 =	sne.s32 s28, $0x7C;
	s29 =	sadd.s32 $0x3, s26;
	v24 =	vld.idx.msk [tilespmem:v11+s13+$0x0], $0xffff;
	v25 =	vor.u32 v5, v20;
	v18 =	vadd.f32 v23, v18;
	v20 =	vmul.f32 v12, v8;
	s26 =	smov.u32 s28  }
0x111: {  	v22 =	vbroadcast v22, $0x0;
	v21 =	vand.u32 $0x7E, v21;
	v23 =	vmov s29;
	v8 =	vld.idx.msk [tilespmem:v15+s12+$0x0], $0xffff  }
0x112: {  	v11 =	vor.u32 v5, v19;
	v19 =	vmul.f32 v16, v9;
	v12 =	vld.idx.msk [tilespmem:v15+s13+$0x0], $0xffff;
	v18 =	vadd.f32 v20, v18  }
.Ltmp5:
0x113: {  	v21 =	vbroadcast v21, $0x0;
	v20 =	vmov s28;
	v23 =	vand.u32 $0x7F, v23;
	v9 =	vld.idx.msk [tilespmem:v13+s12+$0x0], $0xffff;
	(pc) =	sbr.rel @p0 .LBB2_12-.Ltmp5, $4  }
0x114: {  	s29 =	sadd.s32 $0x1, s28;
	v15 =	vor.u32 v5, v22;
	v16 =	vld.idx.msk [tilespmem:v13+s13+$0x0], $0xffff;
	v18 =	vadd.f32 v19, v18;
	v19 =	vmul.f32 v17, v10  }
0x115: {  	v26 =	vmov s29;
	v22 =	vand.u32 $0x7C, v20;
	v20 =	vbroadcast v23, $0x0;
	v10 =	vld.idx.msk [tilespmem:v25+s12+$0x0], $0xffff  }
0x116: {  	s29 =	sadd.s32 $0x2, s28;
	v13 =	vor.u32 v5, v21;
	v23 =	vmul.f32 v24, v14;
	v17 =	vld.idx.msk [tilespmem:v25+s13+$0x0], $0xffff;
	v18 =	vadd.f32 v19, v18  }
0x117: {  	s28 =	sadd.s32 $0x4, s28;
	v21 =	vmov s29;
	v19 =	vbroadcast v22, $0x0;
	v22 =	vand.u32 $0x7D, v26;
	v14 =	vld.idx.msk [tilespmem:v11+s12+$0x0], $0xffff  }
0x118: {  	_ =	sdelay $0x2  }
0x119: {  	v18 =	vadd.f32 v23, v18;
	v8 =	vmul.f32 v12, v8  }
0x11a: {  	v11 =	vld.idx.msk [tilespmem:v11+s13+$0x0], $0xffff;
	v12 =	vor.u32 v5, v20  }
0x11b: {  	v20 =	vld.idx.msk [tilespmem:v15+s12+$0x0], $0xffff;
	v9 =	vmul.f32 v16, v9;
	v8 =	vadd.f32 v8, v18  }
0x11c: {  	v15 =	vld.idx.msk [tilespmem:v15+s13+$0x0], $0xffff;
	v16 =	vbroadcast v22, $0x0;
	v18 =	vor.u32 v5, v19  }
0x11d: {  	s26 =	sadd.s32 $0x3, s26;
	v19 =	vand.u32 $0x7E, v21;
	v21 =	vld.idx.msk [tilespmem:v13+s12+$0x0], $0xffff;
	v8 =	vadd.f32 v9, v8;
	v9 =	vmul.f32 v17, v10  }
0x11e: {  	v13 =	vld.idx.msk [tilespmem:v13+s13+$0x0], $0xffff;
	v16 =	vor.u32 v5, v16;
	v10 =	vmov s26;
	v17 =	vbroadcast v19, $0x0  }
0x11f: {  	v10 =	vand.u32 $0x7F, v10;
	v19 =	vld.idx.msk [tilespmem:v12+s12+$0x0], $0xffff;
	v11 =	vmul.f32 v11, v14;
	v8 =	vadd.f32 v9, v8  }
0x120: {  	v12 =	vld.idx.msk [tilespmem:v12+s13+$0x0], $0xffff;
	v9 =	vbroadcast v10, $0x0;
	v10 =	vor.u32 v5, v17  }
0x121: {  	v14 =	vld.idx.msk [tilespmem:v18+s12+$0x0], $0xffff;
	v8 =	vadd.f32 v11, v8;
	v11 =	vmul.f32 v15, v20  }
0x122: {  	v15 =	vld.idx.msk [tilespmem:v18+s13+$0x0], $0xffff;
	v9 =	vor.u32 v5, v9  }
0x123: {  	v17 =	vld.idx.msk [tilespmem:v16+s12+$0x0], $0xffff;
	v8 =	vadd.f32 v11, v8;
	v11 =	vmul.f32 v13, v21  }
0x124: {  	v13 =	vld.idx.msk [tilespmem:v16+s13+$0x0], $0xffff  }
0x125: {  	v16 =	vld.idx.msk [tilespmem:v10+s12+$0x0], $0xffff;
	v8 =	vadd.f32 v11, v8;
	v11 =	vmul.f32 v12, v19  }
0x126: {  	v10 =	vld.idx.msk [tilespmem:v10+s13+$0x0], $0xffff  }
0x127: {  	v12 =	vld.idx.msk [tilespmem:v9+s12+$0x0], $0xffff;
	v14 =	vmul.f32 v15, v14;
	v8 =	vadd.f32 v11, v8  }
0x128: {  	v9 =	vld.idx.msk [tilespmem:v9+s13+$0x0], $0xffff  }
0x129: {  	s31 =	simm.s32 $0x0;
	v11 =	vmul.f32 v13, v17;
	v8 =	vadd.f32 v14, v8  }
0x12a: {  	v13 =	vmov s31  }
0x12b: {  	s29 =	simm.s32 $0x1;
	v10 =	vmul.f32 v10, v16;
	v8 =	vadd.f32 v11, v8;
	v11 =	vand.u32 $0x7C, v13  }
0x12c: {  	v13 =	vmov s29;
	v11 =	vbroadcast v11, $0x0  }
0x12d: {  	s30 =	simm.s32 $0x2;
	v9 =	vmul.f32 v9, v12;
	v8 =	vadd.f32 v10, v8;
	v10 =	vand.u32 $0x7D, v13  }
0x12e: {  	v12 =	vmov s30;
	v10 =	vbroadcast v10, $0x0;
	v11 =	vor.u32 v6, v11  }
0x12f: {  	s31 =	simm.s32 $0x3;
	v8 =	vadd.f32 v9, v8;
	v9 =	vand.u32 $0x7E, v12  }
0x130: {  	v12 =	vmov s31;
	v9 =	vbroadcast v9, $0x0;
	v10 =	vor.u32 v6, v10  }
0x131: {  	s29 =	simm.s32 $0x4;
	v12 =	vand.u32 $0x7F, v12  }
0x132: {  	[tilespmem:$0x18450] =	vst v8;
	v8 =	vmov s29;
	v12 =	vbroadcast v12, $0x0;
	v13 =	vor.u32 v6, v9  }
0x133: {  	s30 =	simm.s32 $0x5;
	v8 =	vand.u32 $0x7C, v8;
	v14 =	vld.idx.msk [tilespmem:v11+s12+$0x0], $0xffff  }
0x134: {  	v9 =	vbroadcast v8, $0x0;
	v17 =	vld.idx.msk [tilespmem:v11+s13+$0x0], $0xffff;
	v19 =	vor.u32 v6, v12;
	v11 =	vmov s30  }
0x135: {  	s31 =	simm.s32 $0x6;
	v15 =	vand.u32 $0x7D, v11;
	v8 =	vld.idx.msk [tilespmem:v10+s12+$0x0], $0xffff  }
0x136: {  	s28 =	simm.s32 $0x7;
	s26 =	simm.s32 $0x8;
	v16 =	vmov s31;
	v11 =	vor.u32 v6, v9;
	v12 =	vld.idx.msk [tilespmem:v10+s13+$0x0], $0xffff;
	v10 =	vbroadcast v15, $0x0  }
0x137: {  	v20 =	vmov s26;
	v15 =	vand.u32 $0x7E, v16;
	v16 =	vmov s28;
	v9 =	vld.idx.msk [tilespmem:v13+s12+$0x0], $0xffff  }
0x138: {  	s28 =	simm.s32 $0x9;
	v21 =	vbroadcast v15, $0x0;
	v22 =	vand.u32 $0x7F, v16;
	v16 =	vld.idx.msk [tilespmem:v13+s13+$0x0], $0xffff;
	v15 =	vor.u32 v6, v10  }
0x139: {  	v18 =	vimm.f32 $0.0e+00;
	v24 =	vand.u32 $0x7C, v20;
	v25 =	vmov s28;
	v10 =	vld.idx.msk [tilespmem:v19+s12+$0x0], $0xffff  }
0x13a: {  	s28 =	simm.s32 $0xA;
	v20 =	vbroadcast v22, $0x0;
	v13 =	vor.u32 v6, v21;
	v23 =	vmul.f32 v17, v14;
	v17 =	vld.idx.msk [tilespmem:v19+s13+$0x0], $0xffff  }
0x13b: {  	v22 =	vand.u32 $0x7D, v25;
	v19 =	vbroadcast v24, $0x0;
	v21 =	vmov s28;
	s28 =	simm.s32 $0xC;
	v14 =	vld.idx.msk [tilespmem:v11+s12+$0x0], $0xffff  }
.LBB2_14:
0x13c: {  	p0 =	sne.s32 s28, $0x7C;
	s29 =	sadd.s32 $0x3, s26;
	v24 =	vld.idx.msk [tilespmem:v11+s13+$0x0], $0xffff;
	v25 =	vor.u32 v6, v20;
	v18 =	vadd.f32 v23, v18;
	v20 =	vmul.f32 v12, v8;
	s26 =	smov.u32 s28  }
0x13d: {  	v22 =	vbroadcast v22, $0x0;
	v21 =	vand.u32 $0x7E, v21;
	v23 =	vmov s29;
	v8 =	vld.idx.msk [tilespmem:v15+s12+$0x0], $0xffff  }
0x13e: {  	v11 =	vor.u32 v6, v19;
	v19 =	vmul.f32 v16, v9;
	v12 =	vld.idx.msk [tilespmem:v15+s13+$0x0], $0xffff;
	v18 =	vadd.f32 v20, v18  }
.Ltmp6:
0x13f: {  	v21 =	vbroadcast v21, $0x0;
	v20 =	vmov s28;
	v23 =	vand.u32 $0x7F, v23;
	v9 =	vld.idx.msk [tilespmem:v13+s12+$0x0], $0xffff;
	(pc) =	sbr.rel @p0 .LBB2_14-.Ltmp6, $4  }
0x140: {  	s29 =	sadd.s32 $0x1, s28;
	v15 =	vor.u32 v6, v22;
	v16 =	vld.idx.msk [tilespmem:v13+s13+$0x0], $0xffff;
	v18 =	vadd.f32 v19, v18;
	v19 =	vmul.f32 v17, v10  }
0x141: {  	v26 =	vmov s29;
	v22 =	vand.u32 $0x7C, v20;
	v20 =	vbroadcast v23, $0x0;
	v10 =	vld.idx.msk [tilespmem:v25+s12+$0x0], $0xffff  }
0x142: {  	s29 =	sadd.s32 $0x2, s28;
	v13 =	vor.u32 v6, v21;
	v23 =	vmul.f32 v24, v14;
	v17 =	vld.idx.msk [tilespmem:v25+s13+$0x0], $0xffff;
	v18 =	vadd.f32 v19, v18  }
0x143: {  	s28 =	sadd.s32 $0x4, s28;
	v21 =	vmov s29;
	v19 =	vbroadcast v22, $0x0;
	v22 =	vand.u32 $0x7D, v26;
	v14 =	vld.idx.msk [tilespmem:v11+s12+$0x0], $0xffff  }
0x144: {  	_ =	sdelay $0x2  }
0x145: {  	v18 =	vadd.f32 v23, v18;
	v8 =	vmul.f32 v12, v8  }
0x146: {  	v11 =	vld.idx.msk [tilespmem:v11+s13+$0x0], $0xffff;
	v12 =	vor.u32 v6, v20  }
0x147: {  	v20 =	vld.idx.msk [tilespmem:v15+s12+$0x0], $0xffff;
	v9 =	vmul.f32 v16, v9;
	v8 =	vadd.f32 v8, v18  }
0x148: {  	v15 =	vld.idx.msk [tilespmem:v15+s13+$0x0], $0xffff;
	v16 =	vbroadcast v22, $0x0;
	v18 =	vor.u32 v6, v19  }
0x149: {  	s26 =	sadd.s32 $0x3, s26;
	v19 =	vand.u32 $0x7E, v21;
	v21 =	vld.idx.msk [tilespmem:v13+s12+$0x0], $0xffff;
	v8 =	vadd.f32 v9, v8;
	v9 =	vmul.f32 v17, v10  }
0x14a: {  	v13 =	vld.idx.msk [tilespmem:v13+s13+$0x0], $0xffff;
	v16 =	vor.u32 v6, v16;
	v10 =	vmov s26;
	v17 =	vbroadcast v19, $0x0  }
0x14b: {  	v10 =	vand.u32 $0x7F, v10;
	v19 =	vld.idx.msk [tilespmem:v12+s12+$0x0], $0xffff;
	v11 =	vmul.f32 v11, v14;
	v8 =	vadd.f32 v9, v8  }
0x14c: {  	v12 =	vld.idx.msk [tilespmem:v12+s13+$0x0], $0xffff;
	v9 =	vbroadcast v10, $0x0;
	v10 =	vor.u32 v6, v17  }
0x14d: {  	v14 =	vld.idx.msk [tilespmem:v18+s12+$0x0], $0xffff;
	v8 =	vadd.f32 v11, v8;
	v11 =	vmul.f32 v15, v20  }
0x14e: {  	v15 =	vld.idx.msk [tilespmem:v18+s13+$0x0], $0xffff;
	v9 =	vor.u32 v6, v9  }
0x14f: {  	v17 =	vld.idx.msk [tilespmem:v16+s12+$0x0], $0xffff;
	v8 =	vadd.f32 v11, v8;
	v11 =	vmul.f32 v13, v21  }
0x150: {  	v13 =	vld.idx.msk [tilespmem:v16+s13+$0x0], $0xffff  }
0x151: {  	v16 =	vld.idx.msk [tilespmem:v10+s12+$0x0], $0xffff;
	v8 =	vadd.f32 v11, v8;
	v11 =	vmul.f32 v12, v19  }
0x152: {  	v10 =	vld.idx.msk [tilespmem:v10+s13+$0x0], $0xffff  }
0x153: {  	v12 =	vld.idx.msk [tilespmem:v9+s12+$0x0], $0xffff;
	v14 =	vmul.f32 v15, v14;
	v8 =	vadd.f32 v11, v8  }
0x154: {  	v9 =	vld.idx.msk [tilespmem:v9+s13+$0x0], $0xffff  }
0x155: {  	s31 =	simm.s32 $0x0;
	v11 =	vmul.f32 v13, v17;
	v8 =	vadd.f32 v14, v8  }
0x156: {  	v13 =	vmov s31  }
0x157: {  	s29 =	simm.s32 $0x1;
	v10 =	vmul.f32 v10, v16;
	v8 =	vadd.f32 v11, v8;
	v11 =	vand.u32 $0x7C, v13  }
0x158: {  	v13 =	vmov s29;
	v11 =	vbroadcast v11, $0x0  }
0x159: {  	s30 =	simm.s32 $0x2;
	v9 =	vmul.f32 v9, v12;
	v8 =	vadd.f32 v10, v8;
	v10 =	vand.u32 $0x7D, v13  }
0x15a: {  	v12 =	vmov s30;
	v10 =	vbroadcast v10, $0x0;
	v11 =	vor.u32 v7, v11  }
0x15b: {  	s31 =	simm.s32 $0x3;
	v8 =	vadd.f32 v9, v8;
	v9 =	vand.u32 $0x7E, v12  }
0x15c: {  	v12 =	vmov s31;
	v9 =	vbroadcast v9, $0x0;
	v10 =	vor.u32 v7, v10  }
0x15d: {  	s29 =	simm.s32 $0x4;
	v12 =	vand.u32 $0x7F, v12  }
0x15e: {  	[tilespmem:$0x18460] =	vst v8;
	v8 =	vmov s29;
	v12 =	vbroadcast v12, $0x0;
	v13 =	vor.u32 v7, v9  }
0x15f: {  	s30 =	simm.s32 $0x5;
	v8 =	vand.u32 $0x7C, v8;
	v14 =	vld.idx.msk [tilespmem:v11+s12+$0x0], $0xffff  }
0x160: {  	v9 =	vbroadcast v8, $0x0;
	v17 =	vld.idx.msk [tilespmem:v11+s13+$0x0], $0xffff;
	v19 =	vor.u32 v7, v12;
	v11 =	vmov s30  }
0x161: {  	s31 =	simm.s32 $0x6;
	v15 =	vand.u32 $0x7D, v11;
	v8 =	vld.idx.msk [tilespmem:v10+s12+$0x0], $0xffff  }
0x162: {  	s28 =	simm.s32 $0x7;
	s26 =	simm.s32 $0x8;
	v16 =	vmov s31;
	v11 =	vor.u32 v7, v9;
	v12 =	vld.idx.msk [tilespmem:v10+s13+$0x0], $0xffff;
	v10 =	vbroadcast v15, $0x0  }
0x163: {  	v20 =	vmov s26;
	v15 =	vand.u32 $0x7E, v16;
	v16 =	vmov s28;
	v9 =	vld.idx.msk [tilespmem:v13+s12+$0x0], $0xffff  }
0x164: {  	s28 =	simm.s32 $0x9;
	v21 =	vbroadcast v15, $0x0;
	v22 =	vand.u32 $0x7F, v16;
	v16 =	vld.idx.msk [tilespmem:v13+s13+$0x0], $0xffff;
	v15 =	vor.u32 v7, v10  }
0x165: {  	v18 =	vimm.f32 $0.0e+00;
	v24 =	vand.u32 $0x7C, v20;
	v25 =	vmov s28;
	v10 =	vld.idx.msk [tilespmem:v19+s12+$0x0], $0xffff  }
0x166: {  	s28 =	simm.s32 $0xA;
	v20 =	vbroadcast v22, $0x0;
	v13 =	vor.u32 v7, v21;
	v23 =	vmul.f32 v17, v14;
	v17 =	vld.idx.msk [tilespmem:v19+s13+$0x0], $0xffff  }
0x167: {  	v22 =	vand.u32 $0x7D, v25;
	v19 =	vbroadcast v24, $0x0;
	v21 =	vmov s28;
	s28 =	simm.s32 $0xC;
	v14 =	vld.idx.msk [tilespmem:v11+s12+$0x0], $0xffff  }
.LBB2_16:
0x168: {  	p0 =	sne.s32 s28, $0x7C;
	s29 =	sadd.s32 $0x3, s26;
	v24 =	vld.idx.msk [tilespmem:v11+s13+$0x0], $0xffff;
	v25 =	vor.u32 v7, v20;
	v18 =	vadd.f32 v23, v18;
	v20 =	vmul.f32 v12, v8;
	s26 =	smov.u32 s28  }
0x169: {  	v22 =	vbroadcast v22, $0x0;
	v21 =	vand.u32 $0x7E, v21;
	v23 =	vmov s29;
	v8 =	vld.idx.msk [tilespmem:v15+s12+$0x0], $0xffff  }
0x16a: {  	v11 =	vor.u32 v7, v19;
	v19 =	vmul.f32 v16, v9;
	v12 =	vld.idx.msk [tilespmem:v15+s13+$0x0], $0xffff;
	v18 =	vadd.f32 v20, v18  }
.Ltmp7:
0x16b: {  	v21 =	vbroadcast v21, $0x0;
	v20 =	vmov s28;
	v23 =	vand.u32 $0x7F, v23;
	v9 =	vld.idx.msk [tilespmem:v13+s12+$0x0], $0xffff;
	(pc) =	sbr.rel @p0 .LBB2_16-.Ltmp7, $4  }
0x16c: {  	s29 =	sadd.s32 $0x1, s28;
	v15 =	vor.u32 v7, v22;
	v16 =	vld.idx.msk [tilespmem:v13+s13+$0x0], $0xffff;
	v18 =	vadd.f32 v19, v18;
	v19 =	vmul.f32 v17, v10  }
0x16d: {  	v26 =	vmov s29;
	v22 =	vand.u32 $0x7C, v20;
	v20 =	vbroadcast v23, $0x0;
	v10 =	vld.idx.msk [tilespmem:v25+s12+$0x0], $0xffff  }
0x16e: {  	s29 =	sadd.s32 $0x2, s28;
	v13 =	vor.u32 v7, v21;
	v23 =	vmul.f32 v24, v14;
	v17 =	vld.idx.msk [tilespmem:v25+s13+$0x0], $0xffff;
	v18 =	vadd.f32 v19, v18  }
0x16f: {  	s28 =	sadd.s32 $0x4, s28;
	v21 =	vmov s29;
	v19 =	vbroadcast v22, $0x0;
	v22 =	vand.u32 $0x7D, v26;
	v14 =	vld.idx.msk [tilespmem:v11+s12+$0x0], $0xffff  }
0x170: {  	_ =	sdelay $0x2  }
0x171: {  	v18 =	vadd.f32 v23, v18;
	v8 =	vmul.f32 v12, v8  }
0x172: {  	v11 =	vld.idx.msk [tilespmem:v11+s13+$0x0], $0xffff;
	v12 =	vor.u32 v7, v20  }
0x173: {  	v20 =	vld.idx.msk [tilespmem:v15+s12+$0x0], $0xffff;
	v9 =	vmul.f32 v16, v9;
	v8 =	vadd.f32 v8, v18  }
0x174: {  	v15 =	vld.idx.msk [tilespmem:v15+s13+$0x0], $0xffff;
	v16 =	vbroadcast v22, $0x0;
	v18 =	vor.u32 v7, v19  }
0x175: {  	s26 =	sadd.s32 $0x3, s26;
	v19 =	vand.u32 $0x7E, v21;
	v21 =	vld.idx.msk [tilespmem:v13+s12+$0x0], $0xffff;
	v8 =	vadd.f32 v9, v8;
	v9 =	vmul.f32 v17, v10  }
0x176: {  	v13 =	vld.idx.msk [tilespmem:v13+s13+$0x0], $0xffff;
	v16 =	vor.u32 v7, v16;
	v10 =	vmov s26;
	v17 =	vbroadcast v19, $0x0  }
0x177: {  	v10 =	vand.u32 $0x7F, v10;
	v19 =	vld.idx.msk [tilespmem:v12+s12+$0x0], $0xffff;
	v11 =	vmul.f32 v11, v14;
	v8 =	vadd.f32 v9, v8  }
0x178: {  	v12 =	vld.idx.msk [tilespmem:v12+s13+$0x0], $0xffff;
	v9 =	vbroadcast v10, $0x0;
	v10 =	vor.u32 v7, v17  }
0x179: {  	v14 =	vld.idx.msk [tilespmem:v18+s12+$0x0], $0xffff;
	v8 =	vadd.f32 v11, v8;
	v11 =	vmul.f32 v15, v20  }
0x17a: {  	v15 =	vld.idx.msk [tilespmem:v18+s13+$0x0], $0xffff;
	v9 =	vor.u32 v7, v9  }
0x17b: {  	v17 =	vld.idx.msk [tilespmem:v16+s12+$0x0], $0xffff;
	v8 =	vadd.f32 v11, v8;
	v11 =	vmul.f32 v13, v21  }
0x17c: {  	v13 =	vld.idx.msk [tilespmem:v16+s13+$0x0], $0xffff  }
0x17d: {  	v16 =	vld.idx.msk [tilespmem:v10+s12+$0x0], $0xffff;
	v8 =	vadd.f32 v11, v8;
	v11 =	vmul.f32 v12, v19  }
0x17e: {  	v10 =	vld.idx.msk [tilespmem:v10+s13+$0x0], $0xffff  }
0x17f: {  	v12 =	vld.idx.msk [tilespmem:v9+s12+$0x0], $0xffff;
	v14 =	vmul.f32 v15, v14;
	v8 =	vadd.f32 v11, v8  }
0x180: {  	v9 =	vld.idx.msk [tilespmem:v9+s13+$0x0], $0xffff  }
0x181: {  	v11 =	vmul.f32 v13, v17;
	v8 =	vadd.f32 v14, v8;
	_ =	sdelay $0x1  }
0x182: {  	v10 =	vmul.f32 v10, v16;
	v8 =	vadd.f32 v11, v8;
	_ =	sdelay $0x1  }
0x183: {  	v9 =	vmul.f32 v9, v12;
	v8 =	vadd.f32 v10, v8;
	_ =	sdelay $0x1  }
0x184: {  	v8 =	vadd.f32 v9, v8;
	_ =	sdelay $0x1  }
0x185: {  	s31 =	simm.s32 $0x0;
	[tilespmem:$0x18470] =	vst v8  }
0x186: {  	v8 =	vmov s31;
	[tilespmem:s12], [sflag:$0x1] =	stream.indirect.gather [hbm4b:s1+s11], $0x80, s22, s11, $0xb8;
	[tilespmem:$0x18600] =	vst v63  }
0x187: {  	s29 =	simm.s32 $0x1;
	v8 =	vand.u32 $0x7C, v8  }
0x188: {  	v9 =	vmov s29;
	v8 =	vbroadcast v8, $0x0;
	[tilespmem:s13], [sflag:$0x1] =	stream.indirect.gather [hbm4b:s2+s11], $0x80, s23, s11, $0xb8;
	[tilespmem:$0x18600] =	vst v63  }
0x189: {  	s30 =	simm.s32 $0x2;
	v9 =	vand.u32 $0x7D, v9;
	_ =	swait.ge [sflag:s21], $0x4000  }
0x18a: {  	v10 =	vmov s30;
	v9 =	vbroadcast v9, $0x0;
	v8 =	vor.u32 v0, v8;
	[sflag:s21] =	ssyncset.done $0x0  }
0x18b: {  	v10 =	vand.u32 $0x7E, v10;
	s31 =	simm.s32 $0x3;
	[sflag:s21] =	ssyncadd.s32 $0xFFFFC000  }
0x18c: {  	v10 =	vbroadcast v10, $0x0;
	v11 =	vmov s31;
	v9 =	vor.u32 v0, v9;
	_ =	swait.ge [sflag:s21], $0x4000  }
0x18d: {  	s29 =	simm.s32 $0x4;
	v11 =	vand.u32 $0x7F, v11;
	[sflag:s21] =	ssyncset.done $0x0  }
0x18e: {  	v12 =	vmov s29;
	v10 =	vor.u32 v0, v10;
	v11 =	vbroadcast v11, $0x0;
	[sflag:s21] =	ssyncadd.s32 $0xFFFFC000  }
0x18f: {  	s30 =	simm.s32 $0x5;
	v12 =	vand.u32 $0x7C, v12;
	v14 =	vld.idx.msk [tilespmem:v8+s14+$0x0], $0xffff  }
0x190: {  	v12 =	vbroadcast v12, $0x0;
	v19 =	vor.u32 v0, v11;
	v11 =	vmov s30;
	v17 =	vld.idx.msk [tilespmem:v8+s16+$0x0], $0xffff  }
0x191: {  	s31 =	simm.s32 $0x6;
	v13 =	vand.u32 $0x7D, v11;
	v8 =	vld.idx.msk [tilespmem:v9+s14+$0x0], $0xffff  }
0x192: {  	s28 =	simm.s32 $0x7;
	s26 =	simm.s32 $0x8;
	v15 =	vmov s31;
	v11 =	vor.u32 v0, v12;
	v13 =	vbroadcast v13, $0x0;
	v12 =	vld.idx.msk [tilespmem:v9+s16+$0x0], $0xffff  }
0x193: {  	v20 =	vmov s26;
	v16 =	vmov s28;
	v15 =	vand.u32 $0x7E, v15;
	v9 =	vld.idx.msk [tilespmem:v10+s14+$0x0], $0xffff  }
0x194: {  	s28 =	simm.s32 $0x9;
	v22 =	vand.u32 $0x7F, v16;
	v21 =	vbroadcast v15, $0x0;
	v15 =	vor.u32 v0, v13;
	v16 =	vld.idx.msk [tilespmem:v10+s16+$0x0], $0xffff  }
0x195: {  	v18 =	vimm.f32 $0.0e+00;
	v24 =	vand.u32 $0x7C, v20;
	v25 =	vmov s28;
	v10 =	vld.idx.msk [tilespmem:v19+s14+$0x0], $0xffff  }
0x196: {  	s28 =	simm.s32 $0xA;
	v20 =	vbroadcast v22, $0x0;
	v13 =	vor.u32 v0, v21;
	v23 =	vmul.f32 v17, v14;
	v17 =	vld.idx.msk [tilespmem:v19+s16+$0x0], $0xffff  }
0x197: {  	v22 =	vand.u32 $0x7D, v25;
	v21 =	vmov s28;
	s28 =	simm.s32 $0xC;
	v19 =	vbroadcast v24, $0x0;
	v14 =	vld.idx.msk [tilespmem:v11+s14+$0x0], $0xffff  }
.LBB2_18:
0x198: {  	p0 =	sne.s32 s28, $0x7C;
	s29 =	sadd.s32 $0x3, s26;
	v24 =	vld.idx.msk [tilespmem:v11+s16+$0x0], $0xffff;
	v25 =	vor.u32 v0, v20;
	v18 =	vadd.f32 v23, v18;
	v20 =	vmul.f32 v12, v8;
	s26 =	smov.u32 s28  }
0x199: {  	v22 =	vbroadcast v22, $0x0;
	v21 =	vand.u32 $0x7E, v21;
	v23 =	vmov s29;
	v8 =	vld.idx.msk [tilespmem:v15+s14+$0x0], $0xffff  }
0x19a: {  	v11 =	vor.u32 v0, v19;
	v19 =	vmul.f32 v16, v9;
	v12 =	vld.idx.msk [tilespmem:v15+s16+$0x0], $0xffff;
	v18 =	vadd.f32 v20, v18  }
.Ltmp8:
0x19b: {  	v21 =	vbroadcast v21, $0x0;
	v20 =	vmov s28;
	v23 =	vand.u32 $0x7F, v23;
	v9 =	vld.idx.msk [tilespmem:v13+s14+$0x0], $0xffff;
	(pc) =	sbr.rel @p0 .LBB2_18-.Ltmp8, $4  }
0x19c: {  	s29 =	sadd.s32 $0x1, s28;
	v15 =	vor.u32 v0, v22;
	v16 =	vld.idx.msk [tilespmem:v13+s16+$0x0], $0xffff;
	v18 =	vadd.f32 v19, v18;
	v19 =	vmul.f32 v17, v10  }
0x19d: {  	v26 =	vmov s29;
	v22 =	vand.u32 $0x7C, v20;
	v20 =	vbroadcast v23, $0x0;
	v10 =	vld.idx.msk [tilespmem:v25+s14+$0x0], $0xffff  }
0x19e: {  	s29 =	sadd.s32 $0x2, s28;
	v13 =	vor.u32 v0, v21;
	v23 =	vmul.f32 v24, v14;
	v17 =	vld.idx.msk [tilespmem:v25+s16+$0x0], $0xffff;
	v18 =	vadd.f32 v19, v18  }
0x19f: {  	s28 =	sadd.s32 $0x4, s28;
	v21 =	vmov s29;
	v19 =	vbroadcast v22, $0x0;
	v22 =	vand.u32 $0x7D, v26;
	v14 =	vld.idx.msk [tilespmem:v11+s14+$0x0], $0xffff  }
0x1a0: {  	_ =	sdelay $0x2  }
0x1a1: {  	v18 =	vadd.f32 v23, v18;
	v8 =	vmul.f32 v12, v8  }
0x1a2: {  	v11 =	vld.idx.msk [tilespmem:v11+s16+$0x0], $0xffff;
	v12 =	vor.u32 v0, v20  }
0x1a3: {  	v20 =	vld.idx.msk [tilespmem:v15+s14+$0x0], $0xffff;
	v9 =	vmul.f32 v16, v9;
	v8 =	vadd.f32 v8, v18  }
0x1a4: {  	v15 =	vld.idx.msk [tilespmem:v15+s16+$0x0], $0xffff;
	v16 =	vbroadcast v22, $0x0;
	v18 =	vor.u32 v0, v19  }
0x1a5: {  	s26 =	sadd.s32 $0x3, s26;
	v19 =	vand.u32 $0x7E, v21;
	v21 =	vld.idx.msk [tilespmem:v13+s14+$0x0], $0xffff;
	v8 =	vadd.f32 v9, v8;
	v9 =	vmul.f32 v17, v10  }
0x1a6: {  	v13 =	vld.idx.msk [tilespmem:v13+s16+$0x0], $0xffff;
	v16 =	vor.u32 v0, v16;
	v10 =	vmov s26;
	v17 =	vbroadcast v19, $0x0  }
0x1a7: {  	v10 =	vand.u32 $0x7F, v10;
	v19 =	vld.idx.msk [tilespmem:v12+s14+$0x0], $0xffff;
	v11 =	vmul.f32 v11, v14;
	v8 =	vadd.f32 v9, v8  }
0x1a8: {  	v12 =	vld.idx.msk [tilespmem:v12+s16+$0x0], $0xffff;
	v9 =	vbroadcast v10, $0x0;
	v10 =	vor.u32 v0, v17  }
0x1a9: {  	v14 =	vld.idx.msk [tilespmem:v18+s14+$0x0], $0xffff;
	v8 =	vadd.f32 v11, v8;
	v11 =	vmul.f32 v15, v20  }
0x1aa: {  	v15 =	vld.idx.msk [tilespmem:v18+s16+$0x0], $0xffff;
	v9 =	vor.u32 v0, v9  }
0x1ab: {  	v17 =	vld.idx.msk [tilespmem:v16+s14+$0x0], $0xffff;
	v8 =	vadd.f32 v11, v8;
	v11 =	vmul.f32 v13, v21  }
0x1ac: {  	v13 =	vld.idx.msk [tilespmem:v16+s16+$0x0], $0xffff  }
0x1ad: {  	v16 =	vld.idx.msk [tilespmem:v10+s14+$0x0], $0xffff;
	v8 =	vadd.f32 v11, v8;
	v11 =	vmul.f32 v12, v19  }
0x1ae: {  	v10 =	vld.idx.msk [tilespmem:v10+s16+$0x0], $0xffff  }
0x1af: {  	v12 =	vld.idx.msk [tilespmem:v9+s14+$0x0], $0xffff;
	v14 =	vmul.f32 v15, v14;
	v8 =	vadd.f32 v11, v8  }
0x1b0: {  	v9 =	vld.idx.msk [tilespmem:v9+s16+$0x0], $0xffff  }
0x1b1: {  	s31 =	simm.s32 $0x0;
	v11 =	vmul.f32 v13, v17;
	v8 =	vadd.f32 v14, v8  }
0x1b2: {  	v13 =	vmov s31  }
0x1b3: {  	s29 =	simm.s32 $0x1;
	v10 =	vmul.f32 v10, v16;
	v8 =	vadd.f32 v11, v8;
	v11 =	vand.u32 $0x7C, v13  }
0x1b4: {  	v13 =	vmov s29;
	v11 =	vbroadcast v11, $0x0  }
0x1b5: {  	s30 =	simm.s32 $0x2;
	v9 =	vmul.f32 v9, v12;
	v8 =	vadd.f32 v10, v8;
	v10 =	vand.u32 $0x7D, v13  }
0x1b6: {  	v12 =	vmov s30;
	v10 =	vbroadcast v10, $0x0;
	v11 =	vor.u32 v1, v11  }
0x1b7: {  	s31 =	simm.s32 $0x3;
	v8 =	vadd.f32 v9, v8;
	v9 =	vand.u32 $0x7E, v12  }
0x1b8: {  	v12 =	vmov s31;
	v9 =	vbroadcast v9, $0x0;
	v10 =	vor.u32 v1, v10  }
0x1b9: {  	s29 =	simm.s32 $0x4;
	v12 =	vand.u32 $0x7F, v12  }
0x1ba: {  	[tilespmem:$0x18480] =	vst v8;
	v8 =	vmov s29;
	v12 =	vbroadcast v12, $0x0;
	v13 =	vor.u32 v1, v9  }
0x1bb: {  	s30 =	simm.s32 $0x5;
	v8 =	vand.u32 $0x7C, v8;
	v14 =	vld.idx.msk [tilespmem:v11+s14+$0x0], $0xffff  }
0x1bc: {  	v9 =	vbroadcast v8, $0x0;
	v17 =	vld.idx.msk [tilespmem:v11+s16+$0x0], $0xffff;
	v19 =	vor.u32 v1, v12;
	v11 =	vmov s30  }
0x1bd: {  	s31 =	simm.s32 $0x6;
	v15 =	vand.u32 $0x7D, v11;
	v8 =	vld.idx.msk [tilespmem:v10+s14+$0x0], $0xffff  }
0x1be: {  	s28 =	simm.s32 $0x7;
	s26 =	simm.s32 $0x8;
	v16 =	vmov s31;
	v11 =	vor.u32 v1, v9;
	v12 =	vld.idx.msk [tilespmem:v10+s16+$0x0], $0xffff;
	v10 =	vbroadcast v15, $0x0  }
0x1bf: {  	v20 =	vmov s26;
	v15 =	vand.u32 $0x7E, v16;
	v16 =	vmov s28;
	v9 =	vld.idx.msk [tilespmem:v13+s14+$0x0], $0xffff  }
0x1c0: {  	s28 =	simm.s32 $0x9;
	v21 =	vbroadcast v15, $0x0;
	v22 =	vand.u32 $0x7F, v16;
	v16 =	vld.idx.msk [tilespmem:v13+s16+$0x0], $0xffff;
	v15 =	vor.u32 v1, v10  }
0x1c1: {  	v18 =	vimm.f32 $0.0e+00;
	v24 =	vand.u32 $0x7C, v20;
	v25 =	vmov s28;
	v10 =	vld.idx.msk [tilespmem:v19+s14+$0x0], $0xffff  }
0x1c2: {  	s28 =	simm.s32 $0xA;
	v20 =	vbroadcast v22, $0x0;
	v13 =	vor.u32 v1, v21;
	v23 =	vmul.f32 v17, v14;
	v17 =	vld.idx.msk [tilespmem:v19+s16+$0x0], $0xffff  }
0x1c3: {  	v22 =	vand.u32 $0x7D, v25;
	v19 =	vbroadcast v24, $0x0;
	v21 =	vmov s28;
	s28 =	simm.s32 $0xC;
	v14 =	vld.idx.msk [tilespmem:v11+s14+$0x0], $0xffff  }
.LBB2_20:
0x1c4: {  	p0 =	sne.s32 s28, $0x7C;
	s29 =	sadd.s32 $0x3, s26;
	v24 =	vld.idx.msk [tilespmem:v11+s16+$0x0], $0xffff;
	v25 =	vor.u32 v1, v20;
	v18 =	vadd.f32 v23, v18;
	v20 =	vmul.f32 v12, v8;
	s26 =	smov.u32 s28  }
0x1c5: {  	v22 =	vbroadcast v22, $0x0;
	v21 =	vand.u32 $0x7E, v21;
	v23 =	vmov s29;
	v8 =	vld.idx.msk [tilespmem:v15+s14+$0x0], $0xffff  }
0x1c6: {  	v11 =	vor.u32 v1, v19;
	v19 =	vmul.f32 v16, v9;
	v12 =	vld.idx.msk [tilespmem:v15+s16+$0x0], $0xffff;
	v18 =	vadd.f32 v20, v18  }
.Ltmp9:
0x1c7: {  	v21 =	vbroadcast v21, $0x0;
	v20 =	vmov s28;
	v23 =	vand.u32 $0x7F, v23;
	v9 =	vld.idx.msk [tilespmem:v13+s14+$0x0], $0xffff;
	(pc) =	sbr.rel @p0 .LBB2_20-.Ltmp9, $4  }
0x1c8: {  	s29 =	sadd.s32 $0x1, s28;
	v15 =	vor.u32 v1, v22;
	v16 =	vld.idx.msk [tilespmem:v13+s16+$0x0], $0xffff;
	v18 =	vadd.f32 v19, v18;
	v19 =	vmul.f32 v17, v10  }
0x1c9: {  	v26 =	vmov s29;
	v22 =	vand.u32 $0x7C, v20;
	v20 =	vbroadcast v23, $0x0;
	v10 =	vld.idx.msk [tilespmem:v25+s14+$0x0], $0xffff  }
0x1ca: {  	s29 =	sadd.s32 $0x2, s28;
	v13 =	vor.u32 v1, v21;
	v23 =	vmul.f32 v24, v14;
	v17 =	vld.idx.msk [tilespmem:v25+s16+$0x0], $0xffff;
	v18 =	vadd.f32 v19, v18  }
0x1cb: {  	s28 =	sadd.s32 $0x4, s28;
	v21 =	vmov s29;
	v19 =	vbroadcast v22, $0x0;
	v22 =	vand.u32 $0x7D, v26;
	v14 =	vld.idx.msk [tilespmem:v11+s14+$0x0], $0xffff  }
0x1cc: {  	_ =	sdelay $0x2  }
0x1cd: {  	v18 =	vadd.f32 v23, v18;
	v8 =	vmul.f32 v12, v8  }
0x1ce: {  	v11 =	vld.idx.msk [tilespmem:v11+s16+$0x0], $0xffff;
	v12 =	vor.u32 v1, v20  }
0x1cf: {  	v20 =	vld.idx.msk [tilespmem:v15+s14+$0x0], $0xffff;
	v9 =	vmul.f32 v16, v9;
	v8 =	vadd.f32 v8, v18  }
0x1d0: {  	v15 =	vld.idx.msk [tilespmem:v15+s16+$0x0], $0xffff;
	v16 =	vbroadcast v22, $0x0;
	v18 =	vor.u32 v1, v19  }
0x1d1: {  	s26 =	sadd.s32 $0x3, s26;
	v19 =	vand.u32 $0x7E, v21;
	v21 =	vld.idx.msk [tilespmem:v13+s14+$0x0], $0xffff;
	v8 =	vadd.f32 v9, v8;
	v9 =	vmul.f32 v17, v10  }
0x1d2: {  	v13 =	vld.idx.msk [tilespmem:v13+s16+$0x0], $0xffff;
	v16 =	vor.u32 v1, v16;
	v10 =	vmov s26;
	v17 =	vbroadcast v19, $0x0  }
0x1d3: {  	v10 =	vand.u32 $0x7F, v10;
	v19 =	vld.idx.msk [tilespmem:v12+s14+$0x0], $0xffff;
	v11 =	vmul.f32 v11, v14;
	v8 =	vadd.f32 v9, v8  }
0x1d4: {  	v12 =	vld.idx.msk [tilespmem:v12+s16+$0x0], $0xffff;
	v9 =	vbroadcast v10, $0x0;
	v10 =	vor.u32 v1, v17  }
0x1d5: {  	v14 =	vld.idx.msk [tilespmem:v18+s14+$0x0], $0xffff;
	v8 =	vadd.f32 v11, v8;
	v11 =	vmul.f32 v15, v20  }
0x1d6: {  	v15 =	vld.idx.msk [tilespmem:v18+s16+$0x0], $0xffff;
	v9 =	vor.u32 v1, v9  }
0x1d7: {  	v17 =	vld.idx.msk [tilespmem:v16+s14+$0x0], $0xffff;
	v8 =	vadd.f32 v11, v8;
	v11 =	vmul.f32 v13, v21  }
0x1d8: {  	v13 =	vld.idx.msk [tilespmem:v16+s16+$0x0], $0xffff  }
0x1d9: {  	v16 =	vld.idx.msk [tilespmem:v10+s14+$0x0], $0xffff;
	v8 =	vadd.f32 v11, v8;
	v11 =	vmul.f32 v12, v19  }
0x1da: {  	v10 =	vld.idx.msk [tilespmem:v10+s16+$0x0], $0xffff  }
0x1db: {  	v12 =	vld.idx.msk [tilespmem:v9+s14+$0x0], $0xffff;
	v14 =	vmul.f32 v15, v14;
	v8 =	vadd.f32 v11, v8  }
0x1dc: {  	v9 =	vld.idx.msk [tilespmem:v9+s16+$0x0], $0xffff  }
0x1dd: {  	s31 =	simm.s32 $0x0;
	v11 =	vmul.f32 v13, v17;
	v8 =	vadd.f32 v14, v8  }
0x1de: {  	v13 =	vmov s31  }
0x1df: {  	s29 =	simm.s32 $0x1;
	v10 =	vmul.f32 v10, v16;
	v8 =	vadd.f32 v11, v8;
	v11 =	vand.u32 $0x7C, v13  }
0x1e0: {  	v13 =	vmov s29;
	v11 =	vbroadcast v11, $0x0  }
0x1e1: {  	s30 =	simm.s32 $0x2;
	v9 =	vmul.f32 v9, v12;
	v8 =	vadd.f32 v10, v8;
	v10 =	vand.u32 $0x7D, v13  }
0x1e2: {  	v12 =	vmov s30;
	v10 =	vbroadcast v10, $0x0;
	v11 =	vor.u32 v2, v11  }
0x1e3: {  	s31 =	simm.s32 $0x3;
	v8 =	vadd.f32 v9, v8;
	v9 =	vand.u32 $0x7E, v12  }
0x1e4: {  	v12 =	vmov s31;
	v9 =	vbroadcast v9, $0x0;
	v10 =	vor.u32 v2, v10  }
0x1e5: {  	s29 =	simm.s32 $0x4;
	v12 =	vand.u32 $0x7F, v12  }
0x1e6: {  	[tilespmem:$0x18490] =	vst v8;
	v8 =	vmov s29;
	v12 =	vbroadcast v12, $0x0;
	v13 =	vor.u32 v2, v9  }
0x1e7: {  	s30 =	simm.s32 $0x5;
	v8 =	vand.u32 $0x7C, v8;
	v14 =	vld.idx.msk [tilespmem:v11+s14+$0x0], $0xffff  }
0x1e8: {  	v9 =	vbroadcast v8, $0x0;
	v17 =	vld.idx.msk [tilespmem:v11+s16+$0x0], $0xffff;
	v19 =	vor.u32 v2, v12;
	v11 =	vmov s30  }
0x1e9: {  	s31 =	simm.s32 $0x6;
	v15 =	vand.u32 $0x7D, v11;
	v8 =	vld.idx.msk [tilespmem:v10+s14+$0x0], $0xffff  }
0x1ea: {  	s28 =	simm.s32 $0x7;
	s26 =	simm.s32 $0x8;
	v16 =	vmov s31;
	v11 =	vor.u32 v2, v9;
	v12 =	vld.idx.msk [tilespmem:v10+s16+$0x0], $0xffff;
	v10 =	vbroadcast v15, $0x0  }
0x1eb: {  	v20 =	vmov s26;
	v15 =	vand.u32 $0x7E, v16;
	v16 =	vmov s28;
	v9 =	vld.idx.msk [tilespmem:v13+s14+$0x0], $0xffff  }
0x1ec: {  	s28 =	simm.s32 $0x9;
	v21 =	vbroadcast v15, $0x0;
	v22 =	vand.u32 $0x7F, v16;
	v16 =	vld.idx.msk [tilespmem:v13+s16+$0x0], $0xffff;
	v15 =	vor.u32 v2, v10  }
0x1ed: {  	v18 =	vimm.f32 $0.0e+00;
	v24 =	vand.u32 $0x7C, v20;
	v25 =	vmov s28;
	v10 =	vld.idx.msk [tilespmem:v19+s14+$0x0], $0xffff  }
0x1ee: {  	s28 =	simm.s32 $0xA;
	v20 =	vbroadcast v22, $0x0;
	v13 =	vor.u32 v2, v21;
	v23 =	vmul.f32 v17, v14;
	v17 =	vld.idx.msk [tilespmem:v19+s16+$0x0], $0xffff  }
0x1ef: {  	v22 =	vand.u32 $0x7D, v25;
	v19 =	vbroadcast v24, $0x0;
	v21 =	vmov s28;
	s28 =	simm.s32 $0xC;
	v14 =	vld.idx.msk [tilespmem:v11+s14+$0x0], $0xffff  }
.LBB2_22:
0x1f0: {  	p0 =	sne.s32 s28, $0x7C;
	s29 =	sadd.s32 $0x3, s26;
	v24 =	vld.idx.msk [tilespmem:v11+s16+$0x0], $0xffff;
	v25 =	vor.u32 v2, v20;
	v18 =	vadd.f32 v23, v18;
	v20 =	vmul.f32 v12, v8;
	s26 =	smov.u32 s28  }
0x1f1: {  	v22 =	vbroadcast v22, $0x0;
	v21 =	vand.u32 $0x7E, v21;
	v23 =	vmov s29;
	v8 =	vld.idx.msk [tilespmem:v15+s14+$0x0], $0xffff  }
0x1f2: {  	v11 =	vor.u32 v2, v19;
	v19 =	vmul.f32 v16, v9;
	v12 =	vld.idx.msk [tilespmem:v15+s16+$0x0], $0xffff;
	v18 =	vadd.f32 v20, v18  }
.Ltmp10:
0x1f3: {  	v21 =	vbroadcast v21, $0x0;
	v20 =	vmov s28;
	v23 =	vand.u32 $0x7F, v23;
	v9 =	vld.idx.msk [tilespmem:v13+s14+$0x0], $0xffff;
	(pc) =	sbr.rel @p0 .LBB2_22-.Ltmp10, $4  }
0x1f4: {  	s29 =	sadd.s32 $0x1, s28;
	v15 =	vor.u32 v2, v22;
	v16 =	vld.idx.msk [tilespmem:v13+s16+$0x0], $0xffff;
	v18 =	vadd.f32 v19, v18;
	v19 =	vmul.f32 v17, v10  }
0x1f5: {  	v26 =	vmov s29;
	v22 =	vand.u32 $0x7C, v20;
	v20 =	vbroadcast v23, $0x0;
	v10 =	vld.idx.msk [tilespmem:v25+s14+$0x0], $0xffff  }
0x1f6: {  	s29 =	sadd.s32 $0x2, s28;
	v13 =	vor.u32 v2, v21;
	v23 =	vmul.f32 v24, v14;
	v17 =	vld.idx.msk [tilespmem:v25+s16+$0x0], $0xffff;
	v18 =	vadd.f32 v19, v18  }
0x1f7: {  	s28 =	sadd.s32 $0x4, s28;
	v21 =	vmov s29;
	v19 =	vbroadcast v22, $0x0;
	v22 =	vand.u32 $0x7D, v26;
	v14 =	vld.idx.msk [tilespmem:v11+s14+$0x0], $0xffff  }
0x1f8: {  	_ =	sdelay $0x2  }
0x1f9: {  	v18 =	vadd.f32 v23, v18;
	v8 =	vmul.f32 v12, v8  }
0x1fa: {  	v11 =	vld.idx.msk [tilespmem:v11+s16+$0x0], $0xffff;
	v12 =	vor.u32 v2, v20  }
0x1fb: {  	v20 =	vld.idx.msk [tilespmem:v15+s14+$0x0], $0xffff;
	v9 =	vmul.f32 v16, v9;
	v8 =	vadd.f32 v8, v18  }
0x1fc: {  	v15 =	vld.idx.msk [tilespmem:v15+s16+$0x0], $0xffff;
	v16 =	vbroadcast v22, $0x0;
	v18 =	vor.u32 v2, v19  }
0x1fd: {  	s26 =	sadd.s32 $0x3, s26;
	v19 =	vand.u32 $0x7E, v21;
	v21 =	vld.idx.msk [tilespmem:v13+s14+$0x0], $0xffff;
	v8 =	vadd.f32 v9, v8;
	v9 =	vmul.f32 v17, v10  }
0x1fe: {  	v13 =	vld.idx.msk [tilespmem:v13+s16+$0x0], $0xffff;
	v16 =	vor.u32 v2, v16;
	v10 =	vmov s26;
	v17 =	vbroadcast v19, $0x0  }
0x1ff: {  	v10 =	vand.u32 $0x7F, v10;
	v19 =	vld.idx.msk [tilespmem:v12+s14+$0x0], $0xffff;
	v11 =	vmul.f32 v11, v14;
	v8 =	vadd.f32 v9, v8  }
0x200: {  	v12 =	vld.idx.msk [tilespmem:v12+s16+$0x0], $0xffff;
	v9 =	vbroadcast v10, $0x0;
	v10 =	vor.u32 v2, v17  }
0x201: {  	v14 =	vld.idx.msk [tilespmem:v18+s14+$0x0], $0xffff;
	v8 =	vadd.f32 v11, v8;
	v11 =	vmul.f32 v15, v20  }
0x202: {  	v15 =	vld.idx.msk [tilespmem:v18+s16+$0x0], $0xffff;
	v9 =	vor.u32 v2, v9  }
0x203: {  	v17 =	vld.idx.msk [tilespmem:v16+s14+$0x0], $0xffff;
	v8 =	vadd.f32 v11, v8;
	v11 =	vmul.f32 v13, v21  }
0x204: {  	v13 =	vld.idx.msk [tilespmem:v16+s16+$0x0], $0xffff  }
0x205: {  	v16 =	vld.idx.msk [tilespmem:v10+s14+$0x0], $0xffff;
	v8 =	vadd.f32 v11, v8;
	v11 =	vmul.f32 v12, v19  }
0x206: {  	v10 =	vld.idx.msk [tilespmem:v10+s16+$0x0], $0xffff  }
0x207: {  	v12 =	vld.idx.msk [tilespmem:v9+s14+$0x0], $0xffff;
	v14 =	vmul.f32 v15, v14;
	v8 =	vadd.f32 v11, v8  }
0x208: {  	v9 =	vld.idx.msk [tilespmem:v9+s16+$0x0], $0xffff  }
0x209: {  	s31 =	simm.s32 $0x0;
	v11 =	vmul.f32 v13, v17;
	v8 =	vadd.f32 v14, v8  }
0x20a: {  	v13 =	vmov s31  }
0x20b: {  	s29 =	simm.s32 $0x1;
	v10 =	vmul.f32 v10, v16;
	v8 =	vadd.f32 v11, v8;
	v11 =	vand.u32 $0x7C, v13  }
0x20c: {  	v13 =	vmov s29;
	v11 =	vbroadcast v11, $0x0  }
0x20d: {  	s30 =	simm.s32 $0x2;
	v9 =	vmul.f32 v9, v12;
	v8 =	vadd.f32 v10, v8;
	v10 =	vand.u32 $0x7D, v13  }
0x20e: {  	v12 =	vmov s30;
	v10 =	vbroadcast v10, $0x0;
	v11 =	vor.u32 v3, v11  }
0x20f: {  	s31 =	simm.s32 $0x3;
	v8 =	vadd.f32 v9, v8;
	v9 =	vand.u32 $0x7E, v12  }
0x210: {  	v12 =	vmov s31;
	v9 =	vbroadcast v9, $0x0;
	v10 =	vor.u32 v3, v10  }
0x211: {  	s29 =	simm.s32 $0x4;
	v12 =	vand.u32 $0x7F, v12  }
0x212: {  	[tilespmem:$0x184A0] =	vst v8;
	v8 =	vmov s29;
	v12 =	vbroadcast v12, $0x0;
	v13 =	vor.u32 v3, v9  }
0x213: {  	s30 =	simm.s32 $0x5;
	v8 =	vand.u32 $0x7C, v8;
	v14 =	vld.idx.msk [tilespmem:v11+s14+$0x0], $0xffff  }
0x214: {  	v9 =	vbroadcast v8, $0x0;
	v17 =	vld.idx.msk [tilespmem:v11+s16+$0x0], $0xffff;
	v19 =	vor.u32 v3, v12;
	v11 =	vmov s30  }
0x215: {  	s31 =	simm.s32 $0x6;
	v15 =	vand.u32 $0x7D, v11;
	v8 =	vld.idx.msk [tilespmem:v10+s14+$0x0], $0xffff  }
0x216: {  	s28 =	simm.s32 $0x7;
	s26 =	simm.s32 $0x8;
	v16 =	vmov s31;
	v11 =	vor.u32 v3, v9;
	v12 =	vld.idx.msk [tilespmem:v10+s16+$0x0], $0xffff;
	v10 =	vbroadcast v15, $0x0  }
0x217: {  	v20 =	vmov s26;
	v15 =	vand.u32 $0x7E, v16;
	v16 =	vmov s28;
	v9 =	vld.idx.msk [tilespmem:v13+s14+$0x0], $0xffff  }
0x218: {  	s28 =	simm.s32 $0x9;
	v21 =	vbroadcast v15, $0x0;
	v22 =	vand.u32 $0x7F, v16;
	v16 =	vld.idx.msk [tilespmem:v13+s16+$0x0], $0xffff;
	v15 =	vor.u32 v3, v10  }
0x219: {  	v18 =	vimm.f32 $0.0e+00;
	v24 =	vand.u32 $0x7C, v20;
	v25 =	vmov s28;
	v10 =	vld.idx.msk [tilespmem:v19+s14+$0x0], $0xffff  }
0x21a: {  	s28 =	simm.s32 $0xA;
	v20 =	vbroadcast v22, $0x0;
	v13 =	vor.u32 v3, v21;
	v23 =	vmul.f32 v17, v14;
	v17 =	vld.idx.msk [tilespmem:v19+s16+$0x0], $0xffff  }
0x21b: {  	v22 =	vand.u32 $0x7D, v25;
	v19 =	vbroadcast v24, $0x0;
	v21 =	vmov s28;
	s28 =	simm.s32 $0xC;
	v14 =	vld.idx.msk [tilespmem:v11+s14+$0x0], $0xffff  }
.LBB2_24:
0x21c: {  	p0 =	sne.s32 s28, $0x7C;
	s29 =	sadd.s32 $0x3, s26;
	v24 =	vld.idx.msk [tilespmem:v11+s16+$0x0], $0xffff;
	v25 =	vor.u32 v3, v20;
	v18 =	vadd.f32 v23, v18;
	v20 =	vmul.f32 v12, v8;
	s26 =	smov.u32 s28  }
0x21d: {  	v22 =	vbroadcast v22, $0x0;
	v21 =	vand.u32 $0x7E, v21;
	v23 =	vmov s29;
	v8 =	vld.idx.msk [tilespmem:v15+s14+$0x0], $0xffff  }
0x21e: {  	v11 =	vor.u32 v3, v19;
	v19 =	vmul.f32 v16, v9;
	v12 =	vld.idx.msk [tilespmem:v15+s16+$0x0], $0xffff;
	v18 =	vadd.f32 v20, v18  }
.Ltmp11:
0x21f: {  	v21 =	vbroadcast v21, $0x0;
	v20 =	vmov s28;
	v23 =	vand.u32 $0x7F, v23;
	v9 =	vld.idx.msk [tilespmem:v13+s14+$0x0], $0xffff;
	(pc) =	sbr.rel @p0 .LBB2_24-.Ltmp11, $4  }
0x220: {  	s29 =	sadd.s32 $0x1, s28;
	v15 =	vor.u32 v3, v22;
	v16 =	vld.idx.msk [tilespmem:v13+s16+$0x0], $0xffff;
	v18 =	vadd.f32 v19, v18;
	v19 =	vmul.f32 v17, v10  }
0x221: {  	v26 =	vmov s29;
	v22 =	vand.u32 $0x7C, v20;
	v20 =	vbroadcast v23, $0x0;
	v10 =	vld.idx.msk [tilespmem:v25+s14+$0x0], $0xffff  }
0x222: {  	s29 =	sadd.s32 $0x2, s28;
	v13 =	vor.u32 v3, v21;
	v23 =	vmul.f32 v24, v14;
	v17 =	vld.idx.msk [tilespmem:v25+s16+$0x0], $0xffff;
	v18 =	vadd.f32 v19, v18  }
0x223: {  	s28 =	sadd.s32 $0x4, s28;
	v21 =	vmov s29;
	v19 =	vbroadcast v22, $0x0;
	v22 =	vand.u32 $0x7D, v26;
	v14 =	vld.idx.msk [tilespmem:v11+s14+$0x0], $0xffff  }
0x224: {  	_ =	sdelay $0x2  }
0x225: {  	v18 =	vadd.f32 v23, v18;
	v8 =	vmul.f32 v12, v8  }
0x226: {  	v11 =	vld.idx.msk [tilespmem:v11+s16+$0x0], $0xffff;
	v12 =	vor.u32 v3, v20  }
0x227: {  	v20 =	vld.idx.msk [tilespmem:v15+s14+$0x0], $0xffff;
	v9 =	vmul.f32 v16, v9;
	v8 =	vadd.f32 v8, v18  }
0x228: {  	v15 =	vld.idx.msk [tilespmem:v15+s16+$0x0], $0xffff;
	v16 =	vbroadcast v22, $0x0;
	v18 =	vor.u32 v3, v19  }
0x229: {  	s26 =	sadd.s32 $0x3, s26;
	v19 =	vand.u32 $0x7E, v21;
	v21 =	vld.idx.msk [tilespmem:v13+s14+$0x0], $0xffff;
	v8 =	vadd.f32 v9, v8;
	v9 =	vmul.f32 v17, v10  }
0x22a: {  	v13 =	vld.idx.msk [tilespmem:v13+s16+$0x0], $0xffff;
	v16 =	vor.u32 v3, v16;
	v10 =	vmov s26;
	v17 =	vbroadcast v19, $0x0  }
0x22b: {  	v10 =	vand.u32 $0x7F, v10;
	v19 =	vld.idx.msk [tilespmem:v12+s14+$0x0], $0xffff;
	v11 =	vmul.f32 v11, v14;
	v8 =	vadd.f32 v9, v8  }
0x22c: {  	v12 =	vld.idx.msk [tilespmem:v12+s16+$0x0], $0xffff;
	v9 =	vbroadcast v10, $0x0;
	v10 =	vor.u32 v3, v17  }
0x22d: {  	v14 =	vld.idx.msk [tilespmem:v18+s14+$0x0], $0xffff;
	v8 =	vadd.f32 v11, v8;
	v11 =	vmul.f32 v15, v20  }
0x22e: {  	v15 =	vld.idx.msk [tilespmem:v18+s16+$0x0], $0xffff;
	v9 =	vor.u32 v3, v9  }
0x22f: {  	v17 =	vld.idx.msk [tilespmem:v16+s14+$0x0], $0xffff;
	v8 =	vadd.f32 v11, v8;
	v11 =	vmul.f32 v13, v21  }
0x230: {  	v13 =	vld.idx.msk [tilespmem:v16+s16+$0x0], $0xffff  }
0x231: {  	v16 =	vld.idx.msk [tilespmem:v10+s14+$0x0], $0xffff;
	v8 =	vadd.f32 v11, v8;
	v11 =	vmul.f32 v12, v19  }
0x232: {  	v10 =	vld.idx.msk [tilespmem:v10+s16+$0x0], $0xffff  }
0x233: {  	v12 =	vld.idx.msk [tilespmem:v9+s14+$0x0], $0xffff;
	v14 =	vmul.f32 v15, v14;
	v8 =	vadd.f32 v11, v8  }
0x234: {  	v9 =	vld.idx.msk [tilespmem:v9+s16+$0x0], $0xffff  }
0x235: {  	s31 =	simm.s32 $0x0;
	v11 =	vmul.f32 v13, v17;
	v8 =	vadd.f32 v14, v8  }
0x236: {  	v13 =	vmov s31  }
0x237: {  	s29 =	simm.s32 $0x1;
	v10 =	vmul.f32 v10, v16;
	v8 =	vadd.f32 v11, v8;
	v11 =	vand.u32 $0x7C, v13  }
0x238: {  	v13 =	vmov s29;
	v11 =	vbroadcast v11, $0x0  }
0x239: {  	s30 =	simm.s32 $0x2;
	v9 =	vmul.f32 v9, v12;
	v8 =	vadd.f32 v10, v8;
	v10 =	vand.u32 $0x7D, v13  }
0x23a: {  	v12 =	vmov s30;
	v10 =	vbroadcast v10, $0x0;
	v11 =	vor.u32 v4, v11  }
0x23b: {  	s31 =	simm.s32 $0x3;
	v8 =	vadd.f32 v9, v8;
	v9 =	vand.u32 $0x7E, v12  }
0x23c: {  	v12 =	vmov s31;
	v9 =	vbroadcast v9, $0x0;
	v10 =	vor.u32 v4, v10  }
0x23d: {  	s29 =	simm.s32 $0x4;
	v12 =	vand.u32 $0x7F, v12  }
0x23e: {  	[tilespmem:$0x184B0] =	vst v8;
	v8 =	vmov s29;
	v12 =	vbroadcast v12, $0x0;
	v13 =	vor.u32 v4, v9  }
0x23f: {  	s30 =	simm.s32 $0x5;
	v8 =	vand.u32 $0x7C, v8;
	v14 =	vld.idx.msk [tilespmem:v11+s14+$0x0], $0xffff  }
0x240: {  	v9 =	vbroadcast v8, $0x0;
	v17 =	vld.idx.msk [tilespmem:v11+s16+$0x0], $0xffff;
	v19 =	vor.u32 v4, v12;
	v11 =	vmov s30  }
0x241: {  	s31 =	simm.s32 $0x6;
	v15 =	vand.u32 $0x7D, v11;
	v8 =	vld.idx.msk [tilespmem:v10+s14+$0x0], $0xffff  }
0x242: {  	s28 =	simm.s32 $0x7;
	s26 =	simm.s32 $0x8;
	v16 =	vmov s31;
	v11 =	vor.u32 v4, v9;
	v12 =	vld.idx.msk [tilespmem:v10+s16+$0x0], $0xffff;
	v10 =	vbroadcast v15, $0x0  }
0x243: {  	v20 =	vmov s26;
	v15 =	vand.u32 $0x7E, v16;
	v16 =	vmov s28;
	v9 =	vld.idx.msk [tilespmem:v13+s14+$0x0], $0xffff  }
0x244: {  	s28 =	simm.s32 $0x9;
	v21 =	vbroadcast v15, $0x0;
	v22 =	vand.u32 $0x7F, v16;
	v16 =	vld.idx.msk [tilespmem:v13+s16+$0x0], $0xffff;
	v15 =	vor.u32 v4, v10  }
0x245: {  	v18 =	vimm.f32 $0.0e+00;
	v24 =	vand.u32 $0x7C, v20;
	v25 =	vmov s28;
	v10 =	vld.idx.msk [tilespmem:v19+s14+$0x0], $0xffff  }
0x246: {  	s28 =	simm.s32 $0xA;
	v20 =	vbroadcast v22, $0x0;
	v13 =	vor.u32 v4, v21;
	v23 =	vmul.f32 v17, v14;
	v17 =	vld.idx.msk [tilespmem:v19+s16+$0x0], $0xffff  }
0x247: {  	v22 =	vand.u32 $0x7D, v25;
	v19 =	vbroadcast v24, $0x0;
	v21 =	vmov s28;
	s28 =	simm.s32 $0xC;
	v14 =	vld.idx.msk [tilespmem:v11+s14+$0x0], $0xffff  }
.LBB2_26:
0x248: {  	p0 =	sne.s32 s28, $0x7C;
	s29 =	sadd.s32 $0x3, s26;
	v24 =	vld.idx.msk [tilespmem:v11+s16+$0x0], $0xffff;
	v25 =	vor.u32 v4, v20;
	v18 =	vadd.f32 v23, v18;
	v20 =	vmul.f32 v12, v8;
	s26 =	smov.u32 s28  }
0x249: {  	v22 =	vbroadcast v22, $0x0;
	v21 =	vand.u32 $0x7E, v21;
	v23 =	vmov s29;
	v8 =	vld.idx.msk [tilespmem:v15+s14+$0x0], $0xffff  }
0x24a: {  	v11 =	vor.u32 v4, v19;
	v19 =	vmul.f32 v16, v9;
	v12 =	vld.idx.msk [tilespmem:v15+s16+$0x0], $0xffff;
	v18 =	vadd.f32 v20, v18  }
.Ltmp12:
0x24b: {  	v21 =	vbroadcast v21, $0x0;
	v20 =	vmov s28;
	v23 =	vand.u32 $0x7F, v23;
	v9 =	vld.idx.msk [tilespmem:v13+s14+$0x0], $0xffff;
	(pc) =	sbr.rel @p0 .LBB2_26-.Ltmp12, $4  }
0x24c: {  	s29 =	sadd.s32 $0x1, s28;
	v15 =	vor.u32 v4, v22;
	v16 =	vld.idx.msk [tilespmem:v13+s16+$0x0], $0xffff;
	v18 =	vadd.f32 v19, v18;
	v19 =	vmul.f32 v17, v10  }
0x24d: {  	v26 =	vmov s29;
	v22 =	vand.u32 $0x7C, v20;
	v20 =	vbroadcast v23, $0x0;
	v10 =	vld.idx.msk [tilespmem:v25+s14+$0x0], $0xffff  }
0x24e: {  	s29 =	sadd.s32 $0x2, s28;
	v13 =	vor.u32 v4, v21;
	v23 =	vmul.f32 v24, v14;
	v17 =	vld.idx.msk [tilespmem:v25+s16+$0x0], $0xffff;
	v18 =	vadd.f32 v19, v18  }
0x24f: {  	s28 =	sadd.s32 $0x4, s28;
	v21 =	vmov s29;
	v19 =	vbroadcast v22, $0x0;
	v22 =	vand.u32 $0x7D, v26;
	v14 =	vld.idx.msk [tilespmem:v11+s14+$0x0], $0xffff  }
0x250: {  	_ =	sdelay $0x2  }
0x251: {  	v18 =	vadd.f32 v23, v18;
	v8 =	vmul.f32 v12, v8  }
0x252: {  	v11 =	vld.idx.msk [tilespmem:v11+s16+$0x0], $0xffff;
	v12 =	vor.u32 v4, v20  }
0x253: {  	v20 =	vld.idx.msk [tilespmem:v15+s14+$0x0], $0xffff;
	v9 =	vmul.f32 v16, v9;
	v8 =	vadd.f32 v8, v18  }
0x254: {  	v15 =	vld.idx.msk [tilespmem:v15+s16+$0x0], $0xffff;
	v16 =	vbroadcast v22, $0x0;
	v18 =	vor.u32 v4, v19  }
0x255: {  	s26 =	sadd.s32 $0x3, s26;
	v19 =	vand.u32 $0x7E, v21;
	v21 =	vld.idx.msk [tilespmem:v13+s14+$0x0], $0xffff;
	v8 =	vadd.f32 v9, v8;
	v9 =	vmul.f32 v17, v10  }
0x256: {  	v13 =	vld.idx.msk [tilespmem:v13+s16+$0x0], $0xffff;
	v16 =	vor.u32 v4, v16;
	v10 =	vmov s26;
	v17 =	vbroadcast v19, $0x0  }
0x257: {  	v10 =	vand.u32 $0x7F, v10;
	v19 =	vld.idx.msk [tilespmem:v12+s14+$0x0], $0xffff;
	v11 =	vmul.f32 v11, v14;
	v8 =	vadd.f32 v9, v8  }
0x258: {  	v12 =	vld.idx.msk [tilespmem:v12+s16+$0x0], $0xffff;
	v9 =	vbroadcast v10, $0x0;
	v10 =	vor.u32 v4, v17  }
0x259: {  	v14 =	vld.idx.msk [tilespmem:v18+s14+$0x0], $0xffff;
	v8 =	vadd.f32 v11, v8;
	v11 =	vmul.f32 v15, v20  }
0x25a: {  	v15 =	vld.idx.msk [tilespmem:v18+s16+$0x0], $0xffff;
	v9 =	vor.u32 v4, v9  }
0x25b: {  	v17 =	vld.idx.msk [tilespmem:v16+s14+$0x0], $0xffff;
	v8 =	vadd.f32 v11, v8;
	v11 =	vmul.f32 v13, v21  }
0x25c: {  	v13 =	vld.idx.msk [tilespmem:v16+s16+$0x0], $0xffff  }
0x25d: {  	v16 =	vld.idx.msk [tilespmem:v10+s14+$0x0], $0xffff;
	v8 =	vadd.f32 v11, v8;
	v11 =	vmul.f32 v12, v19  }
0x25e: {  	v10 =	vld.idx.msk [tilespmem:v10+s16+$0x0], $0xffff  }
0x25f: {  	v12 =	vld.idx.msk [tilespmem:v9+s14+$0x0], $0xffff;
	v14 =	vmul.f32 v15, v14;
	v8 =	vadd.f32 v11, v8  }
0x260: {  	v9 =	vld.idx.msk [tilespmem:v9+s16+$0x0], $0xffff  }
0x261: {  	s31 =	simm.s32 $0x0;
	v11 =	vmul.f32 v13, v17;
	v8 =	vadd.f32 v14, v8  }
0x262: {  	v13 =	vmov s31  }
0x263: {  	s29 =	simm.s32 $0x1;
	v10 =	vmul.f32 v10, v16;
	v8 =	vadd.f32 v11, v8;
	v11 =	vand.u32 $0x7C, v13  }
0x264: {  	v13 =	vmov s29;
	v11 =	vbroadcast v11, $0x0  }
0x265: {  	s30 =	simm.s32 $0x2;
	v9 =	vmul.f32 v9, v12;
	v8 =	vadd.f32 v10, v8;
	v10 =	vand.u32 $0x7D, v13  }
0x266: {  	v12 =	vmov s30;
	v10 =	vbroadcast v10, $0x0;
	v11 =	vor.u32 v5, v11  }
0x267: {  	s31 =	simm.s32 $0x3;
	v8 =	vadd.f32 v9, v8;
	v9 =	vand.u32 $0x7E, v12  }
0x268: {  	v12 =	vmov s31;
	v9 =	vbroadcast v9, $0x0;
	v10 =	vor.u32 v5, v10  }
0x269: {  	s29 =	simm.s32 $0x4;
	v12 =	vand.u32 $0x7F, v12  }
0x26a: {  	[tilespmem:$0x184C0] =	vst v8;
	v8 =	vmov s29;
	v12 =	vbroadcast v12, $0x0;
	v13 =	vor.u32 v5, v9  }
0x26b: {  	s30 =	simm.s32 $0x5;
	v8 =	vand.u32 $0x7C, v8;
	v14 =	vld.idx.msk [tilespmem:v11+s14+$0x0], $0xffff  }
0x26c: {  	v9 =	vbroadcast v8, $0x0;
	v17 =	vld.idx.msk [tilespmem:v11+s16+$0x0], $0xffff;
	v19 =	vor.u32 v5, v12;
	v11 =	vmov s30  }
0x26d: {  	s31 =	simm.s32 $0x6;
	v15 =	vand.u32 $0x7D, v11;
	v8 =	vld.idx.msk [tilespmem:v10+s14+$0x0], $0xffff  }
0x26e: {  	s28 =	simm.s32 $0x7;
	s26 =	simm.s32 $0x8;
	v16 =	vmov s31;
	v11 =	vor.u32 v5, v9;
	v12 =	vld.idx.msk [tilespmem:v10+s16+$0x0], $0xffff;
	v10 =	vbroadcast v15, $0x0  }
0x26f: {  	v20 =	vmov s26;
	v15 =	vand.u32 $0x7E, v16;
	v16 =	vmov s28;
	v9 =	vld.idx.msk [tilespmem:v13+s14+$0x0], $0xffff  }
0x270: {  	s28 =	simm.s32 $0x9;
	v21 =	vbroadcast v15, $0x0;
	v22 =	vand.u32 $0x7F, v16;
	v16 =	vld.idx.msk [tilespmem:v13+s16+$0x0], $0xffff;
	v15 =	vor.u32 v5, v10  }
0x271: {  	v18 =	vimm.f32 $0.0e+00;
	v24 =	vand.u32 $0x7C, v20;
	v25 =	vmov s28;
	v10 =	vld.idx.msk [tilespmem:v19+s14+$0x0], $0xffff  }
0x272: {  	s28 =	simm.s32 $0xA;
	v20 =	vbroadcast v22, $0x0;
	v13 =	vor.u32 v5, v21;
	v23 =	vmul.f32 v17, v14;
	v17 =	vld.idx.msk [tilespmem:v19+s16+$0x0], $0xffff  }
0x273: {  	v22 =	vand.u32 $0x7D, v25;
	v19 =	vbroadcast v24, $0x0;
	v21 =	vmov s28;
	s28 =	simm.s32 $0xC;
	v14 =	vld.idx.msk [tilespmem:v11+s14+$0x0], $0xffff  }
.LBB2_28:
0x274: {  	p0 =	sne.s32 s28, $0x7C;
	s29 =	sadd.s32 $0x3, s26;
	v24 =	vld.idx.msk [tilespmem:v11+s16+$0x0], $0xffff;
	v25 =	vor.u32 v5, v20;
	v18 =	vadd.f32 v23, v18;
	v20 =	vmul.f32 v12, v8;
	s26 =	smov.u32 s28  }
0x275: {  	v22 =	vbroadcast v22, $0x0;
	v21 =	vand.u32 $0x7E, v21;
	v23 =	vmov s29;
	v8 =	vld.idx.msk [tilespmem:v15+s14+$0x0], $0xffff  }
0x276: {  	v11 =	vor.u32 v5, v19;
	v19 =	vmul.f32 v16, v9;
	v12 =	vld.idx.msk [tilespmem:v15+s16+$0x0], $0xffff;
	v18 =	vadd.f32 v20, v18  }
.Ltmp13:
0x277: {  	v21 =	vbroadcast v21, $0x0;
	v20 =	vmov s28;
	v23 =	vand.u32 $0x7F, v23;
	v9 =	vld.idx.msk [tilespmem:v13+s14+$0x0], $0xffff;
	(pc) =	sbr.rel @p0 .LBB2_28-.Ltmp13, $4  }
0x278: {  	s29 =	sadd.s32 $0x1, s28;
	v15 =	vor.u32 v5, v22;
	v16 =	vld.idx.msk [tilespmem:v13+s16+$0x0], $0xffff;
	v18 =	vadd.f32 v19, v18;
	v19 =	vmul.f32 v17, v10  }
0x279: {  	v26 =	vmov s29;
	v22 =	vand.u32 $0x7C, v20;
	v20 =	vbroadcast v23, $0x0;
	v10 =	vld.idx.msk [tilespmem:v25+s14+$0x0], $0xffff  }
0x27a: {  	s29 =	sadd.s32 $0x2, s28;
	v13 =	vor.u32 v5, v21;
	v23 =	vmul.f32 v24, v14;
	v17 =	vld.idx.msk [tilespmem:v25+s16+$0x0], $0xffff;
	v18 =	vadd.f32 v19, v18  }
0x27b: {  	s28 =	sadd.s32 $0x4, s28;
	v21 =	vmov s29;
	v19 =	vbroadcast v22, $0x0;
	v22 =	vand.u32 $0x7D, v26;
	v14 =	vld.idx.msk [tilespmem:v11+s14+$0x0], $0xffff  }
0x27c: {  	_ =	sdelay $0x2  }
0x27d: {  	v18 =	vadd.f32 v23, v18;
	v8 =	vmul.f32 v12, v8  }
0x27e: {  	v11 =	vld.idx.msk [tilespmem:v11+s16+$0x0], $0xffff;
	v12 =	vor.u32 v5, v20  }
0x27f: {  	v20 =	vld.idx.msk [tilespmem:v15+s14+$0x0], $0xffff;
	v9 =	vmul.f32 v16, v9;
	v8 =	vadd.f32 v8, v18  }
0x280: {  	v15 =	vld.idx.msk [tilespmem:v15+s16+$0x0], $0xffff;
	v16 =	vbroadcast v22, $0x0;
	v18 =	vor.u32 v5, v19  }
0x281: {  	s26 =	sadd.s32 $0x3, s26;
	v19 =	vand.u32 $0x7E, v21;
	v21 =	vld.idx.msk [tilespmem:v13+s14+$0x0], $0xffff;
	v8 =	vadd.f32 v9, v8;
	v9 =	vmul.f32 v17, v10  }
0x282: {  	v13 =	vld.idx.msk [tilespmem:v13+s16+$0x0], $0xffff;
	v16 =	vor.u32 v5, v16;
	v10 =	vmov s26;
	v17 =	vbroadcast v19, $0x0  }
0x283: {  	v10 =	vand.u32 $0x7F, v10;
	v19 =	vld.idx.msk [tilespmem:v12+s14+$0x0], $0xffff;
	v11 =	vmul.f32 v11, v14;
	v8 =	vadd.f32 v9, v8  }
0x284: {  	v12 =	vld.idx.msk [tilespmem:v12+s16+$0x0], $0xffff;
	v9 =	vbroadcast v10, $0x0;
	v10 =	vor.u32 v5, v17  }
0x285: {  	v14 =	vld.idx.msk [tilespmem:v18+s14+$0x0], $0xffff;
	v8 =	vadd.f32 v11, v8;
	v11 =	vmul.f32 v15, v20  }
0x286: {  	v15 =	vld.idx.msk [tilespmem:v18+s16+$0x0], $0xffff;
	v9 =	vor.u32 v5, v9  }
0x287: {  	v17 =	vld.idx.msk [tilespmem:v16+s14+$0x0], $0xffff;
	v8 =	vadd.f32 v11, v8;
	v11 =	vmul.f32 v13, v21  }
0x288: {  	v13 =	vld.idx.msk [tilespmem:v16+s16+$0x0], $0xffff  }
0x289: {  	v16 =	vld.idx.msk [tilespmem:v10+s14+$0x0], $0xffff;
	v8 =	vadd.f32 v11, v8;
	v11 =	vmul.f32 v12, v19  }
0x28a: {  	v10 =	vld.idx.msk [tilespmem:v10+s16+$0x0], $0xffff  }
0x28b: {  	v12 =	vld.idx.msk [tilespmem:v9+s14+$0x0], $0xffff;
	v14 =	vmul.f32 v15, v14;
	v8 =	vadd.f32 v11, v8  }
0x28c: {  	v9 =	vld.idx.msk [tilespmem:v9+s16+$0x0], $0xffff  }
0x28d: {  	s31 =	simm.s32 $0x0;
	v11 =	vmul.f32 v13, v17;
	v8 =	vadd.f32 v14, v8  }
0x28e: {  	v13 =	vmov s31  }
0x28f: {  	s29 =	simm.s32 $0x1;
	v10 =	vmul.f32 v10, v16;
	v8 =	vadd.f32 v11, v8;
	v11 =	vand.u32 $0x7C, v13  }
0x290: {  	v13 =	vmov s29;
	v11 =	vbroadcast v11, $0x0  }
0x291: {  	s30 =	simm.s32 $0x2;
	v9 =	vmul.f32 v9, v12;
	v8 =	vadd.f32 v10, v8;
	v10 =	vand.u32 $0x7D, v13  }
0x292: {  	v12 =	vmov s30;
	v10 =	vbroadcast v10, $0x0;
	v11 =	vor.u32 v6, v11  }
0x293: {  	s31 =	simm.s32 $0x3;
	v8 =	vadd.f32 v9, v8;
	v9 =	vand.u32 $0x7E, v12  }
0x294: {  	v12 =	vmov s31;
	v9 =	vbroadcast v9, $0x0;
	v10 =	vor.u32 v6, v10  }
0x295: {  	s29 =	simm.s32 $0x4;
	v12 =	vand.u32 $0x7F, v12  }
0x296: {  	[tilespmem:$0x184D0] =	vst v8;
	v8 =	vmov s29;
	v12 =	vbroadcast v12, $0x0;
	v13 =	vor.u32 v6, v9  }
0x297: {  	s30 =	simm.s32 $0x5;
	v8 =	vand.u32 $0x7C, v8;
	v14 =	vld.idx.msk [tilespmem:v11+s14+$0x0], $0xffff  }
0x298: {  	v9 =	vbroadcast v8, $0x0;
	v17 =	vld.idx.msk [tilespmem:v11+s16+$0x0], $0xffff;
	v19 =	vor.u32 v6, v12;
	v11 =	vmov s30  }
0x299: {  	s31 =	simm.s32 $0x6;
	v15 =	vand.u32 $0x7D, v11;
	v8 =	vld.idx.msk [tilespmem:v10+s14+$0x0], $0xffff  }
0x29a: {  	s28 =	simm.s32 $0x7;
	s26 =	simm.s32 $0x8;
	v16 =	vmov s31;
	v11 =	vor.u32 v6, v9;
	v12 =	vld.idx.msk [tilespmem:v10+s16+$0x0], $0xffff;
	v10 =	vbroadcast v15, $0x0  }
0x29b: {  	v20 =	vmov s26;
	v15 =	vand.u32 $0x7E, v16;
	v16 =	vmov s28;
	v9 =	vld.idx.msk [tilespmem:v13+s14+$0x0], $0xffff  }
0x29c: {  	s28 =	simm.s32 $0x9;
	v21 =	vbroadcast v15, $0x0;
	v22 =	vand.u32 $0x7F, v16;
	v16 =	vld.idx.msk [tilespmem:v13+s16+$0x0], $0xffff;
	v15 =	vor.u32 v6, v10  }
0x29d: {  	v18 =	vimm.f32 $0.0e+00;
	v24 =	vand.u32 $0x7C, v20;
	v25 =	vmov s28;
	v10 =	vld.idx.msk [tilespmem:v19+s14+$0x0], $0xffff  }
0x29e: {  	s28 =	simm.s32 $0xA;
	v20 =	vbroadcast v22, $0x0;
	v13 =	vor.u32 v6, v21;
	v23 =	vmul.f32 v17, v14;
	v17 =	vld.idx.msk [tilespmem:v19+s16+$0x0], $0xffff  }
0x29f: {  	v22 =	vand.u32 $0x7D, v25;
	v19 =	vbroadcast v24, $0x0;
	v21 =	vmov s28;
	s28 =	simm.s32 $0xC;
	v14 =	vld.idx.msk [tilespmem:v11+s14+$0x0], $0xffff  }
.LBB2_30:
0x2a0: {  	p0 =	sne.s32 s28, $0x7C;
	s29 =	sadd.s32 $0x3, s26;
	v24 =	vld.idx.msk [tilespmem:v11+s16+$0x0], $0xffff;
	v25 =	vor.u32 v6, v20;
	v18 =	vadd.f32 v23, v18;
	v20 =	vmul.f32 v12, v8;
	s26 =	smov.u32 s28  }
0x2a1: {  	v22 =	vbroadcast v22, $0x0;
	v21 =	vand.u32 $0x7E, v21;
	v23 =	vmov s29;
	v8 =	vld.idx.msk [tilespmem:v15+s14+$0x0], $0xffff  }
0x2a2: {  	v11 =	vor.u32 v6, v19;
	v19 =	vmul.f32 v16, v9;
	v12 =	vld.idx.msk [tilespmem:v15+s16+$0x0], $0xffff;
	v18 =	vadd.f32 v20, v18  }
.Ltmp14:
0x2a3: {  	v21 =	vbroadcast v21, $0x0;
	v20 =	vmov s28;
	v23 =	vand.u32 $0x7F, v23;
	v9 =	vld.idx.msk [tilespmem:v13+s14+$0x0], $0xffff;
	(pc) =	sbr.rel @p0 .LBB2_30-.Ltmp14, $4  }
0x2a4: {  	s29 =	sadd.s32 $0x1, s28;
	v15 =	vor.u32 v6, v22;
	v16 =	vld.idx.msk [tilespmem:v13+s16+$0x0], $0xffff;
	v18 =	vadd.f32 v19, v18;
	v19 =	vmul.f32 v17, v10  }
0x2a5: {  	v26 =	vmov s29;
	v22 =	vand.u32 $0x7C, v20;
	v20 =	vbroadcast v23, $0x0;
	v10 =	vld.idx.msk [tilespmem:v25+s14+$0x0], $0xffff  }
0x2a6: {  	s29 =	sadd.s32 $0x2, s28;
	v13 =	vor.u32 v6, v21;
	v23 =	vmul.f32 v24, v14;
	v17 =	vld.idx.msk [tilespmem:v25+s16+$0x0], $0xffff;
	v18 =	vadd.f32 v19, v18  }
0x2a7: {  	s28 =	sadd.s32 $0x4, s28;
	v21 =	vmov s29;
	v19 =	vbroadcast v22, $0x0;
	v22 =	vand.u32 $0x7D, v26;
	v14 =	vld.idx.msk [tilespmem:v11+s14+$0x0], $0xffff  }
0x2a8: {  	_ =	sdelay $0x2  }
0x2a9: {  	v18 =	vadd.f32 v23, v18;
	v8 =	vmul.f32 v12, v8  }
0x2aa: {  	v11 =	vld.idx.msk [tilespmem:v11+s16+$0x0], $0xffff;
	v12 =	vor.u32 v6, v20  }
0x2ab: {  	v20 =	vld.idx.msk [tilespmem:v15+s14+$0x0], $0xffff;
	v9 =	vmul.f32 v16, v9;
	v8 =	vadd.f32 v8, v18  }
0x2ac: {  	v15 =	vld.idx.msk [tilespmem:v15+s16+$0x0], $0xffff;
	v16 =	vbroadcast v22, $0x0;
	v18 =	vor.u32 v6, v19  }
0x2ad: {  	s26 =	sadd.s32 $0x3, s26;
	v19 =	vand.u32 $0x7E, v21;
	v21 =	vld.idx.msk [tilespmem:v13+s14+$0x0], $0xffff;
	v8 =	vadd.f32 v9, v8;
	v9 =	vmul.f32 v17, v10  }
0x2ae: {  	v13 =	vld.idx.msk [tilespmem:v13+s16+$0x0], $0xffff;
	v16 =	vor.u32 v6, v16;
	v10 =	vmov s26;
	v17 =	vbroadcast v19, $0x0  }
0x2af: {  	v10 =	vand.u32 $0x7F, v10;
	v19 =	vld.idx.msk [tilespmem:v12+s14+$0x0], $0xffff;
	v11 =	vmul.f32 v11, v14;
	v8 =	vadd.f32 v9, v8  }
0x2b0: {  	v12 =	vld.idx.msk [tilespmem:v12+s16+$0x0], $0xffff;
	v9 =	vbroadcast v10, $0x0;
	v10 =	vor.u32 v6, v17  }
0x2b1: {  	v14 =	vld.idx.msk [tilespmem:v18+s14+$0x0], $0xffff;
	v8 =	vadd.f32 v11, v8;
	v11 =	vmul.f32 v15, v20  }
0x2b2: {  	v15 =	vld.idx.msk [tilespmem:v18+s16+$0x0], $0xffff;
	v9 =	vor.u32 v6, v9  }
0x2b3: {  	v17 =	vld.idx.msk [tilespmem:v16+s14+$0x0], $0xffff;
	v8 =	vadd.f32 v11, v8;
	v11 =	vmul.f32 v13, v21  }
0x2b4: {  	v13 =	vld.idx.msk [tilespmem:v16+s16+$0x0], $0xffff  }
0x2b5: {  	v16 =	vld.idx.msk [tilespmem:v10+s14+$0x0], $0xffff;
	v8 =	vadd.f32 v11, v8;
	v11 =	vmul.f32 v12, v19  }
0x2b6: {  	v10 =	vld.idx.msk [tilespmem:v10+s16+$0x0], $0xffff  }
0x2b7: {  	v12 =	vld.idx.msk [tilespmem:v9+s14+$0x0], $0xffff;
	v14 =	vmul.f32 v15, v14;
	v8 =	vadd.f32 v11, v8  }
0x2b8: {  	v9 =	vld.idx.msk [tilespmem:v9+s16+$0x0], $0xffff  }
0x2b9: {  	s31 =	simm.s32 $0x0;
	v11 =	vmul.f32 v13, v17;
	v8 =	vadd.f32 v14, v8  }
0x2ba: {  	v13 =	vmov s31  }
0x2bb: {  	s29 =	simm.s32 $0x1;
	v10 =	vmul.f32 v10, v16;
	v8 =	vadd.f32 v11, v8;
	v11 =	vand.u32 $0x7C, v13  }
0x2bc: {  	v13 =	vmov s29;
	v11 =	vbroadcast v11, $0x0  }
0x2bd: {  	s30 =	simm.s32 $0x2;
	v9 =	vmul.f32 v9, v12;
	v8 =	vadd.f32 v10, v8;
	v10 =	vand.u32 $0x7D, v13  }
0x2be: {  	v12 =	vmov s30;
	v10 =	vbroadcast v10, $0x0;
	v11 =	vor.u32 v7, v11  }
0x2bf: {  	s31 =	simm.s32 $0x3;
	v8 =	vadd.f32 v9, v8;
	v9 =	vand.u32 $0x7E, v12  }
0x2c0: {  	v12 =	vmov s31;
	v9 =	vbroadcast v9, $0x0;
	v10 =	vor.u32 v7, v10  }
0x2c1: {  	s29 =	simm.s32 $0x4;
	v12 =	vand.u32 $0x7F, v12  }
0x2c2: {  	[tilespmem:$0x184E0] =	vst v8;
	v8 =	vmov s29;
	v12 =	vbroadcast v12, $0x0;
	v13 =	vor.u32 v7, v9  }
0x2c3: {  	s30 =	simm.s32 $0x5;
	v8 =	vand.u32 $0x7C, v8;
	v14 =	vld.idx.msk [tilespmem:v11+s14+$0x0], $0xffff  }
0x2c4: {  	v9 =	vbroadcast v8, $0x0;
	v17 =	vld.idx.msk [tilespmem:v11+s16+$0x0], $0xffff;
	v19 =	vor.u32 v7, v12;
	v11 =	vmov s30  }
0x2c5: {  	s31 =	simm.s32 $0x6;
	v15 =	vand.u32 $0x7D, v11;
	v8 =	vld.idx.msk [tilespmem:v10+s14+$0x0], $0xffff  }
0x2c6: {  	s28 =	simm.s32 $0x7;
	s26 =	simm.s32 $0x8;
	v16 =	vmov s31;
	v11 =	vor.u32 v7, v9;
	v12 =	vld.idx.msk [tilespmem:v10+s16+$0x0], $0xffff;
	v10 =	vbroadcast v15, $0x0  }
0x2c7: {  	v20 =	vmov s26;
	v15 =	vand.u32 $0x7E, v16;
	v16 =	vmov s28;
	v9 =	vld.idx.msk [tilespmem:v13+s14+$0x0], $0xffff  }
0x2c8: {  	s28 =	simm.s32 $0x9;
	v21 =	vbroadcast v15, $0x0;
	v22 =	vand.u32 $0x7F, v16;
	v16 =	vld.idx.msk [tilespmem:v13+s16+$0x0], $0xffff;
	v15 =	vor.u32 v7, v10  }
0x2c9: {  	v18 =	vimm.f32 $0.0e+00;
	v24 =	vand.u32 $0x7C, v20;
	v25 =	vmov s28;
	v10 =	vld.idx.msk [tilespmem:v19+s14+$0x0], $0xffff  }
0x2ca: {  	s28 =	simm.s32 $0xA;
	v20 =	vbroadcast v22, $0x0;
	v13 =	vor.u32 v7, v21;
	v23 =	vmul.f32 v17, v14;
	v17 =	vld.idx.msk [tilespmem:v19+s16+$0x0], $0xffff  }
0x2cb: {  	v22 =	vand.u32 $0x7D, v25;
	v19 =	vbroadcast v24, $0x0;
	v21 =	vmov s28;
	s28 =	simm.s32 $0xC;
	v14 =	vld.idx.msk [tilespmem:v11+s14+$0x0], $0xffff  }
.LBB2_32:
0x2cc: {  	p0 =	sne.s32 s28, $0x7C;
	s29 =	sadd.s32 $0x3, s26;
	v24 =	vld.idx.msk [tilespmem:v11+s16+$0x0], $0xffff;
	v25 =	vor.u32 v7, v20;
	v18 =	vadd.f32 v23, v18;
	v20 =	vmul.f32 v12, v8;
	s26 =	smov.u32 s28  }
0x2cd: {  	v22 =	vbroadcast v22, $0x0;
	v21 =	vand.u32 $0x7E, v21;
	v23 =	vmov s29;
	v8 =	vld.idx.msk [tilespmem:v15+s14+$0x0], $0xffff  }
0x2ce: {  	v11 =	vor.u32 v7, v19;
	v19 =	vmul.f32 v16, v9;
	v12 =	vld.idx.msk [tilespmem:v15+s16+$0x0], $0xffff;
	v18 =	vadd.f32 v20, v18  }
.Ltmp15:
0x2cf: {  	v21 =	vbroadcast v21, $0x0;
	v20 =	vmov s28;
	v23 =	vand.u32 $0x7F, v23;
	v9 =	vld.idx.msk [tilespmem:v13+s14+$0x0], $0xffff;
	(pc) =	sbr.rel @p0 .LBB2_32-.Ltmp15, $4  }
0x2d0: {  	s29 =	sadd.s32 $0x1, s28;
	v15 =	vor.u32 v7, v22;
	v16 =	vld.idx.msk [tilespmem:v13+s16+$0x0], $0xffff;
	v18 =	vadd.f32 v19, v18;
	v19 =	vmul.f32 v17, v10  }
0x2d1: {  	v26 =	vmov s29;
	v22 =	vand.u32 $0x7C, v20;
	v20 =	vbroadcast v23, $0x0;
	v10 =	vld.idx.msk [tilespmem:v25+s14+$0x0], $0xffff  }
0x2d2: {  	s29 =	sadd.s32 $0x2, s28;
	v13 =	vor.u32 v7, v21;
	v23 =	vmul.f32 v24, v14;
	v17 =	vld.idx.msk [tilespmem:v25+s16+$0x0], $0xffff;
	v18 =	vadd.f32 v19, v18  }
0x2d3: {  	s28 =	sadd.s32 $0x4, s28;
	v21 =	vmov s29;
	v19 =	vbroadcast v22, $0x0;
	v22 =	vand.u32 $0x7D, v26;
	v14 =	vld.idx.msk [tilespmem:v11+s14+$0x0], $0xffff  }
0x2d4: {  	_ =	sdelay $0x2  }
0x2d5: {  	v18 =	vadd.f32 v23, v18;
	v8 =	vmul.f32 v12, v8  }
0x2d6: {  	v11 =	vld.idx.msk [tilespmem:v11+s16+$0x0], $0xffff;
	v12 =	vor.u32 v7, v20  }
0x2d7: {  	v20 =	vld.idx.msk [tilespmem:v15+s14+$0x0], $0xffff;
	v9 =	vmul.f32 v16, v9;
	v8 =	vadd.f32 v8, v18  }
0x2d8: {  	v15 =	vld.idx.msk [tilespmem:v15+s16+$0x0], $0xffff;
	v16 =	vbroadcast v22, $0x0;
	v18 =	vor.u32 v7, v19  }
0x2d9: {  	s26 =	sadd.s32 $0x3, s26;
	v19 =	vand.u32 $0x7E, v21;
	v21 =	vld.idx.msk [tilespmem:v13+s14+$0x0], $0xffff;
	v8 =	vadd.f32 v9, v8;
	v9 =	vmul.f32 v17, v10  }
0x2da: {  	v13 =	vld.idx.msk [tilespmem:v13+s16+$0x0], $0xffff;
	v16 =	vor.u32 v7, v16;
	v10 =	vmov s26;
	v17 =	vbroadcast v19, $0x0  }
0x2db: {  	v10 =	vand.u32 $0x7F, v10;
	v19 =	vld.idx.msk [tilespmem:v12+s14+$0x0], $0xffff;
	v11 =	vmul.f32 v11, v14;
	v8 =	vadd.f32 v9, v8  }
0x2dc: {  	v12 =	vld.idx.msk [tilespmem:v12+s16+$0x0], $0xffff;
	v9 =	vbroadcast v10, $0x0;
	v10 =	vor.u32 v7, v17  }
0x2dd: {  	v14 =	vld.idx.msk [tilespmem:v18+s14+$0x0], $0xffff;
	v8 =	vadd.f32 v11, v8;
	v11 =	vmul.f32 v15, v20  }
0x2de: {  	v15 =	vld.idx.msk [tilespmem:v18+s16+$0x0], $0xffff;
	v9 =	vor.u32 v7, v9  }
0x2df: {  	v17 =	vld.idx.msk [tilespmem:v16+s14+$0x0], $0xffff;
	v8 =	vadd.f32 v11, v8;
	v11 =	vmul.f32 v13, v21  }
0x2e0: {  	v13 =	vld.idx.msk [tilespmem:v16+s16+$0x0], $0xffff  }
0x2e1: {  	v16 =	vld.idx.msk [tilespmem:v10+s14+$0x0], $0xffff;
	v8 =	vadd.f32 v11, v8;
	v11 =	vmul.f32 v12, v19  }
0x2e2: {  	v10 =	vld.idx.msk [tilespmem:v10+s16+$0x0], $0xffff  }
0x2e3: {  	v12 =	vld.idx.msk [tilespmem:v9+s14+$0x0], $0xffff;
	v14 =	vmul.f32 v15, v14;
	v8 =	vadd.f32 v11, v8  }
0x2e4: {  	v9 =	vld.idx.msk [tilespmem:v9+s16+$0x0], $0xffff  }
0x2e5: {  	v11 =	vmul.f32 v13, v17;
	v8 =	vadd.f32 v14, v8;
	_ =	sdelay $0x1  }
0x2e6: {  	v10 =	vmul.f32 v10, v16;
	v8 =	vadd.f32 v11, v8;
	_ =	sdelay $0x1  }
0x2e7: {  	v9 =	vmul.f32 v9, v12;
	v8 =	vadd.f32 v10, v8  }
0x2e8: {  	s31 =	simm.s32 $0x0  }
0x2e9: {  	v8 =	vadd.f32 v9, v8;
	v9 =	vmov s31  }
0x2ea: {  	s30 =	simm.s32 $0x2;
	v9 =	vand.u32 $0x7C, v9  }
0x2eb: {  	s29 =	simm.s32 $0x1;
	v10 =	vmov s30;
	[tilespmem:$0x184F0] =	vst v8;
	v9 =	vbroadcast v9, $0x0  }
0x2ec: {  	v10 =	vand.u32 $0x7E, v10;
	v8 =	vmov s29;
	_ =	swait.ge [sflag:s21], $0x4000  }
0x2ed: {  	v10 =	vbroadcast v10, $0x0;
	v8 =	vand.u32 $0x7D, v8;
	[sflag:s21] =	ssyncset.done $0x0;
	v9 =	vor.u32 v0, v9  }
0x2ee: {  	s31 =	simm.s32 $0x3;
	v8 =	vbroadcast v8, $0x0;
	[sflag:s21] =	ssyncadd.s32 $0xFFFFC000  }
0x2ef: {  	v11 =	vmov s31;
	v10 =	vor.u32 v0, v10;
	_ =	swait.ge [sflag:s21], $0x4000  }
0x2f0: {  	s29 =	simm.s32 $0x4;
	v12 =	vor.u32 v0, v8;
	v8 =	vand.u32 $0x7F, v11;
	[sflag:s21] =	ssyncset.done $0x0  }
0x2f1: {  	s28 =	simm.s32 $0x7;
	v11 =	vmov s29;
	v8 =	vbroadcast v8, $0x0;
	[sflag:s21] =	ssyncadd.s32 $0xFFFFC000  }
0x2f2: {  	v16 =	vmov s28;
	s30 =	simm.s32 $0x5;
	v11 =	vand.u32 $0x7C, v11;
	v14 =	vld.idx.msk [tilespmem:v9+s18+$0x0], $0xffff  }
0x2f3: {  	v11 =	vbroadcast v11, $0x0;
	v17 =	vld.idx.msk [tilespmem:v9+s20+$0x0], $0xffff;
	v19 =	vor.u32 v0, v8;
	v9 =	vmov s30  }
0x2f4: {  	v21 =	vand.u32 $0x7F, v16;
	s31 =	simm.s32 $0x6;
	v16 =	vld.idx.msk [tilespmem:v10+s20+$0x0], $0xffff;
	v9 =	vand.u32 $0x7D, v9  }
0x2f5: {  	v13 =	vmov s31;
	v11 =	vor.u32 v0, v11;
	v8 =	vld.idx.msk [tilespmem:v12+s18+$0x0], $0xffff;
	v15 =	vbroadcast v9, $0x0  }
0x2f6: {  	s26 =	simm.s32 $0x8;
	v13 =	vand.u32 $0x7E, v13;
	v12 =	vld.idx.msk [tilespmem:v12+s20+$0x0], $0xffff  }
0x2f7: {  	v20 =	vmov s26;
	s28 =	simm.s32 $0x9;
	v13 =	vbroadcast v13, $0x0;
	v9 =	vld.idx.msk [tilespmem:v10+s18+$0x0], $0xffff;
	v15 =	vor.u32 v0, v15  }
0x2f8: {  	v18 =	vimm.f32 $0.0e+00;
	v22 =	vand.u32 $0x7C, v20;
	v24 =	vmov s28;
	v10 =	vld.idx.msk [tilespmem:v19+s18+$0x0], $0xffff  }
0x2f9: {  	s28 =	simm.s32 $0xA;
	v20 =	vbroadcast v21, $0x0;
	v13 =	vor.u32 v0, v13;
	v23 =	vmul.f32 v17, v14;
	v17 =	vld.idx.msk [tilespmem:v19+s20+$0x0], $0xffff  }
0x2fa: {  	v21 =	vmov s28;
	s28 =	simm.s32 $0xC;
	v19 =	vbroadcast v22, $0x0;
	v22 =	vand.u32 $0x7D, v24;
	v14 =	vld.idx.msk [tilespmem:v11+s18+$0x0], $0xffff  }
.LBB2_34:
0x2fb: {  	p0 =	sne.s32 s28, $0x7C;
	s29 =	sadd.s32 $0x3, s26;
	v24 =	vld.idx.msk [tilespmem:v11+s20+$0x0], $0xffff;
	v25 =	vor.u32 v0, v20;
	v18 =	vadd.f32 v23, v18;
	v20 =	vmul.f32 v12, v8;
	s26 =	smov.u32 s28  }
0x2fc: {  	v22 =	vbroadcast v22, $0x0;
	v21 =	vand.u32 $0x7E, v21;
	v23 =	vmov s29;
	v8 =	vld.idx.msk [tilespmem:v15+s18+$0x0], $0xffff  }
0x2fd: {  	v11 =	vor.u32 v0, v19;
	v19 =	vmul.f32 v16, v9;
	v12 =	vld.idx.msk [tilespmem:v15+s20+$0x0], $0xffff;
	v18 =	vadd.f32 v20, v18  }
.Ltmp16:
0x2fe: {  	v21 =	vbroadcast v21, $0x0;
	v20 =	vmov s28;
	v23 =	vand.u32 $0x7F, v23;
	v9 =	vld.idx.msk [tilespmem:v13+s18+$0x0], $0xffff;
	(pc) =	sbr.rel @p0 .LBB2_34-.Ltmp16, $4  }
0x2ff: {  	s29 =	sadd.s32 $0x1, s28;
	v15 =	vor.u32 v0, v22;
	v16 =	vld.idx.msk [tilespmem:v13+s20+$0x0], $0xffff;
	v18 =	vadd.f32 v19, v18;
	v19 =	vmul.f32 v17, v10  }
0x300: {  	v26 =	vmov s29;
	v22 =	vand.u32 $0x7C, v20;
	v20 =	vbroadcast v23, $0x0;
	v10 =	vld.idx.msk [tilespmem:v25+s18+$0x0], $0xffff  }
0x301: {  	s29 =	sadd.s32 $0x2, s28;
	v13 =	vor.u32 v0, v21;
	v23 =	vmul.f32 v24, v14;
	v17 =	vld.idx.msk [tilespmem:v25+s20+$0x0], $0xffff;
	v18 =	vadd.f32 v19, v18  }
0x302: {  	s28 =	sadd.s32 $0x4, s28;
	v21 =	vmov s29;
	v19 =	vbroadcast v22, $0x0;
	v22 =	vand.u32 $0x7D, v26;
	v14 =	vld.idx.msk [tilespmem:v11+s18+$0x0], $0xffff  }
0x303: {  	_ =	sdelay $0x2  }
0x304: {  	v18 =	vadd.f32 v23, v18;
	v8 =	vmul.f32 v12, v8  }
0x305: {  	v11 =	vld.idx.msk [tilespmem:v11+s20+$0x0], $0xffff;
	v12 =	vor.u32 v0, v20  }
0x306: {  	v20 =	vld.idx.msk [tilespmem:v15+s18+$0x0], $0xffff;
	v9 =	vmul.f32 v16, v9;
	v8 =	vadd.f32 v8, v18  }
0x307: {  	v15 =	vld.idx.msk [tilespmem:v15+s20+$0x0], $0xffff;
	v16 =	vbroadcast v22, $0x0;
	v18 =	vor.u32 v0, v19  }
0x308: {  	s26 =	sadd.s32 $0x3, s26;
	v19 =	vand.u32 $0x7E, v21;
	v21 =	vld.idx.msk [tilespmem:v13+s18+$0x0], $0xffff;
	v8 =	vadd.f32 v9, v8;
	v9 =	vmul.f32 v17, v10  }
0x309: {  	v13 =	vld.idx.msk [tilespmem:v13+s20+$0x0], $0xffff;
	v16 =	vor.u32 v0, v16;
	v10 =	vmov s26;
	v17 =	vbroadcast v19, $0x0  }
0x30a: {  	v10 =	vand.u32 $0x7F, v10;
	v19 =	vld.idx.msk [tilespmem:v12+s18+$0x0], $0xffff;
	v11 =	vmul.f32 v11, v14;
	v8 =	vadd.f32 v9, v8  }
0x30b: {  	v12 =	vld.idx.msk [tilespmem:v12+s20+$0x0], $0xffff;
	v9 =	vbroadcast v10, $0x0;
	v10 =	vor.u32 v0, v17  }
0x30c: {  	v14 =	vld.idx.msk [tilespmem:v18+s18+$0x0], $0xffff;
	v8 =	vadd.f32 v11, v8;
	v11 =	vmul.f32 v15, v20  }
0x30d: {  	v15 =	vld.idx.msk [tilespmem:v18+s20+$0x0], $0xffff;
	v9 =	vor.u32 v0, v9  }
0x30e: {  	v17 =	vld.idx.msk [tilespmem:v16+s18+$0x0], $0xffff;
	v8 =	vadd.f32 v11, v8;
	v11 =	vmul.f32 v13, v21  }
0x30f: {  	v13 =	vld.idx.msk [tilespmem:v16+s20+$0x0], $0xffff  }
0x310: {  	v16 =	vld.idx.msk [tilespmem:v10+s18+$0x0], $0xffff;
	v8 =	vadd.f32 v11, v8;
	v11 =	vmul.f32 v12, v19  }
0x311: {  	v10 =	vld.idx.msk [tilespmem:v10+s20+$0x0], $0xffff  }
0x312: {  	v12 =	vld.idx.msk [tilespmem:v9+s18+$0x0], $0xffff;
	v14 =	vmul.f32 v15, v14;
	v8 =	vadd.f32 v11, v8  }
0x313: {  	v9 =	vld.idx.msk [tilespmem:v9+s20+$0x0], $0xffff  }
0x314: {  	s31 =	simm.s32 $0x0;
	v11 =	vmul.f32 v13, v17;
	v8 =	vadd.f32 v14, v8  }
0x315: {  	v13 =	vmov s31  }
0x316: {  	s29 =	simm.s32 $0x1;
	v10 =	vmul.f32 v10, v16;
	v8 =	vadd.f32 v11, v8;
	v11 =	vand.u32 $0x7C, v13  }
0x317: {  	v13 =	vmov s29;
	v11 =	vbroadcast v11, $0x0  }
0x318: {  	s30 =	simm.s32 $0x2;
	v9 =	vmul.f32 v9, v12;
	v8 =	vadd.f32 v10, v8;
	v10 =	vand.u32 $0x7D, v13  }
0x319: {  	v12 =	vmov s30;
	v10 =	vbroadcast v10, $0x0;
	v11 =	vor.u32 v1, v11  }
0x31a: {  	s31 =	simm.s32 $0x3;
	v8 =	vadd.f32 v9, v8;
	v9 =	vand.u32 $0x7E, v12  }
0x31b: {  	v12 =	vmov s31;
	v9 =	vbroadcast v9, $0x0;
	v10 =	vor.u32 v1, v10  }
0x31c: {  	s29 =	simm.s32 $0x4;
	v12 =	vand.u32 $0x7F, v12  }
0x31d: {  	[tilespmem:$0x18500] =	vst v8;
	v8 =	vmov s29;
	v12 =	vbroadcast v12, $0x0;
	v13 =	vor.u32 v1, v9  }
0x31e: {  	s30 =	simm.s32 $0x5;
	v8 =	vand.u32 $0x7C, v8;
	v14 =	vld.idx.msk [tilespmem:v11+s18+$0x0], $0xffff  }
0x31f: {  	v9 =	vbroadcast v8, $0x0;
	v17 =	vld.idx.msk [tilespmem:v11+s20+$0x0], $0xffff;
	v19 =	vor.u32 v1, v12;
	v11 =	vmov s30  }
0x320: {  	s31 =	simm.s32 $0x6;
	v15 =	vand.u32 $0x7D, v11;
	v8 =	vld.idx.msk [tilespmem:v10+s18+$0x0], $0xffff  }
0x321: {  	s28 =	simm.s32 $0x7;
	s26 =	simm.s32 $0x8;
	v16 =	vmov s31;
	v11 =	vor.u32 v1, v9;
	v12 =	vld.idx.msk [tilespmem:v10+s20+$0x0], $0xffff;
	v10 =	vbroadcast v15, $0x0  }
0x322: {  	v20 =	vmov s26;
	v15 =	vand.u32 $0x7E, v16;
	v16 =	vmov s28;
	v9 =	vld.idx.msk [tilespmem:v13+s18+$0x0], $0xffff  }
0x323: {  	s28 =	simm.s32 $0x9;
	v21 =	vbroadcast v15, $0x0;
	v22 =	vand.u32 $0x7F, v16;
	v16 =	vld.idx.msk [tilespmem:v13+s20+$0x0], $0xffff;
	v15 =	vor.u32 v1, v10  }
0x324: {  	v18 =	vimm.f32 $0.0e+00;
	v24 =	vand.u32 $0x7C, v20;
	v25 =	vmov s28;
	v10 =	vld.idx.msk [tilespmem:v19+s18+$0x0], $0xffff  }
0x325: {  	s28 =	simm.s32 $0xA;
	v20 =	vbroadcast v22, $0x0;
	v13 =	vor.u32 v1, v21;
	v23 =	vmul.f32 v17, v14;
	v17 =	vld.idx.msk [tilespmem:v19+s20+$0x0], $0xffff  }
0x326: {  	v22 =	vand.u32 $0x7D, v25;
	v19 =	vbroadcast v24, $0x0;
	v21 =	vmov s28;
	s28 =	simm.s32 $0xC;
	v14 =	vld.idx.msk [tilespmem:v11+s18+$0x0], $0xffff  }
.LBB2_36:
0x327: {  	p0 =	sne.s32 s28, $0x7C;
	s29 =	sadd.s32 $0x3, s26;
	v24 =	vld.idx.msk [tilespmem:v11+s20+$0x0], $0xffff;
	v25 =	vor.u32 v1, v20;
	v18 =	vadd.f32 v23, v18;
	v20 =	vmul.f32 v12, v8;
	s26 =	smov.u32 s28  }
0x328: {  	v22 =	vbroadcast v22, $0x0;
	v21 =	vand.u32 $0x7E, v21;
	v23 =	vmov s29;
	v8 =	vld.idx.msk [tilespmem:v15+s18+$0x0], $0xffff  }
0x329: {  	v11 =	vor.u32 v1, v19;
	v19 =	vmul.f32 v16, v9;
	v12 =	vld.idx.msk [tilespmem:v15+s20+$0x0], $0xffff;
	v18 =	vadd.f32 v20, v18  }
.Ltmp17:
0x32a: {  	v21 =	vbroadcast v21, $0x0;
	v20 =	vmov s28;
	v23 =	vand.u32 $0x7F, v23;
	v9 =	vld.idx.msk [tilespmem:v13+s18+$0x0], $0xffff;
	(pc) =	sbr.rel @p0 .LBB2_36-.Ltmp17, $4  }
0x32b: {  	s29 =	sadd.s32 $0x1, s28;
	v15 =	vor.u32 v1, v22;
	v16 =	vld.idx.msk [tilespmem:v13+s20+$0x0], $0xffff;
	v18 =	vadd.f32 v19, v18;
	v19 =	vmul.f32 v17, v10  }
0x32c: {  	v26 =	vmov s29;
	v22 =	vand.u32 $0x7C, v20;
	v20 =	vbroadcast v23, $0x0;
	v10 =	vld.idx.msk [tilespmem:v25+s18+$0x0], $0xffff  }
0x32d: {  	s29 =	sadd.s32 $0x2, s28;
	v13 =	vor.u32 v1, v21;
	v23 =	vmul.f32 v24, v14;
	v17 =	vld.idx.msk [tilespmem:v25+s20+$0x0], $0xffff;
	v18 =	vadd.f32 v19, v18  }
0x32e: {  	s28 =	sadd.s32 $0x4, s28;
	v21 =	vmov s29;
	v19 =	vbroadcast v22, $0x0;
	v22 =	vand.u32 $0x7D, v26;
	v14 =	vld.idx.msk [tilespmem:v11+s18+$0x0], $0xffff  }
0x32f: {  	_ =	sdelay $0x2  }
0x330: {  	v18 =	vadd.f32 v23, v18;
	v8 =	vmul.f32 v12, v8  }
0x331: {  	v11 =	vld.idx.msk [tilespmem:v11+s20+$0x0], $0xffff;
	v12 =	vor.u32 v1, v20  }
0x332: {  	v20 =	vld.idx.msk [tilespmem:v15+s18+$0x0], $0xffff;
	v9 =	vmul.f32 v16, v9;
	v8 =	vadd.f32 v8, v18  }
0x333: {  	v15 =	vld.idx.msk [tilespmem:v15+s20+$0x0], $0xffff;
	v16 =	vbroadcast v22, $0x0;
	v18 =	vor.u32 v1, v19  }
0x334: {  	s26 =	sadd.s32 $0x3, s26;
	v19 =	vand.u32 $0x7E, v21;
	v21 =	vld.idx.msk [tilespmem:v13+s18+$0x0], $0xffff;
	v8 =	vadd.f32 v9, v8;
	v9 =	vmul.f32 v17, v10  }
0x335: {  	v13 =	vld.idx.msk [tilespmem:v13+s20+$0x0], $0xffff;
	v16 =	vor.u32 v1, v16;
	v10 =	vmov s26;
	v17 =	vbroadcast v19, $0x0  }
0x336: {  	v10 =	vand.u32 $0x7F, v10;
	v19 =	vld.idx.msk [tilespmem:v12+s18+$0x0], $0xffff;
	v11 =	vmul.f32 v11, v14;
	v8 =	vadd.f32 v9, v8  }
0x337: {  	v12 =	vld.idx.msk [tilespmem:v12+s20+$0x0], $0xffff;
	v9 =	vbroadcast v10, $0x0;
	v10 =	vor.u32 v1, v17  }
0x338: {  	v14 =	vld.idx.msk [tilespmem:v18+s18+$0x0], $0xffff;
	v8 =	vadd.f32 v11, v8;
	v11 =	vmul.f32 v15, v20  }
0x339: {  	v15 =	vld.idx.msk [tilespmem:v18+s20+$0x0], $0xffff;
	v9 =	vor.u32 v1, v9  }
0x33a: {  	v17 =	vld.idx.msk [tilespmem:v16+s18+$0x0], $0xffff;
	v8 =	vadd.f32 v11, v8;
	v11 =	vmul.f32 v13, v21  }
0x33b: {  	v13 =	vld.idx.msk [tilespmem:v16+s20+$0x0], $0xffff  }
0x33c: {  	v16 =	vld.idx.msk [tilespmem:v10+s18+$0x0], $0xffff;
	v8 =	vadd.f32 v11, v8;
	v11 =	vmul.f32 v12, v19  }
0x33d: {  	v10 =	vld.idx.msk [tilespmem:v10+s20+$0x0], $0xffff  }
0x33e: {  	v12 =	vld.idx.msk [tilespmem:v9+s18+$0x0], $0xffff;
	v14 =	vmul.f32 v15, v14;
	v8 =	vadd.f32 v11, v8  }
0x33f: {  	v9 =	vld.idx.msk [tilespmem:v9+s20+$0x0], $0xffff  }
0x340: {  	s31 =	simm.s32 $0x0;
	v11 =	vmul.f32 v13, v17;
	v8 =	vadd.f32 v14, v8  }
0x341: {  	v13 =	vmov s31  }
0x342: {  	s29 =	simm.s32 $0x1;
	v10 =	vmul.f32 v10, v16;
	v8 =	vadd.f32 v11, v8;
	v11 =	vand.u32 $0x7C, v13  }
0x343: {  	v13 =	vmov s29;
	v11 =	vbroadcast v11, $0x0  }
0x344: {  	s30 =	simm.s32 $0x2;
	v9 =	vmul.f32 v9, v12;
	v8 =	vadd.f32 v10, v8;
	v10 =	vand.u32 $0x7D, v13  }
0x345: {  	v12 =	vmov s30;
	v10 =	vbroadcast v10, $0x0;
	v11 =	vor.u32 v2, v11  }
0x346: {  	s31 =	simm.s32 $0x3;
	v8 =	vadd.f32 v9, v8;
	v9 =	vand.u32 $0x7E, v12  }
0x347: {  	v12 =	vmov s31;
	v9 =	vbroadcast v9, $0x0;
	v10 =	vor.u32 v2, v10  }
0x348: {  	s29 =	simm.s32 $0x4;
	v12 =	vand.u32 $0x7F, v12  }
0x349: {  	[tilespmem:$0x18510] =	vst v8;
	v8 =	vmov s29;
	v12 =	vbroadcast v12, $0x0;
	v13 =	vor.u32 v2, v9  }
0x34a: {  	s30 =	simm.s32 $0x5;
	v8 =	vand.u32 $0x7C, v8;
	v14 =	vld.idx.msk [tilespmem:v11+s18+$0x0], $0xffff  }
0x34b: {  	v9 =	vbroadcast v8, $0x0;
	v17 =	vld.idx.msk [tilespmem:v11+s20+$0x0], $0xffff;
	v19 =	vor.u32 v2, v12;
	v11 =	vmov s30  }
0x34c: {  	s31 =	simm.s32 $0x6;
	v15 =	vand.u32 $0x7D, v11;
	v8 =	vld.idx.msk [tilespmem:v10+s18+$0x0], $0xffff  }
0x34d: {  	s28 =	simm.s32 $0x7;
	s26 =	simm.s32 $0x8;
	v16 =	vmov s31;
	v11 =	vor.u32 v2, v9;
	v12 =	vld.idx.msk [tilespmem:v10+s20+$0x0], $0xffff;
	v10 =	vbroadcast v15, $0x0  }
0x34e: {  	v20 =	vmov s26;
	v15 =	vand.u32 $0x7E, v16;
	v16 =	vmov s28;
	v9 =	vld.idx.msk [tilespmem:v13+s18+$0x0], $0xffff  }
0x34f: {  	s28 =	simm.s32 $0x9;
	v21 =	vbroadcast v15, $0x0;
	v22 =	vand.u32 $0x7F, v16;
	v16 =	vld.idx.msk [tilespmem:v13+s20+$0x0], $0xffff;
	v15 =	vor.u32 v2, v10  }
0x350: {  	v18 =	vimm.f32 $0.0e+00;
	v24 =	vand.u32 $0x7C, v20;
	v25 =	vmov s28;
	v10 =	vld.idx.msk [tilespmem:v19+s18+$0x0], $0xffff  }
0x351: {  	s28 =	simm.s32 $0xA;
	v20 =	vbroadcast v22, $0x0;
	v13 =	vor.u32 v2, v21;
	v23 =	vmul.f32 v17, v14;
	v17 =	vld.idx.msk [tilespmem:v19+s20+$0x0], $0xffff  }
0x352: {  	v22 =	vand.u32 $0x7D, v25;
	v19 =	vbroadcast v24, $0x0;
	v21 =	vmov s28;
	s28 =	simm.s32 $0xC;
	v14 =	vld.idx.msk [tilespmem:v11+s18+$0x0], $0xffff  }
.LBB2_38:
0x353: {  	p0 =	sne.s32 s28, $0x7C;
	s29 =	sadd.s32 $0x3, s26;
	v24 =	vld.idx.msk [tilespmem:v11+s20+$0x0], $0xffff;
	v25 =	vor.u32 v2, v20;
	v18 =	vadd.f32 v23, v18;
	v20 =	vmul.f32 v12, v8;
	s26 =	smov.u32 s28  }
0x354: {  	v22 =	vbroadcast v22, $0x0;
	v21 =	vand.u32 $0x7E, v21;
	v23 =	vmov s29;
	v8 =	vld.idx.msk [tilespmem:v15+s18+$0x0], $0xffff  }
0x355: {  	v11 =	vor.u32 v2, v19;
	v19 =	vmul.f32 v16, v9;
	v12 =	vld.idx.msk [tilespmem:v15+s20+$0x0], $0xffff;
	v18 =	vadd.f32 v20, v18  }
.Ltmp18:
0x356: {  	v21 =	vbroadcast v21, $0x0;
	v20 =	vmov s28;
	v23 =	vand.u32 $0x7F, v23;
	v9 =	vld.idx.msk [tilespmem:v13+s18+$0x0], $0xffff;
	(pc) =	sbr.rel @p0 .LBB2_38-.Ltmp18, $4  }
0x357: {  	s29 =	sadd.s32 $0x1, s28;
	v15 =	vor.u32 v2, v22;
	v16 =	vld.idx.msk [tilespmem:v13+s20+$0x0], $0xffff;
	v18 =	vadd.f32 v19, v18;
	v19 =	vmul.f32 v17, v10  }
0x358: {  	v26 =	vmov s29;
	v22 =	vand.u32 $0x7C, v20;
	v20 =	vbroadcast v23, $0x0;
	v10 =	vld.idx.msk [tilespmem:v25+s18+$0x0], $0xffff  }
0x359: {  	s29 =	sadd.s32 $0x2, s28;
	v13 =	vor.u32 v2, v21;
	v23 =	vmul.f32 v24, v14;
	v17 =	vld.idx.msk [tilespmem:v25+s20+$0x0], $0xffff;
	v18 =	vadd.f32 v19, v18  }
0x35a: {  	s28 =	sadd.s32 $0x4, s28;
	v21 =	vmov s29;
	v19 =	vbroadcast v22, $0x0;
	v22 =	vand.u32 $0x7D, v26;
	v14 =	vld.idx.msk [tilespmem:v11+s18+$0x0], $0xffff  }
0x35b: {  	_ =	sdelay $0x2  }
0x35c: {  	v18 =	vadd.f32 v23, v18;
	v8 =	vmul.f32 v12, v8  }
0x35d: {  	v11 =	vld.idx.msk [tilespmem:v11+s20+$0x0], $0xffff;
	v12 =	vor.u32 v2, v20  }
0x35e: {  	v20 =	vld.idx.msk [tilespmem:v15+s18+$0x0], $0xffff;
	v9 =	vmul.f32 v16, v9;
	v8 =	vadd.f32 v8, v18  }
0x35f: {  	v15 =	vld.idx.msk [tilespmem:v15+s20+$0x0], $0xffff;
	v16 =	vbroadcast v22, $0x0;
	v18 =	vor.u32 v2, v19  }
0x360: {  	s26 =	sadd.s32 $0x3, s26;
	v19 =	vand.u32 $0x7E, v21;
	v21 =	vld.idx.msk [tilespmem:v13+s18+$0x0], $0xffff;
	v8 =	vadd.f32 v9, v8;
	v9 =	vmul.f32 v17, v10  }
0x361: {  	v13 =	vld.idx.msk [tilespmem:v13+s20+$0x0], $0xffff;
	v16 =	vor.u32 v2, v16;
	v10 =	vmov s26;
	v17 =	vbroadcast v19, $0x0  }
0x362: {  	v10 =	vand.u32 $0x7F, v10;
	v19 =	vld.idx.msk [tilespmem:v12+s18+$0x0], $0xffff;
	v11 =	vmul.f32 v11, v14;
	v8 =	vadd.f32 v9, v8  }
0x363: {  	v12 =	vld.idx.msk [tilespmem:v12+s20+$0x0], $0xffff;
	v9 =	vbroadcast v10, $0x0;
	v10 =	vor.u32 v2, v17  }
0x364: {  	v14 =	vld.idx.msk [tilespmem:v18+s18+$0x0], $0xffff;
	v8 =	vadd.f32 v11, v8;
	v11 =	vmul.f32 v15, v20  }
0x365: {  	v15 =	vld.idx.msk [tilespmem:v18+s20+$0x0], $0xffff;
	v9 =	vor.u32 v2, v9  }
0x366: {  	v17 =	vld.idx.msk [tilespmem:v16+s18+$0x0], $0xffff;
	v8 =	vadd.f32 v11, v8;
	v11 =	vmul.f32 v13, v21  }
0x367: {  	v13 =	vld.idx.msk [tilespmem:v16+s20+$0x0], $0xffff  }
0x368: {  	v16 =	vld.idx.msk [tilespmem:v10+s18+$0x0], $0xffff;
	v8 =	vadd.f32 v11, v8;
	v11 =	vmul.f32 v12, v19  }
0x369: {  	v10 =	vld.idx.msk [tilespmem:v10+s20+$0x0], $0xffff  }
0x36a: {  	v12 =	vld.idx.msk [tilespmem:v9+s18+$0x0], $0xffff;
	v14 =	vmul.f32 v15, v14;
	v8 =	vadd.f32 v11, v8  }
0x36b: {  	v9 =	vld.idx.msk [tilespmem:v9+s20+$0x0], $0xffff  }
0x36c: {  	s31 =	simm.s32 $0x0;
	v11 =	vmul.f32 v13, v17;
	v8 =	vadd.f32 v14, v8  }
0x36d: {  	v13 =	vmov s31  }
0x36e: {  	s29 =	simm.s32 $0x1;
	v10 =	vmul.f32 v10, v16;
	v8 =	vadd.f32 v11, v8;
	v11 =	vand.u32 $0x7C, v13  }
0x36f: {  	v13 =	vmov s29;
	v11 =	vbroadcast v11, $0x0  }
0x370: {  	s30 =	simm.s32 $0x2;
	v9 =	vmul.f32 v9, v12;
	v8 =	vadd.f32 v10, v8;
	v10 =	vand.u32 $0x7D, v13  }
0x371: {  	v12 =	vmov s30;
	v10 =	vbroadcast v10, $0x0;
	v11 =	vor.u32 v3, v11  }
0x372: {  	s31 =	simm.s32 $0x3;
	v8 =	vadd.f32 v9, v8;
	v9 =	vand.u32 $0x7E, v12  }
0x373: {  	v12 =	vmov s31;
	v9 =	vbroadcast v9, $0x0;
	v10 =	vor.u32 v3, v10  }
0x374: {  	s29 =	simm.s32 $0x4;
	v12 =	vand.u32 $0x7F, v12  }
0x375: {  	[tilespmem:$0x18520] =	vst v8;
	v8 =	vmov s29;
	v12 =	vbroadcast v12, $0x0;
	v13 =	vor.u32 v3, v9  }
0x376: {  	s30 =	simm.s32 $0x5;
	v8 =	vand.u32 $0x7C, v8;
	v14 =	vld.idx.msk [tilespmem:v11+s18+$0x0], $0xffff  }
0x377: {  	v9 =	vbroadcast v8, $0x0;
	v17 =	vld.idx.msk [tilespmem:v11+s20+$0x0], $0xffff;
	v19 =	vor.u32 v3, v12;
	v11 =	vmov s30  }
0x378: {  	s31 =	simm.s32 $0x6;
	v15 =	vand.u32 $0x7D, v11;
	v8 =	vld.idx.msk [tilespmem:v10+s18+$0x0], $0xffff  }
0x379: {  	s28 =	simm.s32 $0x7;
	s26 =	simm.s32 $0x8;
	v16 =	vmov s31;
	v11 =	vor.u32 v3, v9;
	v12 =	vld.idx.msk [tilespmem:v10+s20+$0x0], $0xffff;
	v10 =	vbroadcast v15, $0x0  }
0x37a: {  	v20 =	vmov s26;
	v15 =	vand.u32 $0x7E, v16;
	v16 =	vmov s28;
	v9 =	vld.idx.msk [tilespmem:v13+s18+$0x0], $0xffff  }
0x37b: {  	s28 =	simm.s32 $0x9;
	v21 =	vbroadcast v15, $0x0;
	v22 =	vand.u32 $0x7F, v16;
	v16 =	vld.idx.msk [tilespmem:v13+s20+$0x0], $0xffff;
	v15 =	vor.u32 v3, v10  }
0x37c: {  	v18 =	vimm.f32 $0.0e+00;
	v24 =	vand.u32 $0x7C, v20;
	v25 =	vmov s28;
	v10 =	vld.idx.msk [tilespmem:v19+s18+$0x0], $0xffff  }
0x37d: {  	s28 =	simm.s32 $0xA;
	v20 =	vbroadcast v22, $0x0;
	v13 =	vor.u32 v3, v21;
	v23 =	vmul.f32 v17, v14;
	v17 =	vld.idx.msk [tilespmem:v19+s20+$0x0], $0xffff  }
0x37e: {  	v22 =	vand.u32 $0x7D, v25;
	v19 =	vbroadcast v24, $0x0;
	v21 =	vmov s28;
	s28 =	simm.s32 $0xC;
	v14 =	vld.idx.msk [tilespmem:v11+s18+$0x0], $0xffff  }
.LBB2_40:
0x37f: {  	p0 =	sne.s32 s28, $0x7C;
	s29 =	sadd.s32 $0x3, s26;
	v24 =	vld.idx.msk [tilespmem:v11+s20+$0x0], $0xffff;
	v25 =	vor.u32 v3, v20;
	v18 =	vadd.f32 v23, v18;
	v20 =	vmul.f32 v12, v8;
	s26 =	smov.u32 s28  }
0x380: {  	v22 =	vbroadcast v22, $0x0;
	v21 =	vand.u32 $0x7E, v21;
	v23 =	vmov s29;
	v8 =	vld.idx.msk [tilespmem:v15+s18+$0x0], $0xffff  }
0x381: {  	v11 =	vor.u32 v3, v19;
	v19 =	vmul.f32 v16, v9;
	v12 =	vld.idx.msk [tilespmem:v15+s20+$0x0], $0xffff;
	v18 =	vadd.f32 v20, v18  }
.Ltmp19:
0x382: {  	v21 =	vbroadcast v21, $0x0;
	v20 =	vmov s28;
	v23 =	vand.u32 $0x7F, v23;
	v9 =	vld.idx.msk [tilespmem:v13+s18+$0x0], $0xffff;
	(pc) =	sbr.rel @p0 .LBB2_40-.Ltmp19, $4  }
0x383: {  	s29 =	sadd.s32 $0x1, s28;
	v15 =	vor.u32 v3, v22;
	v16 =	vld.idx.msk [tilespmem:v13+s20+$0x0], $0xffff;
	v18 =	vadd.f32 v19, v18;
	v19 =	vmul.f32 v17, v10  }
0x384: {  	v26 =	vmov s29;
	v22 =	vand.u32 $0x7C, v20;
	v20 =	vbroadcast v23, $0x0;
	v10 =	vld.idx.msk [tilespmem:v25+s18+$0x0], $0xffff  }
0x385: {  	s29 =	sadd.s32 $0x2, s28;
	v13 =	vor.u32 v3, v21;
	v23 =	vmul.f32 v24, v14;
	v17 =	vld.idx.msk [tilespmem:v25+s20+$0x0], $0xffff;
	v18 =	vadd.f32 v19, v18  }
0x386: {  	s28 =	sadd.s32 $0x4, s28;
	v21 =	vmov s29;
	v19 =	vbroadcast v22, $0x0;
	v22 =	vand.u32 $0x7D, v26;
	v14 =	vld.idx.msk [tilespmem:v11+s18+$0x0], $0xffff  }
0x387: {  	_ =	sdelay $0x2  }
0x388: {  	v18 =	vadd.f32 v23, v18;
	v8 =	vmul.f32 v12, v8  }
0x389: {  	v11 =	vld.idx.msk [tilespmem:v11+s20+$0x0], $0xffff;
	v12 =	vor.u32 v3, v20  }
0x38a: {  	v20 =	vld.idx.msk [tilespmem:v15+s18+$0x0], $0xffff;
	v9 =	vmul.f32 v16, v9;
	v8 =	vadd.f32 v8, v18  }
0x38b: {  	v15 =	vld.idx.msk [tilespmem:v15+s20+$0x0], $0xffff;
	v16 =	vbroadcast v22, $0x0;
	v18 =	vor.u32 v3, v19  }
0x38c: {  	s26 =	sadd.s32 $0x3, s26;
	v19 =	vand.u32 $0x7E, v21;
	v21 =	vld.idx.msk [tilespmem:v13+s18+$0x0], $0xffff;
	v8 =	vadd.f32 v9, v8;
	v9 =	vmul.f32 v17, v10  }
0x38d: {  	v13 =	vld.idx.msk [tilespmem:v13+s20+$0x0], $0xffff;
	v16 =	vor.u32 v3, v16;
	v10 =	vmov s26;
	v17 =	vbroadcast v19, $0x0  }
0x38e: {  	v10 =	vand.u32 $0x7F, v10;
	v19 =	vld.idx.msk [tilespmem:v12+s18+$0x0], $0xffff;
	v11 =	vmul.f32 v11, v14;
	v8 =	vadd.f32 v9, v8  }
0x38f: {  	v12 =	vld.idx.msk [tilespmem:v12+s20+$0x0], $0xffff;
	v9 =	vbroadcast v10, $0x0;
	v10 =	vor.u32 v3, v17  }
0x390: {  	v14 =	vld.idx.msk [tilespmem:v18+s18+$0x0], $0xffff;
	v8 =	vadd.f32 v11, v8;
	v11 =	vmul.f32 v15, v20  }
0x391: {  	v15 =	vld.idx.msk [tilespmem:v18+s20+$0x0], $0xffff;
	v9 =	vor.u32 v3, v9  }
0x392: {  	v17 =	vld.idx.msk [tilespmem:v16+s18+$0x0], $0xffff;
	v8 =	vadd.f32 v11, v8;
	v11 =	vmul.f32 v13, v21  }
0x393: {  	v13 =	vld.idx.msk [tilespmem:v16+s20+$0x0], $0xffff  }
0x394: {  	v16 =	vld.idx.msk [tilespmem:v10+s18+$0x0], $0xffff;
	v8 =	vadd.f32 v11, v8;
	v11 =	vmul.f32 v12, v19  }
0x395: {  	v10 =	vld.idx.msk [tilespmem:v10+s20+$0x0], $0xffff  }
0x396: {  	v12 =	vld.idx.msk [tilespmem:v9+s18+$0x0], $0xffff;
	v14 =	vmul.f32 v15, v14;
	v8 =	vadd.f32 v11, v8  }
0x397: {  	v9 =	vld.idx.msk [tilespmem:v9+s20+$0x0], $0xffff  }
0x398: {  	s31 =	simm.s32 $0x0;
	v11 =	vmul.f32 v13, v17;
	v8 =	vadd.f32 v14, v8  }
0x399: {  	v13 =	vmov s31  }
0x39a: {  	s29 =	simm.s32 $0x1;
	v10 =	vmul.f32 v10, v16;
	v8 =	vadd.f32 v11, v8;
	v11 =	vand.u32 $0x7C, v13  }
0x39b: {  	v13 =	vmov s29;
	v11 =	vbroadcast v11, $0x0  }
0x39c: {  	s30 =	simm.s32 $0x2;
	v9 =	vmul.f32 v9, v12;
	v8 =	vadd.f32 v10, v8;
	v10 =	vand.u32 $0x7D, v13  }
0x39d: {  	v12 =	vmov s30;
	v10 =	vbroadcast v10, $0x0;
	v11 =	vor.u32 v4, v11  }
0x39e: {  	s31 =	simm.s32 $0x3;
	v8 =	vadd.f32 v9, v8;
	v9 =	vand.u32 $0x7E, v12  }
0x39f: {  	v12 =	vmov s31;
	v9 =	vbroadcast v9, $0x0;
	v10 =	vor.u32 v4, v10  }
0x3a0: {  	s29 =	simm.s32 $0x4;
	v12 =	vand.u32 $0x7F, v12  }
0x3a1: {  	[tilespmem:$0x18530] =	vst v8;
	v8 =	vmov s29;
	v12 =	vbroadcast v12, $0x0;
	v13 =	vor.u32 v4, v9  }
0x3a2: {  	s30 =	simm.s32 $0x5;
	v8 =	vand.u32 $0x7C, v8;
	v14 =	vld.idx.msk [tilespmem:v11+s18+$0x0], $0xffff  }
0x3a3: {  	v9 =	vbroadcast v8, $0x0;
	v17 =	vld.idx.msk [tilespmem:v11+s20+$0x0], $0xffff;
	v19 =	vor.u32 v4, v12;
	v11 =	vmov s30  }
0x3a4: {  	s31 =	simm.s32 $0x6;
	v15 =	vand.u32 $0x7D, v11;
	v8 =	vld.idx.msk [tilespmem:v10+s18+$0x0], $0xffff  }
0x3a5: {  	s28 =	simm.s32 $0x7;
	s26 =	simm.s32 $0x8;
	v16 =	vmov s31;
	v11 =	vor.u32 v4, v9;
	v12 =	vld.idx.msk [tilespmem:v10+s20+$0x0], $0xffff;
	v10 =	vbroadcast v15, $0x0  }
0x3a6: {  	v20 =	vmov s26;
	v15 =	vand.u32 $0x7E, v16;
	v16 =	vmov s28;
	v9 =	vld.idx.msk [tilespmem:v13+s18+$0x0], $0xffff  }
0x3a7: {  	s28 =	simm.s32 $0x9;
	v21 =	vbroadcast v15, $0x0;
	v22 =	vand.u32 $0x7F, v16;
	v16 =	vld.idx.msk [tilespmem:v13+s20+$0x0], $0xffff;
	v15 =	vor.u32 v4, v10  }
0x3a8: {  	v18 =	vimm.f32 $0.0e+00;
	v24 =	vand.u32 $0x7C, v20;
	v25 =	vmov s28;
	v10 =	vld.idx.msk [tilespmem:v19+s18+$0x0], $0xffff  }
0x3a9: {  	s28 =	simm.s32 $0xA;
	v20 =	vbroadcast v22, $0x0;
	v13 =	vor.u32 v4, v21;
	v23 =	vmul.f32 v17, v14;
	v17 =	vld.idx.msk [tilespmem:v19+s20+$0x0], $0xffff  }
0x3aa: {  	v22 =	vand.u32 $0x7D, v25;
	v19 =	vbroadcast v24, $0x0;
	v21 =	vmov s28;
	s28 =	simm.s32 $0xC;
	v14 =	vld.idx.msk [tilespmem:v11+s18+$0x0], $0xffff  }
.LBB2_42:
0x3ab: {  	p0 =	sne.s32 s28, $0x7C;
	s29 =	sadd.s32 $0x3, s26;
	v24 =	vld.idx.msk [tilespmem:v11+s20+$0x0], $0xffff;
	v25 =	vor.u32 v4, v20;
	v18 =	vadd.f32 v23, v18;
	v20 =	vmul.f32 v12, v8;
	s26 =	smov.u32 s28  }
0x3ac: {  	v22 =	vbroadcast v22, $0x0;
	v21 =	vand.u32 $0x7E, v21;
	v23 =	vmov s29;
	v8 =	vld.idx.msk [tilespmem:v15+s18+$0x0], $0xffff  }
0x3ad: {  	v11 =	vor.u32 v4, v19;
	v19 =	vmul.f32 v16, v9;
	v12 =	vld.idx.msk [tilespmem:v15+s20+$0x0], $0xffff;
	v18 =	vadd.f32 v20, v18  }
.Ltmp20:
0x3ae: {  	v21 =	vbroadcast v21, $0x0;
	v20 =	vmov s28;
	v23 =	vand.u32 $0x7F, v23;
	v9 =	vld.idx.msk [tilespmem:v13+s18+$0x0], $0xffff;
	(pc) =	sbr.rel @p0 .LBB2_42-.Ltmp20, $4  }
0x3af: {  	s29 =	sadd.s32 $0x1, s28;
	v15 =	vor.u32 v4, v22;
	v16 =	vld.idx.msk [tilespmem:v13+s20+$0x0], $0xffff;
	v18 =	vadd.f32 v19, v18;
	v19 =	vmul.f32 v17, v10  }
0x3b0: {  	v26 =	vmov s29;
	v22 =	vand.u32 $0x7C, v20;
	v20 =	vbroadcast v23, $0x0;
	v10 =	vld.idx.msk [tilespmem:v25+s18+$0x0], $0xffff  }
0x3b1: {  	s29 =	sadd.s32 $0x2, s28;
	v13 =	vor.u32 v4, v21;
	v23 =	vmul.f32 v24, v14;
	v17 =	vld.idx.msk [tilespmem:v25+s20+$0x0], $0xffff;
	v18 =	vadd.f32 v19, v18  }
0x3b2: {  	s28 =	sadd.s32 $0x4, s28;
	v21 =	vmov s29;
	v19 =	vbroadcast v22, $0x0;
	v22 =	vand.u32 $0x7D, v26;
	v14 =	vld.idx.msk [tilespmem:v11+s18+$0x0], $0xffff  }
0x3b3: {  	_ =	sdelay $0x2  }
0x3b4: {  	v18 =	vadd.f32 v23, v18;
	v8 =	vmul.f32 v12, v8  }
0x3b5: {  	v11 =	vld.idx.msk [tilespmem:v11+s20+$0x0], $0xffff;
	v12 =	vor.u32 v4, v20  }
0x3b6: {  	v20 =	vld.idx.msk [tilespmem:v15+s18+$0x0], $0xffff;
	v9 =	vmul.f32 v16, v9;
	v8 =	vadd.f32 v8, v18  }
0x3b7: {  	v15 =	vld.idx.msk [tilespmem:v15+s20+$0x0], $0xffff;
	v16 =	vbroadcast v22, $0x0;
	v18 =	vor.u32 v4, v19  }
0x3b8: {  	s26 =	sadd.s32 $0x3, s26;
	v19 =	vand.u32 $0x7E, v21;
	v21 =	vld.idx.msk [tilespmem:v13+s18+$0x0], $0xffff;
	v8 =	vadd.f32 v9, v8;
	v9 =	vmul.f32 v17, v10  }
0x3b9: {  	v13 =	vld.idx.msk [tilespmem:v13+s20+$0x0], $0xffff;
	v16 =	vor.u32 v4, v16;
	v10 =	vmov s26;
	v17 =	vbroadcast v19, $0x0  }
0x3ba: {  	v10 =	vand.u32 $0x7F, v10;
	v19 =	vld.idx.msk [tilespmem:v12+s18+$0x0], $0xffff;
	v11 =	vmul.f32 v11, v14;
	v8 =	vadd.f32 v9, v8  }
0x3bb: {  	v12 =	vld.idx.msk [tilespmem:v12+s20+$0x0], $0xffff;
	v9 =	vbroadcast v10, $0x0;
	v10 =	vor.u32 v4, v17  }
0x3bc: {  	v14 =	vld.idx.msk [tilespmem:v18+s18+$0x0], $0xffff;
	v8 =	vadd.f32 v11, v8;
	v11 =	vmul.f32 v15, v20  }
0x3bd: {  	v15 =	vld.idx.msk [tilespmem:v18+s20+$0x0], $0xffff;
	v9 =	vor.u32 v4, v9  }
0x3be: {  	v17 =	vld.idx.msk [tilespmem:v16+s18+$0x0], $0xffff;
	v8 =	vadd.f32 v11, v8;
	v11 =	vmul.f32 v13, v21  }
0x3bf: {  	v13 =	vld.idx.msk [tilespmem:v16+s20+$0x0], $0xffff  }
0x3c0: {  	v16 =	vld.idx.msk [tilespmem:v10+s18+$0x0], $0xffff;
	v8 =	vadd.f32 v11, v8;
	v11 =	vmul.f32 v12, v19  }
0x3c1: {  	v10 =	vld.idx.msk [tilespmem:v10+s20+$0x0], $0xffff  }
0x3c2: {  	v12 =	vld.idx.msk [tilespmem:v9+s18+$0x0], $0xffff;
	v14 =	vmul.f32 v15, v14;
	v8 =	vadd.f32 v11, v8  }
0x3c3: {  	v9 =	vld.idx.msk [tilespmem:v9+s20+$0x0], $0xffff  }
0x3c4: {  	s31 =	simm.s32 $0x0;
	v11 =	vmul.f32 v13, v17;
	v8 =	vadd.f32 v14, v8  }
0x3c5: {  	v13 =	vmov s31  }
0x3c6: {  	s29 =	simm.s32 $0x1;
	v10 =	vmul.f32 v10, v16;
	v8 =	vadd.f32 v11, v8;
	v11 =	vand.u32 $0x7C, v13  }
0x3c7: {  	v13 =	vmov s29;
	v11 =	vbroadcast v11, $0x0  }
0x3c8: {  	s30 =	simm.s32 $0x2;
	v9 =	vmul.f32 v9, v12;
	v8 =	vadd.f32 v10, v8;
	v10 =	vand.u32 $0x7D, v13  }
0x3c9: {  	v12 =	vmov s30;
	v10 =	vbroadcast v10, $0x0;
	v11 =	vor.u32 v5, v11  }
0x3ca: {  	s31 =	simm.s32 $0x3;
	v8 =	vadd.f32 v9, v8;
	v9 =	vand.u32 $0x7E, v12  }
0x3cb: {  	v12 =	vmov s31;
	v9 =	vbroadcast v9, $0x0;
	v10 =	vor.u32 v5, v10  }
0x3cc: {  	s29 =	simm.s32 $0x4;
	v12 =	vand.u32 $0x7F, v12  }
0x3cd: {  	[tilespmem:$0x18540] =	vst v8;
	v8 =	vmov s29;
	v12 =	vbroadcast v12, $0x0;
	v13 =	vor.u32 v5, v9  }
0x3ce: {  	s30 =	simm.s32 $0x5;
	v8 =	vand.u32 $0x7C, v8;
	v14 =	vld.idx.msk [tilespmem:v11+s18+$0x0], $0xffff  }
0x3cf: {  	v9 =	vbroadcast v8, $0x0;
	v17 =	vld.idx.msk [tilespmem:v11+s20+$0x0], $0xffff;
	v19 =	vor.u32 v5, v12;
	v11 =	vmov s30  }
0x3d0: {  	s31 =	simm.s32 $0x6;
	v15 =	vand.u32 $0x7D, v11;
	v8 =	vld.idx.msk [tilespmem:v10+s18+$0x0], $0xffff  }
0x3d1: {  	s28 =	simm.s32 $0x7;
	s26 =	simm.s32 $0x8;
	v16 =	vmov s31;
	v11 =	vor.u32 v5, v9;
	v12 =	vld.idx.msk [tilespmem:v10+s20+$0x0], $0xffff;
	v10 =	vbroadcast v15, $0x0  }
0x3d2: {  	v20 =	vmov s26;
	v15 =	vand.u32 $0x7E, v16;
	v16 =	vmov s28;
	v9 =	vld.idx.msk [tilespmem:v13+s18+$0x0], $0xffff  }
0x3d3: {  	s28 =	simm.s32 $0x9;
	v21 =	vbroadcast v15, $0x0;
	v22 =	vand.u32 $0x7F, v16;
	v16 =	vld.idx.msk [tilespmem:v13+s20+$0x0], $0xffff;
	v15 =	vor.u32 v5, v10  }
0x3d4: {  	v18 =	vimm.f32 $0.0e+00;
	v24 =	vand.u32 $0x7C, v20;
	v25 =	vmov s28;
	v10 =	vld.idx.msk [tilespmem:v19+s18+$0x0], $0xffff  }
0x3d5: {  	s28 =	simm.s32 $0xA;
	v20 =	vbroadcast v22, $0x0;
	v13 =	vor.u32 v5, v21;
	v23 =	vmul.f32 v17, v14;
	v17 =	vld.idx.msk [tilespmem:v19+s20+$0x0], $0xffff  }
0x3d6: {  	v22 =	vand.u32 $0x7D, v25;
	v19 =	vbroadcast v24, $0x0;
	v21 =	vmov s28;
	s28 =	simm.s32 $0xC;
	v14 =	vld.idx.msk [tilespmem:v11+s18+$0x0], $0xffff  }
.LBB2_44:
0x3d7: {  	p0 =	sne.s32 s28, $0x7C;
	s29 =	sadd.s32 $0x3, s26;
	v24 =	vld.idx.msk [tilespmem:v11+s20+$0x0], $0xffff;
	v25 =	vor.u32 v5, v20;
	v18 =	vadd.f32 v23, v18;
	v20 =	vmul.f32 v12, v8;
	s26 =	smov.u32 s28  }
0x3d8: {  	v22 =	vbroadcast v22, $0x0;
	v21 =	vand.u32 $0x7E, v21;
	v23 =	vmov s29;
	v8 =	vld.idx.msk [tilespmem:v15+s18+$0x0], $0xffff  }
0x3d9: {  	v11 =	vor.u32 v5, v19;
	v19 =	vmul.f32 v16, v9;
	v12 =	vld.idx.msk [tilespmem:v15+s20+$0x0], $0xffff;
	v18 =	vadd.f32 v20, v18  }
.Ltmp21:
0x3da: {  	v21 =	vbroadcast v21, $0x0;
	v20 =	vmov s28;
	v23 =	vand.u32 $0x7F, v23;
	v9 =	vld.idx.msk [tilespmem:v13+s18+$0x0], $0xffff;
	(pc) =	sbr.rel @p0 .LBB2_44-.Ltmp21, $4  }
0x3db: {  	s29 =	sadd.s32 $0x1, s28;
	v15 =	vor.u32 v5, v22;
	v16 =	vld.idx.msk [tilespmem:v13+s20+$0x0], $0xffff;
	v18 =	vadd.f32 v19, v18;
	v19 =	vmul.f32 v17, v10  }
0x3dc: {  	v26 =	vmov s29;
	v22 =	vand.u32 $0x7C, v20;
	v20 =	vbroadcast v23, $0x0;
	v10 =	vld.idx.msk [tilespmem:v25+s18+$0x0], $0xffff  }
0x3dd: {  	s29 =	sadd.s32 $0x2, s28;
	v13 =	vor.u32 v5, v21;
	v23 =	vmul.f32 v24, v14;
	v17 =	vld.idx.msk [tilespmem:v25+s20+$0x0], $0xffff;
	v18 =	vadd.f32 v19, v18  }
0x3de: {  	s28 =	sadd.s32 $0x4, s28;
	v21 =	vmov s29;
	v19 =	vbroadcast v22, $0x0;
	v22 =	vand.u32 $0x7D, v26;
	v14 =	vld.idx.msk [tilespmem:v11+s18+$0x0], $0xffff  }
0x3df: {  	_ =	sdelay $0x2  }
0x3e0: {  	v18 =	vadd.f32 v23, v18;
	v8 =	vmul.f32 v12, v8  }
0x3e1: {  	v11 =	vld.idx.msk [tilespmem:v11+s20+$0x0], $0xffff;
	v12 =	vor.u32 v5, v20  }
0x3e2: {  	v20 =	vld.idx.msk [tilespmem:v15+s18+$0x0], $0xffff;
	v9 =	vmul.f32 v16, v9;
	v8 =	vadd.f32 v8, v18  }
0x3e3: {  	v15 =	vld.idx.msk [tilespmem:v15+s20+$0x0], $0xffff;
	v16 =	vbroadcast v22, $0x0;
	v18 =	vor.u32 v5, v19  }
0x3e4: {  	s26 =	sadd.s32 $0x3, s26;
	v19 =	vand.u32 $0x7E, v21;
	v21 =	vld.idx.msk [tilespmem:v13+s18+$0x0], $0xffff;
	v8 =	vadd.f32 v9, v8;
	v9 =	vmul.f32 v17, v10  }
0x3e5: {  	v13 =	vld.idx.msk [tilespmem:v13+s20+$0x0], $0xffff;
	v16 =	vor.u32 v5, v16;
	v10 =	vmov s26;
	v17 =	vbroadcast v19, $0x0  }
0x3e6: {  	v10 =	vand.u32 $0x7F, v10;
	v19 =	vld.idx.msk [tilespmem:v12+s18+$0x0], $0xffff;
	v11 =	vmul.f32 v11, v14;
	v8 =	vadd.f32 v9, v8  }
0x3e7: {  	v12 =	vld.idx.msk [tilespmem:v12+s20+$0x0], $0xffff;
	v9 =	vbroadcast v10, $0x0;
	v10 =	vor.u32 v5, v17  }
0x3e8: {  	v14 =	vld.idx.msk [tilespmem:v18+s18+$0x0], $0xffff;
	v8 =	vadd.f32 v11, v8;
	v11 =	vmul.f32 v15, v20  }
0x3e9: {  	v15 =	vld.idx.msk [tilespmem:v18+s20+$0x0], $0xffff;
	v9 =	vor.u32 v5, v9  }
0x3ea: {  	v17 =	vld.idx.msk [tilespmem:v16+s18+$0x0], $0xffff;
	v8 =	vadd.f32 v11, v8;
	v11 =	vmul.f32 v13, v21  }
0x3eb: {  	v13 =	vld.idx.msk [tilespmem:v16+s20+$0x0], $0xffff  }
0x3ec: {  	v16 =	vld.idx.msk [tilespmem:v10+s18+$0x0], $0xffff;
	v8 =	vadd.f32 v11, v8;
	v11 =	vmul.f32 v12, v19  }
0x3ed: {  	v10 =	vld.idx.msk [tilespmem:v10+s20+$0x0], $0xffff  }
0x3ee: {  	v12 =	vld.idx.msk [tilespmem:v9+s18+$0x0], $0xffff;
	v14 =	vmul.f32 v15, v14;
	v8 =	vadd.f32 v11, v8  }
0x3ef: {  	v9 =	vld.idx.msk [tilespmem:v9+s20+$0x0], $0xffff  }
0x3f0: {  	s31 =	simm.s32 $0x0;
	v11 =	vmul.f32 v13, v17;
	v8 =	vadd.f32 v14, v8  }
0x3f1: {  	v13 =	vmov s31  }
0x3f2: {  	s29 =	simm.s32 $0x1;
	v10 =	vmul.f32 v10, v16;
	v8 =	vadd.f32 v11, v8;
	v11 =	vand.u32 $0x7C, v13  }
0x3f3: {  	v13 =	vmov s29;
	v11 =	vbroadcast v11, $0x0  }
0x3f4: {  	s30 =	simm.s32 $0x2;
	v9 =	vmul.f32 v9, v12;
	v8 =	vadd.f32 v10, v8;
	v10 =	vand.u32 $0x7D, v13  }
0x3f5: {  	v12 =	vmov s30;
	v10 =	vbroadcast v10, $0x0;
	v11 =	vor.u32 v6, v11  }
0x3f6: {  	s31 =	simm.s32 $0x3;
	v8 =	vadd.f32 v9, v8;
	v9 =	vand.u32 $0x7E, v12  }
0x3f7: {  	v12 =	vmov s31;
	v9 =	vbroadcast v9, $0x0;
	v10 =	vor.u32 v6, v10  }
0x3f8: {  	s29 =	simm.s32 $0x4;
	v12 =	vand.u32 $0x7F, v12  }
0x3f9: {  	[tilespmem:$0x18550] =	vst v8;
	v8 =	vmov s29;
	v12 =	vbroadcast v12, $0x0;
	v13 =	vor.u32 v6, v9  }
0x3fa: {  	s30 =	simm.s32 $0x5;
	v8 =	vand.u32 $0x7C, v8;
	v14 =	vld.idx.msk [tilespmem:v11+s18+$0x0], $0xffff  }
0x3fb: {  	v9 =	vbroadcast v8, $0x0;
	v17 =	vld.idx.msk [tilespmem:v11+s20+$0x0], $0xffff;
	v19 =	vor.u32 v6, v12;
	v11 =	vmov s30  }
0x3fc: {  	s31 =	simm.s32 $0x6;
	v15 =	vand.u32 $0x7D, v11;
	v8 =	vld.idx.msk [tilespmem:v10+s18+$0x0], $0xffff  }
0x3fd: {  	s28 =	simm.s32 $0x7;
	s26 =	simm.s32 $0x8;
	v16 =	vmov s31;
	v11 =	vor.u32 v6, v9;
	v12 =	vld.idx.msk [tilespmem:v10+s20+$0x0], $0xffff;
	v10 =	vbroadcast v15, $0x0  }
0x3fe: {  	v20 =	vmov s26;
	v15 =	vand.u32 $0x7E, v16;
	v16 =	vmov s28;
	v9 =	vld.idx.msk [tilespmem:v13+s18+$0x0], $0xffff  }
0x3ff: {  	s28 =	simm.s32 $0x9;
	v21 =	vbroadcast v15, $0x0;
	v22 =	vand.u32 $0x7F, v16;
	v16 =	vld.idx.msk [tilespmem:v13+s20+$0x0], $0xffff;
	v15 =	vor.u32 v6, v10  }
0x400: {  	v18 =	vimm.f32 $0.0e+00;
	v24 =	vand.u32 $0x7C, v20;
	v25 =	vmov s28;
	v10 =	vld.idx.msk [tilespmem:v19+s18+$0x0], $0xffff  }
0x401: {  	s28 =	simm.s32 $0xA;
	v20 =	vbroadcast v22, $0x0;
	v13 =	vor.u32 v6, v21;
	v23 =	vmul.f32 v17, v14;
	v17 =	vld.idx.msk [tilespmem:v19+s20+$0x0], $0xffff  }
0x402: {  	v22 =	vand.u32 $0x7D, v25;
	v19 =	vbroadcast v24, $0x0;
	v21 =	vmov s28;
	s28 =	simm.s32 $0xC;
	v14 =	vld.idx.msk [tilespmem:v11+s18+$0x0], $0xffff  }
.LBB2_46:
0x403: {  	p0 =	sne.s32 s28, $0x7C;
	s29 =	sadd.s32 $0x3, s26;
	v24 =	vld.idx.msk [tilespmem:v11+s20+$0x0], $0xffff;
	v25 =	vor.u32 v6, v20;
	v18 =	vadd.f32 v23, v18;
	v20 =	vmul.f32 v12, v8;
	s26 =	smov.u32 s28  }
0x404: {  	v22 =	vbroadcast v22, $0x0;
	v21 =	vand.u32 $0x7E, v21;
	v23 =	vmov s29;
	v8 =	vld.idx.msk [tilespmem:v15+s18+$0x0], $0xffff  }
0x405: {  	v11 =	vor.u32 v6, v19;
	v19 =	vmul.f32 v16, v9;
	v12 =	vld.idx.msk [tilespmem:v15+s20+$0x0], $0xffff;
	v18 =	vadd.f32 v20, v18  }
.Ltmp22:
0x406: {  	v21 =	vbroadcast v21, $0x0;
	v20 =	vmov s28;
	v23 =	vand.u32 $0x7F, v23;
	v9 =	vld.idx.msk [tilespmem:v13+s18+$0x0], $0xffff;
	(pc) =	sbr.rel @p0 .LBB2_46-.Ltmp22, $4  }
0x407: {  	s29 =	sadd.s32 $0x1, s28;
	v15 =	vor.u32 v6, v22;
	v16 =	vld.idx.msk [tilespmem:v13+s20+$0x0], $0xffff;
	v18 =	vadd.f32 v19, v18;
	v19 =	vmul.f32 v17, v10  }
0x408: {  	v26 =	vmov s29;
	v22 =	vand.u32 $0x7C, v20;
	v20 =	vbroadcast v23, $0x0;
	v10 =	vld.idx.msk [tilespmem:v25+s18+$0x0], $0xffff  }
0x409: {  	s29 =	sadd.s32 $0x2, s28;
	v13 =	vor.u32 v6, v21;
	v23 =	vmul.f32 v24, v14;
	v17 =	vld.idx.msk [tilespmem:v25+s20+$0x0], $0xffff;
	v18 =	vadd.f32 v19, v18  }
0x40a: {  	s28 =	sadd.s32 $0x4, s28;
	v21 =	vmov s29;
	v19 =	vbroadcast v22, $0x0;
	v22 =	vand.u32 $0x7D, v26;
	v14 =	vld.idx.msk [tilespmem:v11+s18+$0x0], $0xffff  }
0x40b: {  	_ =	sdelay $0x2  }
0x40c: {  	v18 =	vadd.f32 v23, v18;
	v8 =	vmul.f32 v12, v8  }
0x40d: {  	v11 =	vld.idx.msk [tilespmem:v11+s20+$0x0], $0xffff;
	v12 =	vor.u32 v6, v20  }
0x40e: {  	v20 =	vld.idx.msk [tilespmem:v15+s18+$0x0], $0xffff;
	v9 =	vmul.f32 v16, v9;
	v8 =	vadd.f32 v8, v18  }
0x40f: {  	v15 =	vld.idx.msk [tilespmem:v15+s20+$0x0], $0xffff;
	v16 =	vbroadcast v22, $0x0;
	v18 =	vor.u32 v6, v19  }
0x410: {  	s26 =	sadd.s32 $0x3, s26;
	v19 =	vand.u32 $0x7E, v21;
	v21 =	vld.idx.msk [tilespmem:v13+s18+$0x0], $0xffff;
	v8 =	vadd.f32 v9, v8;
	v9 =	vmul.f32 v17, v10  }
0x411: {  	v13 =	vld.idx.msk [tilespmem:v13+s20+$0x0], $0xffff;
	v16 =	vor.u32 v6, v16;
	v10 =	vmov s26;
	v17 =	vbroadcast v19, $0x0  }
0x412: {  	v10 =	vand.u32 $0x7F, v10;
	v19 =	vld.idx.msk [tilespmem:v12+s18+$0x0], $0xffff;
	v11 =	vmul.f32 v11, v14;
	v8 =	vadd.f32 v9, v8  }
0x413: {  	v12 =	vld.idx.msk [tilespmem:v12+s20+$0x0], $0xffff;
	v9 =	vbroadcast v10, $0x0;
	v10 =	vor.u32 v6, v17  }
0x414: {  	v14 =	vld.idx.msk [tilespmem:v18+s18+$0x0], $0xffff;
	v8 =	vadd.f32 v11, v8;
	v11 =	vmul.f32 v15, v20  }
0x415: {  	v15 =	vld.idx.msk [tilespmem:v18+s20+$0x0], $0xffff;
	v9 =	vor.u32 v6, v9  }
0x416: {  	v17 =	vld.idx.msk [tilespmem:v16+s18+$0x0], $0xffff;
	v8 =	vadd.f32 v11, v8;
	v11 =	vmul.f32 v13, v21  }
0x417: {  	v13 =	vld.idx.msk [tilespmem:v16+s20+$0x0], $0xffff  }
0x418: {  	v16 =	vld.idx.msk [tilespmem:v10+s18+$0x0], $0xffff;
	v8 =	vadd.f32 v11, v8;
	v11 =	vmul.f32 v12, v19  }
0x419: {  	v10 =	vld.idx.msk [tilespmem:v10+s20+$0x0], $0xffff  }
0x41a: {  	v12 =	vld.idx.msk [tilespmem:v9+s18+$0x0], $0xffff;
	v14 =	vmul.f32 v15, v14;
	v8 =	vadd.f32 v11, v8  }
0x41b: {  	v9 =	vld.idx.msk [tilespmem:v9+s20+$0x0], $0xffff  }
0x41c: {  	s31 =	simm.s32 $0x0;
	v11 =	vmul.f32 v13, v17;
	v8 =	vadd.f32 v14, v8  }
0x41d: {  	v13 =	vmov s31  }
0x41e: {  	s29 =	simm.s32 $0x1;
	v10 =	vmul.f32 v10, v16;
	v8 =	vadd.f32 v11, v8;
	v11 =	vand.u32 $0x7C, v13  }
0x41f: {  	v13 =	vmov s29;
	v11 =	vbroadcast v11, $0x0  }
0x420: {  	s30 =	simm.s32 $0x2;
	v9 =	vmul.f32 v9, v12;
	v8 =	vadd.f32 v10, v8;
	v10 =	vand.u32 $0x7D, v13  }
0x421: {  	v12 =	vmov s30;
	v10 =	vbroadcast v10, $0x0;
	v11 =	vor.u32 v7, v11  }
0x422: {  	s31 =	simm.s32 $0x3;
	v8 =	vadd.f32 v9, v8;
	v9 =	vand.u32 $0x7E, v12  }
0x423: {  	v12 =	vmov s31;
	v9 =	vbroadcast v9, $0x0;
	v10 =	vor.u32 v7, v10  }
0x424: {  	s29 =	simm.s32 $0x4;
	v12 =	vand.u32 $0x7F, v12  }
0x425: {  	[tilespmem:$0x18560] =	vst v8;
	v8 =	vmov s29;
	v12 =	vbroadcast v12, $0x0;
	v13 =	vor.u32 v7, v9  }
0x426: {  	s30 =	simm.s32 $0x5;
	v8 =	vand.u32 $0x7C, v8;
	v14 =	vld.idx.msk [tilespmem:v11+s18+$0x0], $0xffff  }
0x427: {  	v9 =	vbroadcast v8, $0x0;
	v17 =	vld.idx.msk [tilespmem:v11+s20+$0x0], $0xffff;
	v19 =	vor.u32 v7, v12;
	v11 =	vmov s30  }
0x428: {  	s31 =	simm.s32 $0x6;
	v15 =	vand.u32 $0x7D, v11;
	v8 =	vld.idx.msk [tilespmem:v10+s18+$0x0], $0xffff  }
0x429: {  	s28 =	simm.s32 $0x7;
	s26 =	simm.s32 $0x8;
	v16 =	vmov s31;
	v11 =	vor.u32 v7, v9;
	v12 =	vld.idx.msk [tilespmem:v10+s20+$0x0], $0xffff;
	v10 =	vbroadcast v15, $0x0  }
0x42a: {  	v20 =	vmov s26;
	v15 =	vand.u32 $0x7E, v16;
	v16 =	vmov s28;
	v9 =	vld.idx.msk [tilespmem:v13+s18+$0x0], $0xffff  }
0x42b: {  	s28 =	simm.s32 $0x9;
	v21 =	vbroadcast v15, $0x0;
	v22 =	vand.u32 $0x7F, v16;
	v16 =	vld.idx.msk [tilespmem:v13+s20+$0x0], $0xffff;
	v15 =	vor.u32 v7, v10  }
0x42c: {  	v18 =	vimm.f32 $0.0e+00;
	v24 =	vand.u32 $0x7C, v20;
	v25 =	vmov s28;
	v10 =	vld.idx.msk [tilespmem:v19+s18+$0x0], $0xffff  }
0x42d: {  	s28 =	simm.s32 $0xA;
	v20 =	vbroadcast v22, $0x0;
	v13 =	vor.u32 v7, v21;
	v23 =	vmul.f32 v17, v14;
	v17 =	vld.idx.msk [tilespmem:v19+s20+$0x0], $0xffff  }
0x42e: {  	v22 =	vand.u32 $0x7D, v25;
	v19 =	vbroadcast v24, $0x0;
	v21 =	vmov s28;
	s28 =	simm.s32 $0xC;
	v14 =	vld.idx.msk [tilespmem:v11+s18+$0x0], $0xffff  }
.LBB2_48:
0x42f: {  	p0 =	sne.s32 s28, $0x7C;
	s29 =	sadd.s32 $0x3, s26;
	v24 =	vld.idx.msk [tilespmem:v11+s20+$0x0], $0xffff;
	v25 =	vor.u32 v7, v20;
	v18 =	vadd.f32 v23, v18;
	v20 =	vmul.f32 v12, v8;
	s26 =	smov.u32 s28  }
0x430: {  	v22 =	vbroadcast v22, $0x0;
	v21 =	vand.u32 $0x7E, v21;
	v23 =	vmov s29;
	v8 =	vld.idx.msk [tilespmem:v15+s18+$0x0], $0xffff  }
0x431: {  	v11 =	vor.u32 v7, v19;
	v19 =	vmul.f32 v16, v9;
	v12 =	vld.idx.msk [tilespmem:v15+s20+$0x0], $0xffff;
	v18 =	vadd.f32 v20, v18  }
.Ltmp23:
0x432: {  	v21 =	vbroadcast v21, $0x0;
	v20 =	vmov s28;
	v23 =	vand.u32 $0x7F, v23;
	v9 =	vld.idx.msk [tilespmem:v13+s18+$0x0], $0xffff;
	(pc) =	sbr.rel @p0 .LBB2_48-.Ltmp23, $4  }
0x433: {  	s29 =	sadd.s32 $0x1, s28;
	v15 =	vor.u32 v7, v22;
	v16 =	vld.idx.msk [tilespmem:v13+s20+$0x0], $0xffff;
	v18 =	vadd.f32 v19, v18;
	v19 =	vmul.f32 v17, v10  }
0x434: {  	v26 =	vmov s29;
	v22 =	vand.u32 $0x7C, v20;
	v20 =	vbroadcast v23, $0x0;
	v10 =	vld.idx.msk [tilespmem:v25+s18+$0x0], $0xffff  }
0x435: {  	s29 =	sadd.s32 $0x2, s28;
	v13 =	vor.u32 v7, v21;
	v23 =	vmul.f32 v24, v14;
	v17 =	vld.idx.msk [tilespmem:v25+s20+$0x0], $0xffff;
	v18 =	vadd.f32 v19, v18  }
0x436: {  	s28 =	sadd.s32 $0x4, s28;
	v21 =	vmov s29;
	v19 =	vbroadcast v22, $0x0;
	v22 =	vand.u32 $0x7D, v26;
	v14 =	vld.idx.msk [tilespmem:v11+s18+$0x0], $0xffff  }
0x437: {  	_ =	sdelay $0x2  }
0x438: {  	v18 =	vadd.f32 v23, v18;
	v8 =	vmul.f32 v12, v8  }
0x439: {  	v11 =	vld.idx.msk [tilespmem:v11+s20+$0x0], $0xffff;
	v12 =	vor.u32 v7, v20  }
0x43a: {  	v20 =	vld.idx.msk [tilespmem:v15+s18+$0x0], $0xffff;
	v9 =	vmul.f32 v16, v9;
	v8 =	vadd.f32 v8, v18  }
0x43b: {  	v15 =	vld.idx.msk [tilespmem:v15+s20+$0x0], $0xffff;
	v16 =	vbroadcast v22, $0x0;
	v18 =	vor.u32 v7, v19  }
0x43c: {  	s26 =	sadd.s32 $0x3, s26;
	v19 =	vand.u32 $0x7E, v21;
	v21 =	vld.idx.msk [tilespmem:v13+s18+$0x0], $0xffff;
	v8 =	vadd.f32 v9, v8;
	v9 =	vmul.f32 v17, v10  }
0x43d: {  	v13 =	vld.idx.msk [tilespmem:v13+s20+$0x0], $0xffff;
	v16 =	vor.u32 v7, v16;
	v10 =	vmov s26;
	v17 =	vbroadcast v19, $0x0  }
0x43e: {  	v10 =	vand.u32 $0x7F, v10;
	v19 =	vld.idx.msk [tilespmem:v12+s18+$0x0], $0xffff;
	v11 =	vmul.f32 v11, v14;
	v8 =	vadd.f32 v9, v8  }
0x43f: {  	v12 =	vld.idx.msk [tilespmem:v12+s20+$0x0], $0xffff;
	v9 =	vbroadcast v10, $0x0;
	v10 =	vor.u32 v7, v17  }
0x440: {  	v14 =	vld.idx.msk [tilespmem:v18+s18+$0x0], $0xffff;
	v8 =	vadd.f32 v11, v8;
	v11 =	vmul.f32 v15, v20  }
0x441: {  	v15 =	vld.idx.msk [tilespmem:v18+s20+$0x0], $0xffff;
	v9 =	vor.u32 v7, v9  }
0x442: {  	v17 =	vld.idx.msk [tilespmem:v16+s18+$0x0], $0xffff;
	v8 =	vadd.f32 v11, v8;
	v11 =	vmul.f32 v13, v21  }
0x443: {  	v13 =	vld.idx.msk [tilespmem:v16+s20+$0x0], $0xffff  }
0x444: {  	v16 =	vld.idx.msk [tilespmem:v10+s18+$0x0], $0xffff;
	v8 =	vadd.f32 v11, v8;
	v11 =	vmul.f32 v12, v19  }
0x445: {  	v10 =	vld.idx.msk [tilespmem:v10+s20+$0x0], $0xffff  }
0x446: {  	v12 =	vld.idx.msk [tilespmem:v9+s18+$0x0], $0xffff;
	v14 =	vmul.f32 v15, v14;
	v8 =	vadd.f32 v11, v8  }
0x447: {  	v9 =	vld.idx.msk [tilespmem:v9+s20+$0x0], $0xffff  }
0x448: {  	v11 =	vmul.f32 v13, v17;
	v8 =	vadd.f32 v14, v8;
	_ =	sdelay $0x1  }
0x449: {  	v10 =	vmul.f32 v10, v16;
	v8 =	vadd.f32 v11, v8;
	_ =	sdelay $0x1  }
0x44a: {  	v9 =	vmul.f32 v9, v12;
	v8 =	vadd.f32 v10, v8  }
0x44b: {  	s31 =	simm.s32 $0x0  }
0x44c: {  	v8 =	vadd.f32 v9, v8;
	v9 =	vmov s31  }
0x44d: {  	s30 =	simm.s32 $0x2;
	v9 =	vand.u32 $0x7C, v9  }
0x44e: {  	s29 =	simm.s32 $0x1;
	v10 =	vmov s30;
	[tilespmem:$0x18570] =	vst v8;
	v9 =	vbroadcast v9, $0x0  }
0x44f: {  	v10 =	vand.u32 $0x7E, v10;
	v8 =	vmov s29;
	_ =	swait.ge [sflag:s21], $0x4000  }
0x450: {  	v10 =	vbroadcast v10, $0x0;
	v8 =	vand.u32 $0x7D, v8;
	[sflag:s21] =	ssyncset.done $0x0;
	v9 =	vor.u32 v0, v9  }
0x451: {  	s31 =	simm.s32 $0x3;
	v8 =	vbroadcast v8, $0x0;
	[sflag:s21] =	ssyncadd.s32 $0xFFFFC000  }
0x452: {  	v11 =	vmov s31;
	v10 =	vor.u32 v0, v10;
	_ =	swait.ge [sflag:s21], $0x4000  }
0x453: {  	s29 =	simm.s32 $0x4;
	v12 =	vor.u32 v0, v8;
	v8 =	vand.u32 $0x7F, v11;
	[sflag:s21] =	ssyncset.done $0x0  }
0x454: {  	s28 =	simm.s32 $0x7;
	v11 =	vmov s29;
	v8 =	vbroadcast v8, $0x0;
	[sflag:s21] =	ssyncadd.s32 $0xFFFFC000  }
0x455: {  	v16 =	vmov s28;
	s30 =	simm.s32 $0x5;
	v11 =	vand.u32 $0x7C, v11;
	v14 =	vld.idx.msk [tilespmem:v9+s12+$0x0], $0xffff  }
0x456: {  	v11 =	vbroadcast v11, $0x0;
	v17 =	vld.idx.msk [tilespmem:v9+s13+$0x0], $0xffff;
	v19 =	vor.u32 v0, v8;
	v9 =	vmov s30  }
0x457: {  	v21 =	vand.u32 $0x7F, v16;
	s31 =	simm.s32 $0x6;
	v16 =	vld.idx.msk [tilespmem:v10+s13+$0x0], $0xffff;
	v9 =	vand.u32 $0x7D, v9  }
0x458: {  	v13 =	vmov s31;
	v11 =	vor.u32 v0, v11;
	v8 =	vld.idx.msk [tilespmem:v12+s12+$0x0], $0xffff;
	v15 =	vbroadcast v9, $0x0  }
0x459: {  	s26 =	simm.s32 $0x8;
	v13 =	vand.u32 $0x7E, v13;
	v12 =	vld.idx.msk [tilespmem:v12+s13+$0x0], $0xffff  }
0x45a: {  	v20 =	vmov s26;
	s28 =	simm.s32 $0x9;
	v13 =	vbroadcast v13, $0x0;
	v9 =	vld.idx.msk [tilespmem:v10+s12+$0x0], $0xffff;
	v15 =	vor.u32 v0, v15  }
0x45b: {  	v18 =	vimm.f32 $0.0e+00;
	v22 =	vand.u32 $0x7C, v20;
	v24 =	vmov s28;
	v10 =	vld.idx.msk [tilespmem:v19+s12+$0x0], $0xffff  }
0x45c: {  	s28 =	simm.s32 $0xA;
	v20 =	vbroadcast v21, $0x0;
	v13 =	vor.u32 v0, v13;
	v23 =	vmul.f32 v17, v14;
	v17 =	vld.idx.msk [tilespmem:v19+s13+$0x0], $0xffff  }
0x45d: {  	v21 =	vmov s28;
	s28 =	simm.s32 $0xC;
	v19 =	vbroadcast v22, $0x0;
	v22 =	vand.u32 $0x7D, v24;
	v14 =	vld.idx.msk [tilespmem:v11+s12+$0x0], $0xffff  }
.LBB2_50:
0x45e: {  	p0 =	sne.s32 s28, $0x7C;
	s29 =	sadd.s32 $0x3, s26;
	v24 =	vld.idx.msk [tilespmem:v11+s13+$0x0], $0xffff;
	v25 =	vor.u32 v0, v20;
	v18 =	vadd.f32 v23, v18;
	v20 =	vmul.f32 v12, v8;
	s26 =	smov.u32 s28  }
0x45f: {  	v22 =	vbroadcast v22, $0x0;
	v21 =	vand.u32 $0x7E, v21;
	v23 =	vmov s29;
	v8 =	vld.idx.msk [tilespmem:v15+s12+$0x0], $0xffff  }
0x460: {  	v11 =	vor.u32 v0, v19;
	v19 =	vmul.f32 v16, v9;
	v12 =	vld.idx.msk [tilespmem:v15+s13+$0x0], $0xffff;
	v18 =	vadd.f32 v20, v18  }
.Ltmp24:
0x461: {  	v21 =	vbroadcast v21, $0x0;
	v20 =	vmov s28;
	v23 =	vand.u32 $0x7F, v23;
	v9 =	vld.idx.msk [tilespmem:v13+s12+$0x0], $0xffff;
	(pc) =	sbr.rel @p0 .LBB2_50-.Ltmp24, $4  }
0x462: {  	s29 =	sadd.s32 $0x1, s28;
	v15 =	vor.u32 v0, v22;
	v16 =	vld.idx.msk [tilespmem:v13+s13+$0x0], $0xffff;
	v18 =	vadd.f32 v19, v18;
	v19 =	vmul.f32 v17, v10  }
0x463: {  	v26 =	vmov s29;
	v22 =	vand.u32 $0x7C, v20;
	v20 =	vbroadcast v23, $0x0;
	v10 =	vld.idx.msk [tilespmem:v25+s12+$0x0], $0xffff  }
0x464: {  	s29 =	sadd.s32 $0x2, s28;
	v13 =	vor.u32 v0, v21;
	v23 =	vmul.f32 v24, v14;
	v17 =	vld.idx.msk [tilespmem:v25+s13+$0x0], $0xffff;
	v18 =	vadd.f32 v19, v18  }
0x465: {  	s28 =	sadd.s32 $0x4, s28;
	v21 =	vmov s29;
	v19 =	vbroadcast v22, $0x0;
	v22 =	vand.u32 $0x7D, v26;
	v14 =	vld.idx.msk [tilespmem:v11+s12+$0x0], $0xffff  }
0x466: {  	_ =	sdelay $0x2  }
0x467: {  	v18 =	vadd.f32 v23, v18;
	v8 =	vmul.f32 v12, v8  }
0x468: {  	v11 =	vld.idx.msk [tilespmem:v11+s13+$0x0], $0xffff;
	v12 =	vor.u32 v0, v20  }
0x469: {  	v20 =	vld.idx.msk [tilespmem:v15+s12+$0x0], $0xffff;
	v9 =	vmul.f32 v16, v9;
	v8 =	vadd.f32 v8, v18  }
0x46a: {  	v15 =	vld.idx.msk [tilespmem:v15+s13+$0x0], $0xffff;
	v16 =	vbroadcast v22, $0x0;
	v18 =	vor.u32 v0, v19  }
0x46b: {  	s26 =	sadd.s32 $0x3, s26;
	v19 =	vand.u32 $0x7E, v21;
	v21 =	vld.idx.msk [tilespmem:v13+s12+$0x0], $0xffff;
	v8 =	vadd.f32 v9, v8;
	v9 =	vmul.f32 v17, v10  }
0x46c: {  	v13 =	vld.idx.msk [tilespmem:v13+s13+$0x0], $0xffff;
	v16 =	vor.u32 v0, v16;
	v10 =	vmov s26;
	v17 =	vbroadcast v19, $0x0  }
0x46d: {  	v10 =	vand.u32 $0x7F, v10;
	v19 =	vld.idx.msk [tilespmem:v12+s12+$0x0], $0xffff;
	v11 =	vmul.f32 v11, v14;
	v8 =	vadd.f32 v9, v8  }
0x46e: {  	v12 =	vld.idx.msk [tilespmem:v12+s13+$0x0], $0xffff;
	v9 =	vbroadcast v10, $0x0;
	v10 =	vor.u32 v0, v17  }
0x46f: {  	v14 =	vld.idx.msk [tilespmem:v18+s12+$0x0], $0xffff;
	v8 =	vadd.f32 v11, v8;
	v11 =	vmul.f32 v15, v20  }
0x470: {  	v15 =	vld.idx.msk [tilespmem:v18+s13+$0x0], $0xffff;
	v9 =	vor.u32 v0, v9  }
0x471: {  	v17 =	vld.idx.msk [tilespmem:v16+s12+$0x0], $0xffff;
	v8 =	vadd.f32 v11, v8;
	v11 =	vmul.f32 v13, v21  }
0x472: {  	v13 =	vld.idx.msk [tilespmem:v16+s13+$0x0], $0xffff  }
0x473: {  	v16 =	vld.idx.msk [tilespmem:v10+s12+$0x0], $0xffff;
	v8 =	vadd.f32 v11, v8;
	v11 =	vmul.f32 v12, v19  }
0x474: {  	v10 =	vld.idx.msk [tilespmem:v10+s13+$0x0], $0xffff  }
0x475: {  	v12 =	vld.idx.msk [tilespmem:v9+s12+$0x0], $0xffff;
	v14 =	vmul.f32 v15, v14;
	v8 =	vadd.f32 v11, v8  }
0x476: {  	v9 =	vld.idx.msk [tilespmem:v9+s13+$0x0], $0xffff  }
0x477: {  	s31 =	simm.s32 $0x0;
	v11 =	vmul.f32 v13, v17;
	v8 =	vadd.f32 v14, v8  }
0x478: {  	v13 =	vmov s31  }
0x479: {  	s29 =	simm.s32 $0x1;
	v10 =	vmul.f32 v10, v16;
	v8 =	vadd.f32 v11, v8;
	v11 =	vand.u32 $0x7C, v13  }
0x47a: {  	v13 =	vmov s29;
	v11 =	vbroadcast v11, $0x0  }
0x47b: {  	s30 =	simm.s32 $0x2;
	v9 =	vmul.f32 v9, v12;
	v8 =	vadd.f32 v10, v8;
	v10 =	vand.u32 $0x7D, v13  }
0x47c: {  	v12 =	vmov s30;
	v10 =	vbroadcast v10, $0x0;
	v11 =	vor.u32 v1, v11  }
0x47d: {  	s31 =	simm.s32 $0x3;
	v8 =	vadd.f32 v9, v8;
	v9 =	vand.u32 $0x7E, v12  }
0x47e: {  	v12 =	vmov s31;
	v9 =	vbroadcast v9, $0x0;
	v10 =	vor.u32 v1, v10  }
0x47f: {  	s29 =	simm.s32 $0x4;
	v12 =	vand.u32 $0x7F, v12  }
0x480: {  	[tilespmem:$0x18580] =	vst v8;
	v8 =	vmov s29;
	v12 =	vbroadcast v12, $0x0;
	v13 =	vor.u32 v1, v9  }
0x481: {  	s30 =	simm.s32 $0x5;
	v8 =	vand.u32 $0x7C, v8;
	v14 =	vld.idx.msk [tilespmem:v11+s12+$0x0], $0xffff  }
0x482: {  	v9 =	vbroadcast v8, $0x0;
	v17 =	vld.idx.msk [tilespmem:v11+s13+$0x0], $0xffff;
	v19 =	vor.u32 v1, v12;
	v11 =	vmov s30  }
0x483: {  	s31 =	simm.s32 $0x6;
	v15 =	vand.u32 $0x7D, v11;
	v8 =	vld.idx.msk [tilespmem:v10+s12+$0x0], $0xffff  }
0x484: {  	s28 =	simm.s32 $0x7;
	s26 =	simm.s32 $0x8;
	v16 =	vmov s31;
	v11 =	vor.u32 v1, v9;
	v12 =	vld.idx.msk [tilespmem:v10+s13+$0x0], $0xffff;
	v10 =	vbroadcast v15, $0x0  }
0x485: {  	v20 =	vmov s26;
	v15 =	vand.u32 $0x7E, v16;
	v16 =	vmov s28;
	v9 =	vld.idx.msk [tilespmem:v13+s12+$0x0], $0xffff  }
0x486: {  	s28 =	simm.s32 $0x9;
	v21 =	vbroadcast v15, $0x0;
	v22 =	vand.u32 $0x7F, v16;
	v16 =	vld.idx.msk [tilespmem:v13+s13+$0x0], $0xffff;
	v15 =	vor.u32 v1, v10  }
0x487: {  	v18 =	vimm.f32 $0.0e+00;
	v24 =	vand.u32 $0x7C, v20;
	v25 =	vmov s28;
	v10 =	vld.idx.msk [tilespmem:v19+s12+$0x0], $0xffff  }
0x488: {  	s28 =	simm.s32 $0xA;
	v20 =	vbroadcast v22, $0x0;
	v13 =	vor.u32 v1, v21;
	v23 =	vmul.f32 v17, v14;
	v17 =	vld.idx.msk [tilespmem:v19+s13+$0x0], $0xffff  }
0x489: {  	v22 =	vand.u32 $0x7D, v25;
	v19 =	vbroadcast v24, $0x0;
	v21 =	vmov s28;
	s28 =	simm.s32 $0xC;
	v14 =	vld.idx.msk [tilespmem:v11+s12+$0x0], $0xffff  }
.LBB2_52:
0x48a: {  	p0 =	sne.s32 s28, $0x7C;
	s29 =	sadd.s32 $0x3, s26;
	v24 =	vld.idx.msk [tilespmem:v11+s13+$0x0], $0xffff;
	v25 =	vor.u32 v1, v20;
	v18 =	vadd.f32 v23, v18;
	v20 =	vmul.f32 v12, v8;
	s26 =	smov.u32 s28  }
0x48b: {  	v22 =	vbroadcast v22, $0x0;
	v21 =	vand.u32 $0x7E, v21;
	v23 =	vmov s29;
	v8 =	vld.idx.msk [tilespmem:v15+s12+$0x0], $0xffff  }
0x48c: {  	v11 =	vor.u32 v1, v19;
	v19 =	vmul.f32 v16, v9;
	v12 =	vld.idx.msk [tilespmem:v15+s13+$0x0], $0xffff;
	v18 =	vadd.f32 v20, v18  }
.Ltmp25:
0x48d: {  	v21 =	vbroadcast v21, $0x0;
	v20 =	vmov s28;
	v23 =	vand.u32 $0x7F, v23;
	v9 =	vld.idx.msk [tilespmem:v13+s12+$0x0], $0xffff;
	(pc) =	sbr.rel @p0 .LBB2_52-.Ltmp25, $4  }
0x48e: {  	s29 =	sadd.s32 $0x1, s28;
	v15 =	vor.u32 v1, v22;
	v16 =	vld.idx.msk [tilespmem:v13+s13+$0x0], $0xffff;
	v18 =	vadd.f32 v19, v18;
	v19 =	vmul.f32 v17, v10  }
0x48f: {  	v26 =	vmov s29;
	v22 =	vand.u32 $0x7C, v20;
	v20 =	vbroadcast v23, $0x0;
	v10 =	vld.idx.msk [tilespmem:v25+s12+$0x0], $0xffff  }
0x490: {  	s29 =	sadd.s32 $0x2, s28;
	v13 =	vor.u32 v1, v21;
	v23 =	vmul.f32 v24, v14;
	v17 =	vld.idx.msk [tilespmem:v25+s13+$0x0], $0xffff;
	v18 =	vadd.f32 v19, v18  }
0x491: {  	s28 =	sadd.s32 $0x4, s28;
	v21 =	vmov s29;
	v19 =	vbroadcast v22, $0x0;
	v22 =	vand.u32 $0x7D, v26;
	v14 =	vld.idx.msk [tilespmem:v11+s12+$0x0], $0xffff  }
0x492: {  	_ =	sdelay $0x2  }
0x493: {  	v18 =	vadd.f32 v23, v18;
	v8 =	vmul.f32 v12, v8  }
0x494: {  	v11 =	vld.idx.msk [tilespmem:v11+s13+$0x0], $0xffff;
	v12 =	vor.u32 v1, v20  }
0x495: {  	v20 =	vld.idx.msk [tilespmem:v15+s12+$0x0], $0xffff;
	v9 =	vmul.f32 v16, v9;
	v8 =	vadd.f32 v8, v18  }
0x496: {  	v15 =	vld.idx.msk [tilespmem:v15+s13+$0x0], $0xffff;
	v16 =	vbroadcast v22, $0x0;
	v18 =	vor.u32 v1, v19  }
0x497: {  	s26 =	sadd.s32 $0x3, s26;
	v19 =	vand.u32 $0x7E, v21;
	v21 =	vld.idx.msk [tilespmem:v13+s12+$0x0], $0xffff;
	v8 =	vadd.f32 v9, v8;
	v9 =	vmul.f32 v17, v10  }
0x498: {  	v13 =	vld.idx.msk [tilespmem:v13+s13+$0x0], $0xffff;
	v16 =	vor.u32 v1, v16;
	v10 =	vmov s26;
	v17 =	vbroadcast v19, $0x0  }
0x499: {  	v10 =	vand.u32 $0x7F, v10;
	v19 =	vld.idx.msk [tilespmem:v12+s12+$0x0], $0xffff;
	v11 =	vmul.f32 v11, v14;
	v8 =	vadd.f32 v9, v8  }
0x49a: {  	v12 =	vld.idx.msk [tilespmem:v12+s13+$0x0], $0xffff;
	v9 =	vbroadcast v10, $0x0;
	v10 =	vor.u32 v1, v17  }
0x49b: {  	v14 =	vld.idx.msk [tilespmem:v18+s12+$0x0], $0xffff;
	v8 =	vadd.f32 v11, v8;
	v11 =	vmul.f32 v15, v20  }
0x49c: {  	v15 =	vld.idx.msk [tilespmem:v18+s13+$0x0], $0xffff;
	v9 =	vor.u32 v1, v9  }
0x49d: {  	v17 =	vld.idx.msk [tilespmem:v16+s12+$0x0], $0xffff;
	v8 =	vadd.f32 v11, v8;
	v11 =	vmul.f32 v13, v21  }
0x49e: {  	v13 =	vld.idx.msk [tilespmem:v16+s13+$0x0], $0xffff  }
0x49f: {  	v16 =	vld.idx.msk [tilespmem:v10+s12+$0x0], $0xffff;
	v8 =	vadd.f32 v11, v8;
	v11 =	vmul.f32 v12, v19  }
0x4a0: {  	v10 =	vld.idx.msk [tilespmem:v10+s13+$0x0], $0xffff  }
0x4a1: {  	v12 =	vld.idx.msk [tilespmem:v9+s12+$0x0], $0xffff;
	v14 =	vmul.f32 v15, v14;
	v8 =	vadd.f32 v11, v8  }
0x4a2: {  	v9 =	vld.idx.msk [tilespmem:v9+s13+$0x0], $0xffff  }
0x4a3: {  	s31 =	simm.s32 $0x0;
	v11 =	vmul.f32 v13, v17;
	v8 =	vadd.f32 v14, v8  }
0x4a4: {  	v13 =	vmov s31  }
0x4a5: {  	s29 =	simm.s32 $0x1;
	v10 =	vmul.f32 v10, v16;
	v8 =	vadd.f32 v11, v8;
	v11 =	vand.u32 $0x7C, v13  }
0x4a6: {  	v13 =	vmov s29;
	v11 =	vbroadcast v11, $0x0  }
0x4a7: {  	s30 =	simm.s32 $0x2;
	v9 =	vmul.f32 v9, v12;
	v8 =	vadd.f32 v10, v8;
	v10 =	vand.u32 $0x7D, v13  }
0x4a8: {  	v12 =	vmov s30;
	v10 =	vbroadcast v10, $0x0;
	v11 =	vor.u32 v2, v11  }
0x4a9: {  	s31 =	simm.s32 $0x3;
	v8 =	vadd.f32 v9, v8;
	v9 =	vand.u32 $0x7E, v12  }
0x4aa: {  	v12 =	vmov s31;
	v9 =	vbroadcast v9, $0x0;
	v10 =	vor.u32 v2, v10  }
0x4ab: {  	s29 =	simm.s32 $0x4;
	v12 =	vand.u32 $0x7F, v12  }
0x4ac: {  	[tilespmem:$0x18590] =	vst v8;
	v8 =	vmov s29;
	v12 =	vbroadcast v12, $0x0;
	v13 =	vor.u32 v2, v9  }
0x4ad: {  	s30 =	simm.s32 $0x5;
	v8 =	vand.u32 $0x7C, v8;
	v14 =	vld.idx.msk [tilespmem:v11+s12+$0x0], $0xffff  }
0x4ae: {  	v9 =	vbroadcast v8, $0x0;
	v17 =	vld.idx.msk [tilespmem:v11+s13+$0x0], $0xffff;
	v19 =	vor.u32 v2, v12;
	v11 =	vmov s30  }
0x4af: {  	s31 =	simm.s32 $0x6;
	v15 =	vand.u32 $0x7D, v11;
	v8 =	vld.idx.msk [tilespmem:v10+s12+$0x0], $0xffff  }
0x4b0: {  	s28 =	simm.s32 $0x7;
	s26 =	simm.s32 $0x8;
	v16 =	vmov s31;
	v11 =	vor.u32 v2, v9;
	v12 =	vld.idx.msk [tilespmem:v10+s13+$0x0], $0xffff;
	v10 =	vbroadcast v15, $0x0  }
0x4b1: {  	v20 =	vmov s26;
	v15 =	vand.u32 $0x7E, v16;
	v16 =	vmov s28;
	v9 =	vld.idx.msk [tilespmem:v13+s12+$0x0], $0xffff  }
0x4b2: {  	s28 =	simm.s32 $0x9;
	v21 =	vbroadcast v15, $0x0;
	v22 =	vand.u32 $0x7F, v16;
	v16 =	vld.idx.msk [tilespmem:v13+s13+$0x0], $0xffff;
	v15 =	vor.u32 v2, v10  }
0x4b3: {  	v18 =	vimm.f32 $0.0e+00;
	v24 =	vand.u32 $0x7C, v20;
	v25 =	vmov s28;
	v10 =	vld.idx.msk [tilespmem:v19+s12+$0x0], $0xffff  }
0x4b4: {  	s28 =	simm.s32 $0xA;
	v20 =	vbroadcast v22, $0x0;
	v13 =	vor.u32 v2, v21;
	v23 =	vmul.f32 v17, v14;
	v17 =	vld.idx.msk [tilespmem:v19+s13+$0x0], $0xffff  }
0x4b5: {  	v22 =	vand.u32 $0x7D, v25;
	v19 =	vbroadcast v24, $0x0;
	v21 =	vmov s28;
	s28 =	simm.s32 $0xC;
	v14 =	vld.idx.msk [tilespmem:v11+s12+$0x0], $0xffff  }
.LBB2_54:
0x4b6: {  	p0 =	sne.s32 s28, $0x7C;
	s29 =	sadd.s32 $0x3, s26;
	v24 =	vld.idx.msk [tilespmem:v11+s13+$0x0], $0xffff;
	v25 =	vor.u32 v2, v20;
	v18 =	vadd.f32 v23, v18;
	v20 =	vmul.f32 v12, v8;
	s26 =	smov.u32 s28  }
0x4b7: {  	v22 =	vbroadcast v22, $0x0;
	v21 =	vand.u32 $0x7E, v21;
	v23 =	vmov s29;
	v8 =	vld.idx.msk [tilespmem:v15+s12+$0x0], $0xffff  }
0x4b8: {  	v11 =	vor.u32 v2, v19;
	v19 =	vmul.f32 v16, v9;
	v12 =	vld.idx.msk [tilespmem:v15+s13+$0x0], $0xffff;
	v18 =	vadd.f32 v20, v18  }
.Ltmp26:
0x4b9: {  	v21 =	vbroadcast v21, $0x0;
	v20 =	vmov s28;
	v23 =	vand.u32 $0x7F, v23;
	v9 =	vld.idx.msk [tilespmem:v13+s12+$0x0], $0xffff;
	(pc) =	sbr.rel @p0 .LBB2_54-.Ltmp26, $4  }
0x4ba: {  	s29 =	sadd.s32 $0x1, s28;
	v15 =	vor.u32 v2, v22;
	v16 =	vld.idx.msk [tilespmem:v13+s13+$0x0], $0xffff;
	v18 =	vadd.f32 v19, v18;
	v19 =	vmul.f32 v17, v10  }
0x4bb: {  	v26 =	vmov s29;
	v22 =	vand.u32 $0x7C, v20;
	v20 =	vbroadcast v23, $0x0;
	v10 =	vld.idx.msk [tilespmem:v25+s12+$0x0], $0xffff  }
0x4bc: {  	s29 =	sadd.s32 $0x2, s28;
	v13 =	vor.u32 v2, v21;
	v23 =	vmul.f32 v24, v14;
	v17 =	vld.idx.msk [tilespmem:v25+s13+$0x0], $0xffff;
	v18 =	vadd.f32 v19, v18  }
0x4bd: {  	s28 =	sadd.s32 $0x4, s28;
	v21 =	vmov s29;
	v19 =	vbroadcast v22, $0x0;
	v22 =	vand.u32 $0x7D, v26;
	v14 =	vld.idx.msk [tilespmem:v11+s12+$0x0], $0xffff  }
0x4be: {  	_ =	sdelay $0x2  }
0x4bf: {  	v18 =	vadd.f32 v23, v18;
	v8 =	vmul.f32 v12, v8  }
0x4c0: {  	v11 =	vld.idx.msk [tilespmem:v11+s13+$0x0], $0xffff;
	v12 =	vor.u32 v2, v20  }
0x4c1: {  	v20 =	vld.idx.msk [tilespmem:v15+s12+$0x0], $0xffff;
	v9 =	vmul.f32 v16, v9;
	v8 =	vadd.f32 v8, v18  }
0x4c2: {  	v15 =	vld.idx.msk [tilespmem:v15+s13+$0x0], $0xffff;
	v16 =	vbroadcast v22, $0x0;
	v18 =	vor.u32 v2, v19  }
0x4c3: {  	s26 =	sadd.s32 $0x3, s26;
	v19 =	vand.u32 $0x7E, v21;
	v21 =	vld.idx.msk [tilespmem:v13+s12+$0x0], $0xffff;
	v8 =	vadd.f32 v9, v8;
	v9 =	vmul.f32 v17, v10  }
0x4c4: {  	v13 =	vld.idx.msk [tilespmem:v13+s13+$0x0], $0xffff;
	v16 =	vor.u32 v2, v16;
	v10 =	vmov s26;
	v17 =	vbroadcast v19, $0x0  }
0x4c5: {  	v10 =	vand.u32 $0x7F, v10;
	v19 =	vld.idx.msk [tilespmem:v12+s12+$0x0], $0xffff;
	v11 =	vmul.f32 v11, v14;
	v8 =	vadd.f32 v9, v8  }
0x4c6: {  	v12 =	vld.idx.msk [tilespmem:v12+s13+$0x0], $0xffff;
	v9 =	vbroadcast v10, $0x0;
	v10 =	vor.u32 v2, v17  }
0x4c7: {  	v14 =	vld.idx.msk [tilespmem:v18+s12+$0x0], $0xffff;
	v8 =	vadd.f32 v11, v8;
	v11 =	vmul.f32 v15, v20  }
0x4c8: {  	v15 =	vld.idx.msk [tilespmem:v18+s13+$0x0], $0xffff;
	v9 =	vor.u32 v2, v9  }
0x4c9: {  	v17 =	vld.idx.msk [tilespmem:v16+s12+$0x0], $0xffff;
	v8 =	vadd.f32 v11, v8;
	v11 =	vmul.f32 v13, v21  }
0x4ca: {  	v13 =	vld.idx.msk [tilespmem:v16+s13+$0x0], $0xffff  }
0x4cb: {  	v16 =	vld.idx.msk [tilespmem:v10+s12+$0x0], $0xffff;
	v8 =	vadd.f32 v11, v8;
	v11 =	vmul.f32 v12, v19  }
0x4cc: {  	v10 =	vld.idx.msk [tilespmem:v10+s13+$0x0], $0xffff  }
0x4cd: {  	v12 =	vld.idx.msk [tilespmem:v9+s12+$0x0], $0xffff;
	v14 =	vmul.f32 v15, v14;
	v8 =	vadd.f32 v11, v8  }
0x4ce: {  	v9 =	vld.idx.msk [tilespmem:v9+s13+$0x0], $0xffff  }
0x4cf: {  	s31 =	simm.s32 $0x0;
	v11 =	vmul.f32 v13, v17;
	v8 =	vadd.f32 v14, v8  }
0x4d0: {  	v13 =	vmov s31  }
0x4d1: {  	s29 =	simm.s32 $0x1;
	v10 =	vmul.f32 v10, v16;
	v8 =	vadd.f32 v11, v8;
	v11 =	vand.u32 $0x7C, v13  }
0x4d2: {  	v13 =	vmov s29;
	v11 =	vbroadcast v11, $0x0  }
0x4d3: {  	s30 =	simm.s32 $0x2;
	v9 =	vmul.f32 v9, v12;
	v8 =	vadd.f32 v10, v8;
	v10 =	vand.u32 $0x7D, v13  }
0x4d4: {  	v12 =	vmov s30;
	v10 =	vbroadcast v10, $0x0;
	v11 =	vor.u32 v3, v11  }
0x4d5: {  	s31 =	simm.s32 $0x3;
	v8 =	vadd.f32 v9, v8;
	v9 =	vand.u32 $0x7E, v12  }
0x4d6: {  	v12 =	vmov s31;
	v9 =	vbroadcast v9, $0x0;
	v10 =	vor.u32 v3, v10  }
0x4d7: {  	s29 =	simm.s32 $0x4;
	v12 =	vand.u32 $0x7F, v12  }
0x4d8: {  	[tilespmem:$0x185A0] =	vst v8;
	v8 =	vmov s29;
	v12 =	vbroadcast v12, $0x0;
	v13 =	vor.u32 v3, v9  }
0x4d9: {  	s30 =	simm.s32 $0x5;
	v8 =	vand.u32 $0x7C, v8;
	v14 =	vld.idx.msk [tilespmem:v11+s12+$0x0], $0xffff  }
0x4da: {  	v9 =	vbroadcast v8, $0x0;
	v17 =	vld.idx.msk [tilespmem:v11+s13+$0x0], $0xffff;
	v19 =	vor.u32 v3, v12;
	v11 =	vmov s30  }
0x4db: {  	s31 =	simm.s32 $0x6;
	v15 =	vand.u32 $0x7D, v11;
	v8 =	vld.idx.msk [tilespmem:v10+s12+$0x0], $0xffff  }
0x4dc: {  	s28 =	simm.s32 $0x7;
	s26 =	simm.s32 $0x8;
	v16 =	vmov s31;
	v11 =	vor.u32 v3, v9;
	v12 =	vld.idx.msk [tilespmem:v10+s13+$0x0], $0xffff;
	v10 =	vbroadcast v15, $0x0  }
0x4dd: {  	v20 =	vmov s26;
	v15 =	vand.u32 $0x7E, v16;
	v16 =	vmov s28;
	v9 =	vld.idx.msk [tilespmem:v13+s12+$0x0], $0xffff  }
0x4de: {  	s28 =	simm.s32 $0x9;
	v21 =	vbroadcast v15, $0x0;
	v22 =	vand.u32 $0x7F, v16;
	v16 =	vld.idx.msk [tilespmem:v13+s13+$0x0], $0xffff;
	v15 =	vor.u32 v3, v10  }
0x4df: {  	v18 =	vimm.f32 $0.0e+00;
	v24 =	vand.u32 $0x7C, v20;
	v25 =	vmov s28;
	v10 =	vld.idx.msk [tilespmem:v19+s12+$0x0], $0xffff  }
0x4e0: {  	s28 =	simm.s32 $0xA;
	v20 =	vbroadcast v22, $0x0;
	v13 =	vor.u32 v3, v21;
	v23 =	vmul.f32 v17, v14;
	v17 =	vld.idx.msk [tilespmem:v19+s13+$0x0], $0xffff  }
0x4e1: {  	v22 =	vand.u32 $0x7D, v25;
	v19 =	vbroadcast v24, $0x0;
	v21 =	vmov s28;
	s28 =	simm.s32 $0xC;
	v14 =	vld.idx.msk [tilespmem:v11+s12+$0x0], $0xffff  }
.LBB2_56:
0x4e2: {  	p0 =	sne.s32 s28, $0x7C;
	s29 =	sadd.s32 $0x3, s26;
	v24 =	vld.idx.msk [tilespmem:v11+s13+$0x0], $0xffff;
	v25 =	vor.u32 v3, v20;
	v18 =	vadd.f32 v23, v18;
	v20 =	vmul.f32 v12, v8;
	s26 =	smov.u32 s28  }
0x4e3: {  	v22 =	vbroadcast v22, $0x0;
	v21 =	vand.u32 $0x7E, v21;
	v23 =	vmov s29;
	v8 =	vld.idx.msk [tilespmem:v15+s12+$0x0], $0xffff  }
0x4e4: {  	v11 =	vor.u32 v3, v19;
	v19 =	vmul.f32 v16, v9;
	v12 =	vld.idx.msk [tilespmem:v15+s13+$0x0], $0xffff;
	v18 =	vadd.f32 v20, v18  }
.Ltmp27:
0x4e5: {  	v21 =	vbroadcast v21, $0x0;
	v20 =	vmov s28;
	v23 =	vand.u32 $0x7F, v23;
	v9 =	vld.idx.msk [tilespmem:v13+s12+$0x0], $0xffff;
	(pc) =	sbr.rel @p0 .LBB2_56-.Ltmp27, $4  }
0x4e6: {  	s29 =	sadd.s32 $0x1, s28;
	v15 =	vor.u32 v3, v22;
	v16 =	vld.idx.msk [tilespmem:v13+s13+$0x0], $0xffff;
	v18 =	vadd.f32 v19, v18;
	v19 =	vmul.f32 v17, v10  }
0x4e7: {  	v26 =	vmov s29;
	v22 =	vand.u32 $0x7C, v20;
	v20 =	vbroadcast v23, $0x0;
	v10 =	vld.idx.msk [tilespmem:v25+s12+$0x0], $0xffff  }
0x4e8: {  	s29 =	sadd.s32 $0x2, s28;
	v13 =	vor.u32 v3, v21;
	v23 =	vmul.f32 v24, v14;
	v17 =	vld.idx.msk [tilespmem:v25+s13+$0x0], $0xffff;
	v18 =	vadd.f32 v19, v18  }
0x4e9: {  	s28 =	sadd.s32 $0x4, s28;
	v21 =	vmov s29;
	v19 =	vbroadcast v22, $0x0;
	v22 =	vand.u32 $0x7D, v26;
	v14 =	vld.idx.msk [tilespmem:v11+s12+$0x0], $0xffff  }
0x4ea: {  	_ =	sdelay $0x2  }
0x4eb: {  	v18 =	vadd.f32 v23, v18;
	v8 =	vmul.f32 v12, v8  }
0x4ec: {  	v11 =	vld.idx.msk [tilespmem:v11+s13+$0x0], $0xffff;
	v12 =	vor.u32 v3, v20  }
0x4ed: {  	v20 =	vld.idx.msk [tilespmem:v15+s12+$0x0], $0xffff;
	v9 =	vmul.f32 v16, v9;
	v8 =	vadd.f32 v8, v18  }
0x4ee: {  	v15 =	vld.idx.msk [tilespmem:v15+s13+$0x0], $0xffff;
	v16 =	vbroadcast v22, $0x0;
	v18 =	vor.u32 v3, v19  }
0x4ef: {  	s26 =	sadd.s32 $0x3, s26;
	v19 =	vand.u32 $0x7E, v21;
	v21 =	vld.idx.msk [tilespmem:v13+s12+$0x0], $0xffff;
	v8 =	vadd.f32 v9, v8;
	v9 =	vmul.f32 v17, v10  }
0x4f0: {  	v13 =	vld.idx.msk [tilespmem:v13+s13+$0x0], $0xffff;
	v16 =	vor.u32 v3, v16;
	v10 =	vmov s26;
	v17 =	vbroadcast v19, $0x0  }
0x4f1: {  	v10 =	vand.u32 $0x7F, v10;
	v19 =	vld.idx.msk [tilespmem:v12+s12+$0x0], $0xffff;
	v11 =	vmul.f32 v11, v14;
	v8 =	vadd.f32 v9, v8  }
0x4f2: {  	v12 =	vld.idx.msk [tilespmem:v12+s13+$0x0], $0xffff;
	v9 =	vbroadcast v10, $0x0;
	v10 =	vor.u32 v3, v17  }
0x4f3: {  	v14 =	vld.idx.msk [tilespmem:v18+s12+$0x0], $0xffff;
	v8 =	vadd.f32 v11, v8;
	v11 =	vmul.f32 v15, v20  }
0x4f4: {  	v15 =	vld.idx.msk [tilespmem:v18+s13+$0x0], $0xffff;
	v9 =	vor.u32 v3, v9  }
0x4f5: {  	v17 =	vld.idx.msk [tilespmem:v16+s12+$0x0], $0xffff;
	v8 =	vadd.f32 v11, v8;
	v11 =	vmul.f32 v13, v21  }
0x4f6: {  	v13 =	vld.idx.msk [tilespmem:v16+s13+$0x0], $0xffff  }
0x4f7: {  	v16 =	vld.idx.msk [tilespmem:v10+s12+$0x0], $0xffff;
	v8 =	vadd.f32 v11, v8;
	v11 =	vmul.f32 v12, v19  }
0x4f8: {  	v10 =	vld.idx.msk [tilespmem:v10+s13+$0x0], $0xffff  }
0x4f9: {  	v12 =	vld.idx.msk [tilespmem:v9+s12+$0x0], $0xffff;
	v14 =	vmul.f32 v15, v14;
	v8 =	vadd.f32 v11, v8  }
0x4fa: {  	v9 =	vld.idx.msk [tilespmem:v9+s13+$0x0], $0xffff  }
0x4fb: {  	s31 =	simm.s32 $0x0;
	v11 =	vmul.f32 v13, v17;
	v8 =	vadd.f32 v14, v8  }
0x4fc: {  	v13 =	vmov s31  }
0x4fd: {  	s29 =	simm.s32 $0x1;
	v10 =	vmul.f32 v10, v16;
	v8 =	vadd.f32 v11, v8;
	v11 =	vand.u32 $0x7C, v13  }
0x4fe: {  	v13 =	vmov s29;
	v11 =	vbroadcast v11, $0x0  }
0x4ff: {  	s30 =	simm.s32 $0x2;
	v9 =	vmul.f32 v9, v12;
	v8 =	vadd.f32 v10, v8;
	v10 =	vand.u32 $0x7D, v13  }
0x500: {  	v12 =	vmov s30;
	v10 =	vbroadcast v10, $0x0;
	v11 =	vor.u32 v4, v11  }
0x501: {  	s31 =	simm.s32 $0x3;
	v8 =	vadd.f32 v9, v8;
	v9 =	vand.u32 $0x7E, v12  }
0x502: {  	v12 =	vmov s31;
	v9 =	vbroadcast v9, $0x0;
	v10 =	vor.u32 v4, v10  }
0x503: {  	s29 =	simm.s32 $0x4;
	v12 =	vand.u32 $0x7F, v12  }
0x504: {  	[tilespmem:$0x185B0] =	vst v8;
	v8 =	vmov s29;
	v12 =	vbroadcast v12, $0x0;
	v13 =	vor.u32 v4, v9  }
0x505: {  	s30 =	simm.s32 $0x5;
	v8 =	vand.u32 $0x7C, v8;
	v14 =	vld.idx.msk [tilespmem:v11+s12+$0x0], $0xffff  }
0x506: {  	v9 =	vbroadcast v8, $0x0;
	v17 =	vld.idx.msk [tilespmem:v11+s13+$0x0], $0xffff;
	v19 =	vor.u32 v4, v12;
	v11 =	vmov s30  }
0x507: {  	s31 =	simm.s32 $0x6;
	v15 =	vand.u32 $0x7D, v11;
	v8 =	vld.idx.msk [tilespmem:v10+s12+$0x0], $0xffff  }
0x508: {  	s28 =	simm.s32 $0x7;
	s26 =	simm.s32 $0x8;
	v16 =	vmov s31;
	v11 =	vor.u32 v4, v9;
	v12 =	vld.idx.msk [tilespmem:v10+s13+$0x0], $0xffff;
	v10 =	vbroadcast v15, $0x0  }
0x509: {  	v20 =	vmov s26;
	v15 =	vand.u32 $0x7E, v16;
	v16 =	vmov s28;
	v9 =	vld.idx.msk [tilespmem:v13+s12+$0x0], $0xffff  }
0x50a: {  	s28 =	simm.s32 $0x9;
	v21 =	vbroadcast v15, $0x0;
	v22 =	vand.u32 $0x7F, v16;
	v16 =	vld.idx.msk [tilespmem:v13+s13+$0x0], $0xffff;
	v15 =	vor.u32 v4, v10  }
0x50b: {  	v18 =	vimm.f32 $0.0e+00;
	v24 =	vand.u32 $0x7C, v20;
	v25 =	vmov s28;
	v10 =	vld.idx.msk [tilespmem:v19+s12+$0x0], $0xffff  }
0x50c: {  	s28 =	simm.s32 $0xA;
	v20 =	vbroadcast v22, $0x0;
	v13 =	vor.u32 v4, v21;
	v23 =	vmul.f32 v17, v14;
	v17 =	vld.idx.msk [tilespmem:v19+s13+$0x0], $0xffff  }
0x50d: {  	v22 =	vand.u32 $0x7D, v25;
	v19 =	vbroadcast v24, $0x0;
	v21 =	vmov s28;
	s28 =	simm.s32 $0xC;
	v14 =	vld.idx.msk [tilespmem:v11+s12+$0x0], $0xffff  }
.LBB2_58:
0x50e: {  	p0 =	sne.s32 s28, $0x7C;
	s29 =	sadd.s32 $0x3, s26;
	v24 =	vld.idx.msk [tilespmem:v11+s13+$0x0], $0xffff;
	v25 =	vor.u32 v4, v20;
	v18 =	vadd.f32 v23, v18;
	v20 =	vmul.f32 v12, v8;
	s26 =	smov.u32 s28  }
0x50f: {  	v22 =	vbroadcast v22, $0x0;
	v21 =	vand.u32 $0x7E, v21;
	v23 =	vmov s29;
	v8 =	vld.idx.msk [tilespmem:v15+s12+$0x0], $0xffff  }
0x510: {  	v11 =	vor.u32 v4, v19;
	v19 =	vmul.f32 v16, v9;
	v12 =	vld.idx.msk [tilespmem:v15+s13+$0x0], $0xffff;
	v18 =	vadd.f32 v20, v18  }
.Ltmp28:
0x511: {  	v21 =	vbroadcast v21, $0x0;
	v20 =	vmov s28;
	v23 =	vand.u32 $0x7F, v23;
	v9 =	vld.idx.msk [tilespmem:v13+s12+$0x0], $0xffff;
	(pc) =	sbr.rel @p0 .LBB2_58-.Ltmp28, $4  }
0x512: {  	s29 =	sadd.s32 $0x1, s28;
	v15 =	vor.u32 v4, v22;
	v16 =	vld.idx.msk [tilespmem:v13+s13+$0x0], $0xffff;
	v18 =	vadd.f32 v19, v18;
	v19 =	vmul.f32 v17, v10  }
0x513: {  	v26 =	vmov s29;
	v22 =	vand.u32 $0x7C, v20;
	v20 =	vbroadcast v23, $0x0;
	v10 =	vld.idx.msk [tilespmem:v25+s12+$0x0], $0xffff  }
0x514: {  	s29 =	sadd.s32 $0x2, s28;
	v13 =	vor.u32 v4, v21;
	v23 =	vmul.f32 v24, v14;
	v17 =	vld.idx.msk [tilespmem:v25+s13+$0x0], $0xffff;
	v18 =	vadd.f32 v19, v18  }
0x515: {  	s28 =	sadd.s32 $0x4, s28;
	v21 =	vmov s29;
	v19 =	vbroadcast v22, $0x0;
	v22 =	vand.u32 $0x7D, v26;
	v14 =	vld.idx.msk [tilespmem:v11+s12+$0x0], $0xffff  }
0x516: {  	_ =	sdelay $0x2  }
0x517: {  	v18 =	vadd.f32 v23, v18;
	v8 =	vmul.f32 v12, v8  }
0x518: {  	v11 =	vld.idx.msk [tilespmem:v11+s13+$0x0], $0xffff;
	v12 =	vor.u32 v4, v20  }
0x519: {  	v20 =	vld.idx.msk [tilespmem:v15+s12+$0x0], $0xffff;
	v9 =	vmul.f32 v16, v9;
	v8 =	vadd.f32 v8, v18  }
0x51a: {  	v15 =	vld.idx.msk [tilespmem:v15+s13+$0x0], $0xffff;
	v16 =	vbroadcast v22, $0x0;
	v18 =	vor.u32 v4, v19  }
0x51b: {  	s26 =	sadd.s32 $0x3, s26;
	v19 =	vand.u32 $0x7E, v21;
	v21 =	vld.idx.msk [tilespmem:v13+s12+$0x0], $0xffff;
	v8 =	vadd.f32 v9, v8;
	v9 =	vmul.f32 v17, v10  }
0x51c: {  	v13 =	vld.idx.msk [tilespmem:v13+s13+$0x0], $0xffff;
	v16 =	vor.u32 v4, v16;
	v10 =	vmov s26;
	v17 =	vbroadcast v19, $0x0  }
0x51d: {  	v10 =	vand.u32 $0x7F, v10;
	v19 =	vld.idx.msk [tilespmem:v12+s12+$0x0], $0xffff;
	v11 =	vmul.f32 v11, v14;
	v8 =	vadd.f32 v9, v8  }
0x51e: {  	v12 =	vld.idx.msk [tilespmem:v12+s13+$0x0], $0xffff;
	v9 =	vbroadcast v10, $0x0;
	v10 =	vor.u32 v4, v17  }
0x51f: {  	v14 =	vld.idx.msk [tilespmem:v18+s12+$0x0], $0xffff;
	v8 =	vadd.f32 v11, v8;
	v11 =	vmul.f32 v15, v20  }
0x520: {  	v15 =	vld.idx.msk [tilespmem:v18+s13+$0x0], $0xffff;
	v9 =	vor.u32 v4, v9  }
0x521: {  	v17 =	vld.idx.msk [tilespmem:v16+s12+$0x0], $0xffff;
	v8 =	vadd.f32 v11, v8;
	v11 =	vmul.f32 v13, v21  }
0x522: {  	v13 =	vld.idx.msk [tilespmem:v16+s13+$0x0], $0xffff  }
0x523: {  	v16 =	vld.idx.msk [tilespmem:v10+s12+$0x0], $0xffff;
	v8 =	vadd.f32 v11, v8;
	v11 =	vmul.f32 v12, v19  }
0x524: {  	v10 =	vld.idx.msk [tilespmem:v10+s13+$0x0], $0xffff  }
0x525: {  	v12 =	vld.idx.msk [tilespmem:v9+s12+$0x0], $0xffff;
	v14 =	vmul.f32 v15, v14;
	v8 =	vadd.f32 v11, v8  }
0x526: {  	v9 =	vld.idx.msk [tilespmem:v9+s13+$0x0], $0xffff  }
0x527: {  	s31 =	simm.s32 $0x0;
	v11 =	vmul.f32 v13, v17;
	v8 =	vadd.f32 v14, v8  }
0x528: {  	v13 =	vmov s31  }
0x529: {  	s29 =	simm.s32 $0x1;
	v10 =	vmul.f32 v10, v16;
	v8 =	vadd.f32 v11, v8;
	v11 =	vand.u32 $0x7C, v13  }
0x52a: {  	v13 =	vmov s29;
	v11 =	vbroadcast v11, $0x0  }
0x52b: {  	s30 =	simm.s32 $0x2;
	v9 =	vmul.f32 v9, v12;
	v8 =	vadd.f32 v10, v8;
	v10 =	vand.u32 $0x7D, v13  }
0x52c: {  	v12 =	vmov s30;
	v10 =	vbroadcast v10, $0x0;
	v11 =	vor.u32 v5, v11  }
0x52d: {  	s31 =	simm.s32 $0x3;
	v8 =	vadd.f32 v9, v8;
	v9 =	vand.u32 $0x7E, v12  }
0x52e: {  	v12 =	vmov s31;
	v9 =	vbroadcast v9, $0x0;
	v10 =	vor.u32 v5, v10  }
0x52f: {  	s29 =	simm.s32 $0x4;
	v12 =	vand.u32 $0x7F, v12  }
0x530: {  	[tilespmem:$0x185C0] =	vst v8;
	v8 =	vmov s29;
	v12 =	vbroadcast v12, $0x0;
	v13 =	vor.u32 v5, v9  }
0x531: {  	s30 =	simm.s32 $0x5;
	v8 =	vand.u32 $0x7C, v8;
	v14 =	vld.idx.msk [tilespmem:v11+s12+$0x0], $0xffff  }
0x532: {  	v9 =	vbroadcast v8, $0x0;
	v17 =	vld.idx.msk [tilespmem:v11+s13+$0x0], $0xffff;
	v19 =	vor.u32 v5, v12;
	v11 =	vmov s30  }
0x533: {  	s31 =	simm.s32 $0x6;
	v15 =	vand.u32 $0x7D, v11;
	v8 =	vld.idx.msk [tilespmem:v10+s12+$0x0], $0xffff  }
0x534: {  	s28 =	simm.s32 $0x7;
	s26 =	simm.s32 $0x8;
	v16 =	vmov s31;
	v11 =	vor.u32 v5, v9;
	v12 =	vld.idx.msk [tilespmem:v10+s13+$0x0], $0xffff;
	v10 =	vbroadcast v15, $0x0  }
0x535: {  	v20 =	vmov s26;
	v15 =	vand.u32 $0x7E, v16;
	v16 =	vmov s28;
	v9 =	vld.idx.msk [tilespmem:v13+s12+$0x0], $0xffff  }
0x536: {  	s28 =	simm.s32 $0x9;
	v21 =	vbroadcast v15, $0x0;
	v22 =	vand.u32 $0x7F, v16;
	v16 =	vld.idx.msk [tilespmem:v13+s13+$0x0], $0xffff;
	v15 =	vor.u32 v5, v10  }
0x537: {  	v18 =	vimm.f32 $0.0e+00;
	v24 =	vand.u32 $0x7C, v20;
	v25 =	vmov s28;
	v10 =	vld.idx.msk [tilespmem:v19+s12+$0x0], $0xffff  }
0x538: {  	s28 =	simm.s32 $0xA;
	v20 =	vbroadcast v22, $0x0;
	v13 =	vor.u32 v5, v21;
	v23 =	vmul.f32 v17, v14;
	v17 =	vld.idx.msk [tilespmem:v19+s13+$0x0], $0xffff  }
0x539: {  	v22 =	vand.u32 $0x7D, v25;
	v19 =	vbroadcast v24, $0x0;
	v21 =	vmov s28;
	s28 =	simm.s32 $0xC;
	v14 =	vld.idx.msk [tilespmem:v11+s12+$0x0], $0xffff  }
.LBB2_60:
0x53a: {  	p0 =	sne.s32 s28, $0x7C;
	s29 =	sadd.s32 $0x3, s26;
	v24 =	vld.idx.msk [tilespmem:v11+s13+$0x0], $0xffff;
	v25 =	vor.u32 v5, v20;
	v18 =	vadd.f32 v23, v18;
	v20 =	vmul.f32 v12, v8;
	s26 =	smov.u32 s28  }
0x53b: {  	v22 =	vbroadcast v22, $0x0;
	v21 =	vand.u32 $0x7E, v21;
	v23 =	vmov s29;
	v8 =	vld.idx.msk [tilespmem:v15+s12+$0x0], $0xffff  }
0x53c: {  	v11 =	vor.u32 v5, v19;
	v19 =	vmul.f32 v16, v9;
	v12 =	vld.idx.msk [tilespmem:v15+s13+$0x0], $0xffff;
	v18 =	vadd.f32 v20, v18  }
.Ltmp29:
0x53d: {  	v21 =	vbroadcast v21, $0x0;
	v20 =	vmov s28;
	v23 =	vand.u32 $0x7F, v23;
	v9 =	vld.idx.msk [tilespmem:v13+s12+$0x0], $0xffff;
	(pc) =	sbr.rel @p0 .LBB2_60-.Ltmp29, $4  }
0x53e: {  	s29 =	sadd.s32 $0x1, s28;
	v15 =	vor.u32 v5, v22;
	v16 =	vld.idx.msk [tilespmem:v13+s13+$0x0], $0xffff;
	v18 =	vadd.f32 v19, v18;
	v19 =	vmul.f32 v17, v10  }
0x53f: {  	v26 =	vmov s29;
	v22 =	vand.u32 $0x7C, v20;
	v20 =	vbroadcast v23, $0x0;
	v10 =	vld.idx.msk [tilespmem:v25+s12+$0x0], $0xffff  }
0x540: {  	s29 =	sadd.s32 $0x2, s28;
	v13 =	vor.u32 v5, v21;
	v23 =	vmul.f32 v24, v14;
	v17 =	vld.idx.msk [tilespmem:v25+s13+$0x0], $0xffff;
	v18 =	vadd.f32 v19, v18  }
0x541: {  	s28 =	sadd.s32 $0x4, s28;
	v21 =	vmov s29;
	v19 =	vbroadcast v22, $0x0;
	v22 =	vand.u32 $0x7D, v26;
	v14 =	vld.idx.msk [tilespmem:v11+s12+$0x0], $0xffff  }
0x542: {  	_ =	sdelay $0x2  }
0x543: {  	v18 =	vadd.f32 v23, v18;
	v8 =	vmul.f32 v12, v8  }
0x544: {  	v11 =	vld.idx.msk [tilespmem:v11+s13+$0x0], $0xffff;
	v12 =	vor.u32 v5, v20  }
0x545: {  	v20 =	vld.idx.msk [tilespmem:v15+s12+$0x0], $0xffff;
	v9 =	vmul.f32 v16, v9;
	v8 =	vadd.f32 v8, v18  }
0x546: {  	v15 =	vld.idx.msk [tilespmem:v15+s13+$0x0], $0xffff;
	v16 =	vbroadcast v22, $0x0;
	v18 =	vor.u32 v5, v19  }
0x547: {  	s26 =	sadd.s32 $0x3, s26;
	v19 =	vand.u32 $0x7E, v21;
	v21 =	vld.idx.msk [tilespmem:v13+s12+$0x0], $0xffff;
	v8 =	vadd.f32 v9, v8;
	v9 =	vmul.f32 v17, v10  }
0x548: {  	v13 =	vld.idx.msk [tilespmem:v13+s13+$0x0], $0xffff;
	v16 =	vor.u32 v5, v16;
	v10 =	vmov s26;
	v17 =	vbroadcast v19, $0x0  }
0x549: {  	v10 =	vand.u32 $0x7F, v10;
	v19 =	vld.idx.msk [tilespmem:v12+s12+$0x0], $0xffff;
	v11 =	vmul.f32 v11, v14;
	v8 =	vadd.f32 v9, v8  }
0x54a: {  	v12 =	vld.idx.msk [tilespmem:v12+s13+$0x0], $0xffff;
	v9 =	vbroadcast v10, $0x0;
	v10 =	vor.u32 v5, v17  }
0x54b: {  	v14 =	vld.idx.msk [tilespmem:v18+s12+$0x0], $0xffff;
	v8 =	vadd.f32 v11, v8;
	v11 =	vmul.f32 v15, v20  }
0x54c: {  	v15 =	vld.idx.msk [tilespmem:v18+s13+$0x0], $0xffff;
	v9 =	vor.u32 v5, v9  }
0x54d: {  	v17 =	vld.idx.msk [tilespmem:v16+s12+$0x0], $0xffff;
	v8 =	vadd.f32 v11, v8;
	v11 =	vmul.f32 v13, v21  }
0x54e: {  	v13 =	vld.idx.msk [tilespmem:v16+s13+$0x0], $0xffff  }
0x54f: {  	v16 =	vld.idx.msk [tilespmem:v10+s12+$0x0], $0xffff;
	v8 =	vadd.f32 v11, v8;
	v11 =	vmul.f32 v12, v19  }
0x550: {  	v10 =	vld.idx.msk [tilespmem:v10+s13+$0x0], $0xffff  }
0x551: {  	v12 =	vld.idx.msk [tilespmem:v9+s12+$0x0], $0xffff;
	v14 =	vmul.f32 v15, v14;
	v8 =	vadd.f32 v11, v8  }
0x552: {  	v9 =	vld.idx.msk [tilespmem:v9+s13+$0x0], $0xffff  }
0x553: {  	s31 =	simm.s32 $0x0;
	v11 =	vmul.f32 v13, v17;
	v8 =	vadd.f32 v14, v8  }
0x554: {  	v13 =	vmov s31  }
0x555: {  	s29 =	simm.s32 $0x1;
	v10 =	vmul.f32 v10, v16;
	v8 =	vadd.f32 v11, v8;
	v11 =	vand.u32 $0x7C, v13  }
0x556: {  	v13 =	vmov s29;
	v11 =	vbroadcast v11, $0x0  }
0x557: {  	s30 =	simm.s32 $0x2;
	v9 =	vmul.f32 v9, v12;
	v8 =	vadd.f32 v10, v8;
	v10 =	vand.u32 $0x7D, v13  }
0x558: {  	v12 =	vmov s30;
	v10 =	vbroadcast v10, $0x0;
	v11 =	vor.u32 v6, v11  }
0x559: {  	s31 =	simm.s32 $0x3;
	v8 =	vadd.f32 v9, v8;
	v9 =	vand.u32 $0x7E, v12  }
0x55a: {  	v12 =	vmov s31;
	v9 =	vbroadcast v9, $0x0;
	v10 =	vor.u32 v6, v10  }
0x55b: {  	s29 =	simm.s32 $0x4;
	v12 =	vand.u32 $0x7F, v12  }
0x55c: {  	[tilespmem:$0x185D0] =	vst v8;
	v8 =	vmov s29;
	v12 =	vbroadcast v12, $0x0;
	v13 =	vor.u32 v6, v9  }
0x55d: {  	s30 =	simm.s32 $0x5;
	v8 =	vand.u32 $0x7C, v8;
	v14 =	vld.idx.msk [tilespmem:v11+s12+$0x0], $0xffff  }
0x55e: {  	v9 =	vbroadcast v8, $0x0;
	v17 =	vld.idx.msk [tilespmem:v11+s13+$0x0], $0xffff;
	v19 =	vor.u32 v6, v12;
	v11 =	vmov s30  }
0x55f: {  	s31 =	simm.s32 $0x6;
	v15 =	vand.u32 $0x7D, v11;
	v8 =	vld.idx.msk [tilespmem:v10+s12+$0x0], $0xffff  }
0x560: {  	s28 =	simm.s32 $0x7;
	s26 =	simm.s32 $0x8;
	v16 =	vmov s31;
	v11 =	vor.u32 v6, v9;
	v12 =	vld.idx.msk [tilespmem:v10+s13+$0x0], $0xffff;
	v10 =	vbroadcast v15, $0x0  }
0x561: {  	v20 =	vmov s26;
	v15 =	vand.u32 $0x7E, v16;
	v16 =	vmov s28;
	v9 =	vld.idx.msk [tilespmem:v13+s12+$0x0], $0xffff  }
0x562: {  	s28 =	simm.s32 $0x9;
	v21 =	vbroadcast v15, $0x0;
	v22 =	vand.u32 $0x7F, v16;
	v16 =	vld.idx.msk [tilespmem:v13+s13+$0x0], $0xffff;
	v15 =	vor.u32 v6, v10  }
0x563: {  	v18 =	vimm.f32 $0.0e+00;
	v24 =	vand.u32 $0x7C, v20;
	v25 =	vmov s28;
	v10 =	vld.idx.msk [tilespmem:v19+s12+$0x0], $0xffff  }
0x564: {  	s28 =	simm.s32 $0xA;
	v20 =	vbroadcast v22, $0x0;
	v13 =	vor.u32 v6, v21;
	v23 =	vmul.f32 v17, v14;
	v17 =	vld.idx.msk [tilespmem:v19+s13+$0x0], $0xffff  }
0x565: {  	v22 =	vand.u32 $0x7D, v25;
	v19 =	vbroadcast v24, $0x0;
	v21 =	vmov s28;
	s28 =	simm.s32 $0xC;
	v14 =	vld.idx.msk [tilespmem:v11+s12+$0x0], $0xffff  }
.LBB2_62:
0x566: {  	p0 =	sne.s32 s28, $0x7C;
	s29 =	sadd.s32 $0x3, s26;
	v24 =	vld.idx.msk [tilespmem:v11+s13+$0x0], $0xffff;
	v25 =	vor.u32 v6, v20;
	v18 =	vadd.f32 v23, v18;
	v20 =	vmul.f32 v12, v8;
	s26 =	smov.u32 s28  }
0x567: {  	v22 =	vbroadcast v22, $0x0;
	v21 =	vand.u32 $0x7E, v21;
	v23 =	vmov s29;
	v8 =	vld.idx.msk [tilespmem:v15+s12+$0x0], $0xffff  }
0x568: {  	v11 =	vor.u32 v6, v19;
	v19 =	vmul.f32 v16, v9;
	v12 =	vld.idx.msk [tilespmem:v15+s13+$0x0], $0xffff;
	v18 =	vadd.f32 v20, v18  }
.Ltmp30:
0x569: {  	v21 =	vbroadcast v21, $0x0;
	v20 =	vmov s28;
	v23 =	vand.u32 $0x7F, v23;
	v9 =	vld.idx.msk [tilespmem:v13+s12+$0x0], $0xffff;
	(pc) =	sbr.rel @p0 .LBB2_62-.Ltmp30, $4  }
0x56a: {  	s29 =	sadd.s32 $0x1, s28;
	v15 =	vor.u32 v6, v22;
	v16 =	vld.idx.msk [tilespmem:v13+s13+$0x0], $0xffff;
	v18 =	vadd.f32 v19, v18;
	v19 =	vmul.f32 v17, v10  }
0x56b: {  	v26 =	vmov s29;
	v22 =	vand.u32 $0x7C, v20;
	v20 =	vbroadcast v23, $0x0;
	v10 =	vld.idx.msk [tilespmem:v25+s12+$0x0], $0xffff  }
0x56c: {  	s29 =	sadd.s32 $0x2, s28;
	v13 =	vor.u32 v6, v21;
	v23 =	vmul.f32 v24, v14;
	v17 =	vld.idx.msk [tilespmem:v25+s13+$0x0], $0xffff;
	v18 =	vadd.f32 v19, v18  }
0x56d: {  	s28 =	sadd.s32 $0x4, s28;
	v21 =	vmov s29;
	v19 =	vbroadcast v22, $0x0;
	v22 =	vand.u32 $0x7D, v26;
	v14 =	vld.idx.msk [tilespmem:v11+s12+$0x0], $0xffff  }
0x56e: {  	_ =	sdelay $0x2  }
0x56f: {  	v18 =	vadd.f32 v23, v18;
	v8 =	vmul.f32 v12, v8  }
0x570: {  	v11 =	vld.idx.msk [tilespmem:v11+s13+$0x0], $0xffff;
	v12 =	vor.u32 v6, v20  }
0x571: {  	v20 =	vld.idx.msk [tilespmem:v15+s12+$0x0], $0xffff;
	v9 =	vmul.f32 v16, v9;
	v8 =	vadd.f32 v8, v18  }
0x572: {  	v15 =	vld.idx.msk [tilespmem:v15+s13+$0x0], $0xffff;
	v16 =	vbroadcast v22, $0x0;
	v18 =	vor.u32 v6, v19  }
0x573: {  	s26 =	sadd.s32 $0x3, s26;
	v19 =	vand.u32 $0x7E, v21;
	v21 =	vld.idx.msk [tilespmem:v13+s12+$0x0], $0xffff;
	v8 =	vadd.f32 v9, v8;
	v9 =	vmul.f32 v17, v10  }
0x574: {  	v13 =	vld.idx.msk [tilespmem:v13+s13+$0x0], $0xffff;
	v16 =	vor.u32 v6, v16;
	v10 =	vmov s26;
	v17 =	vbroadcast v19, $0x0  }
0x575: {  	v10 =	vand.u32 $0x7F, v10;
	v19 =	vld.idx.msk [tilespmem:v12+s12+$0x0], $0xffff;
	v11 =	vmul.f32 v11, v14;
	v8 =	vadd.f32 v9, v8  }
0x576: {  	v12 =	vld.idx.msk [tilespmem:v12+s13+$0x0], $0xffff;
	v9 =	vbroadcast v10, $0x0;
	v10 =	vor.u32 v6, v17  }
0x577: {  	v14 =	vld.idx.msk [tilespmem:v18+s12+$0x0], $0xffff;
	v8 =	vadd.f32 v11, v8;
	v11 =	vmul.f32 v15, v20  }
0x578: {  	v15 =	vld.idx.msk [tilespmem:v18+s13+$0x0], $0xffff;
	v9 =	vor.u32 v6, v9  }
0x579: {  	v17 =	vld.idx.msk [tilespmem:v16+s12+$0x0], $0xffff;
	v8 =	vadd.f32 v11, v8;
	v11 =	vmul.f32 v13, v21  }
0x57a: {  	v13 =	vld.idx.msk [tilespmem:v16+s13+$0x0], $0xffff  }
0x57b: {  	v16 =	vld.idx.msk [tilespmem:v10+s12+$0x0], $0xffff;
	v8 =	vadd.f32 v11, v8;
	v11 =	vmul.f32 v12, v19  }
0x57c: {  	v10 =	vld.idx.msk [tilespmem:v10+s13+$0x0], $0xffff  }
0x57d: {  	v12 =	vld.idx.msk [tilespmem:v9+s12+$0x0], $0xffff;
	v14 =	vmul.f32 v15, v14;
	v8 =	vadd.f32 v11, v8  }
0x57e: {  	v9 =	vld.idx.msk [tilespmem:v9+s13+$0x0], $0xffff  }
0x57f: {  	s31 =	simm.s32 $0x0;
	v11 =	vmul.f32 v13, v17;
	v8 =	vadd.f32 v14, v8  }
0x580: {  	v13 =	vmov s31  }
0x581: {  	s29 =	simm.s32 $0x1;
	v10 =	vmul.f32 v10, v16;
	v8 =	vadd.f32 v11, v8;
	v11 =	vand.u32 $0x7C, v13  }
0x582: {  	v13 =	vmov s29;
	v11 =	vbroadcast v11, $0x0  }
0x583: {  	s30 =	simm.s32 $0x2;
	v9 =	vmul.f32 v9, v12;
	v8 =	vadd.f32 v10, v8;
	v10 =	vand.u32 $0x7D, v13  }
0x584: {  	v12 =	vmov s30;
	v10 =	vbroadcast v10, $0x0;
	v11 =	vor.u32 v7, v11  }
0x585: {  	s31 =	simm.s32 $0x3;
	v8 =	vadd.f32 v9, v8;
	v9 =	vand.u32 $0x7E, v12  }
0x586: {  	v12 =	vmov s31;
	v9 =	vbroadcast v9, $0x0;
	v10 =	vor.u32 v7, v10  }
0x587: {  	s29 =	simm.s32 $0x4;
	v12 =	vand.u32 $0x7F, v12  }
0x588: {  	[tilespmem:$0x185E0] =	vst v8;
	v8 =	vmov s29;
	v12 =	vbroadcast v12, $0x0;
	v13 =	vor.u32 v7, v9  }
0x589: {  	s30 =	simm.s32 $0x5;
	v8 =	vand.u32 $0x7C, v8;
	v14 =	vld.idx.msk [tilespmem:v11+s12+$0x0], $0xffff  }
0x58a: {  	v9 =	vbroadcast v8, $0x0;
	v17 =	vld.idx.msk [tilespmem:v11+s13+$0x0], $0xffff;
	v19 =	vor.u32 v7, v12;
	v11 =	vmov s30  }
0x58b: {  	s31 =	simm.s32 $0x6;
	v15 =	vand.u32 $0x7D, v11;
	v8 =	vld.idx.msk [tilespmem:v10+s12+$0x0], $0xffff  }
0x58c: {  	s28 =	simm.s32 $0x7;
	s26 =	simm.s32 $0x8;
	v16 =	vmov s31;
	v11 =	vor.u32 v7, v9;
	v12 =	vld.idx.msk [tilespmem:v10+s13+$0x0], $0xffff;
	v10 =	vbroadcast v15, $0x0  }
0x58d: {  	v20 =	vmov s26;
	v15 =	vand.u32 $0x7E, v16;
	v16 =	vmov s28;
	v9 =	vld.idx.msk [tilespmem:v13+s12+$0x0], $0xffff  }
0x58e: {  	s28 =	simm.s32 $0x9;
	v21 =	vbroadcast v15, $0x0;
	v22 =	vand.u32 $0x7F, v16;
	v16 =	vld.idx.msk [tilespmem:v13+s13+$0x0], $0xffff;
	v15 =	vor.u32 v7, v10  }
0x58f: {  	v18 =	vimm.f32 $0.0e+00;
	v24 =	vand.u32 $0x7C, v20;
	v25 =	vmov s28;
	v10 =	vld.idx.msk [tilespmem:v19+s12+$0x0], $0xffff  }
0x590: {  	s28 =	simm.s32 $0xA;
	v20 =	vbroadcast v22, $0x0;
	v13 =	vor.u32 v7, v21;
	v23 =	vmul.f32 v17, v14;
	v17 =	vld.idx.msk [tilespmem:v19+s13+$0x0], $0xffff  }
0x591: {  	v22 =	vand.u32 $0x7D, v25;
	v19 =	vbroadcast v24, $0x0;
	v21 =	vmov s28;
	s28 =	simm.s32 $0xC;
	v14 =	vld.idx.msk [tilespmem:v11+s12+$0x0], $0xffff  }
.LBB2_64:
0x592: {  	p0 =	sne.s32 s28, $0x7C;
	s29 =	sadd.s32 $0x3, s26;
	v24 =	vld.idx.msk [tilespmem:v11+s13+$0x0], $0xffff;
	v25 =	vor.u32 v7, v20;
	v18 =	vadd.f32 v23, v18;
	v20 =	vmul.f32 v12, v8;
	s26 =	smov.u32 s28  }
0x593: {  	v22 =	vbroadcast v22, $0x0;
	v21 =	vand.u32 $0x7E, v21;
	v23 =	vmov s29;
	v8 =	vld.idx.msk [tilespmem:v15+s12+$0x0], $0xffff  }
0x594: {  	v11 =	vor.u32 v7, v19;
	v19 =	vmul.f32 v16, v9;
	v12 =	vld.idx.msk [tilespmem:v15+s13+$0x0], $0xffff;
	v18 =	vadd.f32 v20, v18  }
.Ltmp31:
0x595: {  	v21 =	vbroadcast v21, $0x0;
	v20 =	vmov s28;
	v23 =	vand.u32 $0x7F, v23;
	v9 =	vld.idx.msk [tilespmem:v13+s12+$0x0], $0xffff;
	(pc) =	sbr.rel @p0 .LBB2_64-.Ltmp31, $4  }
0x596: {  	s29 =	sadd.s32 $0x1, s28;
	v15 =	vor.u32 v7, v22;
	v16 =	vld.idx.msk [tilespmem:v13+s13+$0x0], $0xffff;
	v18 =	vadd.f32 v19, v18;
	v19 =	vmul.f32 v17, v10  }
0x597: {  	v26 =	vmov s29;
	v22 =	vand.u32 $0x7C, v20;
	v20 =	vbroadcast v23, $0x0;
	v10 =	vld.idx.msk [tilespmem:v25+s12+$0x0], $0xffff  }
0x598: {  	s29 =	sadd.s32 $0x2, s28;
	v13 =	vor.u32 v7, v21;
	v23 =	vmul.f32 v24, v14;
	v17 =	vld.idx.msk [tilespmem:v25+s13+$0x0], $0xffff;
	v18 =	vadd.f32 v19, v18  }
0x599: {  	s28 =	sadd.s32 $0x4, s28;
	v21 =	vmov s29;
	v19 =	vbroadcast v22, $0x0;
	v22 =	vand.u32 $0x7D, v26;
	v14 =	vld.idx.msk [tilespmem:v11+s12+$0x0], $0xffff  }
0x59a: {  	_ =	sdelay $0x2  }
0x59b: {  	v18 =	vadd.f32 v23, v18;
	v8 =	vmul.f32 v12, v8  }
0x59c: {  	v11 =	vld.idx.msk [tilespmem:v11+s13+$0x0], $0xffff;
	v40 =	vor.u32 v7, v20  }
0x59d: {  	v41 =	vld.idx.msk [tilespmem:v15+s12+$0x0], $0xffff;
	v9 =	vmul.f32 v16, v9;
	v8 =	vadd.f32 v8, v18  }
0x59e: {  	v42 =	vbroadcast v22, $0x0;
	v44 =	vld.idx.msk [tilespmem:v15+s13+$0x0], $0xffff;
	v43 =	vor.u32 v7, v19  }
0x59f: {  	s26 =	sadd.s32 $0x3, s26;
	v45 =	vand.u32 $0x7E, v21;
	v46 =	vld.idx.msk [tilespmem:v13+s12+$0x0], $0xffff;
	v47 =	vmul.f32 v17, v10;
	v8 =	vadd.f32 v9, v8  }
0x5a0: {  	v50 =	vld.idx.msk [tilespmem:v13+s13+$0x0], $0xffff;
	v48 =	vmov s26;
	v49 =	vbroadcast v45, $0x0;
	v16 =	vor.u32 v7, v42  }
0x5a1: {  	v10 =	vand.u32 $0x7F, v48;
	v51 =	vld.idx.msk [tilespmem:v40+s12+$0x0], $0xffff;
	v11 =	vmul.f32 v11, v14;
	v8 =	vadd.f32 v47, v8  }
0x5a2: {  	v53 =	vor.u32 v7, v49;
	v52 =	vbroadcast v10, $0x0;
	v12 =	vld.idx.msk [tilespmem:v40+s13+$0x0], $0xffff  }
0x5a3: {  	v55 =	vmul.f32 v44, v41;
	v54 =	vld.idx.msk [tilespmem:v43+s12+$0x0], $0xffff;
	v8 =	vadd.f32 v11, v8  }
0x5a4: {  	v56 =	vld.idx.msk [tilespmem:v43+s13+$0x0], $0xffff;
	v9 =	vor.u32 v7, v52  }
0x5a5: {  	v58 =	vmul.f32 v50, v46;
	v57 =	vld.idx.msk [tilespmem:v16+s12+$0x0], $0xffff;
	v8 =	vadd.f32 v55, v8  }
0x5a6: {  	v59 =	vld.idx.msk [tilespmem:v16+s13+$0x0], $0xffff  }
0x5a7: {  	v60 =	vld.idx.msk [tilespmem:v53+s12+$0x0], $0xffff;
	v61 =	vmul.f32 v12, v51;
	v8 =	vadd.f32 v58, v8  }
0x5a8: {  	v10 =	vld.idx.msk [tilespmem:v53+s13+$0x0], $0xffff  }
0x5a9: {  	v62 =	vld.idx.msk [tilespmem:v9+s12+$0x0], $0xffff;
	v14 =	vmul.f32 v56, v54;
	v8 =	vadd.f32 v61, v8  }
0x5aa: {  	v9 =	vld.idx.msk [tilespmem:v9+s13+$0x0], $0xffff  }
0x5ab: {  	v63 =	vmul.f32 v59, v57;
	v8 =	vadd.f32 v14, v8;
	_ =	sdelay $0x1  }
0x5ac: {  	v10 =	vmul.f32 v10, v60;
	v8 =	vadd.f32 v63, v8;
	_ =	sdelay $0x1  }
0x5ad: {  	v9 =	vmul.f32 v9, v62;
	v8 =	vadd.f32 v10, v8;
	_ =	sdelay $0x1  }
0x5ae: {  	s25 =	sadd.s32 $0x1, s25;
	v8 =	vadd.f32 v9, v8  }
0x5af: {  	p0 =	sne.s32 s25, s8  }
.Ltmp32:
0x5b0: {  	[tilespmem:$0x185F0] =	vst v8;
	(pc) =	sbr.rel @p0 .LBB2_1-.Ltmp32, $4  }
0x5b1: {  	[hbm4b:s7+s4] =	stream.linear.scatter [tilespmem:s24], [sflag:$0x2], $0x200, $0x38;
	[tilespmem:$0x18600] =	vst v63  }
0x5b2: {  	_ =	swait.ge [sflag:s9], $0x200  }
0x5b3: {  	[sflag:s9] =	ssyncset.done $0x0  }
0x5b4: {  	[sflag:s9] =	ssyncadd.s32 $0xFFFFFE00  }
0x5b5: {  	_ =	sfence.sel $0x180000  }
0x5b6: {  	[bflag:$0x0] =	sbarrier.arrive $0xFFFF  }
0x5b7: {  	p0 =	sne.s32 s3, $0x0;
	_ =	strace $0x90000047  }
0x5b8: {  	s0 =	sadd.s32 @!p0 $0x100000, s0;
	[bflag:$0x2] =	sbarrier.arrive $0xFFFF  }
0x5b9: {  	[sflag:s0] =	ssyncadd.tile.s32 @!p0 $0x1;
	_ =	shalt  }
.Lfunc_end2:
_tile_overlayer_lowered:
.L_overlay_start_2:
0x5ba: {  	(tag) =	ssettag $0x2  }
0x5bb: {  	s0 =	rddreg [dreg:$0x0];
	s2 =	stileid.u32  }
0x5bc: {  	s1 =	rddreg [dreg:$0x1];
	p0 =	sne.s32 s2, $0x0  }
0x5bd: {  	s3 =	rddreg [dreg:$0x2];
	[bflag:$0x3] =	sbarrier.arrive $0xFFFF;
	s2 =	simm.s32 @!p0 $0x1C02  }
0x5be: {  	[timem:s3], [sflag:s2] =	dma.local @!p0 [hbm:s0], s1  }
0x5bf: {  	s0 =	simm.s32 @!p0 $0x2  }
0x5c0: {  	_ =	swait.ge @!p0 [sflag:s0], s1  }
0x5c1: {  	s1 =	ssub.s32 @!p0 $0x0, s1;
	[sflag:s0] =	ssyncset.done @!p0 $0x0  }
0x5c2: {  	[sflag:s0] =	ssyncadd.s32 @!p0 s1  }
0x5c3: {  	[bflag:$0x3] =	sbarrier.arrive $0xFFFF  }
0x5c4: {  	_ =	shalt  }

// kernel: kernel.7.cloned.1.call-start
scs
__scs_entry_jumppad:
0x0: {  	(pc) =	sbr.rel $0x88, $3  }
0x1: {  	(tag) =	ssettag $0x0;
	lr =	simm.s32 $0x1  }
0x2: {  	[smem:$0x3F9A] =	sst lr;
	_ =	strace $0xD0000000  }
0x3: {  	_ = 	snop  }
0x4: {  	_ = 	snop  }
0x5: {  	_ = 	snop  }
0x6: {  	_ = 	snop  }
0x7: {  	_ = 	snop  }
__scs_overlays_trampoline_lowered:
0x8: {  	[smem:$0x3FA9] =	sst s0  }
0x9: {  	[smem:$0x3FAA] =	sst s1  }
0xa: {  	[smem:$0x3FAB] =	sst s2  }
0xb: {  	[smem:$0x3FAC] =	sst s3  }
0xc: {  	[smem:$0x3FAD] =	sst s4  }
0xd: {  	[smem:$0x3FAE] =	sst s5  }
0xe: {  	[smem:$0x3FAF] =	sst s6  }
0xf: {  	[smem:$0x3FB0] =	sst s7  }
0x10: {  	[smem:$0x3FB1] =	sst s8  }
0x11: {  	[smem:$0x3FB2] =	sst s9;
	s0 =	simm.s32 @!p0 $0x0  }
0x12: {  	s1 =	sld [smem:$0x3F98];
	s0 =	simm.s32 @p0 $0x1  }
0x13: {  	[smem:$0x3FB3] =	sst s0;
	s0 =	simm.s32 @!p1 $0x0  }
0x14: {  	s2 =	sld [smem:$0x3F97];
	s0 =	simm.s32 @p1 $0x1  }
0x15: {  	[smem:$0x3FB4] =	sst s0;
	s0 =	simm.s32 @!p2 $0x0  }
0x16: {  	s3 =	sld [smem:$0x3FDB];
	s0 =	simm.s32 @p2 $0x1  }
0x17: {  	s4 =	simm.s32 $0x1BF5;
	[smem:$0x3FB6] =	sst s0  }
0x18: {  	s0 =	sld [smem:$0x3F99];
	_ =	swait.ge [sflag:s4], $0x0  }
0x19: {  	s7 =	sld [smem:$0x3F9A]  }
0x1a: {  	s8 =	sadd.s32 $0xFFFFE003, lr  }
0x1b: {  	s9 =	sadd.s32 $0xFFFFFEF7, lr;
	s5 =	simm.s32 $0xFFFFFFFF;
	p2 =	slt.u32 s8, $0xFFFFF086  }
0x1c: {  	p1 =	slt.u32 s9, $0xF7A;
	s5 =	simm.s32 @!p2 $0x0  }
0x1d: {  	s5 =	simm.s32 @p1 $0x1;
	p0 =	seq.s32 s7, s2  }
0x1e: {  	s7 =	smul.u32 @!p0 $0xF7A, s2;
	p2 =	seq.s32 @!p0 s5, $0x0  }
0x1f: {  	s9 =	smul.u32 $0xF7A, s1;
	s8 =	simm.s32 @!p0 $0x1BF5;
	p2 =	por !p2, p0  }
0x20: {  	[sflag:s8] =	ssyncset.s32 @!p0 $0xFFFFF086;
	s6 =	sadd.s32 @!p0 s3, s7;
	s7 =	simm.s32 @!p0 $0x108  }
0x21: {  	s3 =	sadd.s32 s3, s9;
	s6 =	sadd.s32 @!p0 $0x88, s6;
	s7 =	simm.s32 @p2 $0x1082  }
0x22: {  	[simem:s7], [sflag:s8] =	dma.local @!p0 [hbm:s6], $0xF7A  }
0x23: {  	s9 =	sor.u32 $0xD0000000, s2;
	s6 =	simm.s32 $0x108;
	_ =	swait.ge @!p0 [sflag:s8], $0x0  }
0x24: {  	s3 =	sadd.s32 $0x88, s3;
	s6 =	simm.s32 @!p1 $0x1082;
	[sflag:s4] =	ssyncset.s32 $0xFFFFF086  }
0x25: {  	[simem:s6], [sflag:s4] =	dma.local [hbm:s3], $0xF7A  }
0x26: {  	[smem:$0x3F9A] =	sst s1;
	(tag) =	ssettag s2;
	_ =	strace s9  }
0x27: {  	s1 =	sld [smem:$0x3FAA]  }
0x28: {  	s2 =	sld [smem:$0x3FAB]  }
0x29: {  	s4 =	sld [smem:$0x3FAD]  }
0x2a: {  	p0 =	seq.s32 s5, $0x0;
	s5 =	sld [smem:$0x3FAE]  }
0x2b: {  	s6 =	sld [smem:$0x3FAF]  }
0x2c: {  	s7 =	sld [smem:$0x3FB0]  }
0x2d: {  	s3 =	simm.s32 $0x108;
	s8 =	sld [smem:$0x3FB1]  }
0x2e: {  	s3 =	simm.s32 @!p0 $0x1082;
	s9 =	sld [smem:$0x3FB2]  }
0x2f: {  	lr =	sadd.s32 s0, s3;
	s0 =	sld [smem:$0x3FA9]  }
0x30: {  	s3 =	sld [smem:$0x3FAC]  }
0x31: {  	[smem:$0x3FB5] =	sst s10  }
0x32: {  	s10 =	sld [smem:$0x3FB3];
	_ =	sdelay $0x3  }
0x33: {  	p0 =	seq.s32 s10, $0x1;
	s10 =	sld [smem:$0x3FB5];
	_ =	sdelay $0x3  }
0x34: {  	[smem:$0x3FB5] =	sst s10  }
0x35: {  	s10 =	sld [smem:$0x3FB4];
	_ =	sdelay $0x3  }
0x36: {  	p1 =	seq.s32 s10, $0x1;
	s10 =	sld [smem:$0x3FB5];
	_ =	sdelay $0x3  }
0x37: {  	[smem:$0x3FB5] =	sst s10  }
0x38: {  	s10 =	sld [smem:$0x3FB6]  }
0x39: {  	_ = 	snop;
	(pc) =	sbr.ind lr, $3  }
0x3a: {  	_ = 	snop  }
0x3b: {  	_ = 	snop  }
0x3c: {  	p2 =	seq.s32 s10, $0x1;
	s10 =	sld [smem:$0x3FB5]  }
0x3d: {  	_ =	shalt  }
0x3e: {  	_ =	shalt  }
0x3f: {  	_ =	shalt  }
0x40: {  	_ =	shalt  }
0x41: {  	_ =	shalt  }
0x42: {  	_ =	shalt  }
0x43: {  	_ =	shalt  }
0x44: {  	_ =	shalt  }
0x45: {  	_ =	shalt  }
0x46: {  	_ =	shalt  }
0x47: {  	_ =	shalt  }
0x48: {  	_ =	shalt  }
0x49: {  	_ =	shalt  }
0x4a: {  	_ =	shalt  }
0x4b: {  	_ =	shalt  }
0x4c: {  	_ =	shalt  }
0x4d: {  	_ =	shalt  }
0x4e: {  	_ =	shalt  }
0x4f: {  	_ =	shalt  }
0x50: {  	_ =	shalt  }
0x51: {  	_ =	shalt  }
0x52: {  	_ =	shalt  }
0x53: {  	_ =	shalt  }
0x54: {  	_ =	shalt  }
0x55: {  	_ =	shalt  }
0x56: {  	_ =	shalt  }
0x57: {  	_ =	shalt  }
0x58: {  	_ =	shalt  }
0x59: {  	_ =	shalt  }
0x5a: {  	_ =	shalt  }
0x5b: {  	_ =	shalt  }
0x5c: {  	_ =	shalt  }
0x5d: {  	_ =	shalt  }
0x5e: {  	_ =	shalt  }
0x5f: {  	_ =	shalt  }
0x60: {  	_ =	shalt  }
0x61: {  	_ =	shalt  }
0x62: {  	_ =	shalt  }
0x63: {  	_ =	shalt  }
0x64: {  	_ =	shalt  }
0x65: {  	_ =	shalt  }
0x66: {  	_ =	shalt  }
0x67: {  	_ =	shalt  }
0x68: {  	_ =	shalt  }
0x69: {  	_ =	shalt  }
0x6a: {  	_ =	shalt  }
0x6b: {  	_ =	shalt  }
0x6c: {  	_ =	shalt  }
0x6d: {  	_ =	shalt  }
0x6e: {  	_ =	shalt  }
0x6f: {  	_ =	shalt  }
0x70: {  	_ =	shalt  }
0x71: {  	_ =	shalt  }
0x72: {  	_ =	shalt  }
0x73: {  	_ =	shalt  }
0x74: {  	_ =	shalt  }
0x75: {  	_ =	shalt  }
0x76: {  	_ =	shalt  }
0x77: {  	_ =	shalt  }
0x78: {  	_ =	shalt  }
0x79: {  	_ =	shalt  }
0x7a: {  	_ =	shalt  }
0x7b: {  	_ =	shalt  }
0x7c: {  	_ =	shalt  }
0x7d: {  	_ =	shalt  }
0x7e: {  	_ =	shalt  }
0x7f: {  	_ =	shalt  }
0x80: {  	_ =	shalt  }
0x81: {  	_ =	shalt  }
0x82: {  	_ =	shalt  }
0x83: {  	_ =	shalt  }
0x84: {  	_ =	shalt  }
0x85: {  	_ =	shalt  }
0x86: {  	_ =	shalt  }
0x87: {  	_ =	shalt  }
.Lfunc_end0:
.L_simem_size_0:
called_computation.1_lowered:
.L_overlay_start_0:
0x88: {  	s2 =	sld [smem:$0x3FD9]  }
0x89: {  	s3 =	sld [smem:$0x3FFE];
	_ =	sdelay $0x1  }
0x8a: {  	s1 =	srdreg.scid  }
0x8b: {  	s0 =	sand.u32 $0x1, s1  }
0x8c: {  	s17 =	sshll.u32 s0, $0xA;
	s2 =	sadd.s32 s3, s2  }
0x8d: {  	s2 =	sadd.s32 s2, s17  }
0x8e: {  	[smem:$0x3FC1] =	sst s2  }
0x8f: {  	_ = 	snop  }
0x90: {  	s2 =	sld [smem:$0x3FC9]  }
0x91: {  	s18 =	sld [smem:$0x3FC8]  }
0x92: {  	s4 =	sld [smem:$0x3FC3]  }
0x93: {  	s5 =	sld [smem:$0x3FD0];
	(tm) =	ssettm $0x1  }
0x94: {  	s6 =	sld [smem:$0x3FFB];
	_ =	sdelay $0x3  }
0x95: {  	_ =	strace s6  }
0x96: {  	s6 =	sld [smem:$0x3FFC];
	_ =	sdelay $0x3  }
0x97: {  	_ =	strace s6  }
0x98: {  	s6 =	sld [smem:$0x3FFD];
	_ =	sdelay $0x3  }
0x99: {  	_ =	strace s6  }
0x9a: {  	_ =	strace $0x8FFFFFFF  }
0x9b: {  	s19 =	sld [smem:$0x3FDB];
	_ =	sdelay $0x1  }
0x9c: {  	s7 =	simm.s32 $_scs_section_size  }
0x9d: {  	s8 =	simm.s32 $_size__tile_overlayer_lowered;
	s9 =	simm.s32 $_tile_overlayer_lowered  }
0x9e: {  	s22 =	simm.s32 $0x1BFF;
	s21 =	sshll.u32 s9, $0x1;
	s6 =	sadd.s32 s7, s19  }
0x9f: {  	s10 =	simm.s32 $0x0;
	s20 =	sshll.u32 s8, $0x1;
	s8 =	sadd.s32 s21, s6  }
0xa0: {  	[timem:s10], [sflag:s22] =	dma.local [hbm:s8], s20  }
0xa1: {  	_ =	swait.ge [sflag:s22], s20  }
0xa2: {  	s7 =	ssub.s32 $0x0, s20;
	[sflag:s22] =	ssyncset.done $0x0  }
0xa3: {  	[sflag:s22] =	ssyncadd.s32 s7;
	_ =	sdelay $0x1  }
0xa4: {  	s23 =	simm.s32 $0x1B8B  }
0xa5: {  	_ =	swait.ge [sflag:s23], $0x1  }
0xa6: {  	[sflag:s23] =	ssyncset.done $0x0  }
0xa7: {  	s25 =	simm.s32 $0x1B8E;
	s24 =	sld [smem:$0x3FFE];
	[sflag:s23] =	ssyncadd.s32 $0xFFFFFFFF  }
0xa8: {  	s26 =	simm.s32 $execute0_lowered;
	[smem:$0x3FD2] =	sst s25  }
0xa9: {  	s8 =	sshll.u32 s26, $0x1;
	_ =	strace $0x80000049;
	[dreg:$0x1] =	wrdreg $0xFFFFFFFF  }
0xaa: {  	s28 =	simm.s32 $_size_execute0_lowered;
	s6 =	sadd.s32 s6, s8;
	[dreg:$0x0] =	wrdreg $0x0  }
0xab: {  	s8 =	sshll.u32 s28, $0x1;
	[dreg:$0x2] =	wrdreg s6  }
0xac: {  	[dreg:$0x3] =	wrdreg s8  }
0xad: {  	[dreg:$0x4] =	wrdreg $0xC0  }
0xae: {  	_ =	task [dreg:s10], $0x5FFFF  }
0xaf: {  	[dreg:$0x1] =	wrdreg $0xFFFFFFFF  }
0xb0: {  	[dreg:$0x0] =	wrdreg $0x60  }
0xb1: {  	[dreg:$0x2] =	wrdreg s2  }
0xb2: {  	[dreg:$0x3] =	wrdreg s18  }
0xb3: {  	[dreg:$0x4] =	wrdreg s24  }
0xb4: {  	[dreg:$0x5] =	wrdreg s4  }
0xb5: {  	[dreg:$0x6] =	wrdreg s5  }
0xb6: {  	[dreg:$0x7] =	wrdreg $0x9  }
0xb7: {  	_ =	task.clear_ibuf [dreg:s10], $0x8FFFF;
	_ =	strace $0x90000049  }
0xb8: {  	s29 =	simm.s32 $0x9;
	_ =	strace $0x8000004B  }
0xb9: {  	_ =	swait.ge [sflag:s29], $0x1  }
0xba: {  	[sflag:s29] =	ssyncadd.s32 $0xFFFFFFFF  }
0xbb: {  	_ =	strace $0x9000004B  }
0xbc: {  	_ =	sfence  }
0xbd: {  	s30 =	sld [smem:$0x0];
	_ =	sdelay $0x2  }
0xbe: {  	s31 =	sshll.u32 s1, $0xD;
	s1 =	sshrl.u32 s1, $0x2  }
0xbf: {  	s3 =	sand.u32 $0x4000, s31;
	s1 =	sadd.s32 s1, s30  }
0xc0: {  	s0 =	sor.u32 s3, s0;
	s1 =	sshll.u32 s1, $0x11  }
0xc1: {  	s0 =	sor.u32 s1, s0  }
0xc2: {  	s0 =	sadd.s32 $0x8F2B, s0  }
0xc3: {  	[sflag:s0] =	ssyncadd.remote.s32 $0x1  }
0xc4: {  	_ =	sfence.sel $0xFFFF  }
0xc5: {  	[dreg:$0x0] =	wrdreg $0xFFFFFFFF;
	(pc) =	sbr.abs _section_cstart, $3  }
0xc6: {  	[dreg:$0x1] =	wrdreg $0xFFFFFFFF  }
0xc7: {  	_ =	task.clear_ibuf [dreg:s10], $0x2FFFF;
	_ =	strace $0x9FFFFFFF  }
0xc8: {  	(tm) =	ssettm $0x7FFFFFFF  }
0xc9: {  	_ =	shalt  }
tec
execute0_lowered:
.L_overlay_start_1:
0x0: {  	(tag) =	ssettag $0x1  }
0x1: {  	s6 =	rddreg [dreg:$0x0]  }
0x2: {  	s7 =	rddreg [dreg:$0x1]  }
0x3: {  	s8 =	rddreg [dreg:$0x2]  }
0x4: {  	s1 =	rddreg [dreg:$0x3]  }
0x5: {  	s9 =	rddreg [dreg:$0x4]  }
0x6: {  	s0 =	rddreg [dreg:$0x5];
	s2 =	simm.s32 $0x0  }
0x7: {  	s5 =	srdreg.scid;
	s3 =	stileid.u32;
	s13 =	simm.s32 $0x800  }
0x8: {  	s14 =	simm.s32 $0x1;
	s15 =	simm.s32 $0x400;
	s16 =	simm.s32 $0x600  }
0x9: {  	s17 =	simm.s32 $0xA80;
	s18 =	simm.s32 $0x2;
	[smem:$0x7FF] =	sst s2  }
0xa: {  	s4 =	sadd.s32 $0xA00, s8;
	s5 =	sand.u32 $0x1, s5;
	s10 =	sshll.u32 s3, $0x7  }
0xb: {  	_ =	strace $0x8000004A;
	s11 =	sshll.u32 s5, $0x6;
	s12 =	ssub.s32 $0x2, s5  }
0xc: {  	s5 =	sadd.s32 $0x1F400, s8;
	s10 =	sor.u32 s11, s10;
	s31 =	sshrl.u32 s12, $0x1  }
0xd: {  	s8 =	sadd.s32 s10, s8;
	s11 =	ssub.s32 s12, s31;
	s6 =	sadd.s32 s6, s10  }
0xe: {  	s7 =	sadd.s32 s7, s10;
	s9 =	sadd.s32 s9, s10;
	s12 =	simm.s32 $0x880  }
0xf: {  	s8 =	sadd.s32 $0x200, s8;
	s10 =	smax.u32 s11, $0x1;
	s11 =	simm.s32 $0x200  }
.LBB2_1:
0x10: {  	[tilespmem:s2], [sflag:$0x1] =	stream.linear.gather [hbm4b:s6+s2], $0x200, $0x38;
	[tilespmem:$0xC80] =	vst v63  }
0x11: {  	_ = 	snop  }
0x12: {  	[tilespmem:s11], [sflag:$0x1] =	stream.linear.gather [hbm4b:s7+s2], $0x200, $0x38;
	[tilespmem:$0xC80] =	vst v63  }
0x13: {  	_ = 	snop  }
0x14: {  	[tilespmem:s12], [sflag:$0x1] =	stream.linear.gather [hbm4b:s8+s2], $0x200, $0x38;
	[tilespmem:$0xC80] =	vst v63  }
0x15: {  	_ = 	snop  }
0x16: {  	[tilespmem:s13], [sflag:$0x1] =	stream.linear.gather [hbm4b:s1+s2], $0x80, $0x38;
	[tilespmem:$0xC80] =	vst v63  }
0x17: {  	_ =	swait.ge [sflag:s14], $0x200  }
0x18: {  	[sflag:s14] =	ssyncset.done $0x0  }
0x19: {  	[sflag:s14] =	ssyncadd.s32 $0xFFFFFE00  }
0x1a: {  	_ =	swait.ge [sflag:s14], $0x200  }
0x1b: {  	[sflag:s14] =	ssyncset.done $0x0  }
0x1c: {  	[sflag:s14] =	ssyncadd.s32 $0xFFFFFE00  }
0x1d: {  	[tilespmem:s15], [sflag:$0x1] =	stream.indirect.gather [hbm4b:s4+s11], $0x1, s2, s11, $0xb8;
	[tilespmem:$0xC80] =	vst v63  }
0x1e: {  	_ = 	snop  }
0x1f: {  	[tilespmem:s16], [sflag:$0x1] =	stream.indirect.gather [hbm4b:s5+s11], $0x1, s11, s11, $0xb8;
	[tilespmem:$0xC80] =	vst v63  }
0x20: {  	_ =	swait.ge [sflag:s14], $0x200  }
0x21: {  	[sflag:s14] =	ssyncset.done $0x0  }
0x22: {  	[sflag:s14] =	ssyncadd.s32 $0xFFFFFE00  }
0x23: {  	_ =	swait.ge [sflag:s14], $0x80  }
0x24: {  	[sflag:s14] =	ssyncset.done $0x0  }
0x25: {  	[sflag:s14] =	ssyncadd.s32 $0xFFFFFF80  }
0x26: {  	v0 =	vld.msk [tilespmem:s13+$0x0], $0xffff;
	_ =	swait.ge [sflag:s14], $0x200  }
0x27: {  	[sflag:s14] =	ssyncset.done $0x0  }
0x28: {  	[sflag:s14] =	ssyncadd.s32 $0xFFFFFE00  }
0x29: {  	_ =	swait.ge [sflag:s14], $0x200  }
0x2a: {  	[sflag:s14] =	ssyncset.done $0x0  }
0x2b: {  	[sflag:s14] =	ssyncadd.s32 $0xFFFFFE00  }
0x2c: {  	v1 =	vld [tilespmem:$0x880]  }
0x2d: {  	v2 =	vld [tilespmem:$0x400]  }
0x2e: {  	v3 =	vld [tilespmem:$0x600]  }
0x2f: {  	v4 =	vld [tilespmem:$0x890]  }
0x30: {  	v5 =	vld [tilespmem:$0x410]  }
0x31: {  	v6 =	vld [tilespmem:$0x610]  }
0x32: {  	v7 =	vld [tilespmem:$0x8A0]  }
0x33: {  	v8 =	vld [tilespmem:$0x420]  }
0x34: {  	v9 =	vld [tilespmem:$0x620]  }
0x35: {  	v10 =	vld [tilespmem:$0x8B0]  }
0x36: {  	v11 =	vld [tilespmem:$0x430]  }
0x37: {  	v12 =	vld [tilespmem:$0x630]  }
0x38: {  	v13 =	vld [tilespmem:$0x8C0]  }
0x39: {  	v14 =	vld [tilespmem:$0x440]  }
0x3a: {  	v15 =	vld [tilespmem:$0x640]  }
0x3b: {  	v16 =	vld [tilespmem:$0x8D0]  }
0x3c: {  	v17 =	vld [tilespmem:$0x450]  }
0x3d: {  	v18 =	vld [tilespmem:$0x650]  }
0x3e: {  	v19 =	vld [tilespmem:$0x8E0]  }
0x3f: {  	v20 =	vld [tilespmem:$0x460]  }
0x40: {  	v21 =	vld [tilespmem:$0x660]  }
0x41: {  	v22 =	vld [tilespmem:$0x8F0]  }
0x42: {  	v23 =	vld [tilespmem:$0x470]  }
0x43: {  	v24 =	vld [tilespmem:$0x670]  }
0x44: {  	v25 =	vld [tilespmem:$0x900]  }
0x45: {  	v26 =	vld [tilespmem:$0x480]  }
0x46: {  	v27 =	vld [tilespmem:$0x680]  }
0x47: {  	v28 =	vld [tilespmem:$0x910]  }
0x48: {  	v29 =	vld [tilespmem:$0x490]  }
0x49: {  	v30 =	vld [tilespmem:$0x690]  }
0x4a: {  	v31 =	vld [tilespmem:$0x920]  }
0x4b: {  	v32 =	vld [tilespmem:$0x4A0]  }
0x4c: {  	v33 =	vld [tilespmem:$0x6A0]  }
0x4d: {  	v34 =	vld [tilespmem:$0x930]  }
0x4e: {  	v35 =	vld [tilespmem:$0x4B0]  }
0x4f: {  	v36 =	vld [tilespmem:$0x6B0]  }
0x50: {  	v37 =	vld [tilespmem:$0x940]  }
0x51: {  	v38 =	vld [tilespmem:$0x4C0]  }
0x52: {  	v39 =	vld [tilespmem:$0x6C0]  }
0x53: {  	v40 =	vld [tilespmem:$0x950]  }
0x54: {  	v41 =	vld [tilespmem:$0x4D0]  }
0x55: {  	v42 =	vld [tilespmem:$0x6D0]  }
0x56: {  	v43 =	vld [tilespmem:$0x960]  }
0x57: {  	v44 =	vld [tilespmem:$0x4E0]  }
0x58: {  	v45 =	vld [tilespmem:$0x6E0]  }
0x59: {  	v46 =	vld [tilespmem:$0x970]  }
0x5a: {  	v47 =	vld [tilespmem:$0x4F0]  }
0x5b: {  	v48 =	vld [tilespmem:$0x6F0]  }
0x5c: {  	v49 =	vld [tilespmem:$0x980]  }
0x5d: {  	v50 =	vld [tilespmem:$0x500]  }
0x5e: {  	v51 =	vld [tilespmem:$0x700]  }
0x5f: {  	v52 =	vld [tilespmem:$0x990]  }
0x60: {  	v53 =	vld [tilespmem:$0x510]  }
0x61: {  	v54 =	vld [tilespmem:$0x9D0]  }
0x62: {  	v56 =	vld [tilespmem:$0x550];
	v1 =	vadd.f32 v2, v1;
	v4 =	vadd.f32 v5, v4  }
0x63: {  	v2 =	vld [tilespmem:$0x710];
	v61 =	vadd.f32 v8, v7;
	v62 =	vadd.f32 v11, v10  }
0x64: {  	v5 =	vld [tilespmem:$0x9A0];
	v63 =	vadd.f32 v14, v13;
	v17 =	vadd.f32 v17, v16  }
0x65: {  	v7 =	vld [tilespmem:$0x520];
	v20 =	vadd.f32 v20, v19;
	v23 =	vadd.f32 v23, v22  }
0x66: {  	v8 =	vld [tilespmem:$0x720];
	v26 =	vadd.f32 v26, v25;
	v29 =	vadd.f32 v29, v28  }
0x67: {  	v10 =	vld [tilespmem:$0x9B0];
	v32 =	vadd.f32 v32, v31;
	v55 =	vadd.f32 v35, v34  }
0x68: {  	v14 =	vld [tilespmem:$0x730];
	v57 =	vadd.f32 v38, v37;
	v58 =	vadd.f32 v41, v40  }
0x69: {  	v16 =	vld [tilespmem:$0x9C0];
	v59 =	vadd.f32 v44, v43;
	v60 =	vadd.f32 v47, v46  }
0x6a: {  	v28 =	vld [tilespmem:$0x9E0];
	v1 =	vadd.f32 v3, v1;
	v4 =	vadd.f32 v6, v4  }
0x6b: {  	v34 =	vld [tilespmem:$0x9F0];
	v3 =	vadd.f32 v9, v61;
	v6 =	vadd.f32 v12, v62  }
0x6c: {  	v37 =	vld [tilespmem:$0x770];
	v9 =	vadd.f32 v15, v63;
	v11 =	vadd.f32 v18, v17  }
0x6d: {  	v38 =	vld [tilespmem:$0xA00];
	v13 =	vadd.f32 v21, v20;
	v15 =	vadd.f32 v24, v23  }
0x6e: {  	v41 =	vld [tilespmem:$0x580];
	v17 =	vadd.f32 v27, v26;
	v19 =	vadd.f32 v30, v29  }
0x6f: {  	v44 =	vld [tilespmem:$0x780];
	v21 =	vadd.f32 v33, v32;
	v23 =	vadd.f32 v36, v55  }
0x70: {  	v46 =	vld [tilespmem:$0xA10];
	v25 =	vadd.f32 v39, v57;
	v27 =	vadd.f32 v42, v58  }
0x71: {  	v35 =	vld [tilespmem:$0x5C0];
	v29 =	vadd.f32 v45, v59;
	v61 =	vadd.f32 v50, v49  }
0x72: {  	v12 =	vld [tilespmem:$0x530];
	v31 =	vadd.f32 v48, v60;
	v62 =	vadd.f32 v53, v52  }
0x73: {  	v18 =	vld [tilespmem:$0x540];
	v53 =	vadd.f32 v56, v54;
	v1 =	vadd.f32 v1, v0  }
0x74: {  	v20 =	vld [tilespmem:$0x740];
	v33 =	vadd.f32 v51, v61;
	v4 =	vadd.f32 v4, v0  }
0x75: {  	v26 =	vld [tilespmem:$0x750];
	v39 =	vadd.f32 v3, v0;
	v42 =	vadd.f32 v6, v0;
	[tilespmem:$0xA80] =	vst v1  }
0x76: {  	v30 =	vld [tilespmem:$0x560];
	v45 =	vadd.f32 v9, v0;
	v47 =	vadd.f32 v11, v0;
	[tilespmem:$0xA90] =	vst v4  }
0x77: {  	v32 =	vld [tilespmem:$0x760];
	v49 =	vadd.f32 v13, v0;
	v52 =	vadd.f32 v15, v0;
	[tilespmem:$0xAA0] =	vst v39  }
0x78: {  	v63 =	vld [tilespmem:$0x570];
	v55 =	vadd.f32 v17, v0;
	v57 =	vadd.f32 v19, v0;
	[tilespmem:$0xAB0] =	vst v42  }
0x79: {  	v48 =	vld [tilespmem:$0x590];
	v59 =	vadd.f32 v21, v0;
	v36 =	vadd.f32 v31, v0;
	[tilespmem:$0xAC0] =	vst v45  }
0x7a: {  	v54 =	vld [tilespmem:$0xA20];
	v2 =	vadd.f32 v2, v62;
	v40 =	vadd.f32 v7, v5;
	[tilespmem:$0xAD0] =	vst v47  }
0x7b: {  	v56 =	vld [tilespmem:$0x5A0];
	v62 =	vadd.f32 v23, v0;
	v5 =	vadd.f32 v41, v38;
	[tilespmem:$0xAE0] =	vst v49  }
0x7c: {  	v58 =	vld [tilespmem:$0x7A0];
	[tilespmem:$0xAF0] =	vst v52;
	v38 =	vadd.f32 v33, v0;
	v43 =	vadd.f32 v12, v10  }
0x7d: {  	v24 =	vld [tilespmem:$0x5B0];
	[tilespmem:$0xB00] =	vst v55;
	v3 =	vadd.f32 v8, v40;
	v50 =	vadd.f32 v18, v16  }
0x7e: {  	v51 =	vld [tilespmem:$0x790];
	[tilespmem:$0xB10] =	vst v57;
	v12 =	vadd.f32 v26, v53;
	v60 =	vadd.f32 v30, v28  }
0x7f: {  	v61 =	vld [tilespmem:$0xA30];
	[tilespmem:$0xB20] =	vst v59;
	v63 =	vadd.f32 v63, v34;
	v26 =	vadd.f32 v25, v0  }
0x80: {  	v41 =	vld [tilespmem:$0x5D0];
	[tilespmem:$0xB70] =	vst v36;
	v30 =	vadd.f32 v27, v0;
	v34 =	vadd.f32 v29, v0  }
0x81: {  	v39 =	vld [tilespmem:$0xA50];
	[tilespmem:$0xB30] =	vst v62;
	v8 =	vadd.f32 v48, v46;
	v5 =	vadd.f32 v44, v5  }
0x82: {  	v47 =	vld [tilespmem:$0xA60];
	v2 =	vadd.f32 v2, v0;
	[tilespmem:$0xB80] =	vst v38;
	v6 =	vadd.f32 v14, v43  }
0x83: {  	v49 =	vld [tilespmem:$0x5E0];
	v10 =	vadd.f32 v20, v50;
	v16 =	vadd.f32 v32, v60;
	[tilespmem:$0xB40] =	vst v26  }
0x84: {  	v28 =	vld [tilespmem:$0x7B0];
	v18 =	vadd.f32 v37, v63;
	[tilespmem:$0xB50] =	vst v30;
	v40 =	vadd.f32 v51, v8  }
0x85: {  	v44 =	vld [tilespmem:$0x7D0];
	[tilespmem:$0xB60] =	vst v34;
	v42 =	vadd.f32 v3, v0;
	v43 =	vadd.f32 v56, v54  }
0x86: {  	v32 =	vld [tilespmem:$0xA40];
	[tilespmem:$0xB90] =	vst v2;
	v46 =	vadd.f32 v24, v61;
	v50 =	vadd.f32 v12, v0  }
0x87: {  	v51 =	vld [tilespmem:$0xA70];
	v57 =	vadd.f32 v5, v0;
	v45 =	vadd.f32 v6, v0;
	[tilespmem:$0xBA0] =	vst v42  }
0x88: {  	v54 =	vld [tilespmem:$0x5F0];
	v48 =	vadd.f32 v10, v0;
	v3 =	vadd.f32 v58, v43;
	[tilespmem:$0xBD0] =	vst v50  }
0x89: {  	v56 =	vld [tilespmem:$0x7E0];
	v52 =	vadd.f32 v16, v0;
	v55 =	vadd.f32 v18, v0;
	[tilespmem:$0xC00] =	vst v57  }
0x8a: {  	v37 =	vld [tilespmem:$0x7C0];
	v7 =	vadd.f32 v41, v39;
	v4 =	vadd.f32 v40, v0;
	[tilespmem:$0xBB0] =	vst v45  }
0x8b: {  	v59 =	vld [tilespmem:$0x7F0];
	v61 =	vadd.f32 v49, v47;
	v6 =	vadd.f32 v28, v46;
	[tilespmem:$0xBC0] =	vst v48  }
0x8c: {  	[tilespmem:$0xBE0] =	vst v52;
	v60 =	vadd.f32 v44, v7;
	v3 =	vadd.f32 v3, v0  }
0x8d: {  	[tilespmem:$0xBF0] =	vst v55;
	v53 =	vadd.f32 v35, v32;
	v62 =	vadd.f32 v54, v51  }
0x8e: {  	[tilespmem:$0xC10] =	vst v4;
	v6 =	vadd.f32 v6, v0;
	v1 =	vadd.f32 v56, v61  }
0x8f: {  	[tilespmem:$0xC20] =	vst v3;
	v2 =	vadd.f32 v60, v0;
	v58 =	vadd.f32 v37, v53  }
0x90: {  	[tilespmem:$0xC30] =	vst v6;
	v4 =	vadd.f32 v59, v62;
	v1 =	vadd.f32 v1, v0  }
0x91: {  	[tilespmem:$0xC50] =	vst v2;
	v63 =	vadd.f32 v58, v0  }
0x92: {  	v0 =	vadd.f32 v4, v0;
	[tilespmem:$0xC60] =	vst v1  }
0x93: {  	p0 =	sne.s32 s10, $0x1;
	[tilespmem:$0xC40] =	vst v63  }
.Ltmp0:
0x94: {  	[tilespmem:$0xC70] =	vst v0;
	(pc) =	sbr.rel @p0 .LBB2_1-.Ltmp0, $4  }
0x95: {  	[hbm4b:s9+s2] =	stream.linear.scatter [tilespmem:s17], [sflag:$0x2], $0x200, $0x38;
	[tilespmem:$0xC80] =	vst v63  }
0x96: {  	_ =	swait.ge [sflag:s18], $0x200  }
0x97: {  	[sflag:s18] =	ssyncset.done $0x0  }
0x98: {  	s10 =	sadd.s32 $0xFFFFFFFF, s10;
	[sflag:s18] =	ssyncadd.s32 $0xFFFFFE00  }
0x99: {  	_ =	sfence.sel $0x180000  }
0x9a: {  	[bflag:$0x0] =	sbarrier.arrive $0xFFFF  }
0x9b: {  	p0 =	sne.s32 s3, $0x0;
	_ =	strace $0x9000004A  }
0x9c: {  	s0 =	sadd.s32 @!p0 $0x100000, s0;
	[bflag:$0x2] =	sbarrier.arrive $0xFFFF  }
0x9d: {  	[sflag:s0] =	ssyncadd.tile.s32 @!p0 $0x1;
	_ =	shalt  }
.Lfunc_end2:
_tile_overlayer_lowered:
.L_overlay_start_2:
0x9e: {  	(tag) =	ssettag $0x2  }
0x9f: {  	s0 =	rddreg [dreg:$0x0];
	s2 =	stileid.u32  }
0xa0: {  	s1 =	rddreg [dreg:$0x1];
	p0 =	sne.s32 s2, $0x0  }
0xa1: {  	s3 =	rddreg [dreg:$0x2];
	[bflag:$0x3] =	sbarrier.arrive $0xFFFF;
	s2 =	simm.s32 @!p0 $0x1C02  }
0xa2: {  	[timem:s3], [sflag:s2] =	dma.local @!p0 [hbm:s0], s1  }
0xa3: {  	s0 =	simm.s32 @!p0 $0x2  }
0xa4: {  	_ =	swait.ge @!p0 [sflag:s0], s1  }
0xa5: {  	s1 =	ssub.s32 @!p0 $0x0, s1;
	[sflag:s0] =	ssyncset.done @!p0 $0x0  }
0xa6: {  	[sflag:s0] =	ssyncadd.s32 @!p0 s1  }
0xa7: {  	[bflag:$0x3] =	sbarrier.arrive $0xFFFF  }
0xa8: {  	_ =	shalt  }

</sc_bundles>
